<compile_context>
chip_gen: v7x
topology: tpu7x:2x2x1
jax: 0.10.2.dev20260603
libtpu: 0.0.44.dev20260713+nightly
codegen_flags: <defaults>
</compile_context>

<pallas_src>
import functools

import jax
import jax.numpy as jnp
from jax import lax
from jax.experimental import pallas as pl
from jax.experimental.pallas import tpu as pltpu
from jax.experimental.pallas import tpu_sc as plsc

N, E, D, H, L, G = 10000, 320000, 128, 256, 128, 64
NP = 10112
NB_N = NP // 128
EPAD = 323584
EPT = EPAD // 16
BB = 64
NBATCH = EPT // BB
BBB = 64
NBATCHB = EPT // BBB
RPT = NP // 16
F32 = jnp.float32



def _sc_pass_a():
    mesh = plsc.VectorSubcoreMesh(core_axis_name="c", subcore_axis_name="s")
    scratch = (
        pltpu.VMEM((2, 2, BB), jnp.int32),
        pltpu.VMEM((2, BB, 128), F32),
        pltpu.VMEM_SHARED((NP, 128), F32),
        pltpu.SemaphoreType.DMA,
    )

    @functools.partial(pl.kernel, mesh=mesh,
                       out_type=jax.ShapeDtypeStruct((2 * NP, 128), F32),
                       scratch_types=scratch)
    def body(t_hbm, comba_hbm, zz_hbm, s_out, ab_v, rows_v, acc_s, sem):
        c = lax.axis_index("c")
        s = lax.axis_index("s")
        pltpu.sync_copy(zz_hbm, acc_s.at[pl.ds(s * RPT, RPT)])
        plsc.subcore_barrier()
        pltpu.sync_copy(comba_hbm.at[c * 16 + s, 0], ab_v.at[0])
        pltpu.async_copy(t_hbm.at[ab_v.at[0, 0]], rows_v.at[0], sem)

        def step(b, carry):
            jm = lax.rem(b, 2)
            jn = 1 - jm
            pltpu.make_async_copy(t_hbm.at[ab_v.at[jm, 0]], rows_v.at[jm],
                                  sem).wait()

            @pl.when(b < NBATCH - 1)
            def _():
                pltpu.sync_copy(comba_hbm.at[c * 16 + s, b + 1], ab_v.at[jn])
                pltpu.async_copy(t_hbm.at[ab_v.at[jn, 0]], rows_v.at[jn], sem)

            pltpu.sync_copy(rows_v.at[jm], acc_s.at[ab_v.at[jm, 1]],
                            add=True)
            return carry

        lax.fori_loop(0, NBATCH, step, 0)
        plsc.subcore_barrier()
        pltpu.sync_copy(acc_s.at[pl.ds(s * RPT, RPT)],
                        s_out.at[pl.ds(c * NP + s * RPT, RPT)])

    return body


def _sc_pass_dc():
    mesh = plsc.VectorSubcoreMesh(core_axis_name="c", subcore_axis_name="s")
    scratch = (
        pltpu.VMEM((BB,), jnp.int32),
        pltpu.VMEM((BB, 16), F32),
        pltpu.VMEM((BB, 128), F32),
        pltpu.VMEM_SHARED((NP, 128), F32),
    )

    @functools.partial(pl.kernel, mesh=mesh,
                       out_type=jax.ShapeDtypeStruct((2 * NP, 128), F32),
                       scratch_types=scratch)
    def body(ea16_hbm, dcidx_hbm, zz_hbm, dc_out, didx_v, ea_v, rows_v, acc):
        c = lax.axis_index("c")
        s = lax.axis_index("s")
        pltpu.sync_copy(zz_hbm, acc.at[pl.ds(s * RPT, RPT)])

        def zrow(r, carry):
            for k in range(8):
                rows_v[r, pl.ds(k * 16, 16)] = jnp.zeros((16,), F32)
            return carry

        lax.fori_loop(0, BB, zrow, 0)
        plsc.subcore_barrier()

        def step(b, carry):
            e0 = s * EPT + b * BB
            pltpu.sync_copy(dcidx_hbm.at[pl.ds(c * EPAD + e0, BB)], didx_v)
            pltpu.sync_copy(ea16_hbm.at[pl.ds(e0, BB)], ea_v)

            def crow(r, carry2):
                rows_v[r, pl.ds(0, 16)] = ea_v[r, pl.ds(0, 16)]
                return carry2

            lax.fori_loop(0, BB, crow, 0)
            pltpu.sync_copy(rows_v, acc.at[didx_v], add=True)
            return carry

        lax.fori_loop(0, NBATCH, step, 0)
        plsc.subcore_barrier()
        pltpu.sync_copy(acc.at[pl.ds(s * RPT, RPT)],
                        dc_out.at[pl.ds(c * NP + s * RPT, RPT)])

    return body


def _sc_pass_b():
    mesh = plsc.VectorSubcoreMesh(core_axis_name="c", subcore_axis_name="s")
    scratch = (
        pltpu.VMEM((3, BBB), jnp.int32),
        pltpu.VMEM((BBB, 16), F32),
        pltpu.VMEM((BBB, 128), F32),
        pltpu.VMEM((BBB, 128), F32),
        pltpu.VMEM((8, 128), F32),
        pltpu.VMEM_SHARED((NP, 128), F32),
        pltpu.SemaphoreType.DMA,
        pltpu.SemaphoreType.DMA,
    )

    @functools.partial(pl.kernel, mesh=mesh,
                       out_type=jax.ShapeDtypeStruct((2 * NP, 128), F32),
                       scratch_types=scratch)
    def body(t_hbm, comb_hbm, ea16_hbm, wab_hbm, zz_hbm,
             u_out, comb_v, ea_v, prows_v, qrows_v, w_v, acc_u, sem0, sem1):
        c = lax.axis_index("c")
        s = lax.axis_index("s")
        pltpu.sync_copy(zz_hbm, acc_u.at[pl.ds(s * RPT, RPT)])
        pltpu.sync_copy(wab_hbm.at[pl.ds(c * 8, 8)], w_v)
        plsc.subcore_barrier()

        ws = tuple(w_v[r, pl.ds(k * 16, 16)]
                   for r in range(5) for k in range(8))

        def step(b, ws):
            pltpu.sync_copy(comb_hbm.at[c * 16 + s, b], comb_v)
            pltpu.sync_copy(ea16_hbm.at[pl.ds(s * EPT + b * BBB, BBB)], ea_v)
            cp_p = pltpu.async_copy(t_hbm.at[comb_v.at[0]], prows_v, sem0)
            cp_q = pltpu.async_copy(t_hbm.at[comb_v.at[1]], qrows_v, sem1)
            cp_p.wait()
            cp_q.wait()

            def edge(e, ws):
                av = ea_v[e, pl.ds(0, 16)]
                a0 = av[0]
                a1 = av[1]
                a2 = av[2]
                a3 = av[3]
                for k in range(8):
                    sl = pl.ds(k * 16, 16)
                    z = (prows_v[e, sl] + qrows_v[e, sl] + ws[32 + k]
                         + ws[k] * a0 + ws[8 + k] * a1
                         + ws[16 + k] * a2 + ws[24 + k] * a3)
                    prows_v[e, sl] = jnp.where(z > 0, z, 0.2 * z)
                return ws

            ws = lax.fori_loop(0, BBB, edge, ws)
            pltpu.sync_copy(prows_v, acc_u.at[comb_v.at[2]], add=True)
            return ws

        lax.fori_loop(0, NBATCHB, step, ws)
        plsc.subcore_barrier()
        pltpu.sync_copy(acc_u.at[pl.ds(s * RPT, RPT)],
                        u_out.at[pl.ds(c * NP + s * RPT, RPT)])

    return body



def _tc_table(xp, w_pq, din):
    def body(x_ref, w_ref, o_ref):
        o_ref[0] = jnp.dot(x_ref[...], w_ref[...],
                           preferred_element_type=F32)

    out = pl.pallas_call(
        body,
        grid=(4, NB_N),
        in_specs=[
            pl.BlockSpec((128, din), lambda q, i: (i, 0)),
            pl.BlockSpec((din, 128), lambda q, i: (0, q)),
        ],
        out_specs=pl.BlockSpec((1, 128, 128), lambda q, i: (q, i, 0)),
        out_shape=jax.ShapeDtypeStruct((4, NP, 128), F32),
    )(xp, w_pq)
    return out.reshape(4 * NP, 128)


def _tc_g16(ea16):
    def body(a_ref, o_ref):
        a = a_ref[...]
        g = lax.dot_general(a, a, (((0,), (0,)), ((), ())),
                            preferred_element_type=F32)
        gp = jnp.pad(g, ((0, 0), (0, 112)))

        @pl.when(pl.program_id(0) == 0)
        def _():
            o_ref[...] = jnp.zeros_like(o_ref)

        o_ref[...] += gp

    return pl.pallas_call(
        body,
        grid=(EPAD // 2048,),
        in_specs=[pl.BlockSpec((2048, 16), lambda i: (i, 0))],
        out_specs=pl.BlockSpec((16, 128), lambda i: (0, 0)),
        out_shape=jax.ShapeDtypeStruct((16, 128), F32),
    )(ea16)


def _tc_stats(t_tab, s_seg, dc):
    def body(p_ref, q_ref, s_ref, dcd_ref, dcs_ref, o_ref):
        i = pl.program_id(1)
        p = p_ref[...]
        q = q_ref[...]
        sseg = s_ref[...]
        dcd = dcd_ref[...]
        dcs = dcs_ref[...]
        degd = dcd[:, 4]
        degs = dcs[:, 4]
        t1 = lax.dot_general(dcd[:, :4], p, (((0,), (0,)), ((), ())),
                             preferred_element_type=F32)
        t2 = lax.dot_general(dcs[:, :4], q, (((0,), (0,)), ((), ())),
                             preferred_element_type=F32)
        u1 = jnp.sum(p * degd[:, None], axis=0, keepdims=True)
        u2 = jnp.sum(q * degs[:, None], axis=0, keepdims=True)
        w1 = jnp.sum(p * p * degd[:, None], axis=0, keepdims=True)
        w2 = jnp.sum(q * q * degs[:, None], axis=0, keepdims=True)
        xx = jnp.sum(p * sseg, axis=0, keepdims=True)
        contrib = jnp.concatenate(
            [t1, t2, u1, u2, w1, w2, xx, jnp.zeros((3, 128), F32)], axis=0)

        @pl.when(i == 0)
        def _():
            o_ref[0] = jnp.zeros((16, 128), F32)

        o_ref[0] += contrib

    return pl.pallas_call(
        body,
        grid=(2, NB_N),
        in_specs=[
            pl.BlockSpec((128, 128), lambda c, i: (c * NB_N + i, 0)),
            pl.BlockSpec((128, 128), lambda c, i: ((2 + c) * NB_N + i, 0)),
            pl.BlockSpec((128, 128), lambda c, i: (c * NB_N + i, 0)),
            pl.BlockSpec((128, 128), lambda c, i: (i, 0)),
            pl.BlockSpec((128, 128), lambda c, i: (NB_N + i, 0)),
        ],
        out_specs=pl.BlockSpec((1, 16, 128), lambda c, i: (c, 0, 0)),
        out_shape=jax.ShapeDtypeStruct((2, 16, 128), F32),
    )(t_tab, t_tab, s_seg, dc, dc)


def _tc_bnparams(stats, g16, wcons):
    ef = float(E)

    def body(s_ref, g_ref, w_ref, o_ref):
        st = s_ref[0]
        gm = g_ref[...]
        w = w_ref[0]
        wa3 = w[0:4]
        ba = w[4]
        gg = w[5]
        be = w[6]
        gram = gm[:4, :4]
        ea_sum = gm[4, :4]
        eas_w = jnp.sum(ea_sum[:, None] * wa3, axis=0)
        sumh = st[8] + st[9] + eas_w + ef * ba
        gw = jnp.sum(gram[:, :, None] * wa3[None, :, :], axis=1)
        a2 = jnp.sum(gw * wa3, axis=0) + 2.0 * ba * eas_w + ef * ba * ba
        pa = jnp.sum(wa3 * st[0:4], axis=0) + ba * st[8]
        qa = jnp.sum(wa3 * st[4:8], axis=0) + ba * st[9]
        sumsq = st[10] + st[11] + a2 + 2.0 * (st[12] + pa + qa)
        m = sumh / ef
        v = sumsq / ef - m * m
        al = gg * lax.rsqrt(v + 1e-5)
        bt = be - m * al
        o_ref[0] = jnp.concatenate(
            [wa3 * al, (al * ba + bt)[None], al[None], bt[None],
             jnp.zeros((1, 128), F32)], axis=0)

    return pl.pallas_call(
        body,
        grid=(2,),
        in_specs=[
            pl.BlockSpec((1, 16, 128), lambda c: (c, 0, 0)),
            pl.BlockSpec((16, 128), lambda c: (0, 0)),
            pl.BlockSpec((1, 8, 128), lambda c: (c, 0, 0)),
        ],
        out_specs=pl.BlockSpec((1, 8, 128), lambda c: (c, 0, 0)),
        out_shape=jax.ShapeDtypeStruct((2, 8, 128), F32),
    )(stats, g16, wcons)


def _tc_scale(t_tab, wab):
    def body(t_ref, w_ref, o_ref):
        q = pl.program_id(0)
        alrow = lax.rem(q, 2) * 8 + 5
        al = w_ref[pl.ds(alrow, 1), :]
        o_ref[...] = t_ref[...] * al

    return pl.pallas_call(
        body,
        grid=(4, NB_N),
        in_specs=[
            pl.BlockSpec((128, 128), lambda q, i: (q * NB_N + i, 0)),
            pl.BlockSpec((16, 128), lambda q, i: (0, 0)),
        ],
        out_specs=pl.BlockSpec((128, 128), lambda q, i: (q * NB_N + i, 0)),
        out_shape=jax.ShapeDtypeStruct((4 * NP, 128), F32),
    )(t_tab, wab.reshape(16, 128))


def _tc_out(u_seg, dc, wb, bbt):
    def body(u0_ref, u1_ref, dc_ref, w_ref, b_ref, o_ref):
        i = pl.program_id(0)
        u = jnp.concatenate([u0_ref[...], u1_ref[...]], axis=1)
        cnt = jnp.maximum(dc_ref[...][:, 4], 1.0)
        msg = u / cnt[:, None]
        h = jnp.dot(msg, w_ref[...], preferred_element_type=F32) + b_ref[0:1]
        rows = i * 128 + lax.broadcasted_iota(jnp.int32, (128, 2 * 128), 0)
        o_ref[...] = jnp.where(rows < N, h, 0.0)

    return pl.pallas_call(
        body,
        grid=(NB_N,),
        in_specs=[
            pl.BlockSpec((128, 128), lambda i: (i, 0)),
            pl.BlockSpec((128, 128), lambda i: (NB_N + i, 0)),
            pl.BlockSpec((128, 128), lambda i: (i, 0)),
            pl.BlockSpec((2 * 128, 2 * 128), lambda i: (0, 0)),
            pl.BlockSpec((8, 2 * 128), lambda i: (0, 0)),
        ],
        out_specs=pl.BlockSpec((128, 2 * 128), lambda i: (i, 0)),
        out_shape=jax.ShapeDtypeStruct((NP, 2 * 128), F32),
    )(u_seg, u_seg, dc, wb, bbt)


def _tc_pool(h, batch3d):
    def body(h_ref, b_ref, o_ref):
        bt = b_ref[0, 0]
        oh = (bt[None, :] ==
              lax.broadcasted_iota(jnp.int32, (G, 128), 0)).astype(F32)
        contrib = jnp.dot(oh, h_ref[...], preferred_element_type=F32)

        @pl.when(pl.program_id(0) == 0)
        def _():
            o_ref[...] = jnp.zeros_like(o_ref)

        o_ref[...] += contrib

    return pl.pallas_call(
        body,
        grid=(NB_N,),
        in_specs=[
            pl.BlockSpec((128, 2 * 128), lambda i: (i, 0)),
            pl.BlockSpec((1, 1, 128), lambda i: (i, 0, 0)),
        ],
        out_specs=pl.BlockSpec((G, 2 * 128), lambda i: (0, 0)),
        out_shape=jax.ShapeDtypeStruct((G, 2 * 128), F32),
    )(h, batch3d)


def _tc_heads(pooled, gpt, bpt, wmu, bmut, wlv, blvt):
    def body(p_ref, gp_ref, bp_ref, wm_ref, bm_ref, wl_ref, bl_ref,
             mu_ref, lv_ref):
        p = p_ref[...]
        m = jnp.mean(p, axis=0, keepdims=True)
        v = jnp.mean(p * p, axis=0, keepdims=True) - m * m
        pn = (p - m) * lax.rsqrt(v + 1e-5) * gp_ref[0:1] + bp_ref[0:1]
        mu_ref[...] = jnp.dot(pn, wm_ref[...],
                              preferred_element_type=F32) + bm_ref[0:1]
        lv_ref[...] = jnp.dot(pn, wl_ref[...],
                              preferred_element_type=F32) + bl_ref[0:1]

    return pl.pallas_call(
        body,
        grid=(1,),
        in_specs=[
            pl.BlockSpec((G, H), lambda i: (0, 0)),
            pl.BlockSpec((8, H), lambda i: (0, 0)),
            pl.BlockSpec((8, H), lambda i: (0, 0)),
            pl.BlockSpec((H, L), lambda i: (0, 0)),
            pl.BlockSpec((8, L), lambda i: (0, 0)),
            pl.BlockSpec((H, L), lambda i: (0, 0)),
            pl.BlockSpec((8, L), lambda i: (0, 0)),
        ],
        out_specs=[
            pl.BlockSpec((G, L), lambda i: (0, 0)),
            pl.BlockSpec((G, L), lambda i: (0, 0)),
        ],
        out_shape=[
            jax.ShapeDtypeStruct((G, L), F32),
            jax.ShapeDtypeStruct((G, L), F32),
        ],
    )(pooled, gpt, bpt, wmu, bmut, wlv, blvt)



def _wcons(wa3, ba, g, be):
    rows = jnp.concatenate(
        [wa3, ba[None], g[None], be[None], jnp.zeros((1, H), F32)], axis=0)
    return rows.reshape(8, 2, 128).transpose(1, 0, 2)


def kernel(x, edge_index, edge_attr, batch,
           W1a, b1a, g1, be1, W1b, b1b,
           W2a, b2a, g2, be2, W2b, b2b,
           gp, bp, Wmu, bmu, Wlv, blv):
    src = edge_index[0]
    dst = edge_index[1]
    src_p = jnp.concatenate([src, jnp.zeros((EPAD - E,), jnp.int32)])
    dst_p = jnp.concatenate([dst, jnp.full((EPAD - E,), N, jnp.int32)])

    gidx = jnp.concatenate([src_p + 2 * NP, src_p + 3 * NP])
    pidx = jnp.concatenate([dst_p, dst_p + NP])
    dcidx = jnp.concatenate([dst_p, src_p])
    ea16 = jnp.concatenate(
        [edge_attr, jnp.ones((E, 1), F32), jnp.zeros((E, 11), F32)], axis=1)
    ea16 = jnp.concatenate([ea16, jnp.zeros((EPAD - E, 16), F32)], axis=0)
    comba = jnp.concatenate([
        gidx.reshape(2, 16, NBATCH, 1, BB),
        jnp.broadcast_to(dst_p.reshape(1, 16, NBATCH, 1, BB),
                         (2, 16, NBATCH, 1, BB)),
    ], axis=3).reshape(32, NBATCH, 2, BB)
    comb = jnp.concatenate([
        pidx.reshape(2, 16, NBATCHB, 1, BBB),
        gidx.reshape(2, 16, NBATCHB, 1, BBB),
        jnp.broadcast_to(dst_p.reshape(1, 16, NBATCHB, 1, BBB),
                         (2, 16, NBATCHB, 1, BBB)),
    ], axis=3).reshape(32, NBATCHB, 3, BBB)

    xp = jnp.concatenate([x, jnp.zeros((NP - N, D), F32)], axis=0)
    zz = jnp.zeros((RPT, 128), F32)

    w1_pq = jnp.concatenate([W1a[:D], W1a[D:2 * D]], axis=1)
    w2_pq = jnp.concatenate([W2a[:H], W2a[H:2 * H]], axis=1)
    wcons1 = _wcons(W1a[2 * D:], b1a, g1, be1)
    wcons2 = _wcons(W2a[2 * H:], b2a, g2, be2)
    bbt1 = jnp.tile(b1b[None, :], (8, 1))
    bbt2 = jnp.tile(b2b[None, :], (8, 1))

    batch_p = jnp.concatenate([batch, jnp.full((NP - N,), G, jnp.int32)])
    batch3d = batch_p.reshape(NB_N, 1, 128)
    gpt = jnp.tile(gp[None, :], (8, 1))
    bpt = jnp.tile(bp[None, :], (8, 1))
    bmut = jnp.tile(bmu[None, :], (8, 1))
    blvt = jnp.tile(blv[None, :], (8, 1))

    g16 = _tc_g16(ea16)
    sc_a = _sc_pass_a()
    sc_b = _sc_pass_b()

    dc = _sc_pass_dc()(ea16, dcidx, zz)
    zz1, dc = lax.optimization_barrier((zz, dc))

    t1 = _tc_table(xp, w1_pq, D)
    s1 = sc_a(t1, comba, zz1)
    stats1 = _tc_stats(t1, s1, dc)
    wab1 = _tc_bnparams(stats1, g16, wcons1)
    t1s = _tc_scale(t1, wab1)
    u1 = sc_b(t1s, comb, ea16, wab1.reshape(16, 128), zz)
    h1 = _tc_out(u1, dc, W1b, bbt1)

    t2 = _tc_table(h1, w2_pq, H)
    s2 = sc_a(t2, comba, zz)
    stats2 = _tc_stats(t2, s2, dc)
    wab2 = _tc_bnparams(stats2, g16, wcons2)
    t2s = _tc_scale(t2, wab2)
    u2 = sc_b(t2s, comb, ea16, wab2.reshape(16, 128), zz)
    h2 = _tc_out(u2, dc, W2b, bbt2)

    pooled = _tc_pool(h2, batch3d)
    mu, lv = _tc_heads(pooled, gpt, bpt, Wmu, bmut, Wlv, blvt)
    return (mu, lv, h2[:N])

# --- scband reference (transcript-rebuilt; emitter-appended) ---
"""Pipeline reference for scband-node-encoder-18339510354270 (READ-ONLY COPY).

The authoritative reference and input builder live on the scoring server;
editing this copy changes nothing except your own understanding.
"""

import jax, jax.numpy as jnp
import numpy as np

N, E, D, H, L, G = 10000, 320000, 128, 256, 128, 64


def _bn(h, g, b):
    m = h.mean(0)
    v = h.var(0)
    return (h - m) / jnp.sqrt(v + 1e-5) * g + b


def _leaky(h):
    return jnp.where(h > 0, h, 0.2 * h)


def _conv(x, src, dst, ea, Wa, ba, g, be, Wb, bb):
    # PyG convention: x_j = x[src], x_i = x[dst]; message = mlp(cat[x_i, x_j, edge_attr])
    msg_in = jnp.concatenate([x[dst], x[src], ea], axis=-1)
    h = msg_in @ Wa + ba
    h = _bn(h, g, be)
    h = _leaky(h)
    msg = h @ Wb + bb
    n = x.shape[0]
    s = jax.ops.segment_sum(msg, dst, num_segments=n)
    cnt = jax.ops.segment_sum(jnp.ones((dst.shape[0],), jnp.float32), dst, num_segments=n)
    return s / jnp.clip(cnt, 1.0)[:, None]


def setup_inputs(seed: int = 0):
    key = jax.random.key(seed)
    ks = jax.random.split(key, 16)

    def lin(k, i, o):
        k1, k2 = jax.random.split(k)
        lim = 1.0 / np.sqrt(i)
        return (jax.random.uniform(k1, (i, o), jnp.float32, -lim, lim),
                jax.random.uniform(k2, (o,), jnp.float32, -lim, lim))

    W1a, b1a = lin(ks[0], 2 * D + 4, H)
    W1b, b1b = lin(ks[1], H, H)
    W2a, b2a = lin(ks[2], 2 * H + 4, H)
    W2b, b2b = lin(ks[3], H, H)
    Wmu, bmu = lin(ks[4], H, L)
    Wlv, blv = lin(ks[5], H, L)
    return {
        "x": jax.random.normal(ks[6], (N, D), jnp.float32),
        "edge_index": jax.random.randint(ks[7], (2, E), 0, N, jnp.int32),
        "edge_attr": jax.random.normal(ks[8], (E, 4), jnp.float32),
        "batch": jnp.sort(jax.random.randint(ks[9], (N,), 0, G, jnp.int32)),
        "W1a": W1a, "b1a": b1a, "g1": jnp.ones((H,), jnp.float32), "be1": jnp.zeros((H,), jnp.float32),
        "W1b": W1b, "b1b": b1b,
        "W2a": W2a, "b2a": b2a, "g2": jnp.ones((H,), jnp.float32), "be2": jnp.zeros((H,), jnp.float32),
        "W2b": W2b, "b2b": b2b,
        "gp": jnp.ones((H,), jnp.float32), "bp": jnp.zeros((H,), jnp.float32),
        "Wmu": Wmu, "bmu": bmu, "Wlv": Wlv, "blv": blv,
    }


def reference(x, edge_index, edge_attr, batch,
              W1a, b1a, g1, be1, W1b, b1b,
              W2a, b2a, g2, be2, W2b, b2b,
              gp, bp, Wmu, bmu, Wlv, blv):
    src = edge_index[0]
    dst = edge_index[1]
    h = _conv(x, src, dst, edge_attr, W1a, b1a, g1, be1, W1b, b1b)
    h = _conv(h, src, dst, edge_attr, W2a, b2a, g2, be2, W2b, b2b)
    pooled = jax.ops.segment_sum(h, batch, num_segments=G)
    pooled = _bn(pooled, gp, bp)
    mu = pooled @ Wmu + bmu
    logvar = pooled @ Wlv + blv
    return (mu, logvar, h)

if __name__ == "__main__":
    import jax
    _d = setup_inputs()
    print(jax.jit(kernel)(*tuple(_d.values())))

</pallas_src>

<mosaic_0001>
#map = affine_map<(d0, d1) -> (0, 0)>
#map1 = affine_map<(d0, d1) -> (0, 0, 0, 0)>
module attributes {stable_mosaic.version = 14 : i64} {
  func.func @body(%arg0: i32, %arg1: i32, %arg2: memref<40448x128xf32, #tpu.memory_space<hbm>>, %arg3: memref<32x316x3x64xi32, #tpu.memory_space<hbm>>, %arg4: memref<323584x16xf32, #tpu.memory_space<hbm>>, %arg5: memref<16x128xf32, #tpu.memory_space<hbm>>, %arg6: memref<632x128xf32, #tpu.memory_space<hbm>>, %arg7: memref<20224x128xf32, #tpu.memory_space<hbm>>, %arg8: memref<3x64xi32, #tpu.memory_space<vmem>>, %arg9: memref<64x16xf32, #tpu.memory_space<vmem>>, %arg10: memref<64x128xf32, #tpu.memory_space<vmem>>, %arg11: memref<64x128xf32, #tpu.memory_space<vmem>>, %arg12: memref<8x128xf32, #tpu.memory_space<vmem>>, %arg13: memref<10112x128xf32, #tpu.memory_space<vmem_shared>>, %arg14: memref<!tpu.dma_semaphore, #tpu.memory_space<semaphore_mem>>, %arg15: memref<!tpu.dma_semaphore, #tpu.memory_space<semaphore_mem>>) attributes {dimension_semantics = [#tpu.dimension_semantics<core_parallel>, #tpu.dimension_semantics<subcore_parallel>], iteration_bounds = array<i64: 2, 16>, scalar_prefetch = 0 : i64, scratch_operands = 8 : i64, tpu.core_type = #tpu.core_type<sc_vector_subcore>, window_params = [{transform_indices = #map}, {transform_indices = #map1}, {transform_indices = #map}, {transform_indices = #map}, {transform_indices = #map}, {transform_indices = #map}]} {
    %mul3A = arith.constant 632 : i32
    %mul3A_0 = arith.muli %arg1, %mul3A : i32
    "tpu.region"() ({
      %run_scoped3A = tpu.sem_alloc : memref<!tpu.dma_semaphore, #tpu.memory_space<semaphore_mem>>
      %dma_start3A = arith.constant 0 : i32
      %dma_start3A_213 = tpu.memref_slice %arg13[%mul3A_0, %dma_start3A] : memref<10112x128xf32, #tpu.memory_space<vmem_shared>> -> memref<632x128xf32, #tpu.memory_space<vmem_shared>>
      tpu.enqueue_dma source(%arg6 : memref<632x128xf32, #tpu.memory_space<hbm>>) target(%dma_start3A_213 : memref<632x128xf32, #tpu.memory_space<vmem_shared>>) target_semaphore(%run_scoped3A : memref<!tpu.dma_semaphore, #tpu.memory_space<semaphore_mem>>)
      %dma_wait3A = arith.constant 0 : i32
      %dma_wait3A_214 = tpu.memref_slice %arg13[%mul3A_0, %dma_wait3A] : memref<10112x128xf32, #tpu.memory_space<vmem_shared>> -> memref<632x128xf32, #tpu.memory_space<vmem_shared>>
      tpu.wait_dma2 semaphore(%run_scoped3A : memref<!tpu.dma_semaphore, #tpu.memory_space<semaphore_mem>>) src(%arg6 : memref<632x128xf32, #tpu.memory_space<hbm>>) dst(%dma_wait3A_214 : memref<632x128xf32, #tpu.memory_space<vmem_shared>>)
      tpu.yield
    }) : () -> ()
    %mul3A_1 = arith.constant 8 : i32
    %mul3A_2 = arith.muli %arg0, %mul3A_1 : i32
    "tpu.region"() ({
      %run_scoped3A = tpu.sem_alloc : memref<!tpu.dma_semaphore, #tpu.memory_space<semaphore_mem>>
      %dma_start3A = arith.constant 0 : i32
      %dma_start3A_213 = tpu.memref_slice %arg5[%mul3A_2, %dma_start3A] : memref<16x128xf32, #tpu.memory_space<hbm>> -> memref<8x128xf32, #tpu.memory_space<hbm>>
      %dma_start3A_214 = arith.constant 0 : i32
      %dma_start3A_215 = tpu.memref_slice %arg5[%mul3A_2, %dma_start3A_214] : memref<16x128xf32, #tpu.memory_space<hbm>> -> memref<8x128xf32, #tpu.memory_space<hbm>>
      tpu.enqueue_dma source(%dma_start3A_215 : memref<8x128xf32, #tpu.memory_space<hbm>>) target(%arg12 : memref<8x128xf32, #tpu.memory_space<vmem>>) target_semaphore(%run_scoped3A : memref<!tpu.dma_semaphore, #tpu.memory_space<semaphore_mem>>)
      %dma_wait3A = arith.constant 0 : i32
      %dma_wait3A_216 = tpu.memref_slice %arg5[%mul3A_2, %dma_wait3A] : memref<16x128xf32, #tpu.memory_space<hbm>> -> memref<8x128xf32, #tpu.memory_space<hbm>>
      %dma_wait3A_217 = arith.constant 0 : i32
      %dma_wait3A_218 = tpu.memref_slice %arg5[%mul3A_2, %dma_wait3A_217] : memref<16x128xf32, #tpu.memory_space<hbm>> -> memref<8x128xf32, #tpu.memory_space<hbm>>
      tpu.wait_dma2 semaphore(%run_scoped3A : memref<!tpu.dma_semaphore, #tpu.memory_space<semaphore_mem>>) src(%dma_wait3A_218 : memref<8x128xf32, #tpu.memory_space<hbm>>) dst(%arg12 : memref<8x128xf32, #tpu.memory_space<vmem>>)
      tpu.yield
    }) : () -> ()
    %barrier3A = arith.constant 0 : index
    tpu.barrier barrier_id(%barrier3A)
    %get3A = arith.constant 0 : i32
    %get3A_3 = arith.index_cast %get3A : i32 to index
    %get3A_4 = arith.constant 0 : index
    %get3A_5 = tpu.vector_load %arg12[%get3A_3, %get3A_4] {strides = array<i32>} : memref<8x128xf32, #tpu.memory_space<vmem>>, vector<1x16xf32>,
    %get3A_6 = vector.shape_cast %get3A_5 : vector<1x16xf32> to vector<16xf32>
    %get3A_7 = arith.constant 0 : i32
    %get3A_8 = arith.index_cast %get3A_7 : i32 to index
    %get3A_9 = arith.constant 16 : index
    %get3A_10 = tpu.vector_load %arg12[%get3A_8, %get3A_9] {strides = array<i32>} : memref<8x128xf32, #tpu.memory_space<vmem>>, vector<1x16xf32>,
    %get3A_11 = vector.shape_cast %get3A_10 : vector<1x16xf32> to vector<16xf32>
    %get3A_12 = arith.constant 0 : i32
    %get3A_13 = arith.index_cast %get3A_12 : i32 to index
    %get3A_14 = arith.constant 32 : index
    %get3A_15 = tpu.vector_load %arg12[%get3A_13, %get3A_14] {strides = array<i32>} : memref<8x128xf32, #tpu.memory_space<vmem>>, vector<1x16xf32>,
    %get3A_16 = vector.shape_cast %get3A_15 : vector<1x16xf32> to vector<16xf32>
    %get3A_17 = arith.constant 0 : i32
    %get3A_18 = arith.index_cast %get3A_17 : i32 to index
    %get3A_19 = arith.constant 48 : index
    %get3A_20 = tpu.vector_load %arg12[%get3A_18, %get3A_19] {strides = array<i32>} : memref<8x128xf32, #tpu.memory_space<vmem>>, vector<1x16xf32>,
    %get3A_21 = vector.shape_cast %get3A_20 : vector<1x16xf32> to vector<16xf32>
    %get3A_22 = arith.constant 0 : i32
    %get3A_23 = arith.index_cast %get3A_22 : i32 to index
    %get3A_24 = arith.constant 64 : index
    %get3A_25 = tpu.vector_load %arg12[%get3A_23, %get3A_24] {strides = array<i32>} : memref<8x128xf32, #tpu.memory_space<vmem>>, vector<1x16xf32>,
    %get3A_26 = vector.shape_cast %get3A_25 : vector<1x16xf32> to vector<16xf32>
    %get3A_27 = arith.constant 0 : i32
    %get3A_28 = arith.index_cast %get3A_27 : i32 to index
    %get3A_29 = arith.constant 80 : index
    %get3A_30 = tpu.vector_load %arg12[%get3A_28, %get3A_29] {strides = array<i32>} : memref<8x128xf32, #tpu.memory_space<vmem>>, vector<1x16xf32>,
    %get3A_31 = vector.shape_cast %get3A_30 : vector<1x16xf32> to vector<16xf32>
    %get3A_32 = arith.constant 0 : i32
    %get3A_33 = arith.index_cast %get3A_32 : i32 to index
    %get3A_34 = arith.constant 96 : index
    %get3A_35 = tpu.vector_load %arg12[%get3A_33, %get3A_34] {strides = array<i32>} : memref<8x128xf32, #tpu.memory_space<vmem>>, vector<1x16xf32>,
    %get3A_36 = vector.shape_cast %get3A_35 : vector<1x16xf32> to vector<16xf32>
    %get3A_37 = arith.constant 0 : i32
    %get3A_38 = arith.index_cast %get3A_37 : i32 to index
    %get3A_39 = arith.constant 112 : index
    %get3A_40 = tpu.vector_load %arg12[%get3A_38, %get3A_39] {strides = array<i32>} : memref<8x128xf32, #tpu.memory_space<vmem>>, vector<1x16xf32>,
    %get3A_41 = vector.shape_cast %get3A_40 : vector<1x16xf32> to vector<16xf32>
    %get3A_42 = arith.constant 1 : i32
    %get3A_43 = arith.index_cast %get3A_42 : i32 to index
    %get3A_44 = arith.constant 0 : index
    %get3A_45 = tpu.vector_load %arg12[%get3A_43, %get3A_44] {strides = array<i32>} : memref<8x128xf32, #tpu.memory_space<vmem>>, vector<1x16xf32>,
    %get3A_46 = vector.shape_cast %get3A_45 : vector<1x16xf32> to vector<16xf32>
    %get3A_47 = arith.constant 1 : i32
    %get3A_48 = arith.index_cast %get3A_47 : i32 to index
    %get3A_49 = arith.constant 16 : index
    %get3A_50 = tpu.vector_load %arg12[%get3A_48, %get3A_49] {strides = array<i32>} : memref<8x128xf32, #tpu.memory_space<vmem>>, vector<1x16xf32>,
    %get3A_51 = vector.shape_cast %get3A_50 : vector<1x16xf32> to vector<16xf32>
    %get3A_52 = arith.constant 1 : i32
    %get3A_53 = arith.index_cast %get3A_52 : i32 to index
    %get3A_54 = arith.constant 32 : index
    %get3A_55 = tpu.vector_load %arg12[%get3A_53, %get3A_54] {strides = array<i32>} : memref<8x128xf32, #tpu.memory_space<vmem>>, vector<1x16xf32>,
    %get3A_56 = vector.shape_cast %get3A_55 : vector<1x16xf32> to vector<16xf32>
    %get3A_57 = arith.constant 1 : i32
    %get3A_58 = arith.index_cast %get3A_57 : i32 to index
    %get3A_59 = arith.constant 48 : index
    %get3A_60 = tpu.vector_load %arg12[%get3A_58, %get3A_59] {strides = array<i32>} : memref<8x128xf32, #tpu.memory_space<vmem>>, vector<1x16xf32>,
    %get3A_61 = vector.shape_cast %get3A_60 : vector<1x16xf32> to vector<16xf32>
    %get3A_62 = arith.constant 1 : i32
    %get3A_63 = arith.index_cast %get3A_62 : i32 to index
    %get3A_64 = arith.constant 64 : index
    %get3A_65 = tpu.vector_load %arg12[%get3A_63, %get3A_64] {strides = array<i32>} : memref<8x128xf32, #tpu.memory_space<vmem>>, vector<1x16xf32>,
    %get3A_66 = vector.shape_cast %get3A_65 : vector<1x16xf32> to vector<16xf32>
    %get3A_67 = arith.constant 1 : i32
    %get3A_68 = arith.index_cast %get3A_67 : i32 to index
    %get3A_69 = arith.constant 80 : index
    %get3A_70 = tpu.vector_load %arg12[%get3A_68, %get3A_69] {strides = array<i32>} : memref<8x128xf32, #tpu.memory_space<vmem>>, vector<1x16xf32>,
    %get3A_71 = vector.shape_cast %get3A_70 : vector<1x16xf32> to vector<16xf32>
    %get3A_72 = arith.constant 1 : i32
    %get3A_73 = arith.index_cast %get3A_72 : i32 to index
    %get3A_74 = arith.constant 96 : index
    %get3A_75 = tpu.vector_load %arg12[%get3A_73, %get3A_74] {strides = array<i32>} : memref<8x128xf32, #tpu.memory_space<vmem>>, vector<1x16xf32>,
    %get3A_76 = vector.shape_cast %get3A_75 : vector<1x16xf32> to vector<16xf32>
    %get3A_77 = arith.constant 1 : i32
    %get3A_78 = arith.index_cast %get3A_77 : i32 to index
    %get3A_79 = arith.constant 112 : index
    %get3A_80 = tpu.vector_load %arg12[%get3A_78, %get3A_79] {strides = array<i32>} : memref<8x128xf32, #tpu.memory_space<vmem>>, vector<1x16xf32>,
    %get3A_81 = vector.shape_cast %get3A_80 : vector<1x16xf32> to vector<16xf32>
    %get3A_82 = arith.constant 2 : i32
    %get3A_83 = arith.index_cast %get3A_82 : i32 to index
    %get3A_84 = arith.constant 0 : index
    %get3A_85 = tpu.vector_load %arg12[%get3A_83, %get3A_84] {strides = array<i32>} : memref<8x128xf32, #tpu.memory_space<vmem>>, vector<1x16xf32>,
    %get3A_86 = vector.shape_cast %get3A_85 : vector<1x16xf32> to vector<16xf32>
    %get3A_87 = arith.constant 2 : i32
    %get3A_88 = arith.index_cast %get3A_87 : i32 to index
    %get3A_89 = arith.constant 16 : index
    %get3A_90 = tpu.vector_load %arg12[%get3A_88, %get3A_89] {strides = array<i32>} : memref<8x128xf32, #tpu.memory_space<vmem>>, vector<1x16xf32>,
    %get3A_91 = vector.shape_cast %get3A_90 : vector<1x16xf32> to vector<16xf32>
    %get3A_92 = arith.constant 2 : i32
    %get3A_93 = arith.index_cast %get3A_92 : i32 to index
    %get3A_94 = arith.constant 32 : index
    %get3A_95 = tpu.vector_load %arg12[%get3A_93, %get3A_94] {strides = array<i32>} : memref<8x128xf32, #tpu.memory_space<vmem>>, vector<1x16xf32>,
    %get3A_96 = vector.shape_cast %get3A_95 : vector<1x16xf32> to vector<16xf32>
    %get3A_97 = arith.constant 2 : i32
    %get3A_98 = arith.index_cast %get3A_97 : i32 to index
    %get3A_99 = arith.constant 48 : index
    %get3A_100 = tpu.vector_load %arg12[%get3A_98, %get3A_99] {strides = array<i32>} : memref<8x128xf32, #tpu.memory_space<vmem>>, vector<1x16xf32>,
    %get3A_101 = vector.shape_cast %get3A_100 : vector<1x16xf32> to vector<16xf32>
    %get3A_102 = arith.constant 2 : i32
    %get3A_103 = arith.index_cast %get3A_102 : i32 to index
    %get3A_104 = arith.constant 64 : index
    %get3A_105 = tpu.vector_load %arg12[%get3A_103, %get3A_104] {strides = array<i32>} : memref<8x128xf32, #tpu.memory_space<vmem>>, vector<1x16xf32>,
    %get3A_106 = vector.shape_cast %get3A_105 : vector<1x16xf32> to vector<16xf32>
    %get3A_107 = arith.constant 2 : i32
    %get3A_108 = arith.index_cast %get3A_107 : i32 to index
    %get3A_109 = arith.constant 80 : index
    %get3A_110 = tpu.vector_load %arg12[%get3A_108, %get3A_109] {strides = array<i32>} : memref<8x128xf32, #tpu.memory_space<vmem>>, vector<1x16xf32>,
    %get3A_111 = vector.shape_cast %get3A_110 : vector<1x16xf32> to vector<16xf32>
    %get3A_112 = arith.constant 2 : i32
    %get3A_113 = arith.index_cast %get3A_112 : i32 to index
    %get3A_114 = arith.constant 96 : index
    %get3A_115 = tpu.vector_load %arg12[%get3A_113, %get3A_114] {strides = array<i32>} : memref<8x128xf32, #tpu.memory_space<vmem>>, vector<1x16xf32>,
    %get3A_116 = vector.shape_cast %get3A_115 : vector<1x16xf32> to vector<16xf32>
    %get3A_117 = arith.constant 2 : i32
    %get3A_118 = arith.index_cast %get3A_117 : i32 to index
    %get3A_119 = arith.constant 112 : index
    %get3A_120 = tpu.vector_load %arg12[%get3A_118, %get3A_119] {strides = array<i32>} : memref<8x128xf32, #tpu.memory_space<vmem>>, vector<1x16xf32>,
    %get3A_121 = vector.shape_cast %get3A_120 : vector<1x16xf32> to vector<16xf32>
    %get3A_122 = arith.constant 3 : i32
    %get3A_123 = arith.index_cast %get3A_122 : i32 to index
    %get3A_124 = arith.constant 0 : index
    %get3A_125 = tpu.vector_load %arg12[%get3A_123, %get3A_124] {strides = array<i32>} : memref<8x128xf32, #tpu.memory_space<vmem>>, vector<1x16xf32>,
    %get3A_126 = vector.shape_cast %get3A_125 : vector<1x16xf32> to vector<16xf32>
    %get3A_127 = arith.constant 3 : i32
    %get3A_128 = arith.index_cast %get3A_127 : i32 to index
    %get3A_129 = arith.constant 16 : index
    %get3A_130 = tpu.vector_load %arg12[%get3A_128, %get3A_129] {strides = array<i32>} : memref<8x128xf32, #tpu.memory_space<vmem>>, vector<1x16xf32>,
    %get3A_131 = vector.shape_cast %get3A_130 : vector<1x16xf32> to vector<16xf32>
    %get3A_132 = arith.constant 3 : i32
    %get3A_133 = arith.index_cast %get3A_132 : i32 to index
    %get3A_134 = arith.constant 32 : index
    %get3A_135 = tpu.vector_load %arg12[%get3A_133, %get3A_134] {strides = array<i32>} : memref<8x128xf32, #tpu.memory_space<vmem>>, vector<1x16xf32>,
    %get3A_136 = vector.shape_cast %get3A_135 : vector<1x16xf32> to vector<16xf32>
    %get3A_137 = arith.constant 3 : i32
    %get3A_138 = arith.index_cast %get3A_137 : i32 to index
    %get3A_139 = arith.constant 48 : index
    %get3A_140 = tpu.vector_load %arg12[%get3A_138, %get3A_139] {strides = array<i32>} : memref<8x128xf32, #tpu.memory_space<vmem>>, vector<1x16xf32>,
    %get3A_141 = vector.shape_cast %get3A_140 : vector<1x16xf32> to vector<16xf32>
    %get3A_142 = arith.constant 3 : i32
    %get3A_143 = arith.index_cast %get3A_142 : i32 to index
    %get3A_144 = arith.constant 64 : index
    %get3A_145 = tpu.vector_load %arg12[%get3A_143, %get3A_144] {strides = array<i32>} : memref<8x128xf32, #tpu.memory_space<vmem>>, vector<1x16xf32>,
    %get3A_146 = vector.shape_cast %get3A_145 : vector<1x16xf32> to vector<16xf32>
    %get3A_147 = arith.constant 3 : i32
    %get3A_148 = arith.index_cast %get3A_147 : i32 to index
    %get3A_149 = arith.constant 80 : index
    %get3A_150 = tpu.vector_load %arg12[%get3A_148, %get3A_149] {strides = array<i32>} : memref<8x128xf32, #tpu.memory_space<vmem>>, vector<1x16xf32>,
    %get3A_151 = vector.shape_cast %get3A_150 : vector<1x16xf32> to vector<16xf32>
    %get3A_152 = arith.constant 3 : i32
    %get3A_153 = arith.index_cast %get3A_152 : i32 to index
    %get3A_154 = arith.constant 96 : index
    %get3A_155 = tpu.vector_load %arg12[%get3A_153, %get3A_154] {strides = array<i32>} : memref<8x128xf32, #tpu.memory_space<vmem>>, vector<1x16xf32>,
    %get3A_156 = vector.shape_cast %get3A_155 : vector<1x16xf32> to vector<16xf32>
    %get3A_157 = arith.constant 3 : i32
    %get3A_158 = arith.index_cast %get3A_157 : i32 to index
    %get3A_159 = arith.constant 112 : index
    %get3A_160 = tpu.vector_load %arg12[%get3A_158, %get3A_159] {strides = array<i32>} : memref<8x128xf32, #tpu.memory_space<vmem>>, vector<1x16xf32>,
    %get3A_161 = vector.shape_cast %get3A_160 : vector<1x16xf32> to vector<16xf32>
    %get3A_162 = arith.constant 4 : i32
    %get3A_163 = arith.index_cast %get3A_162 : i32 to index
    %get3A_164 = arith.constant 0 : index
    %get3A_165 = tpu.vector_load %arg12[%get3A_163, %get3A_164] {strides = array<i32>} : memref<8x128xf32, #tpu.memory_space<vmem>>, vector<1x16xf32>,
    %get3A_166 = vector.shape_cast %get3A_165 : vector<1x16xf32> to vector<16xf32>
    %get3A_167 = arith.constant 4 : i32
    %get3A_168 = arith.index_cast %get3A_167 : i32 to index
    %get3A_169 = arith.constant 16 : index
    %get3A_170 = tpu.vector_load %arg12[%get3A_168, %get3A_169] {strides = array<i32>} : memref<8x128xf32, #tpu.memory_space<vmem>>, vector<1x16xf32>,
    %get3A_171 = vector.shape_cast %get3A_170 : vector<1x16xf32> to vector<16xf32>
    %get3A_172 = arith.constant 4 : i32
    %get3A_173 = arith.index_cast %get3A_172 : i32 to index
    %get3A_174 = arith.constant 32 : index
    %get3A_175 = tpu.vector_load %arg12[%get3A_173, %get3A_174] {strides = array<i32>} : memref<8x128xf32, #tpu.memory_space<vmem>>, vector<1x16xf32>,
    %get3A_176 = vector.shape_cast %get3A_175 : vector<1x16xf32> to vector<16xf32>
    %get3A_177 = arith.constant 4 : i32
    %get3A_178 = arith.index_cast %get3A_177 : i32 to index
    %get3A_179 = arith.constant 48 : index
    %get3A_180 = tpu.vector_load %arg12[%get3A_178, %get3A_179] {strides = array<i32>} : memref<8x128xf32, #tpu.memory_space<vmem>>, vector<1x16xf32>,
    %get3A_181 = vector.shape_cast %get3A_180 : vector<1x16xf32> to vector<16xf32>
    %get3A_182 = arith.constant 4 : i32
    %get3A_183 = arith.index_cast %get3A_182 : i32 to index
    %get3A_184 = arith.constant 64 : index
    %get3A_185 = tpu.vector_load %arg12[%get3A_183, %get3A_184] {strides = array<i32>} : memref<8x128xf32, #tpu.memory_space<vmem>>, vector<1x16xf32>,
    %get3A_186 = vector.shape_cast %get3A_185 : vector<1x16xf32> to vector<16xf32>
    %get3A_187 = arith.constant 4 : i32
    %get3A_188 = arith.index_cast %get3A_187 : i32 to index
    %get3A_189 = arith.constant 80 : index
    %get3A_190 = tpu.vector_load %arg12[%get3A_188, %get3A_189] {strides = array<i32>} : memref<8x128xf32, #tpu.memory_space<vmem>>, vector<1x16xf32>,
    %get3A_191 = vector.shape_cast %get3A_190 : vector<1x16xf32> to vector<16xf32>
    %get3A_192 = arith.constant 4 : i32
    %get3A_193 = arith.index_cast %get3A_192 : i32 to index
    %get3A_194 = arith.constant 96 : index
    %get3A_195 = tpu.vector_load %arg12[%get3A_193, %get3A_194] {strides = array<i32>} : memref<8x128xf32, #tpu.memory_space<vmem>>, vector<1x16xf32>,
    %get3A_196 = vector.shape_cast %get3A_195 : vector<1x16xf32> to vector<16xf32>
    %get3A_197 = arith.constant 4 : i32
    %get3A_198 = arith.index_cast %get3A_197 : i32 to index
    %get3A_199 = arith.constant 112 : index
    %get3A_200 = tpu.vector_load %arg12[%get3A_198, %get3A_199] {strides = array<i32>} : memref<8x128xf32, #tpu.memory_space<vmem>>, vector<1x16xf32>,
    %get3A_201 = vector.shape_cast %get3A_200 : vector<1x16xf32> to vector<16xf32>
    %scan3A = arith.constant 0 : i32
    %scan3A_202 = arith.constant 316 : i32
    %scan3A_203 = arith.addi %scan3A, %scan3A_202 : i32
    %scan3A_204 = arith.constant 1 : i32
    scf.for %scan3A_213 = %scan3A to %scan3A_203 step %scan3A_204  : i32 {
      %mul3A_214 = arith.constant 16 : i32
      %mul3A_215 = arith.muli %arg0, %mul3A_214 : i32
      %add3A_216 = arith.addi %mul3A_215, %arg1 : i32
      "tpu.region"() ({
        %run_scoped3A_253 = tpu.sem_alloc : memref<!tpu.dma_semaphore, #tpu.memory_space<semaphore_mem>>
        %dma_start3A_254 = arith.constant 0 : i32
        %dma_start3A_255 = arith.constant 0 : i32
        %dma_start3A_256 = tpu.memref_slice %arg3[%add3A_216, %scan3A_213, %dma_start3A_254, %dma_start3A_255] : memref<32x316x3x64xi32, #tpu.memory_space<hbm>> -> memref<1x1x3x64xi32, #tpu.memory_space<hbm>>
        %dma_start3A_257 = tpu.memref_squeeze %dma_start3A_256 : memref<1x1x3x64xi32, #tpu.memory_space<hbm>> -> memref<3x64xi32, #tpu.memory_space<hbm>>
        %dma_start3A_258 = arith.constant 0 : i32
        %dma_start3A_259 = arith.constant 0 : i32
        %dma_start3A_260 = tpu.memref_slice %arg3[%add3A_216, %scan3A_213, %dma_start3A_258, %dma_start3A_259] : memref<32x316x3x64xi32, #tpu.memory_space<hbm>> -> memref<1x1x3x64xi32, #tpu.memory_space<hbm>>
        %dma_start3A_261 = tpu.memref_squeeze %dma_start3A_260 : memref<1x1x3x64xi32, #tpu.memory_space<hbm>> -> memref<3x64xi32, #tpu.memory_space<hbm>>
        tpu.enqueue_dma source(%dma_start3A_261 : memref<3x64xi32, #tpu.memory_space<hbm>>) target(%arg8 : memref<3x64xi32, #tpu.memory_space<vmem>>) target_semaphore(%run_scoped3A_253 : memref<!tpu.dma_semaphore, #tpu.memory_space<semaphore_mem>>)
        %dma_wait3A_262 = arith.constant 0 : i32
        %dma_wait3A_263 = arith.constant 0 : i32
        %dma_wait3A_264 = tpu.memref_slice %arg3[%add3A_216, %scan3A_213, %dma_wait3A_262, %dma_wait3A_263] : memref<32x316x3x64xi32, #tpu.memory_space<hbm>> -> memref<1x1x3x64xi32, #tpu.memory_space<hbm>>
        %dma_wait3A_265 = tpu.memref_squeeze %dma_wait3A_264 : memref<1x1x3x64xi32, #tpu.memory_space<hbm>> -> memref<3x64xi32, #tpu.memory_space<hbm>>
        %dma_wait3A_266 = arith.constant 0 : i32
        %dma_wait3A_267 = arith.constant 0 : i32
        %dma_wait3A_268 = tpu.memref_slice %arg3[%add3A_216, %scan3A_213, %dma_wait3A_266, %dma_wait3A_267] : memref<32x316x3x64xi32, #tpu.memory_space<hbm>> -> memref<1x1x3x64xi32, #tpu.memory_space<hbm>>
        %dma_wait3A_269 = tpu.memref_squeeze %dma_wait3A_268 : memref<1x1x3x64xi32, #tpu.memory_space<hbm>> -> memref<3x64xi32, #tpu.memory_space<hbm>>
        tpu.wait_dma2 semaphore(%run_scoped3A_253 : memref<!tpu.dma_semaphore, #tpu.memory_space<semaphore_mem>>) src(%dma_wait3A_269 : memref<3x64xi32, #tpu.memory_space<hbm>>) dst(%arg8 : memref<3x64xi32, #tpu.memory_space<vmem>>)
        tpu.yield
      }) : () -> ()
      %mul3A_217 = arith.constant 20224 : i32
      %mul3A_218 = arith.muli %arg1, %mul3A_217 : i32
      %mul3A_219 = arith.constant 64 : i32
      %mul3A_220 = arith.muli %scan3A_213, %mul3A_219 : i32
      %add3A_221 = arith.addi %mul3A_218, %mul3A_220 : i32
      "tpu.region"() ({
        %run_scoped3A_253 = tpu.sem_alloc : memref<!tpu.dma_semaphore, #tpu.memory_space<semaphore_mem>>
        %dma_start3A_254 = arith.constant 0 : i32
        %dma_start3A_255 = tpu.memref_slice %arg4[%add3A_221, %dma_start3A_254] : memref<323584x16xf32, #tpu.memory_space<hbm>> -> memref<64x16xf32, #tpu.memory_space<hbm>>
        %dma_start3A_256 = arith.constant 0 : i32
        %dma_start3A_257 = tpu.memref_slice %arg4[%add3A_221, %dma_start3A_256] : memref<323584x16xf32, #tpu.memory_space<hbm>> -> memref<64x16xf32, #tpu.memory_space<hbm>>
        tpu.enqueue_dma source(%dma_start3A_257 : memref<64x16xf32, #tpu.memory_space<hbm>>) target(%arg9 : memref<64x16xf32, #tpu.memory_space<vmem>>) target_semaphore(%run_scoped3A_253 : memref<!tpu.dma_semaphore, #tpu.memory_space<semaphore_mem>>)
        %dma_wait3A_258 = arith.constant 0 : i32
        %dma_wait3A_259 = tpu.memref_slice %arg4[%add3A_221, %dma_wait3A_258] : memref<323584x16xf32, #tpu.memory_space<hbm>> -> memref<64x16xf32, #tpu.memory_space<hbm>>
        %dma_wait3A_260 = arith.constant 0 : i32
        %dma_wait3A_261 = tpu.memref_slice %arg4[%add3A_221, %dma_wait3A_260] : memref<323584x16xf32, #tpu.memory_space<hbm>> -> memref<64x16xf32, #tpu.memory_space<hbm>>
        tpu.wait_dma2 semaphore(%run_scoped3A_253 : memref<!tpu.dma_semaphore, #tpu.memory_space<semaphore_mem>>) src(%dma_wait3A_261 : memref<64x16xf32, #tpu.memory_space<hbm>>) dst(%arg9 : memref<64x16xf32, #tpu.memory_space<vmem>>)
        tpu.yield
      }) : () -> ()
      %dma_start3A = arith.constant 0 : i32
      %dma_start3A_222 = arith.constant 0 : i32
      %dma_start3A_223 = tpu.memref_slice %arg8[%dma_start3A, %dma_start3A_222] : memref<3x64xi32, #tpu.memory_space<vmem>> -> memref<1x64xi32, #tpu.memory_space<vmem>>
      %dma_start3A_224 = tpu.memref_squeeze %dma_start3A_223 : memref<1x64xi32, #tpu.memory_space<vmem>> -> memref<64xi32, #tpu.memory_space<vmem>>
      %dma_start3A_225 = arith.constant 0 : i32
      %dma_start3A_226 = arith.constant 0 : i32
      %dma_start3A_227 = tpu.memref_slice %arg2[%dma_start3A_225, %dma_start3A_226] : memref<40448x128xf32, #tpu.memory_space<hbm>> -> memref<40448x128xf32, #tpu.memory_space<hbm>>
      tpu.enqueue_indirect_dma source(%dma_start3A_227 : memref<40448x128xf32, #tpu.memory_space<hbm>>) target(%arg10 : memref<64x128xf32, #tpu.memory_space<vmem>>) offsets(%dma_start3A_224 : memref<64xi32, #tpu.memory_space<vmem>>) semaphore(%arg14 : memref<!tpu.dma_semaphore, #tpu.memory_space<semaphore_mem>>)
      %dma_start3A_228 = arith.constant 1 : i32
      %dma_start3A_229 = arith.constant 0 : i32
      %dma_start3A_230 = tpu.memref_slice %arg8[%dma_start3A_228, %dma_start3A_229] : memref<3x64xi32, #tpu.memory_space<vmem>> -> memref<1x64xi32, #tpu.memory_space<vmem>>
      %dma_start3A_231 = tpu.memref_squeeze %dma_start3A_230 : memref<1x64xi32, #tpu.memory_space<vmem>> -> memref<64xi32, #tpu.memory_space<vmem>>
      %dma_start3A_232 = arith.constant 0 : i32
      %dma_start3A_233 = arith.constant 0 : i32
      %dma_start3A_234 = tpu.memref_slice %arg2[%dma_start3A_232, %dma_start3A_233] : memref<40448x128xf32, #tpu.memory_space<hbm>> -> memref<40448x128xf32, #tpu.memory_space<hbm>>
      tpu.enqueue_indirect_dma source(%dma_start3A_234 : memref<40448x128xf32, #tpu.memory_space<hbm>>) target(%arg11 : memref<64x128xf32, #tpu.memory_space<vmem>>) offsets(%dma_start3A_231 : memref<64xi32, #tpu.memory_space<vmem>>) semaphore(%arg15 : memref<!tpu.dma_semaphore, #tpu.memory_space<semaphore_mem>>)
      %dma_wait3A = arith.constant 0 : i32
      %dma_wait3A_235 = arith.constant 0 : i32
      %dma_wait3A_236 = tpu.memref_slice %arg8[%dma_wait3A, %dma_wait3A_235] : memref<3x64xi32, #tpu.memory_space<vmem>> -> memref<1x64xi32, #tpu.memory_space<vmem>>
      %dma_wait3A_237 = tpu.memref_squeeze %dma_wait3A_236 : memref<1x64xi32, #tpu.memory_space<vmem>> -> memref<64xi32, #tpu.memory_space<vmem>>
      %dma_wait3A_238 = arith.constant 0 : i32
      %dma_wait3A_239 = arith.constant 0 : i32
      %dma_wait3A_240 = tpu.memref_slice %arg2[%dma_wait3A_238, %dma_wait3A_239] : memref<40448x128xf32, #tpu.memory_space<hbm>> -> memref<40448x128xf32, #tpu.memory_space<hbm>>
      tpu.wait_indirect_dma semaphore(%arg14 : memref<!tpu.dma_semaphore, #tpu.memory_space<semaphore_mem>>) src(%dma_wait3A_240 : memref<40448x128xf32, #tpu.memory_space<hbm>>) dst(%arg10 : memref<64x128xf32, #tpu.memory_space<vmem>>)
      %dma_wait3A_241 = arith.constant 1 : i32
      %dma_wait3A_242 = arith.constant 0 : i32
      %dma_wait3A_243 = tpu.memref_slice %arg8[%dma_wait3A_241, %dma_wait3A_242] : memref<3x64xi32, #tpu.memory_space<vmem>> -> memref<1x64xi32, #tpu.memory_space<vmem>>
      %dma_wait3A_244 = tpu.memref_squeeze %dma_wait3A_243 : memref<1x64xi32, #tpu.memory_space<vmem>> -> memref<64xi32, #tpu.memory_space<vmem>>
      %dma_wait3A_245 = arith.constant 0 : i32
      %dma_wait3A_246 = arith.constant 0 : i32
      %dma_wait3A_247 = tpu.memref_slice %arg2[%dma_wait3A_245, %dma_wait3A_246] : memref<40448x128xf32, #tpu.memory_space<hbm>> -> memref<40448x128xf32, #tpu.memory_space<hbm>>
      tpu.wait_indirect_dma semaphore(%arg15 : memref<!tpu.dma_semaphore, #tpu.memory_space<semaphore_mem>>) src(%dma_wait3A_247 : memref<40448x128xf32, #tpu.memory_space<hbm>>) dst(%arg11 : memref<64x128xf32, #tpu.memory_space<vmem>>)
      %scan3A_248 = arith.constant 0 : i32
      %scan3A_249 = arith.constant 64 : i32
      %scan3A_250 = arith.addi %scan3A_248, %scan3A_249 : i32
      %scan3A_251 = arith.constant 1 : i32
      scf.for %scan3A_253 = %scan3A_248 to %scan3A_250 step %scan3A_251  : i32 {
        %get3A_254 = arith.index_cast %scan3A_253 : i32 to index
        %get3A_255 = arith.constant 0 : index
        %get3A_256 = tpu.vector_load %arg9[%get3A_254, %get3A_255] {strides = array<i32>} : memref<64x16xf32, #tpu.memory_space<vmem>>, vector<1x16xf32>,
        %get3A_257 = vector.shape_cast %get3A_256 : vector<1x16xf32> to vector<16xf32>
        %slice3A = vector.extract_strided_slice %get3A_257 {offsets = [0], sizes = [1], strides = [1]} : vector<16xf32> to vector<1xf32>
        %squeeze3A = vector.extract %slice3A[0] : f32 from vector<1xf32>
        %slice3A_258 = vector.extract_strided_slice %get3A_257 {offsets = [1], sizes = [1], strides = [1]} : vector<16xf32> to vector<1xf32>
        %squeeze3A_259 = vector.extract %slice3A_258[0] : f32 from vector<1xf32>
        %slice3A_260 = vector.extract_strided_slice %get3A_257 {offsets = [2], sizes = [1], strides = [1]} : vector<16xf32> to vector<1xf32>
        %squeeze3A_261 = vector.extract %slice3A_260[0] : f32 from vector<1xf32>
        %slice3A_262 = vector.extract_strided_slice %get3A_257 {offsets = [3], sizes = [1], strides = [1]} : vector<16xf32> to vector<1xf32>
        %squeeze3A_263 = vector.extract %slice3A_262[0] : f32 from vector<1xf32>
        %get3A_264 = arith.index_cast %scan3A_253 : i32 to index
        %get3A_265 = arith.constant 0 : index
        %get3A_266 = tpu.vector_load %arg10[%get3A_264, %get3A_265] {strides = array<i32>} : memref<64x128xf32, #tpu.memory_space<vmem>>, vector<1x16xf32>,
        %get3A_267 = vector.shape_cast %get3A_266 : vector<1x16xf32> to vector<16xf32>
        %get3A_268 = arith.index_cast %scan3A_253 : i32 to index
        %get3A_269 = arith.constant 0 : index
        %get3A_270 = tpu.vector_load %arg11[%get3A_268, %get3A_269] {strides = array<i32>} : memref<64x128xf32, #tpu.memory_space<vmem>>, vector<1x16xf32>,
        %get3A_271 = vector.shape_cast %get3A_270 : vector<1x16xf32> to vector<16xf32>
        %add3A_272 = arith.addf %get3A_267, %get3A_271 : vector<16xf32>
        %add3A_273 = arith.addf %add3A_272, %get3A_166 : vector<16xf32>
        %mul3A_274 = vector.broadcast %squeeze3A : f32 to vector<16xf32>
        %mul3A_275 = arith.mulf %get3A_6, %mul3A_274 : vector<16xf32>
        %add3A_276 = arith.addf %add3A_273, %mul3A_275 : vector<16xf32>
        %mul3A_277 = vector.broadcast %squeeze3A_259 : f32 to vector<16xf32>
        %mul3A_278 = arith.mulf %get3A_46, %mul3A_277 : vector<16xf32>
        %add3A_279 = arith.addf %add3A_276, %mul3A_278 : vector<16xf32>
        %mul3A_280 = vector.broadcast %squeeze3A_261 : f32 to vector<16xf32>
        %mul3A_281 = arith.mulf %get3A_86, %mul3A_280 : vector<16xf32>
        %add3A_282 = arith.addf %add3A_279, %mul3A_281 : vector<16xf32>
        %mul3A_283 = vector.broadcast %squeeze3A_263 : f32 to vector<16xf32>
        %mul3A_284 = arith.mulf %get3A_126, %mul3A_283 : vector<16xf32>
        %add3A_285 = arith.addf %add3A_282, %mul3A_284 : vector<16xf32>
        %gt3A = arith.constant 0.000000e+00 : f32
        %gt3A_286 = vector.broadcast %gt3A : f32 to vector<16xf32>
        %gt3A_287 = arith.cmpf ogt, %add3A_285, %gt3A_286 : vector<16xf32>
        %mul3A_288 = arith.constant 2.000000e-01 : f32
        %mul3A_289 = vector.broadcast %mul3A_288 : f32 to vector<16xf32>
        %mul3A_290 = arith.mulf %mul3A_289, %add3A_285 : vector<16xf32>
        %select_n3A = arith.select %gt3A_287, %add3A_285, %mul3A_290 : vector<16xi1>, vector<16xf32>
        %swap3A = arith.index_cast %scan3A_253 : i32 to index
        %swap3A_291 = arith.constant 0 : index
        %swap3A_292 = tpu.vector_load %arg10[%swap3A, %swap3A_291] {strides = array<i32>} : memref<64x128xf32, #tpu.memory_space<vmem>>, vector<1x16xf32>,
        %swap3A_293 = vector.shape_cast %swap3A_292 : vector<1x16xf32> to vector<16xf32>
        %swap3A_294 = vector.shape_cast %select_n3A : vector<16xf32> to vector<1x16xf32>
        tpu.vector_store %arg10[%swap3A, %swap3A_291], %swap3A_294 {strides = array<i32>} : memref<64x128xf32, #tpu.memory_space<vmem>>, vector<1x16xf32>,
        %get3A_295 = arith.index_cast %scan3A_253 : i32 to index
        %get3A_296 = arith.constant 16 : index
        %get3A_297 = tpu.vector_load %arg10[%get3A_295, %get3A_296] {strides = array<i32>} : memref<64x128xf32, #tpu.memory_space<vmem>>, vector<1x16xf32>,
        %get3A_298 = vector.shape_cast %get3A_297 : vector<1x16xf32> to vector<16xf32>
        %get3A_299 = arith.index_cast %scan3A_253 : i32 to index
        %get3A_300 = arith.constant 16 : index
        %get3A_301 = tpu.vector_load %arg11[%get3A_299, %get3A_300] {strides = array<i32>} : memref<64x128xf32, #tpu.memory_space<vmem>>, vector<1x16xf32>,
        %get3A_302 = vector.shape_cast %get3A_301 : vector<1x16xf32> to vector<16xf32>
        %add3A_303 = arith.addf %get3A_298, %get3A_302 : vector<16xf32>
        %add3A_304 = arith.addf %add3A_303, %get3A_171 : vector<16xf32>
        %mul3A_305 = vector.broadcast %squeeze3A : f32 to vector<16xf32>
        %mul3A_306 = arith.mulf %get3A_11, %mul3A_305 : vector<16xf32>
        %add3A_307 = arith.addf %add3A_304, %mul3A_306 : vector<16xf32>
        %mul3A_308 = vector.broadcast %squeeze3A_259 : f32 to vector<16xf32>
        %mul3A_309 = arith.mulf %get3A_51, %mul3A_308 : vector<16xf32>
        %add3A_310 = arith.addf %add3A_307, %mul3A_309 : vector<16xf32>
        %mul3A_311 = vector.broadcast %squeeze3A_261 : f32 to vector<16xf32>
        %mul3A_312 = arith.mulf %get3A_91, %mul3A_311 : vector<16xf32>
        %add3A_313 = arith.addf %add3A_310, %mul3A_312 : vector<16xf32>
        %mul3A_314 = vector.broadcast %squeeze3A_263 : f32 to vector<16xf32>
        %mul3A_315 = arith.mulf %get3A_131, %mul3A_314 : vector<16xf32>
        %add3A_316 = arith.addf %add3A_313, %mul3A_315 : vector<16xf32>
        %gt3A_317 = arith.constant 0.000000e+00 : f32
        %gt3A_318 = vector.broadcast %gt3A_317 : f32 to vector<16xf32>
        %gt3A_319 = arith.cmpf ogt, %add3A_316, %gt3A_318 : vector<16xf32>
        %mul3A_320 = arith.constant 2.000000e-01 : f32
        %mul3A_321 = vector.broadcast %mul3A_320 : f32 to vector<16xf32>
        %mul3A_322 = arith.mulf %mul3A_321, %add3A_316 : vector<16xf32>
        %select_n3A_323 = arith.select %gt3A_319, %add3A_316, %mul3A_322 : vector<16xi1>, vector<16xf32>
        %swap3A_324 = arith.index_cast %scan3A_253 : i32 to index
        %swap3A_325 = arith.constant 16 : index
        %swap3A_326 = tpu.vector_load %arg10[%swap3A_324, %swap3A_325] {strides = array<i32>} : memref<64x128xf32, #tpu.memory_space<vmem>>, vector<1x16xf32>,
        %swap3A_327 = vector.shape_cast %swap3A_326 : vector<1x16xf32> to vector<16xf32>
        %swap3A_328 = vector.shape_cast %select_n3A_323 : vector<16xf32> to vector<1x16xf32>
        tpu.vector_store %arg10[%swap3A_324, %swap3A_325], %swap3A_328 {strides = array<i32>} : memref<64x128xf32, #tpu.memory_space<vmem>>, vector<1x16xf32>,
        %get3A_329 = arith.index_cast %scan3A_253 : i32 to index
        %get3A_330 = arith.constant 32 : index
        %get3A_331 = tpu.vector_load %arg10[%get3A_329, %get3A_330] {strides = array<i32>} : memref<64x128xf32, #tpu.memory_space<vmem>>, vector<1x16xf32>,
        %get3A_332 = vector.shape_cast %get3A_331 : vector<1x16xf32> to vector<16xf32>
        %get3A_333 = arith.index_cast %scan3A_253 : i32 to index
        %get3A_334 = arith.constant 32 : index
        %get3A_335 = tpu.vector_load %arg11[%get3A_333, %get3A_334] {strides = array<i32>} : memref<64x128xf32, #tpu.memory_space<vmem>>, vector<1x16xf32>,
        %get3A_336 = vector.shape_cast %get3A_335 : vector<1x16xf32> to vector<16xf32>
        %add3A_337 = arith.addf %get3A_332, %get3A_336 : vector<16xf32>
        %add3A_338 = arith.addf %add3A_337, %get3A_176 : vector<16xf32>
        %mul3A_339 = vector.broadcast %squeeze3A : f32 to vector<16xf32>
        %mul3A_340 = arith.mulf %get3A_16, %mul3A_339 : vector<16xf32>
        %add3A_341 = arith.addf %add3A_338, %mul3A_340 : vector<16xf32>
        %mul3A_342 = vector.broadcast %squeeze3A_259 : f32 to vector<16xf32>
        %mul3A_343 = arith.mulf %get3A_56, %mul3A_342 : vector<16xf32>
        %add3A_344 = arith.addf %add3A_341, %mul3A_343 : vector<16xf32>
        %mul3A_345 = vector.broadcast %squeeze3A_261 : f32 to vector<16xf32>
        %mul3A_346 = arith.mulf %get3A_96, %mul3A_345 : vector<16xf32>
        %add3A_347 = arith.addf %add3A_344, %mul3A_346 : vector<16xf32>
        %mul3A_348 = vector.broadcast %squeeze3A_263 : f32 to vector<16xf32>
        %mul3A_349 = arith.mulf %get3A_136, %mul3A_348 : vector<16xf32>
        %add3A_350 = arith.addf %add3A_347, %mul3A_349 : vector<16xf32>
        %gt3A_351 = arith.constant 0.000000e+00 : f32
        %gt3A_352 = vector.broadcast %gt3A_351 : f32 to vector<16xf32>
        %gt3A_353 = arith.cmpf ogt, %add3A_350, %gt3A_352 : vector<16xf32>
        %mul3A_354 = arith.constant 2.000000e-01 : f32
        %mul3A_355 = vector.broadcast %mul3A_354 : f32 to vector<16xf32>
        %mul3A_356 = arith.mulf %mul3A_355, %add3A_350 : vector<16xf32>
        %select_n3A_357 = arith.select %gt3A_353, %add3A_350, %mul3A_356 : vector<16xi1>, vector<16xf32>
        %swap3A_358 = arith.index_cast %scan3A_253 : i32 to index
        %swap3A_359 = arith.constant 32 : index
        %swap3A_360 = tpu.vector_load %arg10[%swap3A_358, %swap3A_359] {strides = array<i32>} : memref<64x128xf32, #tpu.memory_space<vmem>>, vector<1x16xf32>,
        %swap3A_361 = vector.shape_cast %swap3A_360 : vector<1x16xf32> to vector<16xf32>
        %swap3A_362 = vector.shape_cast %select_n3A_357 : vector<16xf32> to vector<1x16xf32>
        tpu.vector_store %arg10[%swap3A_358, %swap3A_359], %swap3A_362 {strides = array<i32>} : memref<64x128xf32, #tpu.memory_space<vmem>>, vector<1x16xf32>,
        %get3A_363 = arith.index_cast %scan3A_253 : i32 to index
        %get3A_364 = arith.constant 48 : index
        %get3A_365 = tpu.vector_load %arg10[%get3A_363, %get3A_364] {strides = array<i32>} : memref<64x128xf32, #tpu.memory_space<vmem>>, vector<1x16xf32>,
        %get3A_366 = vector.shape_cast %get3A_365 : vector<1x16xf32> to vector<16xf32>
        %get3A_367 = arith.index_cast %scan3A_253 : i32 to index
        %get3A_368 = arith.constant 48 : index
        %get3A_369 = tpu.vector_load %arg11[%get3A_367, %get3A_368] {strides = array<i32>} : memref<64x128xf32, #tpu.memory_space<vmem>>, vector<1x16xf32>,
        %get3A_370 = vector.shape_cast %get3A_369 : vector<1x16xf32> to vector<16xf32>
        %add3A_371 = arith.addf %get3A_366, %get3A_370 : vector<16xf32>
        %add3A_372 = arith.addf %add3A_371, %get3A_181 : vector<16xf32>
        %mul3A_373 = vector.broadcast %squeeze3A : f32 to vector<16xf32>
        %mul3A_374 = arith.mulf %get3A_21, %mul3A_373 : vector<16xf32>
        %add3A_375 = arith.addf %add3A_372, %mul3A_374 : vector<16xf32>
        %mul3A_376 = vector.broadcast %squeeze3A_259 : f32 to vector<16xf32>
        %mul3A_377 = arith.mulf %get3A_61, %mul3A_376 : vector<16xf32>
        %add3A_378 = arith.addf %add3A_375, %mul3A_377 : vector<16xf32>
        %mul3A_379 = vector.broadcast %squeeze3A_261 : f32 to vector<16xf32>
        %mul3A_380 = arith.mulf %get3A_101, %mul3A_379 : vector<16xf32>
        %add3A_381 = arith.addf %add3A_378, %mul3A_380 : vector<16xf32>
        %mul3A_382 = vector.broadcast %squeeze3A_263 : f32 to vector<16xf32>
        %mul3A_383 = arith.mulf %get3A_141, %mul3A_382 : vector<16xf32>
        %add3A_384 = arith.addf %add3A_381, %mul3A_383 : vector<16xf32>
        %gt3A_385 = arith.constant 0.000000e+00 : f32
        %gt3A_386 = vector.broadcast %gt3A_385 : f32 to vector<16xf32>
        %gt3A_387 = arith.cmpf ogt, %add3A_384, %gt3A_386 : vector<16xf32>
        %mul3A_388 = arith.constant 2.000000e-01 : f32
        %mul3A_389 = vector.broadcast %mul3A_388 : f32 to vector<16xf32>
        %mul3A_390 = arith.mulf %mul3A_389, %add3A_384 : vector<16xf32>
        %select_n3A_391 = arith.select %gt3A_387, %add3A_384, %mul3A_390 : vector<16xi1>, vector<16xf32>
        %swap3A_392 = arith.index_cast %scan3A_253 : i32 to index
        %swap3A_393 = arith.constant 48 : index
        %swap3A_394 = tpu.vector_load %arg10[%swap3A_392, %swap3A_393] {strides = array<i32>} : memref<64x128xf32, #tpu.memory_space<vmem>>, vector<1x16xf32>,
        %swap3A_395 = vector.shape_cast %swap3A_394 : vector<1x16xf32> to vector<16xf32>
        %swap3A_396 = vector.shape_cast %select_n3A_391 : vector<16xf32> to vector<1x16xf32>
        tpu.vector_store %arg10[%swap3A_392, %swap3A_393], %swap3A_396 {strides = array<i32>} : memref<64x128xf32, #tpu.memory_space<vmem>>, vector<1x16xf32>,
        %get3A_397 = arith.index_cast %scan3A_253 : i32 to index
        %get3A_398 = arith.constant 64 : index
        %get3A_399 = tpu.vector_load %arg10[%get3A_397, %get3A_398] {strides = array<i32>} : memref<64x128xf32, #tpu.memory_space<vmem>>, vector<1x16xf32>,
        %get3A_400 = vector.shape_cast %get3A_399 : vector<1x16xf32> to vector<16xf32>
        %get3A_401 = arith.index_cast %scan3A_253 : i32 to index
        %get3A_402 = arith.constant 64 : index
        %get3A_403 = tpu.vector_load %arg11[%get3A_401, %get3A_402] {strides = array<i32>} : memref<64x128xf32, #tpu.memory_space<vmem>>, vector<1x16xf32>,
        %get3A_404 = vector.shape_cast %get3A_403 : vector<1x16xf32> to vector<16xf32>
        %add3A_405 = arith.addf %get3A_400, %get3A_404 : vector<16xf32>
        %add3A_406 = arith.addf %add3A_405, %get3A_186 : vector<16xf32>
        %mul3A_407 = vector.broadcast %squeeze3A : f32 to vector<16xf32>
        %mul3A_408 = arith.mulf %get3A_26, %mul3A_407 : vector<16xf32>
        %add3A_409 = arith.addf %add3A_406, %mul3A_408 : vector<16xf32>
        %mul3A_410 = vector.broadcast %squeeze3A_259 : f32 to vector<16xf32>
        %mul3A_411 = arith.mulf %get3A_66, %mul3A_410 : vector<16xf32>
        %add3A_412 = arith.addf %add3A_409, %mul3A_411 : vector<16xf32>
        %mul3A_413 = vector.broadcast %squeeze3A_261 : f32 to vector<16xf32>
        %mul3A_414 = arith.mulf %get3A_106, %mul3A_413 : vector<16xf32>
        %add3A_415 = arith.addf %add3A_412, %mul3A_414 : vector<16xf32>
        %mul3A_416 = vector.broadcast %squeeze3A_263 : f32 to vector<16xf32>
        %mul3A_417 = arith.mulf %get3A_146, %mul3A_416 : vector<16xf32>
        %add3A_418 = arith.addf %add3A_415, %mul3A_417 : vector<16xf32>
        %gt3A_419 = arith.constant 0.000000e+00 : f32
        %gt3A_420 = vector.broadcast %gt3A_419 : f32 to vector<16xf32>
        %gt3A_421 = arith.cmpf ogt, %add3A_418, %gt3A_420 : vector<16xf32>
        %mul3A_422 = arith.constant 2.000000e-01 : f32
        %mul3A_423 = vector.broadcast %mul3A_422 : f32 to vector<16xf32>
        %mul3A_424 = arith.mulf %mul3A_423, %add3A_418 : vector<16xf32>
        %select_n3A_425 = arith.select %gt3A_421, %add3A_418, %mul3A_424 : vector<16xi1>, vector<16xf32>
        %swap3A_426 = arith.index_cast %scan3A_253 : i32 to index
        %swap3A_427 = arith.constant 64 : index
        %swap3A_428 = tpu.vector_load %arg10[%swap3A_426, %swap3A_427] {strides = array<i32>} : memref<64x128xf32, #tpu.memory_space<vmem>>, vector<1x16xf32>,
        %swap3A_429 = vector.shape_cast %swap3A_428 : vector<1x16xf32> to vector<16xf32>
        %swap3A_430 = vector.shape_cast %select_n3A_425 : vector<16xf32> to vector<1x16xf32>
        tpu.vector_store %arg10[%swap3A_426, %swap3A_427], %swap3A_430 {strides = array<i32>} : memref<64x128xf32, #tpu.memory_space<vmem>>, vector<1x16xf32>,
        %get3A_431 = arith.index_cast %scan3A_253 : i32 to index
        %get3A_432 = arith.constant 80 : index
        %get3A_433 = tpu.vector_load %arg10[%get3A_431, %get3A_432] {strides = array<i32>} : memref<64x128xf32, #tpu.memory_space<vmem>>, vector<1x16xf32>,
        %get3A_434 = vector.shape_cast %get3A_433 : vector<1x16xf32> to vector<16xf32>
        %get3A_435 = arith.index_cast %scan3A_253 : i32 to index
        %get3A_436 = arith.constant 80 : index
        %get3A_437 = tpu.vector_load %arg11[%get3A_435, %get3A_436] {strides = array<i32>} : memref<64x128xf32, #tpu.memory_space<vmem>>, vector<1x16xf32>,
        %get3A_438 = vector.shape_cast %get3A_437 : vector<1x16xf32> to vector<16xf32>
        %add3A_439 = arith.addf %get3A_434, %get3A_438 : vector<16xf32>
        %add3A_440 = arith.addf %add3A_439, %get3A_191 : vector<16xf32>
        %mul3A_441 = vector.broadcast %squeeze3A : f32 to vector<16xf32>
        %mul3A_442 = arith.mulf %get3A_31, %mul3A_441 : vector<16xf32>
        %add3A_443 = arith.addf %add3A_440, %mul3A_442 : vector<16xf32>
        %mul3A_444 = vector.broadcast %squeeze3A_259 : f32 to vector<16xf32>
        %mul3A_445 = arith.mulf %get3A_71, %mul3A_444 : vector<16xf32>
        %add3A_446 = arith.addf %add3A_443, %mul3A_445 : vector<16xf32>
        %mul3A_447 = vector.broadcast %squeeze3A_261 : f32 to vector<16xf32>
        %mul3A_448 = arith.mulf %get3A_111, %mul3A_447 : vector<16xf32>
        %add3A_449 = arith.addf %add3A_446, %mul3A_448 : vector<16xf32>
        %mul3A_450 = vector.broadcast %squeeze3A_263 : f32 to vector<16xf32>
        %mul3A_451 = arith.mulf %get3A_151, %mul3A_450 : vector<16xf32>
        %add3A_452 = arith.addf %add3A_449, %mul3A_451 : vector<16xf32>
        %gt3A_453 = arith.constant 0.000000e+00 : f32
        %gt3A_454 = vector.broadcast %gt3A_453 : f32 to vector<16xf32>
        %gt3A_455 = arith.cmpf ogt, %add3A_452, %gt3A_454 : vector<16xf32>
        %mul3A_456 = arith.constant 2.000000e-01 : f32
        %mul3A_457 = vector.broadcast %mul3A_456 : f32 to vector<16xf32>
        %mul3A_458 = arith.mulf %mul3A_457, %add3A_452 : vector<16xf32>
        %select_n3A_459 = arith.select %gt3A_455, %add3A_452, %mul3A_458 : vector<16xi1>, vector<16xf32>
        %swap3A_460 = arith.index_cast %scan3A_253 : i32 to index
        %swap3A_461 = arith.constant 80 : index
        %swap3A_462 = tpu.vector_load %arg10[%swap3A_460, %swap3A_461] {strides = array<i32>} : memref<64x128xf32, #tpu.memory_space<vmem>>, vector<1x16xf32>,
        %swap3A_463 = vector.shape_cast %swap3A_462 : vector<1x16xf32> to vector<16xf32>
        %swap3A_464 = vector.shape_cast %select_n3A_459 : vector<16xf32> to vector<1x16xf32>
        tpu.vector_store %arg10[%swap3A_460, %swap3A_461], %swap3A_464 {strides = array<i32>} : memref<64x128xf32, #tpu.memory_space<vmem>>, vector<1x16xf32>,
        %get3A_465 = arith.index_cast %scan3A_253 : i32 to index
        %get3A_466 = arith.constant 96 : index
        %get3A_467 = tpu.vector_load %arg10[%get3A_465, %get3A_466] {strides = array<i32>} : memref<64x128xf32, #tpu.memory_space<vmem>>, vector<1x16xf32>,
        %get3A_468 = vector.shape_cast %get3A_467 : vector<1x16xf32> to vector<16xf32>
        %get3A_469 = arith.index_cast %scan3A_253 : i32 to index
        %get3A_470 = arith.constant 96 : index
        %get3A_471 = tpu.vector_load %arg11[%get3A_469, %get3A_470] {strides = array<i32>} : memref<64x128xf32, #tpu.memory_space<vmem>>, vector<1x16xf32>,
        %get3A_472 = vector.shape_cast %get3A_471 : vector<1x16xf32> to vector<16xf32>
        %add3A_473 = arith.addf %get3A_468, %get3A_472 : vector<16xf32>
        %add3A_474 = arith.addf %add3A_473, %get3A_196 : vector<16xf32>
        %mul3A_475 = vector.broadcast %squeeze3A : f32 to vector<16xf32>
        %mul3A_476 = arith.mulf %get3A_36, %mul3A_475 : vector<16xf32>
        %add3A_477 = arith.addf %add3A_474, %mul3A_476 : vector<16xf32>
        %mul3A_478 = vector.broadcast %squeeze3A_259 : f32 to vector<16xf32>
        %mul3A_479 = arith.mulf %get3A_76, %mul3A_478 : vector<16xf32>
        %add3A_480 = arith.addf %add3A_477, %mul3A_479 : vector<16xf32>
        %mul3A_481 = vector.broadcast %squeeze3A_261 : f32 to vector<16xf32>
        %mul3A_482 = arith.mulf %get3A_116, %mul3A_481 : vector<16xf32>
        %add3A_483 = arith.addf %add3A_480, %mul3A_482 : vector<16xf32>
        %mul3A_484 = vector.broadcast %squeeze3A_263 : f32 to vector<16xf32>
        %mul3A_485 = arith.mulf %get3A_156, %mul3A_484 : vector<16xf32>
        %add3A_486 = arith.addf %add3A_483, %mul3A_485 : vector<16xf32>
        %gt3A_487 = arith.constant 0.000000e+00 : f32
        %gt3A_488 = vector.broadcast %gt3A_487 : f32 to vector<16xf32>
        %gt3A_489 = arith.cmpf ogt, %add3A_486, %gt3A_488 : vector<16xf32>
        %mul3A_490 = arith.constant 2.000000e-01 : f32
        %mul3A_491 = vector.broadcast %mul3A_490 : f32 to vector<16xf32>
        %mul3A_492 = arith.mulf %mul3A_491, %add3A_486 : vector<16xf32>
        %select_n3A_493 = arith.select %gt3A_489, %add3A_486, %mul3A_492 : vector<16xi1>, vector<16xf32>
        %swap3A_494 = arith.index_cast %scan3A_253 : i32 to index
        %swap3A_495 = arith.constant 96 : index
        %swap3A_496 = tpu.vector_load %arg10[%swap3A_494, %swap3A_495] {strides = array<i32>} : memref<64x128xf32, #tpu.memory_space<vmem>>, vector<1x16xf32>,
        %swap3A_497 = vector.shape_cast %swap3A_496 : vector<1x16xf32> to vector<16xf32>
        %swap3A_498 = vector.shape_cast %select_n3A_493 : vector<16xf32> to vector<1x16xf32>
        tpu.vector_store %arg10[%swap3A_494, %swap3A_495], %swap3A_498 {strides = array<i32>} : memref<64x128xf32, #tpu.memory_space<vmem>>, vector<1x16xf32>,
        %get3A_499 = arith.index_cast %scan3A_253 : i32 to index
        %get3A_500 = arith.constant 112 : index
        %get3A_501 = tpu.vector_load %arg10[%get3A_499, %get3A_500] {strides = array<i32>} : memref<64x128xf32, #tpu.memory_space<vmem>>, vector<1x16xf32>,
        %get3A_502 = vector.shape_cast %get3A_501 : vector<1x16xf32> to vector<16xf32>
        %get3A_503 = arith.index_cast %scan3A_253 : i32 to index
        %get3A_504 = arith.constant 112 : index
        %get3A_505 = tpu.vector_load %arg11[%get3A_503, %get3A_504] {strides = array<i32>} : memref<64x128xf32, #tpu.memory_space<vmem>>, vector<1x16xf32>,
        %get3A_506 = vector.shape_cast %get3A_505 : vector<1x16xf32> to vector<16xf32>
        %add3A_507 = arith.addf %get3A_502, %get3A_506 : vector<16xf32>
        %add3A_508 = arith.addf %add3A_507, %get3A_201 : vector<16xf32>
        %mul3A_509 = vector.broadcast %squeeze3A : f32 to vector<16xf32>
        %mul3A_510 = arith.mulf %get3A_41, %mul3A_509 : vector<16xf32>
        %add3A_511 = arith.addf %add3A_508, %mul3A_510 : vector<16xf32>
        %mul3A_512 = vector.broadcast %squeeze3A_259 : f32 to vector<16xf32>
        %mul3A_513 = arith.mulf %get3A_81, %mul3A_512 : vector<16xf32>
        %add3A_514 = arith.addf %add3A_511, %mul3A_513 : vector<16xf32>
        %mul3A_515 = vector.broadcast %squeeze3A_261 : f32 to vector<16xf32>
        %mul3A_516 = arith.mulf %get3A_121, %mul3A_515 : vector<16xf32>
        %add3A_517 = arith.addf %add3A_514, %mul3A_516 : vector<16xf32>
        %mul3A_518 = vector.broadcast %squeeze3A_263 : f32 to vector<16xf32>
        %mul3A_519 = arith.mulf %get3A_161, %mul3A_518 : vector<16xf32>
        %add3A_520 = arith.addf %add3A_517, %mul3A_519 : vector<16xf32>
        %gt3A_521 = arith.constant 0.000000e+00 : f32
        %gt3A_522 = vector.broadcast %gt3A_521 : f32 to vector<16xf32>
        %gt3A_523 = arith.cmpf ogt, %add3A_520, %gt3A_522 : vector<16xf32>
        %mul3A_524 = arith.constant 2.000000e-01 : f32
        %mul3A_525 = vector.broadcast %mul3A_524 : f32 to vector<16xf32>
        %mul3A_526 = arith.mulf %mul3A_525, %add3A_520 : vector<16xf32>
        %select_n3A_527 = arith.select %gt3A_523, %add3A_520, %mul3A_526 : vector<16xi1>, vector<16xf32>
        %swap3A_528 = arith.index_cast %scan3A_253 : i32 to index
        %swap3A_529 = arith.constant 112 : index
        %swap3A_530 = tpu.vector_load %arg10[%swap3A_528, %swap3A_529] {strides = array<i32>} : memref<64x128xf32, #tpu.memory_space<vmem>>, vector<1x16xf32>,
        %swap3A_531 = vector.shape_cast %swap3A_530 : vector<1x16xf32> to vector<16xf32>
        %swap3A_532 = vector.shape_cast %select_n3A_527 : vector<16xf32> to vector<1x16xf32>
        tpu.vector_store %arg10[%swap3A_528, %swap3A_529], %swap3A_532 {strides = array<i32>} : memref<64x128xf32, #tpu.memory_space<vmem>>, vector<1x16xf32>,
      }
      %scan3A_252 = arith.constant 64 : i32
      %run_scoped3A = arith.constant 2 : i32
      "tpu.region"() ({
        %run_scoped3A_253 = tpu.sem_alloc : memref<!tpu.dma_semaphore, #tpu.memory_space<semaphore_mem>>
        %dma_start3A_254 = arith.constant 0 : i32
        %dma_start3A_255 = tpu.memref_slice %arg8[%run_scoped3A, %dma_start3A_254] : memref<3x64xi32, #tpu.memory_space<vmem>> -> memref<1x64xi32, #tpu.memory_space<vmem>>
        %dma_start3A_256 = tpu.memref_squeeze %dma_start3A_255 : memref<1x64xi32, #tpu.memory_space<vmem>> -> memref<64xi32, #tpu.memory_space<vmem>>
        %dma_start3A_257 = arith.constant 0 : i32
        %dma_start3A_258 = arith.constant 0 : i32
        %dma_start3A_259 = tpu.memref_slice %arg13[%dma_start3A_257, %dma_start3A_258] : memref<10112x128xf32, #tpu.memory_space<vmem_shared>> -> memref<10112x128xf32, #tpu.memory_space<vmem_shared>>
        tpu.enqueue_indirect_dma source(%arg10 : memref<64x128xf32, #tpu.memory_space<vmem>>) target(%dma_start3A_259 : memref<10112x128xf32, #tpu.memory_space<vmem_shared>>) offsets(%dma_start3A_256 : memref<64xi32, #tpu.memory_space<vmem>>) semaphore(%run_scoped3A_253 : memref<!tpu.dma_semaphore, #tpu.memory_space<semaphore_mem>>) {add = true}
        %dma_wait3A_260 = arith.constant 0 : i32
        %dma_wait3A_261 = tpu.memref_slice %arg8[%run_scoped3A, %dma_wait3A_260] : memref<3x64xi32, #tpu.memory_space<vmem>> -> memref<1x64xi32, #tpu.memory_space<vmem>>
        %dma_wait3A_262 = tpu.memref_squeeze %dma_wait3A_261 : memref<1x64xi32, #tpu.memory_space<vmem>> -> memref<64xi32, #tpu.memory_space<vmem>>
        %dma_wait3A_263 = arith.constant 0 : i32
        %dma_wait3A_264 = arith.constant 0 : i32
        %dma_wait3A_265 = tpu.memref_slice %arg13[%dma_wait3A_263, %dma_wait3A_264] : memref<10112x128xf32, #tpu.memory_space<vmem_shared>> -> memref<10112x128xf32, #tpu.memory_space<vmem_shared>>
        tpu.wait_indirect_dma semaphore(%run_scoped3A_253 : memref<!tpu.dma_semaphore, #tpu.memory_space<semaphore_mem>>) src(%arg10 : memref<64x128xf32, #tpu.memory_space<vmem>>) dst(%dma_wait3A_265 : memref<10112x128xf32, #tpu.memory_space<vmem_shared>>)
        tpu.yield
      }) : () -> ()
    }
    %scan3A_205 = arith.constant 316 : i32
    %barrier3A_206 = arith.constant 0 : index
    tpu.barrier barrier_id(%barrier3A_206)
    %mul3A_207 = arith.constant 632 : i32
    %mul3A_208 = arith.muli %arg1, %mul3A_207 : i32
    %mul3A_209 = arith.constant 10112 : i32
    %mul3A_210 = arith.muli %arg0, %mul3A_209 : i32
    %mul3A_211 = arith.constant 632 : i32
    %mul3A_212 = arith.muli %arg1, %mul3A_211 : i32
    %add3A = arith.addi %mul3A_210, %mul3A_212 : i32
    "tpu.region"() ({
      %run_scoped3A = tpu.sem_alloc : memref<!tpu.dma_semaphore, #tpu.memory_space<semaphore_mem>>
      %dma_start3A = arith.constant 0 : i32
      %dma_start3A_213 = tpu.memref_slice %arg7[%add3A, %dma_start3A] : memref<20224x128xf32, #tpu.memory_space<hbm>> -> memref<632x128xf32, #tpu.memory_space<hbm>>
      %dma_start3A_214 = arith.constant 0 : i32
      %dma_start3A_215 = tpu.memref_slice %arg13[%mul3A_208, %dma_start3A_214] : memref<10112x128xf32, #tpu.memory_space<vmem_shared>> -> memref<632x128xf32, #tpu.memory_space<vmem_shared>>
      tpu.enqueue_dma source(%dma_start3A_215 : memref<632x128xf32, #tpu.memory_space<vmem_shared>>) target(%dma_start3A_213 : memref<632x128xf32, #tpu.memory_space<hbm>>) target_semaphore(%run_scoped3A : memref<!tpu.dma_semaphore, #tpu.memory_space<semaphore_mem>>)
      %dma_wait3A = arith.constant 0 : i32
      %dma_wait3A_216 = tpu.memref_slice %arg7[%add3A, %dma_wait3A] : memref<20224x128xf32, #tpu.memory_space<hbm>> -> memref<632x128xf32, #tpu.memory_space<hbm>>
      %dma_wait3A_217 = arith.constant 0 : i32
      %dma_wait3A_218 = tpu.memref_slice %arg13[%mul3A_208, %dma_wait3A_217] : memref<10112x128xf32, #tpu.memory_space<vmem_shared>> -> memref<632x128xf32, #tpu.memory_space<vmem_shared>>
      tpu.wait_dma2 semaphore(%run_scoped3A : memref<!tpu.dma_semaphore, #tpu.memory_space<semaphore_mem>>) src(%dma_wait3A_218 : memref<632x128xf32, #tpu.memory_space<vmem_shared>>) dst(%dma_wait3A_216 : memref<632x128xf32, #tpu.memory_space<hbm>>)
      tpu.yield
    }) : () -> ()
    return
  }
}

#map = affine_map<(d0, d1) -> (0, 0)>
#map1 = affine_map<(d0, d1) -> (0)>
module attributes {stable_mosaic.version = 14 : i64} {
  func.func @body(%arg0: i32, %arg1: i32, %arg2: memref<323584x16xf32, #tpu.memory_space<hbm>>, %arg3: memref<647168xi32, #tpu.memory_space<hbm>>, %arg4: memref<632x128xf32, #tpu.memory_space<hbm>>, %arg5: memref<20224x128xf32, #tpu.memory_space<hbm>>, %arg6: memref<64xi32, #tpu.memory_space<vmem>>, %arg7: memref<64x16xf32, #tpu.memory_space<vmem>>, %arg8: memref<64x128xf32, #tpu.memory_space<vmem>>, %arg9: memref<10112x128xf32, #tpu.memory_space<vmem_shared>>) attributes {dimension_semantics = [#tpu.dimension_semantics<core_parallel>, #tpu.dimension_semantics<subcore_parallel>], iteration_bounds = array<i64: 2, 16>, scalar_prefetch = 0 : i64, scratch_operands = 4 : i64, tpu.core_type = #tpu.core_type<sc_vector_subcore>, window_params = [{transform_indices = #map}, {transform_indices = #map1}, {transform_indices = #map}, {transform_indices = #map}]} {
    %mul3A = arith.constant 632 : i32
    %mul3A_0 = arith.muli %arg1, %mul3A : i32
    "tpu.region"() ({
      %run_scoped3A = tpu.sem_alloc : memref<!tpu.dma_semaphore, #tpu.memory_space<semaphore_mem>>
      %dma_start3A = arith.constant 0 : i32
      %dma_start3A_19 = tpu.memref_slice %arg9[%mul3A_0, %dma_start3A] : memref<10112x128xf32, #tpu.memory_space<vmem_shared>> -> memref<632x128xf32, #tpu.memory_space<vmem_shared>>
      tpu.enqueue_dma source(%arg4 : memref<632x128xf32, #tpu.memory_space<hbm>>) target(%dma_start3A_19 : memref<632x128xf32, #tpu.memory_space<vmem_shared>>) target_semaphore(%run_scoped3A : memref<!tpu.dma_semaphore, #tpu.memory_space<semaphore_mem>>)
      %dma_wait3A = arith.constant 0 : i32
      %dma_wait3A_20 = tpu.memref_slice %arg9[%mul3A_0, %dma_wait3A] : memref<10112x128xf32, #tpu.memory_space<vmem_shared>> -> memref<632x128xf32, #tpu.memory_space<vmem_shared>>
      tpu.wait_dma2 semaphore(%run_scoped3A : memref<!tpu.dma_semaphore, #tpu.memory_space<semaphore_mem>>) src(%arg4 : memref<632x128xf32, #tpu.memory_space<hbm>>) dst(%dma_wait3A_20 : memref<632x128xf32, #tpu.memory_space<vmem_shared>>)
      tpu.yield
    }) : () -> ()
    %scan3A = arith.constant 0 : i32
    %scan3A_1 = arith.constant 0 : i32
    %scan3A_2 = arith.constant 64 : i32
    %scan3A_3 = arith.addi %scan3A_1, %scan3A_2 : i32
    %scan3A_4 = arith.constant 1 : i32
    scf.for %scan3A_19 = %scan3A_1 to %scan3A_3 step %scan3A_4  : i32 {
      %broadcast_in_dim3A = arith.constant 0.000000e+00 : f32
      %broadcast_in_dim3A_20 = vector.broadcast %broadcast_in_dim3A : f32 to vector<16xf32>
      %swap3A = arith.index_cast %scan3A_19 : i32 to index
      %swap3A_21 = arith.constant 0 : index
      %swap3A_22 = tpu.vector_load %arg8[%swap3A, %swap3A_21] {strides = array<i32>} : memref<64x128xf32, #tpu.memory_space<vmem>>, vector<1x16xf32>,
      %swap3A_23 = vector.shape_cast %swap3A_22 : vector<1x16xf32> to vector<16xf32>
      %swap3A_24 = vector.shape_cast %broadcast_in_dim3A_20 : vector<16xf32> to vector<1x16xf32>
      tpu.vector_store %arg8[%swap3A, %swap3A_21], %swap3A_24 {strides = array<i32>} : memref<64x128xf32, #tpu.memory_space<vmem>>, vector<1x16xf32>,
      %broadcast_in_dim3A_25 = arith.constant 0.000000e+00 : f32
      %broadcast_in_dim3A_26 = vector.broadcast %broadcast_in_dim3A_25 : f32 to vector<16xf32>
      %swap3A_27 = arith.index_cast %scan3A_19 : i32 to index
      %swap3A_28 = arith.constant 16 : index
      %swap3A_29 = tpu.vector_load %arg8[%swap3A_27, %swap3A_28] {strides = array<i32>} : memref<64x128xf32, #tpu.memory_space<vmem>>, vector<1x16xf32>,
      %swap3A_30 = vector.shape_cast %swap3A_29 : vector<1x16xf32> to vector<16xf32>
      %swap3A_31 = vector.shape_cast %broadcast_in_dim3A_26 : vector<16xf32> to vector<1x16xf32>
      tpu.vector_store %arg8[%swap3A_27, %swap3A_28], %swap3A_31 {strides = array<i32>} : memref<64x128xf32, #tpu.memory_space<vmem>>, vector<1x16xf32>,
      %broadcast_in_dim3A_32 = arith.constant 0.000000e+00 : f32
      %broadcast_in_dim3A_33 = vector.broadcast %broadcast_in_dim3A_32 : f32 to vector<16xf32>
      %swap3A_34 = arith.index_cast %scan3A_19 : i32 to index
      %swap3A_35 = arith.constant 32 : index
      %swap3A_36 = tpu.vector_load %arg8[%swap3A_34, %swap3A_35] {strides = array<i32>} : memref<64x128xf32, #tpu.memory_space<vmem>>, vector<1x16xf32>,
      %swap3A_37 = vector.shape_cast %swap3A_36 : vector<1x16xf32> to vector<16xf32>
      %swap3A_38 = vector.shape_cast %broadcast_in_dim3A_33 : vector<16xf32> to vector<1x16xf32>
      tpu.vector_store %arg8[%swap3A_34, %swap3A_35], %swap3A_38 {strides = array<i32>} : memref<64x128xf32, #tpu.memory_space<vmem>>, vector<1x16xf32>,
      %broadcast_in_dim3A_39 = arith.constant 0.000000e+00 : f32
      %broadcast_in_dim3A_40 = vector.broadcast %broadcast_in_dim3A_39 : f32 to vector<16xf32>
      %swap3A_41 = arith.index_cast %scan3A_19 : i32 to index
      %swap3A_42 = arith.constant 48 : index
      %swap3A_43 = tpu.vector_load %arg8[%swap3A_41, %swap3A_42] {strides = array<i32>} : memref<64x128xf32, #tpu.memory_space<vmem>>, vector<1x16xf32>,
      %swap3A_44 = vector.shape_cast %swap3A_43 : vector<1x16xf32> to vector<16xf32>
      %swap3A_45 = vector.shape_cast %broadcast_in_dim3A_40 : vector<16xf32> to vector<1x16xf32>
      tpu.vector_store %arg8[%swap3A_41, %swap3A_42], %swap3A_45 {strides = array<i32>} : memref<64x128xf32, #tpu.memory_space<vmem>>, vector<1x16xf32>,
      %broadcast_in_dim3A_46 = arith.constant 0.000000e+00 : f32
      %broadcast_in_dim3A_47 = vector.broadcast %broadcast_in_dim3A_46 : f32 to vector<16xf32>
      %swap3A_48 = arith.index_cast %scan3A_19 : i32 to index
      %swap3A_49 = arith.constant 64 : index
      %swap3A_50 = tpu.vector_load %arg8[%swap3A_48, %swap3A_49] {strides = array<i32>} : memref<64x128xf32, #tpu.memory_space<vmem>>, vector<1x16xf32>,
      %swap3A_51 = vector.shape_cast %swap3A_50 : vector<1x16xf32> to vector<16xf32>
      %swap3A_52 = vector.shape_cast %broadcast_in_dim3A_47 : vector<16xf32> to vector<1x16xf32>
      tpu.vector_store %arg8[%swap3A_48, %swap3A_49], %swap3A_52 {strides = array<i32>} : memref<64x128xf32, #tpu.memory_space<vmem>>, vector<1x16xf32>,
      %broadcast_in_dim3A_53 = arith.constant 0.000000e+00 : f32
      %broadcast_in_dim3A_54 = vector.broadcast %broadcast_in_dim3A_53 : f32 to vector<16xf32>
      %swap3A_55 = arith.index_cast %scan3A_19 : i32 to index
      %swap3A_56 = arith.constant 80 : index
      %swap3A_57 = tpu.vector_load %arg8[%swap3A_55, %swap3A_56] {strides = array<i32>} : memref<64x128xf32, #tpu.memory_space<vmem>>, vector<1x16xf32>,
      %swap3A_58 = vector.shape_cast %swap3A_57 : vector<1x16xf32> to vector<16xf32>
      %swap3A_59 = vector.shape_cast %broadcast_in_dim3A_54 : vector<16xf32> to vector<1x16xf32>
      tpu.vector_store %arg8[%swap3A_55, %swap3A_56], %swap3A_59 {strides = array<i32>} : memref<64x128xf32, #tpu.memory_space<vmem>>, vector<1x16xf32>,
      %broadcast_in_dim3A_60 = arith.constant 0.000000e+00 : f32
      %broadcast_in_dim3A_61 = vector.broadcast %broadcast_in_dim3A_60 : f32 to vector<16xf32>
      %swap3A_62 = arith.index_cast %scan3A_19 : i32 to index
      %swap3A_63 = arith.constant 96 : index
      %swap3A_64 = tpu.vector_load %arg8[%swap3A_62, %swap3A_63] {strides = array<i32>} : memref<64x128xf32, #tpu.memory_space<vmem>>, vector<1x16xf32>,
      %swap3A_65 = vector.shape_cast %swap3A_64 : vector<1x16xf32> to vector<16xf32>
      %swap3A_66 = vector.shape_cast %broadcast_in_dim3A_61 : vector<16xf32> to vector<1x16xf32>
      tpu.vector_store %arg8[%swap3A_62, %swap3A_63], %swap3A_66 {strides = array<i32>} : memref<64x128xf32, #tpu.memory_space<vmem>>, vector<1x16xf32>,
      %broadcast_in_dim3A_67 = arith.constant 0.000000e+00 : f32
      %broadcast_in_dim3A_68 = vector.broadcast %broadcast_in_dim3A_67 : f32 to vector<16xf32>
      %swap3A_69 = arith.index_cast %scan3A_19 : i32 to index
      %swap3A_70 = arith.constant 112 : index
      %swap3A_71 = tpu.vector_load %arg8[%swap3A_69, %swap3A_70] {strides = array<i32>} : memref<64x128xf32, #tpu.memory_space<vmem>>, vector<1x16xf32>,
      %swap3A_72 = vector.shape_cast %swap3A_71 : vector<1x16xf32> to vector<16xf32>
      %swap3A_73 = vector.shape_cast %broadcast_in_dim3A_68 : vector<16xf32> to vector<1x16xf32>
      tpu.vector_store %arg8[%swap3A_69, %swap3A_70], %swap3A_73 {strides = array<i32>} : memref<64x128xf32, #tpu.memory_space<vmem>>, vector<1x16xf32>,
    }
    %scan3A_5 = arith.constant 64 : i32
    %barrier3A = arith.constant 0 : index
    tpu.barrier barrier_id(%barrier3A)
    %scan3A_6 = arith.constant 0 : i32
    %scan3A_7 = arith.constant 0 : i32
    %scan3A_8 = arith.constant 316 : i32
    %scan3A_9 = arith.addi %scan3A_7, %scan3A_8 : i32
    %scan3A_10 = arith.constant 1 : i32
    scf.for %scan3A_19 = %scan3A_7 to %scan3A_9 step %scan3A_10  : i32 {
      %mul3A_20 = arith.constant 20224 : i32
      %mul3A_21 = arith.muli %arg1, %mul3A_20 : i32
      %mul3A_22 = arith.constant 64 : i32
      %mul3A_23 = arith.muli %scan3A_19, %mul3A_22 : i32
      %add3A_24 = arith.addi %mul3A_21, %mul3A_23 : i32
      %mul3A_25 = arith.constant 323584 : i32
      %mul3A_26 = arith.muli %arg0, %mul3A_25 : i32
      %add3A_27 = arith.addi %mul3A_26, %add3A_24 : i32
      "tpu.region"() ({
        %run_scoped3A = tpu.sem_alloc : memref<!tpu.dma_semaphore, #tpu.memory_space<semaphore_mem>>
        %dma_start3A = tpu.memref_slice %arg3[%add3A_27] : memref<647168xi32, #tpu.memory_space<hbm>> -> memref<64xi32, #tpu.memory_space<hbm>>
        %dma_start3A_34 = tpu.memref_slice %arg3[%add3A_27] : memref<647168xi32, #tpu.memory_space<hbm>> -> memref<64xi32, #tpu.memory_space<hbm>>
        tpu.enqueue_dma source(%dma_start3A_34 : memref<64xi32, #tpu.memory_space<hbm>>) target(%arg6 : memref<64xi32, #tpu.memory_space<vmem>>) target_semaphore(%run_scoped3A : memref<!tpu.dma_semaphore, #tpu.memory_space<semaphore_mem>>)
        %dma_wait3A = tpu.memref_slice %arg3[%add3A_27] : memref<647168xi32, #tpu.memory_space<hbm>> -> memref<64xi32, #tpu.memory_space<hbm>>
        %dma_wait3A_35 = tpu.memref_slice %arg3[%add3A_27] : memref<647168xi32, #tpu.memory_space<hbm>> -> memref<64xi32, #tpu.memory_space<hbm>>
        tpu.wait_dma2 semaphore(%run_scoped3A : memref<!tpu.dma_semaphore, #tpu.memory_space<semaphore_mem>>) src(%dma_wait3A_35 : memref<64xi32, #tpu.memory_space<hbm>>) dst(%arg6 : memref<64xi32, #tpu.memory_space<vmem>>)
        tpu.yield
      }) : () -> ()
      "tpu.region"() ({
        %run_scoped3A = tpu.sem_alloc : memref<!tpu.dma_semaphore, #tpu.memory_space<semaphore_mem>>
        %dma_start3A = arith.constant 0 : i32
        %dma_start3A_34 = tpu.memref_slice %arg2[%add3A_24, %dma_start3A] : memref<323584x16xf32, #tpu.memory_space<hbm>> -> memref<64x16xf32, #tpu.memory_space<hbm>>
        %dma_start3A_35 = arith.constant 0 : i32
        %dma_start3A_36 = tpu.memref_slice %arg2[%add3A_24, %dma_start3A_35] : memref<323584x16xf32, #tpu.memory_space<hbm>> -> memref<64x16xf32, #tpu.memory_space<hbm>>
        tpu.enqueue_dma source(%dma_start3A_36 : memref<64x16xf32, #tpu.memory_space<hbm>>) target(%arg7 : memref<64x16xf32, #tpu.memory_space<vmem>>) target_semaphore(%run_scoped3A : memref<!tpu.dma_semaphore, #tpu.memory_space<semaphore_mem>>)
        %dma_wait3A = arith.constant 0 : i32
        %dma_wait3A_37 = tpu.memref_slice %arg2[%add3A_24, %dma_wait3A] : memref<323584x16xf32, #tpu.memory_space<hbm>> -> memref<64x16xf32, #tpu.memory_space<hbm>>
        %dma_wait3A_38 = arith.constant 0 : i32
        %dma_wait3A_39 = tpu.memref_slice %arg2[%add3A_24, %dma_wait3A_38] : memref<323584x16xf32, #tpu.memory_space<hbm>> -> memref<64x16xf32, #tpu.memory_space<hbm>>
        tpu.wait_dma2 semaphore(%run_scoped3A : memref<!tpu.dma_semaphore, #tpu.memory_space<semaphore_mem>>) src(%dma_wait3A_39 : memref<64x16xf32, #tpu.memory_space<hbm>>) dst(%arg7 : memref<64x16xf32, #tpu.memory_space<vmem>>)
        tpu.yield
      }) : () -> ()
      %scan3A_28 = arith.constant 0 : i32
      %scan3A_29 = arith.constant 0 : i32
      %scan3A_30 = arith.constant 64 : i32
      %scan3A_31 = arith.addi %scan3A_29, %scan3A_30 : i32
      %scan3A_32 = arith.constant 1 : i32
      scf.for %scan3A_34 = %scan3A_29 to %scan3A_31 step %scan3A_32  : i32 {
        %get3A = arith.index_cast %scan3A_34 : i32 to index
        %get3A_35 = arith.constant 0 : index
        %get3A_36 = tpu.vector_load %arg7[%get3A, %get3A_35] {strides = array<i32>} : memref<64x16xf32, #tpu.memory_space<vmem>>, vector<1x16xf32>,
        %get3A_37 = vector.shape_cast %get3A_36 : vector<1x16xf32> to vector<16xf32>
        %swap3A = arith.index_cast %scan3A_34 : i32 to index
        %swap3A_38 = arith.constant 0 : index
        %swap3A_39 = tpu.vector_load %arg8[%swap3A, %swap3A_38] {strides = array<i32>} : memref<64x128xf32, #tpu.memory_space<vmem>>, vector<1x16xf32>,
        %swap3A_40 = vector.shape_cast %swap3A_39 : vector<1x16xf32> to vector<16xf32>
        %swap3A_41 = vector.shape_cast %get3A_37 : vector<16xf32> to vector<1x16xf32>
        tpu.vector_store %arg8[%swap3A, %swap3A_38], %swap3A_41 {strides = array<i32>} : memref<64x128xf32, #tpu.memory_space<vmem>>, vector<1x16xf32>,
      }
      %scan3A_33 = arith.constant 64 : i32
      "tpu.region"() ({
        %run_scoped3A = tpu.sem_alloc : memref<!tpu.dma_semaphore, #tpu.memory_space<semaphore_mem>>
        %dma_start3A = arith.constant 0 : i32
        %dma_start3A_34 = arith.constant 0 : i32
        %dma_start3A_35 = tpu.memref_slice %arg9[%dma_start3A, %dma_start3A_34] : memref<10112x128xf32, #tpu.memory_space<vmem_shared>> -> memref<10112x128xf32, #tpu.memory_space<vmem_shared>>
        tpu.enqueue_indirect_dma source(%arg8 : memref<64x128xf32, #tpu.memory_space<vmem>>) target(%dma_start3A_35 : memref<10112x128xf32, #tpu.memory_space<vmem_shared>>) offsets(%arg6 : memref<64xi32, #tpu.memory_space<vmem>>) semaphore(%run_scoped3A : memref<!tpu.dma_semaphore, #tpu.memory_space<semaphore_mem>>) {add = true}
        %dma_wait3A = arith.constant 0 : i32
        %dma_wait3A_36 = arith.constant 0 : i32
        %dma_wait3A_37 = tpu.memref_slice %arg9[%dma_wait3A, %dma_wait3A_36] : memref<10112x128xf32, #tpu.memory_space<vmem_shared>> -> memref<10112x128xf32, #tpu.memory_space<vmem_shared>>
        tpu.wait_indirect_dma semaphore(%run_scoped3A : memref<!tpu.dma_semaphore, #tpu.memory_space<semaphore_mem>>) src(%arg8 : memref<64x128xf32, #tpu.memory_space<vmem>>) dst(%dma_wait3A_37 : memref<10112x128xf32, #tpu.memory_space<vmem_shared>>)
        tpu.yield
      }) : () -> ()
    }
    %scan3A_11 = arith.constant 316 : i32
    %barrier3A_12 = arith.constant 0 : index
    tpu.barrier barrier_id(%barrier3A_12)
    %mul3A_13 = arith.constant 632 : i32
    %mul3A_14 = arith.muli %arg1, %mul3A_13 : i32
    %mul3A_15 = arith.constant 10112 : i32
    %mul3A_16 = arith.muli %arg0, %mul3A_15 : i32
    %mul3A_17 = arith.constant 632 : i32
    %mul3A_18 = arith.muli %arg1, %mul3A_17 : i32
    %add3A = arith.addi %mul3A_16, %mul3A_18 : i32
    "tpu.region"() ({
      %run_scoped3A = tpu.sem_alloc : memref<!tpu.dma_semaphore, #tpu.memory_space<semaphore_mem>>
      %dma_start3A = arith.constant 0 : i32
      %dma_start3A_19 = tpu.memref_slice %arg5[%add3A, %dma_start3A] : memref<20224x128xf32, #tpu.memory_space<hbm>> -> memref<632x128xf32, #tpu.memory_space<hbm>>
      %dma_start3A_20 = arith.constant 0 : i32
      %dma_start3A_21 = tpu.memref_slice %arg9[%mul3A_14, %dma_start3A_20] : memref<10112x128xf32, #tpu.memory_space<vmem_shared>> -> memref<632x128xf32, #tpu.memory_space<vmem_shared>>
      tpu.enqueue_dma source(%dma_start3A_21 : memref<632x128xf32, #tpu.memory_space<vmem_shared>>) target(%dma_start3A_19 : memref<632x128xf32, #tpu.memory_space<hbm>>) target_semaphore(%run_scoped3A : memref<!tpu.dma_semaphore, #tpu.memory_space<semaphore_mem>>)
      %dma_wait3A = arith.constant 0 : i32
      %dma_wait3A_22 = tpu.memref_slice %arg5[%add3A, %dma_wait3A] : memref<20224x128xf32, #tpu.memory_space<hbm>> -> memref<632x128xf32, #tpu.memory_space<hbm>>
      %dma_wait3A_23 = arith.constant 0 : i32
      %dma_wait3A_24 = tpu.memref_slice %arg9[%mul3A_14, %dma_wait3A_23] : memref<10112x128xf32, #tpu.memory_space<vmem_shared>> -> memref<632x128xf32, #tpu.memory_space<vmem_shared>>
      tpu.wait_dma2 semaphore(%run_scoped3A : memref<!tpu.dma_semaphore, #tpu.memory_space<semaphore_mem>>) src(%dma_wait3A_24 : memref<632x128xf32, #tpu.memory_space<vmem_shared>>) dst(%dma_wait3A_22 : memref<632x128xf32, #tpu.memory_space<hbm>>)
      tpu.yield
    }) : () -> ()
    return
  }
}

#map = affine_map<(d0, d1) -> (0, 0)>
#map1 = affine_map<(d0, d1) -> (0, 0, 0, 0)>
module attributes {stable_mosaic.version = 14 : i64} {
  func.func @body(%arg0: i32, %arg1: i32, %arg2: memref<40448x128xf32, #tpu.memory_space<hbm>>, %arg3: memref<32x316x2x64xi32, #tpu.memory_space<hbm>>, %arg4: memref<632x128xf32, #tpu.memory_space<hbm>>, %arg5: memref<20224x128xf32, #tpu.memory_space<hbm>>, %arg6: memref<2x2x64xi32, #tpu.memory_space<vmem>>, %arg7: memref<2x64x128xf32, #tpu.memory_space<vmem>>, %arg8: memref<10112x128xf32, #tpu.memory_space<vmem_shared>>, %arg9: memref<!tpu.dma_semaphore, #tpu.memory_space<semaphore_mem>>) attributes {dimension_semantics = [#tpu.dimension_semantics<core_parallel>, #tpu.dimension_semantics<subcore_parallel>], iteration_bounds = array<i64: 2, 16>, scalar_prefetch = 0 : i64, scratch_operands = 4 : i64, tpu.core_type = #tpu.core_type<sc_vector_subcore>, window_params = [{transform_indices = #map}, {transform_indices = #map1}, {transform_indices = #map}, {transform_indices = #map}]} {
    %mul3A = arith.constant 632 : i32
    %mul3A_0 = arith.muli %arg1, %mul3A : i32
    "tpu.region"() ({
      %run_scoped3A_29 = tpu.sem_alloc : memref<!tpu.dma_semaphore, #tpu.memory_space<semaphore_mem>>
      %dma_start3A_30 = arith.constant 0 : i32
      %dma_start3A_31 = tpu.memref_slice %arg8[%mul3A_0, %dma_start3A_30] : memref<10112x128xf32, #tpu.memory_space<vmem_shared>> -> memref<632x128xf32, #tpu.memory_space<vmem_shared>>
      tpu.enqueue_dma source(%arg4 : memref<632x128xf32, #tpu.memory_space<hbm>>) target(%dma_start3A_31 : memref<632x128xf32, #tpu.memory_space<vmem_shared>>) target_semaphore(%run_scoped3A_29 : memref<!tpu.dma_semaphore, #tpu.memory_space<semaphore_mem>>)
      %dma_wait3A = arith.constant 0 : i32
      %dma_wait3A_32 = tpu.memref_slice %arg8[%mul3A_0, %dma_wait3A] : memref<10112x128xf32, #tpu.memory_space<vmem_shared>> -> memref<632x128xf32, #tpu.memory_space<vmem_shared>>
      tpu.wait_dma2 semaphore(%run_scoped3A_29 : memref<!tpu.dma_semaphore, #tpu.memory_space<semaphore_mem>>) src(%arg4 : memref<632x128xf32, #tpu.memory_space<hbm>>) dst(%dma_wait3A_32 : memref<632x128xf32, #tpu.memory_space<vmem_shared>>)
      tpu.yield
    }) : () -> ()
    %barrier3A = arith.constant 0 : index
    tpu.barrier barrier_id(%barrier3A)
    %mul3A_1 = arith.constant 16 : i32
    %mul3A_2 = arith.muli %arg0, %mul3A_1 : i32
    %add3A = arith.addi %mul3A_2, %arg1 : i32
    %run_scoped3A = arith.constant 0 : i32
    %run_scoped3A_3 = arith.constant 0 : i32
    "tpu.region"() ({
      %run_scoped3A_29 = tpu.sem_alloc : memref<!tpu.dma_semaphore, #tpu.memory_space<semaphore_mem>>
      %dma_start3A_30 = arith.constant 0 : i32
      %dma_start3A_31 = arith.constant 0 : i32
      %dma_start3A_32 = tpu.memref_slice %arg6[%run_scoped3A_3, %dma_start3A_30, %dma_start3A_31] : memref<2x2x64xi32, #tpu.memory_space<vmem>> -> memref<1x2x64xi32, #tpu.memory_space<vmem>>
      %dma_start3A_33 = tpu.memref_squeeze %dma_start3A_32 : memref<1x2x64xi32, #tpu.memory_space<vmem>> -> memref<2x64xi32, #tpu.memory_space<vmem>>
      %dma_start3A_34 = arith.constant 0 : i32
      %dma_start3A_35 = arith.constant 0 : i32
      %dma_start3A_36 = tpu.memref_slice %arg3[%add3A, %run_scoped3A, %dma_start3A_34, %dma_start3A_35] : memref<32x316x2x64xi32, #tpu.memory_space<hbm>> -> memref<1x1x2x64xi32, #tpu.memory_space<hbm>>
      %dma_start3A_37 = tpu.memref_squeeze %dma_start3A_36 : memref<1x1x2x64xi32, #tpu.memory_space<hbm>> -> memref<2x64xi32, #tpu.memory_space<hbm>>
      %dma_start3A_38 = arith.constant 0 : i32
      %dma_start3A_39 = arith.constant 0 : i32
      %dma_start3A_40 = tpu.memref_slice %arg6[%run_scoped3A_3, %dma_start3A_38, %dma_start3A_39] : memref<2x2x64xi32, #tpu.memory_space<vmem>> -> memref<1x2x64xi32, #tpu.memory_space<vmem>>
      %dma_start3A_41 = tpu.memref_squeeze %dma_start3A_40 : memref<1x2x64xi32, #tpu.memory_space<vmem>> -> memref<2x64xi32, #tpu.memory_space<vmem>>
      %dma_start3A_42 = arith.constant 0 : i32
      %dma_start3A_43 = arith.constant 0 : i32
      %dma_start3A_44 = tpu.memref_slice %arg3[%add3A, %run_scoped3A, %dma_start3A_42, %dma_start3A_43] : memref<32x316x2x64xi32, #tpu.memory_space<hbm>> -> memref<1x1x2x64xi32, #tpu.memory_space<hbm>>
      %dma_start3A_45 = tpu.memref_squeeze %dma_start3A_44 : memref<1x1x2x64xi32, #tpu.memory_space<hbm>> -> memref<2x64xi32, #tpu.memory_space<hbm>>
      tpu.enqueue_dma source(%dma_start3A_45 : memref<2x64xi32, #tpu.memory_space<hbm>>) target(%dma_start3A_41 : memref<2x64xi32, #tpu.memory_space<vmem>>) target_semaphore(%run_scoped3A_29 : memref<!tpu.dma_semaphore, #tpu.memory_space<semaphore_mem>>)
      %dma_wait3A = arith.constant 0 : i32
      %dma_wait3A_46 = arith.constant 0 : i32
      %dma_wait3A_47 = tpu.memref_slice %arg6[%run_scoped3A_3, %dma_wait3A, %dma_wait3A_46] : memref<2x2x64xi32, #tpu.memory_space<vmem>> -> memref<1x2x64xi32, #tpu.memory_space<vmem>>
      %dma_wait3A_48 = tpu.memref_squeeze %dma_wait3A_47 : memref<1x2x64xi32, #tpu.memory_space<vmem>> -> memref<2x64xi32, #tpu.memory_space<vmem>>
      %dma_wait3A_49 = arith.constant 0 : i32
      %dma_wait3A_50 = arith.constant 0 : i32
      %dma_wait3A_51 = tpu.memref_slice %arg3[%add3A, %run_scoped3A, %dma_wait3A_49, %dma_wait3A_50] : memref<32x316x2x64xi32, #tpu.memory_space<hbm>> -> memref<1x1x2x64xi32, #tpu.memory_space<hbm>>
      %dma_wait3A_52 = tpu.memref_squeeze %dma_wait3A_51 : memref<1x1x2x64xi32, #tpu.memory_space<hbm>> -> memref<2x64xi32, #tpu.memory_space<hbm>>
      %dma_wait3A_53 = arith.constant 0 : i32
      %dma_wait3A_54 = arith.constant 0 : i32
      %dma_wait3A_55 = tpu.memref_slice %arg6[%run_scoped3A_3, %dma_wait3A_53, %dma_wait3A_54] : memref<2x2x64xi32, #tpu.memory_space<vmem>> -> memref<1x2x64xi32, #tpu.memory_space<vmem>>
      %dma_wait3A_56 = tpu.memref_squeeze %dma_wait3A_55 : memref<1x2x64xi32, #tpu.memory_space<vmem>> -> memref<2x64xi32, #tpu.memory_space<vmem>>
      %dma_wait3A_57 = arith.constant 0 : i32
      %dma_wait3A_58 = arith.constant 0 : i32
      %dma_wait3A_59 = tpu.memref_slice %arg3[%add3A, %run_scoped3A, %dma_wait3A_57, %dma_wait3A_58] : memref<32x316x2x64xi32, #tpu.memory_space<hbm>> -> memref<1x1x2x64xi32, #tpu.memory_space<hbm>>
      %dma_wait3A_60 = tpu.memref_squeeze %dma_wait3A_59 : memref<1x1x2x64xi32, #tpu.memory_space<hbm>> -> memref<2x64xi32, #tpu.memory_space<hbm>>
      tpu.wait_dma2 semaphore(%run_scoped3A_29 : memref<!tpu.dma_semaphore, #tpu.memory_space<semaphore_mem>>) src(%dma_wait3A_60 : memref<2x64xi32, #tpu.memory_space<hbm>>) dst(%dma_wait3A_56 : memref<2x64xi32, #tpu.memory_space<vmem>>)
      tpu.yield
    }) : () -> ()
    %dma_start3A = arith.constant 0 : i32
    %dma_start3A_4 = arith.constant 0 : i32
    %dma_start3A_5 = arith.constant 0 : i32
    %dma_start3A_6 = arith.constant 0 : i32
    %dma_start3A_7 = arith.constant 0 : i32
    %dma_start3A_8 = tpu.memref_slice %arg7[%dma_start3A_5, %dma_start3A_6, %dma_start3A_7] : memref<2x64x128xf32, #tpu.memory_space<vmem>> -> memref<1x64x128xf32, #tpu.memory_space<vmem>>
    %dma_start3A_9 = tpu.memref_squeeze %dma_start3A_8 : memref<1x64x128xf32, #tpu.memory_space<vmem>> -> memref<64x128xf32, #tpu.memory_space<vmem>>
    %dma_start3A_10 = arith.constant 0 : i32
    %dma_start3A_11 = tpu.memref_slice %arg6[%dma_start3A, %dma_start3A_4, %dma_start3A_10] : memref<2x2x64xi32, #tpu.memory_space<vmem>> -> memref<1x1x64xi32, #tpu.memory_space<vmem>>
    %dma_start3A_12 = tpu.memref_squeeze %dma_start3A_11 : memref<1x1x64xi32, #tpu.memory_space<vmem>> -> memref<64xi32, #tpu.memory_space<vmem>>
    %dma_start3A_13 = arith.constant 0 : i32
    %dma_start3A_14 = arith.constant 0 : i32
    %dma_start3A_15 = tpu.memref_slice %arg2[%dma_start3A_13, %dma_start3A_14] : memref<40448x128xf32, #tpu.memory_space<hbm>> -> memref<40448x128xf32, #tpu.memory_space<hbm>>
    tpu.enqueue_indirect_dma source(%dma_start3A_15 : memref<40448x128xf32, #tpu.memory_space<hbm>>) target(%dma_start3A_9 : memref<64x128xf32, #tpu.memory_space<vmem>>) offsets(%dma_start3A_12 : memref<64xi32, #tpu.memory_space<vmem>>) semaphore(%arg9 : memref<!tpu.dma_semaphore, #tpu.memory_space<semaphore_mem>>)
    %scan3A = arith.constant 0 : i32
    %scan3A_16 = arith.constant 0 : i32
    %scan3A_17 = arith.constant 316 : i32
    %scan3A_18 = arith.addi %scan3A_16, %scan3A_17 : i32
    %scan3A_19 = arith.constant 1 : i32
    scf.for %scan3A_29 = %scan3A_16 to %scan3A_18 step %scan3A_19  : i32 {
      %rem3A = arith.constant 2 : i32
      %rem3A_30 = arith.remsi %scan3A_29, %rem3A : i32
      %sub3A = arith.constant 1 : i32
      %sub3A_31 = arith.subi %sub3A, %rem3A_30 : i32
      %dma_wait3A = arith.constant 0 : i32
      %dma_wait3A_32 = arith.constant 0 : i32
      %dma_wait3A_33 = arith.constant 0 : i32
      %dma_wait3A_34 = tpu.memref_slice %arg7[%rem3A_30, %dma_wait3A_32, %dma_wait3A_33] : memref<2x64x128xf32, #tpu.memory_space<vmem>> -> memref<1x64x128xf32, #tpu.memory_space<vmem>>
      %dma_wait3A_35 = tpu.memref_squeeze %dma_wait3A_34 : memref<1x64x128xf32, #tpu.memory_space<vmem>> -> memref<64x128xf32, #tpu.memory_space<vmem>>
      %dma_wait3A_36 = arith.constant 0 : i32
      %dma_wait3A_37 = tpu.memref_slice %arg6[%rem3A_30, %dma_wait3A, %dma_wait3A_36] : memref<2x2x64xi32, #tpu.memory_space<vmem>> -> memref<1x1x64xi32, #tpu.memory_space<vmem>>
      %dma_wait3A_38 = tpu.memref_squeeze %dma_wait3A_37 : memref<1x1x64xi32, #tpu.memory_space<vmem>> -> memref<64xi32, #tpu.memory_space<vmem>>
      %dma_wait3A_39 = arith.constant 0 : i32
      %dma_wait3A_40 = arith.constant 0 : i32
      %dma_wait3A_41 = tpu.memref_slice %arg2[%dma_wait3A_39, %dma_wait3A_40] : memref<40448x128xf32, #tpu.memory_space<hbm>> -> memref<40448x128xf32, #tpu.memory_space<hbm>>
      tpu.wait_indirect_dma semaphore(%arg9 : memref<!tpu.dma_semaphore, #tpu.memory_space<semaphore_mem>>) src(%dma_wait3A_41 : memref<40448x128xf32, #tpu.memory_space<hbm>>) dst(%dma_wait3A_35 : memref<64x128xf32, #tpu.memory_space<vmem>>)
      %lt3A = arith.constant 315 : i32
      %lt3A_42 = arith.cmpi slt, %scan3A_29, %lt3A : i32
      %convert_element_type3A = arith.extui %lt3A_42 : i1 to i32
      %cond3A = arith.constant 0 : i32
      %cond3A_43 = arith.cmpi ne, %convert_element_type3A, %cond3A : i32
      scf.if %cond3A_43 {
        %mul3A_45 = arith.constant 16 : i32
        %mul3A_46 = arith.muli %arg0, %mul3A_45 : i32
        %add3A_47 = arith.addi %mul3A_46, %arg1 : i32
        %add3A_48 = arith.constant 1 : i32
        %add3A_49 = arith.addi %scan3A_29, %add3A_48 : i32
        "tpu.region"() ({
          %run_scoped3A_61 = tpu.sem_alloc : memref<!tpu.dma_semaphore, #tpu.memory_space<semaphore_mem>>
          %dma_start3A_62 = arith.constant 0 : i32
          %dma_start3A_63 = arith.constant 0 : i32
          %dma_start3A_64 = tpu.memref_slice %arg6[%sub3A_31, %dma_start3A_62, %dma_start3A_63] : memref<2x2x64xi32, #tpu.memory_space<vmem>> -> memref<1x2x64xi32, #tpu.memory_space<vmem>>
          %dma_start3A_65 = tpu.memref_squeeze %dma_start3A_64 : memref<1x2x64xi32, #tpu.memory_space<vmem>> -> memref<2x64xi32, #tpu.memory_space<vmem>>
          %dma_start3A_66 = arith.constant 0 : i32
          %dma_start3A_67 = arith.constant 0 : i32
          %dma_start3A_68 = tpu.memref_slice %arg3[%add3A_47, %add3A_49, %dma_start3A_66, %dma_start3A_67] : memref<32x316x2x64xi32, #tpu.memory_space<hbm>> -> memref<1x1x2x64xi32, #tpu.memory_space<hbm>>
          %dma_start3A_69 = tpu.memref_squeeze %dma_start3A_68 : memref<1x1x2x64xi32, #tpu.memory_space<hbm>> -> memref<2x64xi32, #tpu.memory_space<hbm>>
          %dma_start3A_70 = arith.constant 0 : i32
          %dma_start3A_71 = arith.constant 0 : i32
          %dma_start3A_72 = tpu.memref_slice %arg6[%sub3A_31, %dma_start3A_70, %dma_start3A_71] : memref<2x2x64xi32, #tpu.memory_space<vmem>> -> memref<1x2x64xi32, #tpu.memory_space<vmem>>
          %dma_start3A_73 = tpu.memref_squeeze %dma_start3A_72 : memref<1x2x64xi32, #tpu.memory_space<vmem>> -> memref<2x64xi32, #tpu.memory_space<vmem>>
          %dma_start3A_74 = arith.constant 0 : i32
          %dma_start3A_75 = arith.constant 0 : i32
          %dma_start3A_76 = tpu.memref_slice %arg3[%add3A_47, %add3A_49, %dma_start3A_74, %dma_start3A_75] : memref<32x316x2x64xi32, #tpu.memory_space<hbm>> -> memref<1x1x2x64xi32, #tpu.memory_space<hbm>>
          %dma_start3A_77 = tpu.memref_squeeze %dma_start3A_76 : memref<1x1x2x64xi32, #tpu.memory_space<hbm>> -> memref<2x64xi32, #tpu.memory_space<hbm>>
          tpu.enqueue_dma source(%dma_start3A_77 : memref<2x64xi32, #tpu.memory_space<hbm>>) target(%dma_start3A_73 : memref<2x64xi32, #tpu.memory_space<vmem>>) target_semaphore(%run_scoped3A_61 : memref<!tpu.dma_semaphore, #tpu.memory_space<semaphore_mem>>)
          %dma_wait3A_78 = arith.constant 0 : i32
          %dma_wait3A_79 = arith.constant 0 : i32
          %dma_wait3A_80 = tpu.memref_slice %arg6[%sub3A_31, %dma_wait3A_78, %dma_wait3A_79] : memref<2x2x64xi32, #tpu.memory_space<vmem>> -> memref<1x2x64xi32, #tpu.memory_space<vmem>>
          %dma_wait3A_81 = tpu.memref_squeeze %dma_wait3A_80 : memref<1x2x64xi32, #tpu.memory_space<vmem>> -> memref<2x64xi32, #tpu.memory_space<vmem>>
          %dma_wait3A_82 = arith.constant 0 : i32
          %dma_wait3A_83 = arith.constant 0 : i32
          %dma_wait3A_84 = tpu.memref_slice %arg3[%add3A_47, %add3A_49, %dma_wait3A_82, %dma_wait3A_83] : memref<32x316x2x64xi32, #tpu.memory_space<hbm>> -> memref<1x1x2x64xi32, #tpu.memory_space<hbm>>
          %dma_wait3A_85 = tpu.memref_squeeze %dma_wait3A_84 : memref<1x1x2x64xi32, #tpu.memory_space<hbm>> -> memref<2x64xi32, #tpu.memory_space<hbm>>
          %dma_wait3A_86 = arith.constant 0 : i32
          %dma_wait3A_87 = arith.constant 0 : i32
          %dma_wait3A_88 = tpu.memref_slice %arg6[%sub3A_31, %dma_wait3A_86, %dma_wait3A_87] : memref<2x2x64xi32, #tpu.memory_space<vmem>> -> memref<1x2x64xi32, #tpu.memory_space<vmem>>
          %dma_wait3A_89 = tpu.memref_squeeze %dma_wait3A_88 : memref<1x2x64xi32, #tpu.memory_space<vmem>> -> memref<2x64xi32, #tpu.memory_space<vmem>>
          %dma_wait3A_90 = arith.constant 0 : i32
          %dma_wait3A_91 = arith.constant 0 : i32
          %dma_wait3A_92 = tpu.memref_slice %arg3[%add3A_47, %add3A_49, %dma_wait3A_90, %dma_wait3A_91] : memref<32x316x2x64xi32, #tpu.memory_space<hbm>> -> memref<1x1x2x64xi32, #tpu.memory_space<hbm>>
          %dma_wait3A_93 = tpu.memref_squeeze %dma_wait3A_92 : memref<1x1x2x64xi32, #tpu.memory_space<hbm>> -> memref<2x64xi32, #tpu.memory_space<hbm>>
          tpu.wait_dma2 semaphore(%run_scoped3A_61 : memref<!tpu.dma_semaphore, #tpu.memory_space<semaphore_mem>>) src(%dma_wait3A_93 : memref<2x64xi32, #tpu.memory_space<hbm>>) dst(%dma_wait3A_89 : memref<2x64xi32, #tpu.memory_space<vmem>>)
          tpu.yield
        }) : () -> ()
        %dma_start3A_50 = arith.constant 0 : i32
        %dma_start3A_51 = arith.constant 0 : i32
        %dma_start3A_52 = arith.constant 0 : i32
        %dma_start3A_53 = tpu.memref_slice %arg7[%sub3A_31, %dma_start3A_51, %dma_start3A_52] : memref<2x64x128xf32, #tpu.memory_space<vmem>> -> memref<1x64x128xf32, #tpu.memory_space<vmem>>
        %dma_start3A_54 = tpu.memref_squeeze %dma_start3A_53 : memref<1x64x128xf32, #tpu.memory_space<vmem>> -> memref<64x128xf32, #tpu.memory_space<vmem>>
        %dma_start3A_55 = arith.constant 0 : i32
        %dma_start3A_56 = tpu.memref_slice %arg6[%sub3A_31, %dma_start3A_50, %dma_start3A_55] : memref<2x2x64xi32, #tpu.memory_space<vmem>> -> memref<1x1x64xi32, #tpu.memory_space<vmem>>
        %dma_start3A_57 = tpu.memref_squeeze %dma_start3A_56 : memref<1x1x64xi32, #tpu.memory_space<vmem>> -> memref<64xi32, #tpu.memory_space<vmem>>
        %dma_start3A_58 = arith.constant 0 : i32
        %dma_start3A_59 = arith.constant 0 : i32
        %dma_start3A_60 = tpu.memref_slice %arg2[%dma_start3A_58, %dma_start3A_59] : memref<40448x128xf32, #tpu.memory_space<hbm>> -> memref<40448x128xf32, #tpu.memory_space<hbm>>
        tpu.enqueue_indirect_dma source(%dma_start3A_60 : memref<40448x128xf32, #tpu.memory_space<hbm>>) target(%dma_start3A_54 : memref<64x128xf32, #tpu.memory_space<vmem>>) offsets(%dma_start3A_57 : memref<64xi32, #tpu.memory_space<vmem>>) semaphore(%arg9 : memref<!tpu.dma_semaphore, #tpu.memory_space<semaphore_mem>>)
      } else {
      }
      %run_scoped3A_44 = arith.constant 1 : i32
      "tpu.region"() ({
        %run_scoped3A_45 = tpu.sem_alloc : memref<!tpu.dma_semaphore, #tpu.memory_space<semaphore_mem>>
        %dma_start3A_46 = arith.constant 0 : i32
        %dma_start3A_47 = arith.constant 0 : i32
        %dma_start3A_48 = tpu.memref_slice %arg7[%rem3A_30, %dma_start3A_46, %dma_start3A_47] : memref<2x64x128xf32, #tpu.memory_space<vmem>> -> memref<1x64x128xf32, #tpu.memory_space<vmem>>
        %dma_start3A_49 = tpu.memref_squeeze %dma_start3A_48 : memref<1x64x128xf32, #tpu.memory_space<vmem>> -> memref<64x128xf32, #tpu.memory_space<vmem>>
        %dma_start3A_50 = arith.constant 0 : i32
        %dma_start3A_51 = tpu.memref_slice %arg6[%rem3A_30, %run_scoped3A_44, %dma_start3A_50] : memref<2x2x64xi32, #tpu.memory_space<vmem>> -> memref<1x1x64xi32, #tpu.memory_space<vmem>>
        %dma_start3A_52 = tpu.memref_squeeze %dma_start3A_51 : memref<1x1x64xi32, #tpu.memory_space<vmem>> -> memref<64xi32, #tpu.memory_space<vmem>>
        %dma_start3A_53 = arith.constant 0 : i32
        %dma_start3A_54 = arith.constant 0 : i32
        %dma_start3A_55 = tpu.memref_slice %arg8[%dma_start3A_53, %dma_start3A_54] : memref<10112x128xf32, #tpu.memory_space<vmem_shared>> -> memref<10112x128xf32, #tpu.memory_space<vmem_shared>>
        tpu.enqueue_indirect_dma source(%dma_start3A_49 : memref<64x128xf32, #tpu.memory_space<vmem>>) target(%dma_start3A_55 : memref<10112x128xf32, #tpu.memory_space<vmem_shared>>) offsets(%dma_start3A_52 : memref<64xi32, #tpu.memory_space<vmem>>) semaphore(%run_scoped3A_45 : memref<!tpu.dma_semaphore, #tpu.memory_space<semaphore_mem>>) {add = true}
        %dma_wait3A_56 = arith.constant 0 : i32
        %dma_wait3A_57 = arith.constant 0 : i32
        %dma_wait3A_58 = tpu.memref_slice %arg7[%rem3A_30, %dma_wait3A_56, %dma_wait3A_57] : memref<2x64x128xf32, #tpu.memory_space<vmem>> -> memref<1x64x128xf32, #tpu.memory_space<vmem>>
        %dma_wait3A_59 = tpu.memref_squeeze %dma_wait3A_58 : memref<1x64x128xf32, #tpu.memory_space<vmem>> -> memref<64x128xf32, #tpu.memory_space<vmem>>
        %dma_wait3A_60 = arith.constant 0 : i32
        %dma_wait3A_61 = tpu.memref_slice %arg6[%rem3A_30, %run_scoped3A_44, %dma_wait3A_60] : memref<2x2x64xi32, #tpu.memory_space<vmem>> -> memref<1x1x64xi32, #tpu.memory_space<vmem>>
        %dma_wait3A_62 = tpu.memref_squeeze %dma_wait3A_61 : memref<1x1x64xi32, #tpu.memory_space<vmem>> -> memref<64xi32, #tpu.memory_space<vmem>>
        %dma_wait3A_63 = arith.constant 0 : i32
        %dma_wait3A_64 = arith.constant 0 : i32
        %dma_wait3A_65 = tpu.memref_slice %arg8[%dma_wait3A_63, %dma_wait3A_64] : memref<10112x128xf32, #tpu.memory_space<vmem_shared>> -> memref<10112x128xf32, #tpu.memory_space<vmem_shared>>
        tpu.wait_indirect_dma semaphore(%run_scoped3A_45 : memref<!tpu.dma_semaphore, #tpu.memory_space<semaphore_mem>>) src(%dma_wait3A_59 : memref<64x128xf32, #tpu.memory_space<vmem>>) dst(%dma_wait3A_65 : memref<10112x128xf32, #tpu.memory_space<vmem_shared>>)
        tpu.yield
      }) : () -> ()
    }
    %scan3A_20 = arith.constant 316 : i32
    %barrier3A_21 = arith.constant 0 : index
    tpu.barrier barrier_id(%barrier3A_21)
    %mul3A_22 = arith.constant 632 : i32
    %mul3A_23 = arith.muli %arg1, %mul3A_22 : i32
    %mul3A_24 = arith.constant 10112 : i32
    %mul3A_25 = arith.muli %arg0, %mul3A_24 : i32
    %mul3A_26 = arith.constant 632 : i32
    %mul3A_27 = arith.muli %arg1, %mul3A_26 : i32
    %add3A_28 = arith.addi %mul3A_25, %mul3A_27 : i32
    "tpu.region"() ({
      %run_scoped3A_29 = tpu.sem_alloc : memref<!tpu.dma_semaphore, #tpu.memory_space<semaphore_mem>>
      %dma_start3A_30 = arith.constant 0 : i32
      %dma_start3A_31 = tpu.memref_slice %arg5[%add3A_28, %dma_start3A_30] : memref<20224x128xf32, #tpu.memory_space<hbm>> -> memref<632x128xf32, #tpu.memory_space<hbm>>
      %dma_start3A_32 = arith.constant 0 : i32
      %dma_start3A_33 = tpu.memref_slice %arg8[%mul3A_23, %dma_start3A_32] : memref<10112x128xf32, #tpu.memory_space<vmem_shared>> -> memref<632x128xf32, #tpu.memory_space<vmem_shared>>
      tpu.enqueue_dma source(%dma_start3A_33 : memref<632x128xf32, #tpu.memory_space<vmem_shared>>) target(%dma_start3A_31 : memref<632x128xf32, #tpu.memory_space<hbm>>) target_semaphore(%run_scoped3A_29 : memref<!tpu.dma_semaphore, #tpu.memory_space<semaphore_mem>>)
      %dma_wait3A = arith.constant 0 : i32
      %dma_wait3A_34 = tpu.memref_slice %arg5[%add3A_28, %dma_wait3A] : memref<20224x128xf32, #tpu.memory_space<hbm>> -> memref<632x128xf32, #tpu.memory_space<hbm>>
      %dma_wait3A_35 = arith.constant 0 : i32
      %dma_wait3A_36 = tpu.memref_slice %arg8[%mul3A_23, %dma_wait3A_35] : memref<10112x128xf32, #tpu.memory_space<vmem_shared>> -> memref<632x128xf32, #tpu.memory_space<vmem_shared>>
      tpu.wait_dma2 semaphore(%run_scoped3A_29 : memref<!tpu.dma_semaphore, #tpu.memory_space<semaphore_mem>>) src(%dma_wait3A_36 : memref<632x128xf32, #tpu.memory_space<vmem_shared>>) dst(%dma_wait3A_34 : memref<632x128xf32, #tpu.memory_space<hbm>>)
      tpu.yield
    }) : () -> ()
    return
  }
}

#map = affine_map<(d0, d1) -> (0, 0)>
#map1 = affine_map<(d0, d1) -> (0, 0, 0, 0)>
module attributes {stable_mosaic.version = 14 : i64} {
  func.func @body(%arg0: i32, %arg1: i32, %arg2: memref<40448x128xf32, #tpu.memory_space<hbm>>, %arg3: memref<32x316x2x64xi32, #tpu.memory_space<hbm>>, %arg4: memref<632x128xf32, #tpu.memory_space<hbm>>, %arg5: memref<20224x128xf32, #tpu.memory_space<hbm>>, %arg6: memref<2x2x64xi32, #tpu.memory_space<vmem>>, %arg7: memref<2x64x128xf32, #tpu.memory_space<vmem>>, %arg8: memref<10112x128xf32, #tpu.memory_space<vmem_shared>>, %arg9: memref<!tpu.dma_semaphore, #tpu.memory_space<semaphore_mem>>) attributes {dimension_semantics = [#tpu.dimension_semantics<core_parallel>, #tpu.dimension_semantics<subcore_parallel>], iteration_bounds = array<i64: 2, 16>, scalar_prefetch = 0 : i64, scratch_operands = 4 : i64, tpu.core_type = #tpu.core_type<sc_vector_subcore>, window_params = [{transform_indices = #map}, {transform_indices = #map1}, {transform_indices = #map}, {transform_indices = #map}]} {
    %mul3A = arith.constant 632 : i32
    %mul3A_0 = arith.muli %arg1, %mul3A : i32
    "tpu.region"() ({
      %run_scoped3A_29 = tpu.sem_alloc : memref<!tpu.dma_semaphore, #tpu.memory_space<semaphore_mem>>
      %dma_start3A_30 = arith.constant 0 : i32
      %dma_start3A_31 = tpu.memref_slice %arg8[%mul3A_0, %dma_start3A_30] : memref<10112x128xf32, #tpu.memory_space<vmem_shared>> -> memref<632x128xf32, #tpu.memory_space<vmem_shared>>
      tpu.enqueue_dma source(%arg4 : memref<632x128xf32, #tpu.memory_space<hbm>>) target(%dma_start3A_31 : memref<632x128xf32, #tpu.memory_space<vmem_shared>>) target_semaphore(%run_scoped3A_29 : memref<!tpu.dma_semaphore, #tpu.memory_space<semaphore_mem>>)
      %dma_wait3A = arith.constant 0 : i32
      %dma_wait3A_32 = tpu.memref_slice %arg8[%mul3A_0, %dma_wait3A] : memref<10112x128xf32, #tpu.memory_space<vmem_shared>> -> memref<632x128xf32, #tpu.memory_space<vmem_shared>>
      tpu.wait_dma2 semaphore(%run_scoped3A_29 : memref<!tpu.dma_semaphore, #tpu.memory_space<semaphore_mem>>) src(%arg4 : memref<632x128xf32, #tpu.memory_space<hbm>>) dst(%dma_wait3A_32 : memref<632x128xf32, #tpu.memory_space<vmem_shared>>)
      tpu.yield
    }) : () -> ()
    %barrier3A = arith.constant 0 : index
    tpu.barrier barrier_id(%barrier3A)
    %mul3A_1 = arith.constant 16 : i32
    %mul3A_2 = arith.muli %arg0, %mul3A_1 : i32
    %add3A = arith.addi %mul3A_2, %arg1 : i32
    %run_scoped3A = arith.constant 0 : i32
    %run_scoped3A_3 = arith.constant 0 : i32
    "tpu.region"() ({
      %run_scoped3A_29 = tpu.sem_alloc : memref<!tpu.dma_semaphore, #tpu.memory_space<semaphore_mem>>
      %dma_start3A_30 = arith.constant 0 : i32
      %dma_start3A_31 = arith.constant 0 : i32
      %dma_start3A_32 = tpu.memref_slice %arg6[%run_scoped3A_3, %dma_start3A_30, %dma_start3A_31] : memref<2x2x64xi32, #tpu.memory_space<vmem>> -> memref<1x2x64xi32, #tpu.memory_space<vmem>>
      %dma_start3A_33 = tpu.memref_squeeze %dma_start3A_32 : memref<1x2x64xi32, #tpu.memory_space<vmem>> -> memref<2x64xi32, #tpu.memory_space<vmem>>
      %dma_start3A_34 = arith.constant 0 : i32
      %dma_start3A_35 = arith.constant 0 : i32
      %dma_start3A_36 = tpu.memref_slice %arg3[%add3A, %run_scoped3A, %dma_start3A_34, %dma_start3A_35] : memref<32x316x2x64xi32, #tpu.memory_space<hbm>> -> memref<1x1x2x64xi32, #tpu.memory_space<hbm>>
      %dma_start3A_37 = tpu.memref_squeeze %dma_start3A_36 : memref<1x1x2x64xi32, #tpu.memory_space<hbm>> -> memref<2x64xi32, #tpu.memory_space<hbm>>
      %dma_start3A_38 = arith.constant 0 : i32
      %dma_start3A_39 = arith.constant 0 : i32
      %dma_start3A_40 = tpu.memref_slice %arg6[%run_scoped3A_3, %dma_start3A_38, %dma_start3A_39] : memref<2x2x64xi32, #tpu.memory_space<vmem>> -> memref<1x2x64xi32, #tpu.memory_space<vmem>>
      %dma_start3A_41 = tpu.memref_squeeze %dma_start3A_40 : memref<1x2x64xi32, #tpu.memory_space<vmem>> -> memref<2x64xi32, #tpu.memory_space<vmem>>
      %dma_start3A_42 = arith.constant 0 : i32
      %dma_start3A_43 = arith.constant 0 : i32
      %dma_start3A_44 = tpu.memref_slice %arg3[%add3A, %run_scoped3A, %dma_start3A_42, %dma_start3A_43] : memref<32x316x2x64xi32, #tpu.memory_space<hbm>> -> memref<1x1x2x64xi32, #tpu.memory_space<hbm>>
      %dma_start3A_45 = tpu.memref_squeeze %dma_start3A_44 : memref<1x1x2x64xi32, #tpu.memory_space<hbm>> -> memref<2x64xi32, #tpu.memory_space<hbm>>
      tpu.enqueue_dma source(%dma_start3A_45 : memref<2x64xi32, #tpu.memory_space<hbm>>) target(%dma_start3A_41 : memref<2x64xi32, #tpu.memory_space<vmem>>) target_semaphore(%run_scoped3A_29 : memref<!tpu.dma_semaphore, #tpu.memory_space<semaphore_mem>>)
      %dma_wait3A = arith.constant 0 : i32
      %dma_wait3A_46 = arith.constant 0 : i32
      %dma_wait3A_47 = tpu.memref_slice %arg6[%run_scoped3A_3, %dma_wait3A, %dma_wait3A_46] : memref<2x2x64xi32, #tpu.memory_space<vmem>> -> memref<1x2x64xi32, #tpu.memory_space<vmem>>
      %dma_wait3A_48 = tpu.memref_squeeze %dma_wait3A_47 : memref<1x2x64xi32, #tpu.memory_space<vmem>> -> memref<2x64xi32, #tpu.memory_space<vmem>>
      %dma_wait3A_49 = arith.constant 0 : i32
      %dma_wait3A_50 = arith.constant 0 : i32
      %dma_wait3A_51 = tpu.memref_slice %arg3[%add3A, %run_scoped3A, %dma_wait3A_49, %dma_wait3A_50] : memref<32x316x2x64xi32, #tpu.memory_space<hbm>> -> memref<1x1x2x64xi32, #tpu.memory_space<hbm>>
      %dma_wait3A_52 = tpu.memref_squeeze %dma_wait3A_51 : memref<1x1x2x64xi32, #tpu.memory_space<hbm>> -> memref<2x64xi32, #tpu.memory_space<hbm>>
      %dma_wait3A_53 = arith.constant 0 : i32
      %dma_wait3A_54 = arith.constant 0 : i32
      %dma_wait3A_55 = tpu.memref_slice %arg6[%run_scoped3A_3, %dma_wait3A_53, %dma_wait3A_54] : memref<2x2x64xi32, #tpu.memory_space<vmem>> -> memref<1x2x64xi32, #tpu.memory_space<vmem>>
      %dma_wait3A_56 = tpu.memref_squeeze %dma_wait3A_55 : memref<1x2x64xi32, #tpu.memory_space<vmem>> -> memref<2x64xi32, #tpu.memory_space<vmem>>
      %dma_wait3A_57 = arith.constant 0 : i32
      %dma_wait3A_58 = arith.constant 0 : i32
      %dma_wait3A_59 = tpu.memref_slice %arg3[%add3A, %run_scoped3A, %dma_wait3A_57, %dma_wait3A_58] : memref<32x316x2x64xi32, #tpu.memory_space<hbm>> -> memref<1x1x2x64xi32, #tpu.memory_space<hbm>>
      %dma_wait3A_60 = tpu.memref_squeeze %dma_wait3A_59 : memref<1x1x2x64xi32, #tpu.memory_space<hbm>> -> memref<2x64xi32, #tpu.memory_space<hbm>>
      tpu.wait_dma2 semaphore(%run_scoped3A_29 : memref<!tpu.dma_semaphore, #tpu.memory_space<semaphore_mem>>) src(%dma_wait3A_60 : memref<2x64xi32, #tpu.memory_space<hbm>>) dst(%dma_wait3A_56 : memref<2x64xi32, #tpu.memory_space<vmem>>)
      tpu.yield
    }) : () -> ()
    %dma_start3A = arith.constant 0 : i32
    %dma_start3A_4 = arith.constant 0 : i32
    %dma_start3A_5 = arith.constant 0 : i32
    %dma_start3A_6 = arith.constant 0 : i32
    %dma_start3A_7 = arith.constant 0 : i32
    %dma_start3A_8 = tpu.memref_slice %arg7[%dma_start3A_5, %dma_start3A_6, %dma_start3A_7] : memref<2x64x128xf32, #tpu.memory_space<vmem>> -> memref<1x64x128xf32, #tpu.memory_space<vmem>>
    %dma_start3A_9 = tpu.memref_squeeze %dma_start3A_8 : memref<1x64x128xf32, #tpu.memory_space<vmem>> -> memref<64x128xf32, #tpu.memory_space<vmem>>
    %dma_start3A_10 = arith.constant 0 : i32
    %dma_start3A_11 = tpu.memref_slice %arg6[%dma_start3A, %dma_start3A_4, %dma_start3A_10] : memref<2x2x64xi32, #tpu.memory_space<vmem>> -> memref<1x1x64xi32, #tpu.memory_space<vmem>>
    %dma_start3A_12 = tpu.memref_squeeze %dma_start3A_11 : memref<1x1x64xi32, #tpu.memory_space<vmem>> -> memref<64xi32, #tpu.memory_space<vmem>>
    %dma_start3A_13 = arith.constant 0 : i32
    %dma_start3A_14 = arith.constant 0 : i32
    %dma_start3A_15 = tpu.memref_slice %arg2[%dma_start3A_13, %dma_start3A_14] : memref<40448x128xf32, #tpu.memory_space<hbm>> -> memref<40448x128xf32, #tpu.memory_space<hbm>>
    tpu.enqueue_indirect_dma source(%dma_start3A_15 : memref<40448x128xf32, #tpu.memory_space<hbm>>) target(%dma_start3A_9 : memref<64x128xf32, #tpu.memory_space<vmem>>) offsets(%dma_start3A_12 : memref<64xi32, #tpu.memory_space<vmem>>) semaphore(%arg9 : memref<!tpu.dma_semaphore, #tpu.memory_space<semaphore_mem>>)
    %scan3A = arith.constant 0 : i32
    %scan3A_16 = arith.constant 0 : i32
    %scan3A_17 = arith.constant 316 : i32
    %scan3A_18 = arith.addi %scan3A_16, %scan3A_17 : i32
    %scan3A_19 = arith.constant 1 : i32
    scf.for %scan3A_29 = %scan3A_16 to %scan3A_18 step %scan3A_19  : i32 {
      %rem3A = arith.constant 2 : i32
      %rem3A_30 = arith.remsi %scan3A_29, %rem3A : i32
      %sub3A = arith.constant 1 : i32
      %sub3A_31 = arith.subi %sub3A, %rem3A_30 : i32
      %dma_wait3A = arith.constant 0 : i32
      %dma_wait3A_32 = arith.constant 0 : i32
      %dma_wait3A_33 = arith.constant 0 : i32
      %dma_wait3A_34 = tpu.memref_slice %arg7[%rem3A_30, %dma_wait3A_32, %dma_wait3A_33] : memref<2x64x128xf32, #tpu.memory_space<vmem>> -> memref<1x64x128xf32, #tpu.memory_space<vmem>>
      %dma_wait3A_35 = tpu.memref_squeeze %dma_wait3A_34 : memref<1x64x128xf32, #tpu.memory_space<vmem>> -> memref<64x128xf32, #tpu.memory_space<vmem>>
      %dma_wait3A_36 = arith.constant 0 : i32
      %dma_wait3A_37 = tpu.memref_slice %arg6[%rem3A_30, %dma_wait3A, %dma_wait3A_36] : memref<2x2x64xi32, #tpu.memory_space<vmem>> -> memref<1x1x64xi32, #tpu.memory_space<vmem>>
      %dma_wait3A_38 = tpu.memref_squeeze %dma_wait3A_37 : memref<1x1x64xi32, #tpu.memory_space<vmem>> -> memref<64xi32, #tpu.memory_space<vmem>>
      %dma_wait3A_39 = arith.constant 0 : i32
      %dma_wait3A_40 = arith.constant 0 : i32
      %dma_wait3A_41 = tpu.memref_slice %arg2[%dma_wait3A_39, %dma_wait3A_40] : memref<40448x128xf32, #tpu.memory_space<hbm>> -> memref<40448x128xf32, #tpu.memory_space<hbm>>
      tpu.wait_indirect_dma semaphore(%arg9 : memref<!tpu.dma_semaphore, #tpu.memory_space<semaphore_mem>>) src(%dma_wait3A_41 : memref<40448x128xf32, #tpu.memory_space<hbm>>) dst(%dma_wait3A_35 : memref<64x128xf32, #tpu.memory_space<vmem>>)
      %lt3A = arith.constant 315 : i32
      %lt3A_42 = arith.cmpi slt, %scan3A_29, %lt3A : i32
      %convert_element_type3A = arith.extui %lt3A_42 : i1 to i32
      %cond3A = arith.constant 0 : i32
      %cond3A_43 = arith.cmpi ne, %convert_element_type3A, %cond3A : i32
      scf.if %cond3A_43 {
        %mul3A_45 = arith.constant 16 : i32
        %mul3A_46 = arith.muli %arg0, %mul3A_45 : i32
        %add3A_47 = arith.addi %mul3A_46, %arg1 : i32
        %add3A_48 = arith.constant 1 : i32
        %add3A_49 = arith.addi %scan3A_29, %add3A_48 : i32
        "tpu.region"() ({
          %run_scoped3A_61 = tpu.sem_alloc : memref<!tpu.dma_semaphore, #tpu.memory_space<semaphore_mem>>
          %dma_start3A_62 = arith.constant 0 : i32
          %dma_start3A_63 = arith.constant 0 : i32
          %dma_start3A_64 = tpu.memref_slice %arg6[%sub3A_31, %dma_start3A_62, %dma_start3A_63] : memref<2x2x64xi32, #tpu.memory_space<vmem>> -> memref<1x2x64xi32, #tpu.memory_space<vmem>>
          %dma_start3A_65 = tpu.memref_squeeze %dma_start3A_64 : memref<1x2x64xi32, #tpu.memory_space<vmem>> -> memref<2x64xi32, #tpu.memory_space<vmem>>
          %dma_start3A_66 = arith.constant 0 : i32
          %dma_start3A_67 = arith.constant 0 : i32
          %dma_start3A_68 = tpu.memref_slice %arg3[%add3A_47, %add3A_49, %dma_start3A_66, %dma_start3A_67] : memref<32x316x2x64xi32, #tpu.memory_space<hbm>> -> memref<1x1x2x64xi32, #tpu.memory_space<hbm>>
          %dma_start3A_69 = tpu.memref_squeeze %dma_start3A_68 : memref<1x1x2x64xi32, #tpu.memory_space<hbm>> -> memref<2x64xi32, #tpu.memory_space<hbm>>
          %dma_start3A_70 = arith.constant 0 : i32
          %dma_start3A_71 = arith.constant 0 : i32
          %dma_start3A_72 = tpu.memref_slice %arg6[%sub3A_31, %dma_start3A_70, %dma_start3A_71] : memref<2x2x64xi32, #tpu.memory_space<vmem>> -> memref<1x2x64xi32, #tpu.memory_space<vmem>>
          %dma_start3A_73 = tpu.memref_squeeze %dma_start3A_72 : memref<1x2x64xi32, #tpu.memory_space<vmem>> -> memref<2x64xi32, #tpu.memory_space<vmem>>
          %dma_start3A_74 = arith.constant 0 : i32
          %dma_start3A_75 = arith.constant 0 : i32
          %dma_start3A_76 = tpu.memref_slice %arg3[%add3A_47, %add3A_49, %dma_start3A_74, %dma_start3A_75] : memref<32x316x2x64xi32, #tpu.memory_space<hbm>> -> memref<1x1x2x64xi32, #tpu.memory_space<hbm>>
          %dma_start3A_77 = tpu.memref_squeeze %dma_start3A_76 : memref<1x1x2x64xi32, #tpu.memory_space<hbm>> -> memref<2x64xi32, #tpu.memory_space<hbm>>
          tpu.enqueue_dma source(%dma_start3A_77 : memref<2x64xi32, #tpu.memory_space<hbm>>) target(%dma_start3A_73 : memref<2x64xi32, #tpu.memory_space<vmem>>) target_semaphore(%run_scoped3A_61 : memref<!tpu.dma_semaphore, #tpu.memory_space<semaphore_mem>>)
          %dma_wait3A_78 = arith.constant 0 : i32
          %dma_wait3A_79 = arith.constant 0 : i32
          %dma_wait3A_80 = tpu.memref_slice %arg6[%sub3A_31, %dma_wait3A_78, %dma_wait3A_79] : memref<2x2x64xi32, #tpu.memory_space<vmem>> -> memref<1x2x64xi32, #tpu.memory_space<vmem>>
          %dma_wait3A_81 = tpu.memref_squeeze %dma_wait3A_80 : memref<1x2x64xi32, #tpu.memory_space<vmem>> -> memref<2x64xi32, #tpu.memory_space<vmem>>
          %dma_wait3A_82 = arith.constant 0 : i32
          %dma_wait3A_83 = arith.constant 0 : i32
          %dma_wait3A_84 = tpu.memref_slice %arg3[%add3A_47, %add3A_49, %dma_wait3A_82, %dma_wait3A_83] : memref<32x316x2x64xi32, #tpu.memory_space<hbm>> -> memref<1x1x2x64xi32, #tpu.memory_space<hbm>>
          %dma_wait3A_85 = tpu.memref_squeeze %dma_wait3A_84 : memref<1x1x2x64xi32, #tpu.memory_space<hbm>> -> memref<2x64xi32, #tpu.memory_space<hbm>>
          %dma_wait3A_86 = arith.constant 0 : i32
          %dma_wait3A_87 = arith.constant 0 : i32
          %dma_wait3A_88 = tpu.memref_slice %arg6[%sub3A_31, %dma_wait3A_86, %dma_wait3A_87] : memref<2x2x64xi32, #tpu.memory_space<vmem>> -> memref<1x2x64xi32, #tpu.memory_space<vmem>>
          %dma_wait3A_89 = tpu.memref_squeeze %dma_wait3A_88 : memref<1x2x64xi32, #tpu.memory_space<vmem>> -> memref<2x64xi32, #tpu.memory_space<vmem>>
          %dma_wait3A_90 = arith.constant 0 : i32
          %dma_wait3A_91 = arith.constant 0 : i32
          %dma_wait3A_92 = tpu.memref_slice %arg3[%add3A_47, %add3A_49, %dma_wait3A_90, %dma_wait3A_91] : memref<32x316x2x64xi32, #tpu.memory_space<hbm>> -> memref<1x1x2x64xi32, #tpu.memory_space<hbm>>
          %dma_wait3A_93 = tpu.memref_squeeze %dma_wait3A_92 : memref<1x1x2x64xi32, #tpu.memory_space<hbm>> -> memref<2x64xi32, #tpu.memory_space<hbm>>
          tpu.wait_dma2 semaphore(%run_scoped3A_61 : memref<!tpu.dma_semaphore, #tpu.memory_space<semaphore_mem>>) src(%dma_wait3A_93 : memref<2x64xi32, #tpu.memory_space<hbm>>) dst(%dma_wait3A_89 : memref<2x64xi32, #tpu.memory_space<vmem>>)
          tpu.yield
        }) : () -> ()
        %dma_start3A_50 = arith.constant 0 : i32
        %dma_start3A_51 = arith.constant 0 : i32
        %dma_start3A_52 = arith.constant 0 : i32
        %dma_start3A_53 = tpu.memref_slice %arg7[%sub3A_31, %dma_start3A_51, %dma_start3A_52] : memref<2x64x128xf32, #tpu.memory_space<vmem>> -> memref<1x64x128xf32, #tpu.memory_space<vmem>>
        %dma_start3A_54 = tpu.memref_squeeze %dma_start3A_53 : memref<1x64x128xf32, #tpu.memory_space<vmem>> -> memref<64x128xf32, #tpu.memory_space<vmem>>
        %dma_start3A_55 = arith.constant 0 : i32
        %dma_start3A_56 = tpu.memref_slice %arg6[%sub3A_31, %dma_start3A_50, %dma_start3A_55] : memref<2x2x64xi32, #tpu.memory_space<vmem>> -> memref<1x1x64xi32, #tpu.memory_space<vmem>>
        %dma_start3A_57 = tpu.memref_squeeze %dma_start3A_56 : memref<1x1x64xi32, #tpu.memory_space<vmem>> -> memref<64xi32, #tpu.memory_space<vmem>>
        %dma_start3A_58 = arith.constant 0 : i32
        %dma_start3A_59 = arith.constant 0 : i32
        %dma_start3A_60 = tpu.memref_slice %arg2[%dma_start3A_58, %dma_start3A_59] : memref<40448x128xf32, #tpu.memory_space<hbm>> -> memref<40448x128xf32, #tpu.memory_space<hbm>>
        tpu.enqueue_indirect_dma source(%dma_start3A_60 : memref<40448x128xf32, #tpu.memory_space<hbm>>) target(%dma_start3A_54 : memref<64x128xf32, #tpu.memory_space<vmem>>) offsets(%dma_start3A_57 : memref<64xi32, #tpu.memory_space<vmem>>) semaphore(%arg9 : memref<!tpu.dma_semaphore, #tpu.memory_space<semaphore_mem>>)
      } else {
      }
      %run_scoped3A_44 = arith.constant 1 : i32
      "tpu.region"() ({
        %run_scoped3A_45 = tpu.sem_alloc : memref<!tpu.dma_semaphore, #tpu.memory_space<semaphore_mem>>
        %dma_start3A_46 = arith.constant 0 : i32
        %dma_start3A_47 = arith.constant 0 : i32
        %dma_start3A_48 = tpu.memref_slice %arg7[%rem3A_30, %dma_start3A_46, %dma_start3A_47] : memref<2x64x128xf32, #tpu.memory_space<vmem>> -> memref<1x64x128xf32, #tpu.memory_space<vmem>>
        %dma_start3A_49 = tpu.memref_squeeze %dma_start3A_48 : memref<1x64x128xf32, #tpu.memory_space<vmem>> -> memref<64x128xf32, #tpu.memory_space<vmem>>
        %dma_start3A_50 = arith.constant 0 : i32
        %dma_start3A_51 = tpu.memref_slice %arg6[%rem3A_30, %run_scoped3A_44, %dma_start3A_50] : memref<2x2x64xi32, #tpu.memory_space<vmem>> -> memref<1x1x64xi32, #tpu.memory_space<vmem>>
        %dma_start3A_52 = tpu.memref_squeeze %dma_start3A_51 : memref<1x1x64xi32, #tpu.memory_space<vmem>> -> memref<64xi32, #tpu.memory_space<vmem>>
        %dma_start3A_53 = arith.constant 0 : i32
        %dma_start3A_54 = arith.constant 0 : i32
        %dma_start3A_55 = tpu.memref_slice %arg8[%dma_start3A_53, %dma_start3A_54] : memref<10112x128xf32, #tpu.memory_space<vmem_shared>> -> memref<10112x128xf32, #tpu.memory_space<vmem_shared>>
        tpu.enqueue_indirect_dma source(%dma_start3A_49 : memref<64x128xf32, #tpu.memory_space<vmem>>) target(%dma_start3A_55 : memref<10112x128xf32, #tpu.memory_space<vmem_shared>>) offsets(%dma_start3A_52 : memref<64xi32, #tpu.memory_space<vmem>>) semaphore(%run_scoped3A_45 : memref<!tpu.dma_semaphore, #tpu.memory_space<semaphore_mem>>) {add = true}
        %dma_wait3A_56 = arith.constant 0 : i32
        %dma_wait3A_57 = arith.constant 0 : i32
        %dma_wait3A_58 = tpu.memref_slice %arg7[%rem3A_30, %dma_wait3A_56, %dma_wait3A_57] : memref<2x64x128xf32, #tpu.memory_space<vmem>> -> memref<1x64x128xf32, #tpu.memory_space<vmem>>
        %dma_wait3A_59 = tpu.memref_squeeze %dma_wait3A_58 : memref<1x64x128xf32, #tpu.memory_space<vmem>> -> memref<64x128xf32, #tpu.memory_space<vmem>>
        %dma_wait3A_60 = arith.constant 0 : i32
        %dma_wait3A_61 = tpu.memref_slice %arg6[%rem3A_30, %run_scoped3A_44, %dma_wait3A_60] : memref<2x2x64xi32, #tpu.memory_space<vmem>> -> memref<1x1x64xi32, #tpu.memory_space<vmem>>
        %dma_wait3A_62 = tpu.memref_squeeze %dma_wait3A_61 : memref<1x1x64xi32, #tpu.memory_space<vmem>> -> memref<64xi32, #tpu.memory_space<vmem>>
        %dma_wait3A_63 = arith.constant 0 : i32
        %dma_wait3A_64 = arith.constant 0 : i32
        %dma_wait3A_65 = tpu.memref_slice %arg8[%dma_wait3A_63, %dma_wait3A_64] : memref<10112x128xf32, #tpu.memory_space<vmem_shared>> -> memref<10112x128xf32, #tpu.memory_space<vmem_shared>>
        tpu.wait_indirect_dma semaphore(%run_scoped3A_45 : memref<!tpu.dma_semaphore, #tpu.memory_space<semaphore_mem>>) src(%dma_wait3A_59 : memref<64x128xf32, #tpu.memory_space<vmem>>) dst(%dma_wait3A_65 : memref<10112x128xf32, #tpu.memory_space<vmem_shared>>)
        tpu.yield
      }) : () -> ()
    }
    %scan3A_20 = arith.constant 316 : i32
    %barrier3A_21 = arith.constant 0 : index
    tpu.barrier barrier_id(%barrier3A_21)
    %mul3A_22 = arith.constant 632 : i32
    %mul3A_23 = arith.muli %arg1, %mul3A_22 : i32
    %mul3A_24 = arith.constant 10112 : i32
    %mul3A_25 = arith.muli %arg0, %mul3A_24 : i32
    %mul3A_26 = arith.constant 632 : i32
    %mul3A_27 = arith.muli %arg1, %mul3A_26 : i32
    %add3A_28 = arith.addi %mul3A_25, %mul3A_27 : i32
    "tpu.region"() ({
      %run_scoped3A_29 = tpu.sem_alloc : memref<!tpu.dma_semaphore, #tpu.memory_space<semaphore_mem>>
      %dma_start3A_30 = arith.constant 0 : i32
      %dma_start3A_31 = tpu.memref_slice %arg5[%add3A_28, %dma_start3A_30] : memref<20224x128xf32, #tpu.memory_space<hbm>> -> memref<632x128xf32, #tpu.memory_space<hbm>>
      %dma_start3A_32 = arith.constant 0 : i32
      %dma_start3A_33 = tpu.memref_slice %arg8[%mul3A_23, %dma_start3A_32] : memref<10112x128xf32, #tpu.memory_space<vmem_shared>> -> memref<632x128xf32, #tpu.memory_space<vmem_shared>>
      tpu.enqueue_dma source(%dma_start3A_33 : memref<632x128xf32, #tpu.memory_space<vmem_shared>>) target(%dma_start3A_31 : memref<632x128xf32, #tpu.memory_space<hbm>>) target_semaphore(%run_scoped3A_29 : memref<!tpu.dma_semaphore, #tpu.memory_space<semaphore_mem>>)
      %dma_wait3A = arith.constant 0 : i32
      %dma_wait3A_34 = tpu.memref_slice %arg5[%add3A_28, %dma_wait3A] : memref<20224x128xf32, #tpu.memory_space<hbm>> -> memref<632x128xf32, #tpu.memory_space<hbm>>
      %dma_wait3A_35 = arith.constant 0 : i32
      %dma_wait3A_36 = tpu.memref_slice %arg8[%mul3A_23, %dma_wait3A_35] : memref<10112x128xf32, #tpu.memory_space<vmem_shared>> -> memref<632x128xf32, #tpu.memory_space<vmem_shared>>
      tpu.wait_dma2 semaphore(%run_scoped3A_29 : memref<!tpu.dma_semaphore, #tpu.memory_space<semaphore_mem>>) src(%dma_wait3A_36 : memref<632x128xf32, #tpu.memory_space<vmem_shared>>) dst(%dma_wait3A_34 : memref<632x128xf32, #tpu.memory_space<hbm>>)
      tpu.yield
    }) : () -> ()
    return
  }
}

#map = affine_map<(d0, d1) -> (0, 0)>
#map1 = affine_map<(d0, d1) -> (0, 0, 0, 0)>
module attributes {stable_mosaic.version = 14 : i64} {
  func.func @body(%arg0: i32, %arg1: i32, %arg2: memref<40448x128xf32, #tpu.memory_space<hbm>>, %arg3: memref<32x316x3x64xi32, #tpu.memory_space<hbm>>, %arg4: memref<323584x16xf32, #tpu.memory_space<hbm>>, %arg5: memref<16x128xf32, #tpu.memory_space<hbm>>, %arg6: memref<632x128xf32, #tpu.memory_space<hbm>>, %arg7: memref<20224x128xf32, #tpu.memory_space<hbm>>, %arg8: memref<3x64xi32, #tpu.memory_space<vmem>>, %arg9: memref<64x16xf32, #tpu.memory_space<vmem>>, %arg10: memref<64x128xf32, #tpu.memory_space<vmem>>, %arg11: memref<64x128xf32, #tpu.memory_space<vmem>>, %arg12: memref<8x128xf32, #tpu.memory_space<vmem>>, %arg13: memref<10112x128xf32, #tpu.memory_space<vmem_shared>>, %arg14: memref<!tpu.dma_semaphore, #tpu.memory_space<semaphore_mem>>, %arg15: memref<!tpu.dma_semaphore, #tpu.memory_space<semaphore_mem>>) attributes {dimension_semantics = [#tpu.dimension_semantics<core_parallel>, #tpu.dimension_semantics<subcore_parallel>], iteration_bounds = array<i64: 2, 16>, scalar_prefetch = 0 : i64, scratch_operands = 8 : i64, tpu.core_type = #tpu.core_type<sc_vector_subcore>, window_params = [{transform_indices = #map}, {transform_indices = #map1}, {transform_indices = #map}, {transform_indices = #map}, {transform_indices = #map}, {transform_indices = #map}]} {
    %mul3A = arith.constant 632 : i32
    %mul3A_0 = arith.muli %arg1, %mul3A : i32
    "tpu.region"() ({
      %run_scoped3A = tpu.sem_alloc : memref<!tpu.dma_semaphore, #tpu.memory_space<semaphore_mem>>
      %dma_start3A = arith.constant 0 : i32
      %dma_start3A_213 = tpu.memref_slice %arg13[%mul3A_0, %dma_start3A] : memref<10112x128xf32, #tpu.memory_space<vmem_shared>> -> memref<632x128xf32, #tpu.memory_space<vmem_shared>>
      tpu.enqueue_dma source(%arg6 : memref<632x128xf32, #tpu.memory_space<hbm>>) target(%dma_start3A_213 : memref<632x128xf32, #tpu.memory_space<vmem_shared>>) target_semaphore(%run_scoped3A : memref<!tpu.dma_semaphore, #tpu.memory_space<semaphore_mem>>)
      %dma_wait3A = arith.constant 0 : i32
      %dma_wait3A_214 = tpu.memref_slice %arg13[%mul3A_0, %dma_wait3A] : memref<10112x128xf32, #tpu.memory_space<vmem_shared>> -> memref<632x128xf32, #tpu.memory_space<vmem_shared>>
      tpu.wait_dma2 semaphore(%run_scoped3A : memref<!tpu.dma_semaphore, #tpu.memory_space<semaphore_mem>>) src(%arg6 : memref<632x128xf32, #tpu.memory_space<hbm>>) dst(%dma_wait3A_214 : memref<632x128xf32, #tpu.memory_space<vmem_shared>>)
      tpu.yield
    }) : () -> ()
    %mul3A_1 = arith.constant 8 : i32
    %mul3A_2 = arith.muli %arg0, %mul3A_1 : i32
    "tpu.region"() ({
      %run_scoped3A = tpu.sem_alloc : memref<!tpu.dma_semaphore, #tpu.memory_space<semaphore_mem>>
      %dma_start3A = arith.constant 0 : i32
      %dma_start3A_213 = tpu.memref_slice %arg5[%mul3A_2, %dma_start3A] : memref<16x128xf32, #tpu.memory_space<hbm>> -> memref<8x128xf32, #tpu.memory_space<hbm>>
      %dma_start3A_214 = arith.constant 0 : i32
      %dma_start3A_215 = tpu.memref_slice %arg5[%mul3A_2, %dma_start3A_214] : memref<16x128xf32, #tpu.memory_space<hbm>> -> memref<8x128xf32, #tpu.memory_space<hbm>>
      tpu.enqueue_dma source(%dma_start3A_215 : memref<8x128xf32, #tpu.memory_space<hbm>>) target(%arg12 : memref<8x128xf32, #tpu.memory_space<vmem>>) target_semaphore(%run_scoped3A : memref<!tpu.dma_semaphore, #tpu.memory_space<semaphore_mem>>)
      %dma_wait3A = arith.constant 0 : i32
      %dma_wait3A_216 = tpu.memref_slice %arg5[%mul3A_2, %dma_wait3A] : memref<16x128xf32, #tpu.memory_space<hbm>> -> memref<8x128xf32, #tpu.memory_space<hbm>>
      %dma_wait3A_217 = arith.constant 0 : i32
      %dma_wait3A_218 = tpu.memref_slice %arg5[%mul3A_2, %dma_wait3A_217] : memref<16x128xf32, #tpu.memory_space<hbm>> -> memref<8x128xf32, #tpu.memory_space<hbm>>
      tpu.wait_dma2 semaphore(%run_scoped3A : memref<!tpu.dma_semaphore, #tpu.memory_space<semaphore_mem>>) src(%dma_wait3A_218 : memref<8x128xf32, #tpu.memory_space<hbm>>) dst(%arg12 : memref<8x128xf32, #tpu.memory_space<vmem>>)
      tpu.yield
    }) : () -> ()
    %barrier3A = arith.constant 0 : index
    tpu.barrier barrier_id(%barrier3A)
    %get3A = arith.constant 0 : i32
    %get3A_3 = arith.index_cast %get3A : i32 to index
    %get3A_4 = arith.constant 0 : index
    %get3A_5 = tpu.vector_load %arg12[%get3A_3, %get3A_4] {strides = array<i32>} : memref<8x128xf32, #tpu.memory_space<vmem>>, vector<1x16xf32>,
    %get3A_6 = vector.shape_cast %get3A_5 : vector<1x16xf32> to vector<16xf32>
    %get3A_7 = arith.constant 0 : i32
    %get3A_8 = arith.index_cast %get3A_7 : i32 to index
    %get3A_9 = arith.constant 16 : index
    %get3A_10 = tpu.vector_load %arg12[%get3A_8, %get3A_9] {strides = array<i32>} : memref<8x128xf32, #tpu.memory_space<vmem>>, vector<1x16xf32>,
    %get3A_11 = vector.shape_cast %get3A_10 : vector<1x16xf32> to vector<16xf32>
    %get3A_12 = arith.constant 0 : i32
    %get3A_13 = arith.index_cast %get3A_12 : i32 to index
    %get3A_14 = arith.constant 32 : index
    %get3A_15 = tpu.vector_load %arg12[%get3A_13, %get3A_14] {strides = array<i32>} : memref<8x128xf32, #tpu.memory_space<vmem>>, vector<1x16xf32>,
    %get3A_16 = vector.shape_cast %get3A_15 : vector<1x16xf32> to vector<16xf32>
    %get3A_17 = arith.constant 0 : i32
    %get3A_18 = arith.index_cast %get3A_17 : i32 to index
    %get3A_19 = arith.constant 48 : index
    %get3A_20 = tpu.vector_load %arg12[%get3A_18, %get3A_19] {strides = array<i32>} : memref<8x128xf32, #tpu.memory_space<vmem>>, vector<1x16xf32>,
    %get3A_21 = vector.shape_cast %get3A_20 : vector<1x16xf32> to vector<16xf32>
    %get3A_22 = arith.constant 0 : i32
    %get3A_23 = arith.index_cast %get3A_22 : i32 to index
    %get3A_24 = arith.constant 64 : index
    %get3A_25 = tpu.vector_load %arg12[%get3A_23, %get3A_24] {strides = array<i32>} : memref<8x128xf32, #tpu.memory_space<vmem>>, vector<1x16xf32>,
    %get3A_26 = vector.shape_cast %get3A_25 : vector<1x16xf32> to vector<16xf32>
    %get3A_27 = arith.constant 0 : i32
    %get3A_28 = arith.index_cast %get3A_27 : i32 to index
    %get3A_29 = arith.constant 80 : index
    %get3A_30 = tpu.vector_load %arg12[%get3A_28, %get3A_29] {strides = array<i32>} : memref<8x128xf32, #tpu.memory_space<vmem>>, vector<1x16xf32>,
    %get3A_31 = vector.shape_cast %get3A_30 : vector<1x16xf32> to vector<16xf32>
    %get3A_32 = arith.constant 0 : i32
    %get3A_33 = arith.index_cast %get3A_32 : i32 to index
    %get3A_34 = arith.constant 96 : index
    %get3A_35 = tpu.vector_load %arg12[%get3A_33, %get3A_34] {strides = array<i32>} : memref<8x128xf32, #tpu.memory_space<vmem>>, vector<1x16xf32>,
    %get3A_36 = vector.shape_cast %get3A_35 : vector<1x16xf32> to vector<16xf32>
    %get3A_37 = arith.constant 0 : i32
    %get3A_38 = arith.index_cast %get3A_37 : i32 to index
    %get3A_39 = arith.constant 112 : index
    %get3A_40 = tpu.vector_load %arg12[%get3A_38, %get3A_39] {strides = array<i32>} : memref<8x128xf32, #tpu.memory_space<vmem>>, vector<1x16xf32>,
    %get3A_41 = vector.shape_cast %get3A_40 : vector<1x16xf32> to vector<16xf32>
    %get3A_42 = arith.constant 1 : i32
    %get3A_43 = arith.index_cast %get3A_42 : i32 to index
    %get3A_44 = arith.constant 0 : index
    %get3A_45 = tpu.vector_load %arg12[%get3A_43, %get3A_44] {strides = array<i32>} : memref<8x128xf32, #tpu.memory_space<vmem>>, vector<1x16xf32>,
    %get3A_46 = vector.shape_cast %get3A_45 : vector<1x16xf32> to vector<16xf32>
    %get3A_47 = arith.constant 1 : i32
    %get3A_48 = arith.index_cast %get3A_47 : i32 to index
    %get3A_49 = arith.constant 16 : index
    %get3A_50 = tpu.vector_load %arg12[%get3A_48, %get3A_49] {strides = array<i32>} : memref<8x128xf32, #tpu.memory_space<vmem>>, vector<1x16xf32>,
    %get3A_51 = vector.shape_cast %get3A_50 : vector<1x16xf32> to vector<16xf32>
    %get3A_52 = arith.constant 1 : i32
    %get3A_53 = arith.index_cast %get3A_52 : i32 to index
    %get3A_54 = arith.constant 32 : index
    %get3A_55 = tpu.vector_load %arg12[%get3A_53, %get3A_54] {strides = array<i32>} : memref<8x128xf32, #tpu.memory_space<vmem>>, vector<1x16xf32>,
    %get3A_56 = vector.shape_cast %get3A_55 : vector<1x16xf32> to vector<16xf32>
    %get3A_57 = arith.constant 1 : i32
    %get3A_58 = arith.index_cast %get3A_57 : i32 to index
    %get3A_59 = arith.constant 48 : index
    %get3A_60 = tpu.vector_load %arg12[%get3A_58, %get3A_59] {strides = array<i32>} : memref<8x128xf32, #tpu.memory_space<vmem>>, vector<1x16xf32>,
    %get3A_61 = vector.shape_cast %get3A_60 : vector<1x16xf32> to vector<16xf32>
    %get3A_62 = arith.constant 1 : i32
    %get3A_63 = arith.index_cast %get3A_62 : i32 to index
    %get3A_64 = arith.constant 64 : index
    %get3A_65 = tpu.vector_load %arg12[%get3A_63, %get3A_64] {strides = array<i32>} : memref<8x128xf32, #tpu.memory_space<vmem>>, vector<1x16xf32>,
    %get3A_66 = vector.shape_cast %get3A_65 : vector<1x16xf32> to vector<16xf32>
    %get3A_67 = arith.constant 1 : i32
    %get3A_68 = arith.index_cast %get3A_67 : i32 to index
    %get3A_69 = arith.constant 80 : index
    %get3A_70 = tpu.vector_load %arg12[%get3A_68, %get3A_69] {strides = array<i32>} : memref<8x128xf32, #tpu.memory_space<vmem>>, vector<1x16xf32>,
    %get3A_71 = vector.shape_cast %get3A_70 : vector<1x16xf32> to vector<16xf32>
    %get3A_72 = arith.constant 1 : i32
    %get3A_73 = arith.index_cast %get3A_72 : i32 to index
    %get3A_74 = arith.constant 96 : index
    %get3A_75 = tpu.vector_load %arg12[%get3A_73, %get3A_74] {strides = array<i32>} : memref<8x128xf32, #tpu.memory_space<vmem>>, vector<1x16xf32>,
    %get3A_76 = vector.shape_cast %get3A_75 : vector<1x16xf32> to vector<16xf32>
    %get3A_77 = arith.constant 1 : i32
    %get3A_78 = arith.index_cast %get3A_77 : i32 to index
    %get3A_79 = arith.constant 112 : index
    %get3A_80 = tpu.vector_load %arg12[%get3A_78, %get3A_79] {strides = array<i32>} : memref<8x128xf32, #tpu.memory_space<vmem>>, vector<1x16xf32>,
    %get3A_81 = vector.shape_cast %get3A_80 : vector<1x16xf32> to vector<16xf32>
    %get3A_82 = arith.constant 2 : i32
    %get3A_83 = arith.index_cast %get3A_82 : i32 to index
    %get3A_84 = arith.constant 0 : index
    %get3A_85 = tpu.vector_load %arg12[%get3A_83, %get3A_84] {strides = array<i32>} : memref<8x128xf32, #tpu.memory_space<vmem>>, vector<1x16xf32>,
    %get3A_86 = vector.shape_cast %get3A_85 : vector<1x16xf32> to vector<16xf32>
    %get3A_87 = arith.constant 2 : i32
    %get3A_88 = arith.index_cast %get3A_87 : i32 to index
    %get3A_89 = arith.constant 16 : index
    %get3A_90 = tpu.vector_load %arg12[%get3A_88, %get3A_89] {strides = array<i32>} : memref<8x128xf32, #tpu.memory_space<vmem>>, vector<1x16xf32>,
    %get3A_91 = vector.shape_cast %get3A_90 : vector<1x16xf32> to vector<16xf32>
    %get3A_92 = arith.constant 2 : i32
    %get3A_93 = arith.index_cast %get3A_92 : i32 to index
    %get3A_94 = arith.constant 32 : index
    %get3A_95 = tpu.vector_load %arg12[%get3A_93, %get3A_94] {strides = array<i32>} : memref<8x128xf32, #tpu.memory_space<vmem>>, vector<1x16xf32>,
    %get3A_96 = vector.shape_cast %get3A_95 : vector<1x16xf32> to vector<16xf32>
    %get3A_97 = arith.constant 2 : i32
    %get3A_98 = arith.index_cast %get3A_97 : i32 to index
    %get3A_99 = arith.constant 48 : index
    %get3A_100 = tpu.vector_load %arg12[%get3A_98, %get3A_99] {strides = array<i32>} : memref<8x128xf32, #tpu.memory_space<vmem>>, vector<1x16xf32>,
    %get3A_101 = vector.shape_cast %get3A_100 : vector<1x16xf32> to vector<16xf32>
    %get3A_102 = arith.constant 2 : i32
    %get3A_103 = arith.index_cast %get3A_102 : i32 to index
    %get3A_104 = arith.constant 64 : index
    %get3A_105 = tpu.vector_load %arg12[%get3A_103, %get3A_104] {strides = array<i32>} : memref<8x128xf32, #tpu.memory_space<vmem>>, vector<1x16xf32>,
    %get3A_106 = vector.shape_cast %get3A_105 : vector<1x16xf32> to vector<16xf32>
    %get3A_107 = arith.constant 2 : i32
    %get3A_108 = arith.index_cast %get3A_107 : i32 to index
    %get3A_109 = arith.constant 80 : index
    %get3A_110 = tpu.vector_load %arg12[%get3A_108, %get3A_109] {strides = array<i32>} : memref<8x128xf32, #tpu.memory_space<vmem>>, vector<1x16xf32>,
    %get3A_111 = vector.shape_cast %get3A_110 : vector<1x16xf32> to vector<16xf32>
    %get3A_112 = arith.constant 2 : i32
    %get3A_113 = arith.index_cast %get3A_112 : i32 to index
    %get3A_114 = arith.constant 96 : index
    %get3A_115 = tpu.vector_load %arg12[%get3A_113, %get3A_114] {strides = array<i32>} : memref<8x128xf32, #tpu.memory_space<vmem>>, vector<1x16xf32>,
    %get3A_116 = vector.shape_cast %get3A_115 : vector<1x16xf32> to vector<16xf32>
    %get3A_117 = arith.constant 2 : i32
    %get3A_118 = arith.index_cast %get3A_117 : i32 to index
    %get3A_119 = arith.constant 112 : index
    %get3A_120 = tpu.vector_load %arg12[%get3A_118, %get3A_119] {strides = array<i32>} : memref<8x128xf32, #tpu.memory_space<vmem>>, vector<1x16xf32>,
    %get3A_121 = vector.shape_cast %get3A_120 : vector<1x16xf32> to vector<16xf32>
    %get3A_122 = arith.constant 3 : i32
    %get3A_123 = arith.index_cast %get3A_122 : i32 to index
    %get3A_124 = arith.constant 0 : index
    %get3A_125 = tpu.vector_load %arg12[%get3A_123, %get3A_124] {strides = array<i32>} : memref<8x128xf32, #tpu.memory_space<vmem>>, vector<1x16xf32>,
    %get3A_126 = vector.shape_cast %get3A_125 : vector<1x16xf32> to vector<16xf32>
    %get3A_127 = arith.constant 3 : i32
    %get3A_128 = arith.index_cast %get3A_127 : i32 to index
    %get3A_129 = arith.constant 16 : index
    %get3A_130 = tpu.vector_load %arg12[%get3A_128, %get3A_129] {strides = array<i32>} : memref<8x128xf32, #tpu.memory_space<vmem>>, vector<1x16xf32>,
    %get3A_131 = vector.shape_cast %get3A_130 : vector<1x16xf32> to vector<16xf32>
    %get3A_132 = arith.constant 3 : i32
    %get3A_133 = arith.index_cast %get3A_132 : i32 to index
    %get3A_134 = arith.constant 32 : index
    %get3A_135 = tpu.vector_load %arg12[%get3A_133, %get3A_134] {strides = array<i32>} : memref<8x128xf32, #tpu.memory_space<vmem>>, vector<1x16xf32>,
    %get3A_136 = vector.shape_cast %get3A_135 : vector<1x16xf32> to vector<16xf32>
    %get3A_137 = arith.constant 3 : i32
    %get3A_138 = arith.index_cast %get3A_137 : i32 to index
    %get3A_139 = arith.constant 48 : index
    %get3A_140 = tpu.vector_load %arg12[%get3A_138, %get3A_139] {strides = array<i32>} : memref<8x128xf32, #tpu.memory_space<vmem>>, vector<1x16xf32>,
    %get3A_141 = vector.shape_cast %get3A_140 : vector<1x16xf32> to vector<16xf32>
    %get3A_142 = arith.constant 3 : i32
    %get3A_143 = arith.index_cast %get3A_142 : i32 to index
    %get3A_144 = arith.constant 64 : index
    %get3A_145 = tpu.vector_load %arg12[%get3A_143, %get3A_144] {strides = array<i32>} : memref<8x128xf32, #tpu.memory_space<vmem>>, vector<1x16xf32>,
    %get3A_146 = vector.shape_cast %get3A_145 : vector<1x16xf32> to vector<16xf32>
    %get3A_147 = arith.constant 3 : i32
    %get3A_148 = arith.index_cast %get3A_147 : i32 to index
    %get3A_149 = arith.constant 80 : index
    %get3A_150 = tpu.vector_load %arg12[%get3A_148, %get3A_149] {strides = array<i32>} : memref<8x128xf32, #tpu.memory_space<vmem>>, vector<1x16xf32>,
    %get3A_151 = vector.shape_cast %get3A_150 : vector<1x16xf32> to vector<16xf32>
    %get3A_152 = arith.constant 3 : i32
    %get3A_153 = arith.index_cast %get3A_152 : i32 to index
    %get3A_154 = arith.constant 96 : index
    %get3A_155 = tpu.vector_load %arg12[%get3A_153, %get3A_154] {strides = array<i32>} : memref<8x128xf32, #tpu.memory_space<vmem>>, vector<1x16xf32>,
    %get3A_156 = vector.shape_cast %get3A_155 : vector<1x16xf32> to vector<16xf32>
    %get3A_157 = arith.constant 3 : i32
    %get3A_158 = arith.index_cast %get3A_157 : i32 to index
    %get3A_159 = arith.constant 112 : index
    %get3A_160 = tpu.vector_load %arg12[%get3A_158, %get3A_159] {strides = array<i32>} : memref<8x128xf32, #tpu.memory_space<vmem>>, vector<1x16xf32>,
    %get3A_161 = vector.shape_cast %get3A_160 : vector<1x16xf32> to vector<16xf32>
    %get3A_162 = arith.constant 4 : i32
    %get3A_163 = arith.index_cast %get3A_162 : i32 to index
    %get3A_164 = arith.constant 0 : index
    %get3A_165 = tpu.vector_load %arg12[%get3A_163, %get3A_164] {strides = array<i32>} : memref<8x128xf32, #tpu.memory_space<vmem>>, vector<1x16xf32>,
    %get3A_166 = vector.shape_cast %get3A_165 : vector<1x16xf32> to vector<16xf32>
    %get3A_167 = arith.constant 4 : i32
    %get3A_168 = arith.index_cast %get3A_167 : i32 to index
    %get3A_169 = arith.constant 16 : index
    %get3A_170 = tpu.vector_load %arg12[%get3A_168, %get3A_169] {strides = array<i32>} : memref<8x128xf32, #tpu.memory_space<vmem>>, vector<1x16xf32>,
    %get3A_171 = vector.shape_cast %get3A_170 : vector<1x16xf32> to vector<16xf32>
    %get3A_172 = arith.constant 4 : i32
    %get3A_173 = arith.index_cast %get3A_172 : i32 to index
    %get3A_174 = arith.constant 32 : index
    %get3A_175 = tpu.vector_load %arg12[%get3A_173, %get3A_174] {strides = array<i32>} : memref<8x128xf32, #tpu.memory_space<vmem>>, vector<1x16xf32>,
    %get3A_176 = vector.shape_cast %get3A_175 : vector<1x16xf32> to vector<16xf32>
    %get3A_177 = arith.constant 4 : i32
    %get3A_178 = arith.index_cast %get3A_177 : i32 to index
    %get3A_179 = arith.constant 48 : index
    %get3A_180 = tpu.vector_load %arg12[%get3A_178, %get3A_179] {strides = array<i32>} : memref<8x128xf32, #tpu.memory_space<vmem>>, vector<1x16xf32>,
    %get3A_181 = vector.shape_cast %get3A_180 : vector<1x16xf32> to vector<16xf32>
    %get3A_182 = arith.constant 4 : i32
    %get3A_183 = arith.index_cast %get3A_182 : i32 to index
    %get3A_184 = arith.constant 64 : index
    %get3A_185 = tpu.vector_load %arg12[%get3A_183, %get3A_184] {strides = array<i32>} : memref<8x128xf32, #tpu.memory_space<vmem>>, vector<1x16xf32>,
    %get3A_186 = vector.shape_cast %get3A_185 : vector<1x16xf32> to vector<16xf32>
    %get3A_187 = arith.constant 4 : i32
    %get3A_188 = arith.index_cast %get3A_187 : i32 to index
    %get3A_189 = arith.constant 80 : index
    %get3A_190 = tpu.vector_load %arg12[%get3A_188, %get3A_189] {strides = array<i32>} : memref<8x128xf32, #tpu.memory_space<vmem>>, vector<1x16xf32>,
    %get3A_191 = vector.shape_cast %get3A_190 : vector<1x16xf32> to vector<16xf32>
    %get3A_192 = arith.constant 4 : i32
    %get3A_193 = arith.index_cast %get3A_192 : i32 to index
    %get3A_194 = arith.constant 96 : index
    %get3A_195 = tpu.vector_load %arg12[%get3A_193, %get3A_194] {strides = array<i32>} : memref<8x128xf32, #tpu.memory_space<vmem>>, vector<1x16xf32>,
    %get3A_196 = vector.shape_cast %get3A_195 : vector<1x16xf32> to vector<16xf32>
    %get3A_197 = arith.constant 4 : i32
    %get3A_198 = arith.index_cast %get3A_197 : i32 to index
    %get3A_199 = arith.constant 112 : index
    %get3A_200 = tpu.vector_load %arg12[%get3A_198, %get3A_199] {strides = array<i32>} : memref<8x128xf32, #tpu.memory_space<vmem>>, vector<1x16xf32>,
    %get3A_201 = vector.shape_cast %get3A_200 : vector<1x16xf32> to vector<16xf32>
    %scan3A = arith.constant 0 : i32
    %scan3A_202 = arith.constant 316 : i32
    %scan3A_203 = arith.addi %scan3A, %scan3A_202 : i32
    %scan3A_204 = arith.constant 1 : i32
    scf.for %scan3A_213 = %scan3A to %scan3A_203 step %scan3A_204  : i32 {
      %mul3A_214 = arith.constant 16 : i32
      %mul3A_215 = arith.muli %arg0, %mul3A_214 : i32
      %add3A_216 = arith.addi %mul3A_215, %arg1 : i32
      "tpu.region"() ({
        %run_scoped3A_253 = tpu.sem_alloc : memref<!tpu.dma_semaphore, #tpu.memory_space<semaphore_mem>>
        %dma_start3A_254 = arith.constant 0 : i32
        %dma_start3A_255 = arith.constant 0 : i32
        %dma_start3A_256 = tpu.memref_slice %arg3[%add3A_216, %scan3A_213, %dma_start3A_254, %dma_start3A_255] : memref<32x316x3x64xi32, #tpu.memory_space<hbm>> -> memref<1x1x3x64xi32, #tpu.memory_space<hbm>>
        %dma_start3A_257 = tpu.memref_squeeze %dma_start3A_256 : memref<1x1x3x64xi32, #tpu.memory_space<hbm>> -> memref<3x64xi32, #tpu.memory_space<hbm>>
        %dma_start3A_258 = arith.constant 0 : i32
        %dma_start3A_259 = arith.constant 0 : i32
        %dma_start3A_260 = tpu.memref_slice %arg3[%add3A_216, %scan3A_213, %dma_start3A_258, %dma_start3A_259] : memref<32x316x3x64xi32, #tpu.memory_space<hbm>> -> memref<1x1x3x64xi32, #tpu.memory_space<hbm>>
        %dma_start3A_261 = tpu.memref_squeeze %dma_start3A_260 : memref<1x1x3x64xi32, #tpu.memory_space<hbm>> -> memref<3x64xi32, #tpu.memory_space<hbm>>
        tpu.enqueue_dma source(%dma_start3A_261 : memref<3x64xi32, #tpu.memory_space<hbm>>) target(%arg8 : memref<3x64xi32, #tpu.memory_space<vmem>>) target_semaphore(%run_scoped3A_253 : memref<!tpu.dma_semaphore, #tpu.memory_space<semaphore_mem>>)
        %dma_wait3A_262 = arith.constant 0 : i32
        %dma_wait3A_263 = arith.constant 0 : i32
        %dma_wait3A_264 = tpu.memref_slice %arg3[%add3A_216, %scan3A_213, %dma_wait3A_262, %dma_wait3A_263] : memref<32x316x3x64xi32, #tpu.memory_space<hbm>> -> memref<1x1x3x64xi32, #tpu.memory_space<hbm>>
        %dma_wait3A_265 = tpu.memref_squeeze %dma_wait3A_264 : memref<1x1x3x64xi32, #tpu.memory_space<hbm>> -> memref<3x64xi32, #tpu.memory_space<hbm>>
        %dma_wait3A_266 = arith.constant 0 : i32
        %dma_wait3A_267 = arith.constant 0 : i32
        %dma_wait3A_268 = tpu.memref_slice %arg3[%add3A_216, %scan3A_213, %dma_wait3A_266, %dma_wait3A_267] : memref<32x316x3x64xi32, #tpu.memory_space<hbm>> -> memref<1x1x3x64xi32, #tpu.memory_space<hbm>>
        %dma_wait3A_269 = tpu.memref_squeeze %dma_wait3A_268 : memref<1x1x3x64xi32, #tpu.memory_space<hbm>> -> memref<3x64xi32, #tpu.memory_space<hbm>>
        tpu.wait_dma2 semaphore(%run_scoped3A_253 : memref<!tpu.dma_semaphore, #tpu.memory_space<semaphore_mem>>) src(%dma_wait3A_269 : memref<3x64xi32, #tpu.memory_space<hbm>>) dst(%arg8 : memref<3x64xi32, #tpu.memory_space<vmem>>)
        tpu.yield
      }) : () -> ()
      %mul3A_217 = arith.constant 20224 : i32
      %mul3A_218 = arith.muli %arg1, %mul3A_217 : i32
      %mul3A_219 = arith.constant 64 : i32
      %mul3A_220 = arith.muli %scan3A_213, %mul3A_219 : i32
      %add3A_221 = arith.addi %mul3A_218, %mul3A_220 : i32
      "tpu.region"() ({
        %run_scoped3A_253 = tpu.sem_alloc : memref<!tpu.dma_semaphore, #tpu.memory_space<semaphore_mem>>
        %dma_start3A_254 = arith.constant 0 : i32
        %dma_start3A_255 = tpu.memref_slice %arg4[%add3A_221, %dma_start3A_254] : memref<323584x16xf32, #tpu.memory_space<hbm>> -> memref<64x16xf32, #tpu.memory_space<hbm>>
        %dma_start3A_256 = arith.constant 0 : i32
        %dma_start3A_257 = tpu.memref_slice %arg4[%add3A_221, %dma_start3A_256] : memref<323584x16xf32, #tpu.memory_space<hbm>> -> memref<64x16xf32, #tpu.memory_space<hbm>>
        tpu.enqueue_dma source(%dma_start3A_257 : memref<64x16xf32, #tpu.memory_space<hbm>>) target(%arg9 : memref<64x16xf32, #tpu.memory_space<vmem>>) target_semaphore(%run_scoped3A_253 : memref<!tpu.dma_semaphore, #tpu.memory_space<semaphore_mem>>)
        %dma_wait3A_258 = arith.constant 0 : i32
        %dma_wait3A_259 = tpu.memref_slice %arg4[%add3A_221, %dma_wait3A_258] : memref<323584x16xf32, #tpu.memory_space<hbm>> -> memref<64x16xf32, #tpu.memory_space<hbm>>
        %dma_wait3A_260 = arith.constant 0 : i32
        %dma_wait3A_261 = tpu.memref_slice %arg4[%add3A_221, %dma_wait3A_260] : memref<323584x16xf32, #tpu.memory_space<hbm>> -> memref<64x16xf32, #tpu.memory_space<hbm>>
        tpu.wait_dma2 semaphore(%run_scoped3A_253 : memref<!tpu.dma_semaphore, #tpu.memory_space<semaphore_mem>>) src(%dma_wait3A_261 : memref<64x16xf32, #tpu.memory_space<hbm>>) dst(%arg9 : memref<64x16xf32, #tpu.memory_space<vmem>>)
        tpu.yield
      }) : () -> ()
      %dma_start3A = arith.constant 0 : i32
      %dma_start3A_222 = arith.constant 0 : i32
      %dma_start3A_223 = tpu.memref_slice %arg8[%dma_start3A, %dma_start3A_222] : memref<3x64xi32, #tpu.memory_space<vmem>> -> memref<1x64xi32, #tpu.memory_space<vmem>>
      %dma_start3A_224 = tpu.memref_squeeze %dma_start3A_223 : memref<1x64xi32, #tpu.memory_space<vmem>> -> memref<64xi32, #tpu.memory_space<vmem>>
      %dma_start3A_225 = arith.constant 0 : i32
      %dma_start3A_226 = arith.constant 0 : i32
      %dma_start3A_227 = tpu.memref_slice %arg2[%dma_start3A_225, %dma_start3A_226] : memref<40448x128xf32, #tpu.memory_space<hbm>> -> memref<40448x128xf32, #tpu.memory_space<hbm>>
      tpu.enqueue_indirect_dma source(%dma_start3A_227 : memref<40448x128xf32, #tpu.memory_space<hbm>>) target(%arg10 : memref<64x128xf32, #tpu.memory_space<vmem>>) offsets(%dma_start3A_224 : memref<64xi32, #tpu.memory_space<vmem>>) semaphore(%arg14 : memref<!tpu.dma_semaphore, #tpu.memory_space<semaphore_mem>>)
      %dma_start3A_228 = arith.constant 1 : i32
      %dma_start3A_229 = arith.constant 0 : i32
      %dma_start3A_230 = tpu.memref_slice %arg8[%dma_start3A_228, %dma_start3A_229] : memref<3x64xi32, #tpu.memory_space<vmem>> -> memref<1x64xi32, #tpu.memory_space<vmem>>
      %dma_start3A_231 = tpu.memref_squeeze %dma_start3A_230 : memref<1x64xi32, #tpu.memory_space<vmem>> -> memref<64xi32, #tpu.memory_space<vmem>>
      %dma_start3A_232 = arith.constant 0 : i32
      %dma_start3A_233 = arith.constant 0 : i32
      %dma_start3A_234 = tpu.memref_slice %arg2[%dma_start3A_232, %dma_start3A_233] : memref<40448x128xf32, #tpu.memory_space<hbm>> -> memref<40448x128xf32, #tpu.memory_space<hbm>>
      tpu.enqueue_indirect_dma source(%dma_start3A_234 : memref<40448x128xf32, #tpu.memory_space<hbm>>) target(%arg11 : memref<64x128xf32, #tpu.memory_space<vmem>>) offsets(%dma_start3A_231 : memref<64xi32, #tpu.memory_space<vmem>>) semaphore(%arg15 : memref<!tpu.dma_semaphore, #tpu.memory_space<semaphore_mem>>)
      %dma_wait3A = arith.constant 0 : i32
      %dma_wait3A_235 = arith.constant 0 : i32
      %dma_wait3A_236 = tpu.memref_slice %arg8[%dma_wait3A, %dma_wait3A_235] : memref<3x64xi32, #tpu.memory_space<vmem>> -> memref<1x64xi32, #tpu.memory_space<vmem>>
      %dma_wait3A_237 = tpu.memref_squeeze %dma_wait3A_236 : memref<1x64xi32, #tpu.memory_space<vmem>> -> memref<64xi32, #tpu.memory_space<vmem>>
      %dma_wait3A_238 = arith.constant 0 : i32
      %dma_wait3A_239 = arith.constant 0 : i32
      %dma_wait3A_240 = tpu.memref_slice %arg2[%dma_wait3A_238, %dma_wait3A_239] : memref<40448x128xf32, #tpu.memory_space<hbm>> -> memref<40448x128xf32, #tpu.memory_space<hbm>>
      tpu.wait_indirect_dma semaphore(%arg14 : memref<!tpu.dma_semaphore, #tpu.memory_space<semaphore_mem>>) src(%dma_wait3A_240 : memref<40448x128xf32, #tpu.memory_space<hbm>>) dst(%arg10 : memref<64x128xf32, #tpu.memory_space<vmem>>)
      %dma_wait3A_241 = arith.constant 1 : i32
      %dma_wait3A_242 = arith.constant 0 : i32
      %dma_wait3A_243 = tpu.memref_slice %arg8[%dma_wait3A_241, %dma_wait3A_242] : memref<3x64xi32, #tpu.memory_space<vmem>> -> memref<1x64xi32, #tpu.memory_space<vmem>>
      %dma_wait3A_244 = tpu.memref_squeeze %dma_wait3A_243 : memref<1x64xi32, #tpu.memory_space<vmem>> -> memref<64xi32, #tpu.memory_space<vmem>>
      %dma_wait3A_245 = arith.constant 0 : i32
      %dma_wait3A_246 = arith.constant 0 : i32
      %dma_wait3A_247 = tpu.memref_slice %arg2[%dma_wait3A_245, %dma_wait3A_246] : memref<40448x128xf32, #tpu.memory_space<hbm>> -> memref<40448x128xf32, #tpu.memory_space<hbm>>
      tpu.wait_indirect_dma semaphore(%arg15 : memref<!tpu.dma_semaphore, #tpu.memory_space<semaphore_mem>>) src(%dma_wait3A_247 : memref<40448x128xf32, #tpu.memory_space<hbm>>) dst(%arg11 : memref<64x128xf32, #tpu.memory_space<vmem>>)
      %scan3A_248 = arith.constant 0 : i32
      %scan3A_249 = arith.constant 64 : i32
      %scan3A_250 = arith.addi %scan3A_248, %scan3A_249 : i32
      %scan3A_251 = arith.constant 1 : i32
      scf.for %scan3A_253 = %scan3A_248 to %scan3A_250 step %scan3A_251  : i32 {
        %get3A_254 = arith.index_cast %scan3A_253 : i32 to index
        %get3A_255 = arith.constant 0 : index
        %get3A_256 = tpu.vector_load %arg9[%get3A_254, %get3A_255] {strides = array<i32>} : memref<64x16xf32, #tpu.memory_space<vmem>>, vector<1x16xf32>,
        %get3A_257 = vector.shape_cast %get3A_256 : vector<1x16xf32> to vector<16xf32>
        %slice3A = vector.extract_strided_slice %get3A_257 {offsets = [0], sizes = [1], strides = [1]} : vector<16xf32> to vector<1xf32>
        %squeeze3A = vector.extract %slice3A[0] : f32 from vector<1xf32>
        %slice3A_258 = vector.extract_strided_slice %get3A_257 {offsets = [1], sizes = [1], strides = [1]} : vector<16xf32> to vector<1xf32>
        %squeeze3A_259 = vector.extract %slice3A_258[0] : f32 from vector<1xf32>
        %slice3A_260 = vector.extract_strided_slice %get3A_257 {offsets = [2], sizes = [1], strides = [1]} : vector<16xf32> to vector<1xf32>
        %squeeze3A_261 = vector.extract %slice3A_260[0] : f32 from vector<1xf32>
        %slice3A_262 = vector.extract_strided_slice %get3A_257 {offsets = [3], sizes = [1], strides = [1]} : vector<16xf32> to vector<1xf32>
        %squeeze3A_263 = vector.extract %slice3A_262[0] : f32 from vector<1xf32>
        %get3A_264 = arith.index_cast %scan3A_253 : i32 to index
        %get3A_265 = arith.constant 0 : index
        %get3A_266 = tpu.vector_load %arg10[%get3A_264, %get3A_265] {strides = array<i32>} : memref<64x128xf32, #tpu.memory_space<vmem>>, vector<1x16xf32>,
        %get3A_267 = vector.shape_cast %get3A_266 : vector<1x16xf32> to vector<16xf32>
        %get3A_268 = arith.index_cast %scan3A_253 : i32 to index
        %get3A_269 = arith.constant 0 : index
        %get3A_270 = tpu.vector_load %arg11[%get3A_268, %get3A_269] {strides = array<i32>} : memref<64x128xf32, #tpu.memory_space<vmem>>, vector<1x16xf32>,
        %get3A_271 = vector.shape_cast %get3A_270 : vector<1x16xf32> to vector<16xf32>
        %add3A_272 = arith.addf %get3A_267, %get3A_271 : vector<16xf32>
        %add3A_273 = arith.addf %add3A_272, %get3A_166 : vector<16xf32>
        %mul3A_274 = vector.broadcast %squeeze3A : f32 to vector<16xf32>
        %mul3A_275 = arith.mulf %get3A_6, %mul3A_274 : vector<16xf32>
        %add3A_276 = arith.addf %add3A_273, %mul3A_275 : vector<16xf32>
        %mul3A_277 = vector.broadcast %squeeze3A_259 : f32 to vector<16xf32>
        %mul3A_278 = arith.mulf %get3A_46, %mul3A_277 : vector<16xf32>
        %add3A_279 = arith.addf %add3A_276, %mul3A_278 : vector<16xf32>
        %mul3A_280 = vector.broadcast %squeeze3A_261 : f32 to vector<16xf32>
        %mul3A_281 = arith.mulf %get3A_86, %mul3A_280 : vector<16xf32>
        %add3A_282 = arith.addf %add3A_279, %mul3A_281 : vector<16xf32>
        %mul3A_283 = vector.broadcast %squeeze3A_263 : f32 to vector<16xf32>
        %mul3A_284 = arith.mulf %get3A_126, %mul3A_283 : vector<16xf32>
        %add3A_285 = arith.addf %add3A_282, %mul3A_284 : vector<16xf32>
        %gt3A = arith.constant 0.000000e+00 : f32
        %gt3A_286 = vector.broadcast %gt3A : f32 to vector<16xf32>
        %gt3A_287 = arith.cmpf ogt, %add3A_285, %gt3A_286 : vector<16xf32>
        %mul3A_288 = arith.constant 2.000000e-01 : f32
        %mul3A_289 = vector.broadcast %mul3A_288 : f32 to vector<16xf32>
        %mul3A_290 = arith.mulf %mul3A_289, %add3A_285 : vector<16xf32>
        %select_n3A = arith.select %gt3A_287, %add3A_285, %mul3A_290 : vector<16xi1>, vector<16xf32>
        %swap3A = arith.index_cast %scan3A_253 : i32 to index
        %swap3A_291 = arith.constant 0 : index
        %swap3A_292 = tpu.vector_load %arg10[%swap3A, %swap3A_291] {strides = array<i32>} : memref<64x128xf32, #tpu.memory_space<vmem>>, vector<1x16xf32>,
        %swap3A_293 = vector.shape_cast %swap3A_292 : vector<1x16xf32> to vector<16xf32>
        %swap3A_294 = vector.shape_cast %select_n3A : vector<16xf32> to vector<1x16xf32>
        tpu.vector_store %arg10[%swap3A, %swap3A_291], %swap3A_294 {strides = array<i32>} : memref<64x128xf32, #tpu.memory_space<vmem>>, vector<1x16xf32>,
        %get3A_295 = arith.index_cast %scan3A_253 : i32 to index
        %get3A_296 = arith.constant 16 : index
        %get3A_297 = tpu.vector_load %arg10[%get3A_295, %get3A_296] {strides = array<i32>} : memref<64x128xf32, #tpu.memory_space<vmem>>, vector<1x16xf32>,
        %get3A_298 = vector.shape_cast %get3A_297 : vector<1x16xf32> to vector<16xf32>
        %get3A_299 = arith.index_cast %scan3A_253 : i32 to index
        %get3A_300 = arith.constant 16 : index
        %get3A_301 = tpu.vector_load %arg11[%get3A_299, %get3A_300] {strides = array<i32>} : memref<64x128xf32, #tpu.memory_space<vmem>>, vector<1x16xf32>,
        %get3A_302 = vector.shape_cast %get3A_301 : vector<1x16xf32> to vector<16xf32>
        %add3A_303 = arith.addf %get3A_298, %get3A_302 : vector<16xf32>
        %add3A_304 = arith.addf %add3A_303, %get3A_171 : vector<16xf32>
        %mul3A_305 = vector.broadcast %squeeze3A : f32 to vector<16xf32>
        %mul3A_306 = arith.mulf %get3A_11, %mul3A_305 : vector<16xf32>
        %add3A_307 = arith.addf %add3A_304, %mul3A_306 : vector<16xf32>
        %mul3A_308 = vector.broadcast %squeeze3A_259 : f32 to vector<16xf32>
        %mul3A_309 = arith.mulf %get3A_51, %mul3A_308 : vector<16xf32>
        %add3A_310 = arith.addf %add3A_307, %mul3A_309 : vector<16xf32>
        %mul3A_311 = vector.broadcast %squeeze3A_261 : f32 to vector<16xf32>
        %mul3A_312 = arith.mulf %get3A_91, %mul3A_311 : vector<16xf32>
        %add3A_313 = arith.addf %add3A_310, %mul3A_312 : vector<16xf32>
        %mul3A_314 = vector.broadcast %squeeze3A_263 : f32 to vector<16xf32>
        %mul3A_315 = arith.mulf %get3A_131, %mul3A_314 : vector<16xf32>
        %add3A_316 = arith.addf %add3A_313, %mul3A_315 : vector<16xf32>
        %gt3A_317 = arith.constant 0.000000e+00 : f32
        %gt3A_318 = vector.broadcast %gt3A_317 : f32 to vector<16xf32>
        %gt3A_319 = arith.cmpf ogt, %add3A_316, %gt3A_318 : vector<16xf32>
        %mul3A_320 = arith.constant 2.000000e-01 : f32
        %mul3A_321 = vector.broadcast %mul3A_320 : f32 to vector<16xf32>
        %mul3A_322 = arith.mulf %mul3A_321, %add3A_316 : vector<16xf32>
        %select_n3A_323 = arith.select %gt3A_319, %add3A_316, %mul3A_322 : vector<16xi1>, vector<16xf32>
        %swap3A_324 = arith.index_cast %scan3A_253 : i32 to index
        %swap3A_325 = arith.constant 16 : index
        %swap3A_326 = tpu.vector_load %arg10[%swap3A_324, %swap3A_325] {strides = array<i32>} : memref<64x128xf32, #tpu.memory_space<vmem>>, vector<1x16xf32>,
        %swap3A_327 = vector.shape_cast %swap3A_326 : vector<1x16xf32> to vector<16xf32>
        %swap3A_328 = vector.shape_cast %select_n3A_323 : vector<16xf32> to vector<1x16xf32>
        tpu.vector_store %arg10[%swap3A_324, %swap3A_325], %swap3A_328 {strides = array<i32>} : memref<64x128xf32, #tpu.memory_space<vmem>>, vector<1x16xf32>,
        %get3A_329 = arith.index_cast %scan3A_253 : i32 to index
        %get3A_330 = arith.constant 32 : index
        %get3A_331 = tpu.vector_load %arg10[%get3A_329, %get3A_330] {strides = array<i32>} : memref<64x128xf32, #tpu.memory_space<vmem>>, vector<1x16xf32>,
        %get3A_332 = vector.shape_cast %get3A_331 : vector<1x16xf32> to vector<16xf32>
        %get3A_333 = arith.index_cast %scan3A_253 : i32 to index
        %get3A_334 = arith.constant 32 : index
        %get3A_335 = tpu.vector_load %arg11[%get3A_333, %get3A_334] {strides = array<i32>} : memref<64x128xf32, #tpu.memory_space<vmem>>, vector<1x16xf32>,
        %get3A_336 = vector.shape_cast %get3A_335 : vector<1x16xf32> to vector<16xf32>
        %add3A_337 = arith.addf %get3A_332, %get3A_336 : vector<16xf32>
        %add3A_338 = arith.addf %add3A_337, %get3A_176 : vector<16xf32>
        %mul3A_339 = vector.broadcast %squeeze3A : f32 to vector<16xf32>
        %mul3A_340 = arith.mulf %get3A_16, %mul3A_339 : vector<16xf32>
        %add3A_341 = arith.addf %add3A_338, %mul3A_340 : vector<16xf32>
        %mul3A_342 = vector.broadcast %squeeze3A_259 : f32 to vector<16xf32>
        %mul3A_343 = arith.mulf %get3A_56, %mul3A_342 : vector<16xf32>
        %add3A_344 = arith.addf %add3A_341, %mul3A_343 : vector<16xf32>
        %mul3A_345 = vector.broadcast %squeeze3A_261 : f32 to vector<16xf32>
        %mul3A_346 = arith.mulf %get3A_96, %mul3A_345 : vector<16xf32>
        %add3A_347 = arith.addf %add3A_344, %mul3A_346 : vector<16xf32>
        %mul3A_348 = vector.broadcast %squeeze3A_263 : f32 to vector<16xf32>
        %mul3A_349 = arith.mulf %get3A_136, %mul3A_348 : vector<16xf32>
        %add3A_350 = arith.addf %add3A_347, %mul3A_349 : vector<16xf32>
        %gt3A_351 = arith.constant 0.000000e+00 : f32
        %gt3A_352 = vector.broadcast %gt3A_351 : f32 to vector<16xf32>
        %gt3A_353 = arith.cmpf ogt, %add3A_350, %gt3A_352 : vector<16xf32>
        %mul3A_354 = arith.constant 2.000000e-01 : f32
        %mul3A_355 = vector.broadcast %mul3A_354 : f32 to vector<16xf32>
        %mul3A_356 = arith.mulf %mul3A_355, %add3A_350 : vector<16xf32>
        %select_n3A_357 = arith.select %gt3A_353, %add3A_350, %mul3A_356 : vector<16xi1>, vector<16xf32>
        %swap3A_358 = arith.index_cast %scan3A_253 : i32 to index
        %swap3A_359 = arith.constant 32 : index
        %swap3A_360 = tpu.vector_load %arg10[%swap3A_358, %swap3A_359] {strides = array<i32>} : memref<64x128xf32, #tpu.memory_space<vmem>>, vector<1x16xf32>,
        %swap3A_361 = vector.shape_cast %swap3A_360 : vector<1x16xf32> to vector<16xf32>
        %swap3A_362 = vector.shape_cast %select_n3A_357 : vector<16xf32> to vector<1x16xf32>
        tpu.vector_store %arg10[%swap3A_358, %swap3A_359], %swap3A_362 {strides = array<i32>} : memref<64x128xf32, #tpu.memory_space<vmem>>, vector<1x16xf32>,
        %get3A_363 = arith.index_cast %scan3A_253 : i32 to index
        %get3A_364 = arith.constant 48 : index
        %get3A_365 = tpu.vector_load %arg10[%get3A_363, %get3A_364] {strides = array<i32>} : memref<64x128xf32, #tpu.memory_space<vmem>>, vector<1x16xf32>,
        %get3A_366 = vector.shape_cast %get3A_365 : vector<1x16xf32> to vector<16xf32>
        %get3A_367 = arith.index_cast %scan3A_253 : i32 to index
        %get3A_368 = arith.constant 48 : index
        %get3A_369 = tpu.vector_load %arg11[%get3A_367, %get3A_368] {strides = array<i32>} : memref<64x128xf32, #tpu.memory_space<vmem>>, vector<1x16xf32>,
        %get3A_370 = vector.shape_cast %get3A_369 : vector<1x16xf32> to vector<16xf32>
        %add3A_371 = arith.addf %get3A_366, %get3A_370 : vector<16xf32>
        %add3A_372 = arith.addf %add3A_371, %get3A_181 : vector<16xf32>
        %mul3A_373 = vector.broadcast %squeeze3A : f32 to vector<16xf32>
        %mul3A_374 = arith.mulf %get3A_21, %mul3A_373 : vector<16xf32>
        %add3A_375 = arith.addf %add3A_372, %mul3A_374 : vector<16xf32>
        %mul3A_376 = vector.broadcast %squeeze3A_259 : f32 to vector<16xf32>
        %mul3A_377 = arith.mulf %get3A_61, %mul3A_376 : vector<16xf32>
        %add3A_378 = arith.addf %add3A_375, %mul3A_377 : vector<16xf32>
        %mul3A_379 = vector.broadcast %squeeze3A_261 : f32 to vector<16xf32>
        %mul3A_380 = arith.mulf %get3A_101, %mul3A_379 : vector<16xf32>
        %add3A_381 = arith.addf %add3A_378, %mul3A_380 : vector<16xf32>
        %mul3A_382 = vector.broadcast %squeeze3A_263 : f32 to vector<16xf32>
        %mul3A_383 = arith.mulf %get3A_141, %mul3A_382 : vector<16xf32>
        %add3A_384 = arith.addf %add3A_381, %mul3A_383 : vector<16xf32>
        %gt3A_385 = arith.constant 0.000000e+00 : f32
        %gt3A_386 = vector.broadcast %gt3A_385 : f32 to vector<16xf32>
        %gt3A_387 = arith.cmpf ogt, %add3A_384, %gt3A_386 : vector<16xf32>
        %mul3A_388 = arith.constant 2.000000e-01 : f32
        %mul3A_389 = vector.broadcast %mul3A_388 : f32 to vector<16xf32>
        %mul3A_390 = arith.mulf %mul3A_389, %add3A_384 : vector<16xf32>
        %select_n3A_391 = arith.select %gt3A_387, %add3A_384, %mul3A_390 : vector<16xi1>, vector<16xf32>
        %swap3A_392 = arith.index_cast %scan3A_253 : i32 to index
        %swap3A_393 = arith.constant 48 : index
        %swap3A_394 = tpu.vector_load %arg10[%swap3A_392, %swap3A_393] {strides = array<i32>} : memref<64x128xf32, #tpu.memory_space<vmem>>, vector<1x16xf32>,
        %swap3A_395 = vector.shape_cast %swap3A_394 : vector<1x16xf32> to vector<16xf32>
        %swap3A_396 = vector.shape_cast %select_n3A_391 : vector<16xf32> to vector<1x16xf32>
        tpu.vector_store %arg10[%swap3A_392, %swap3A_393], %swap3A_396 {strides = array<i32>} : memref<64x128xf32, #tpu.memory_space<vmem>>, vector<1x16xf32>,
        %get3A_397 = arith.index_cast %scan3A_253 : i32 to index
        %get3A_398 = arith.constant 64 : index
        %get3A_399 = tpu.vector_load %arg10[%get3A_397, %get3A_398] {strides = array<i32>} : memref<64x128xf32, #tpu.memory_space<vmem>>, vector<1x16xf32>,
        %get3A_400 = vector.shape_cast %get3A_399 : vector<1x16xf32> to vector<16xf32>
        %get3A_401 = arith.index_cast %scan3A_253 : i32 to index
        %get3A_402 = arith.constant 64 : index
        %get3A_403 = tpu.vector_load %arg11[%get3A_401, %get3A_402] {strides = array<i32>} : memref<64x128xf32, #tpu.memory_space<vmem>>, vector<1x16xf32>,
        %get3A_404 = vector.shape_cast %get3A_403 : vector<1x16xf32> to vector<16xf32>
        %add3A_405 = arith.addf %get3A_400, %get3A_404 : vector<16xf32>
        %add3A_406 = arith.addf %add3A_405, %get3A_186 : vector<16xf32>
        %mul3A_407 = vector.broadcast %squeeze3A : f32 to vector<16xf32>
        %mul3A_408 = arith.mulf %get3A_26, %mul3A_407 : vector<16xf32>
        %add3A_409 = arith.addf %add3A_406, %mul3A_408 : vector<16xf32>
        %mul3A_410 = vector.broadcast %squeeze3A_259 : f32 to vector<16xf32>
        %mul3A_411 = arith.mulf %get3A_66, %mul3A_410 : vector<16xf32>
        %add3A_412 = arith.addf %add3A_409, %mul3A_411 : vector<16xf32>
        %mul3A_413 = vector.broadcast %squeeze3A_261 : f32 to vector<16xf32>
        %mul3A_414 = arith.mulf %get3A_106, %mul3A_413 : vector<16xf32>
        %add3A_415 = arith.addf %add3A_412, %mul3A_414 : vector<16xf32>
        %mul3A_416 = vector.broadcast %squeeze3A_263 : f32 to vector<16xf32>
        %mul3A_417 = arith.mulf %get3A_146, %mul3A_416 : vector<16xf32>
        %add3A_418 = arith.addf %add3A_415, %mul3A_417 : vector<16xf32>
        %gt3A_419 = arith.constant 0.000000e+00 : f32
        %gt3A_420 = vector.broadcast %gt3A_419 : f32 to vector<16xf32>
        %gt3A_421 = arith.cmpf ogt, %add3A_418, %gt3A_420 : vector<16xf32>
        %mul3A_422 = arith.constant 2.000000e-01 : f32
        %mul3A_423 = vector.broadcast %mul3A_422 : f32 to vector<16xf32>
        %mul3A_424 = arith.mulf %mul3A_423, %add3A_418 : vector<16xf32>
        %select_n3A_425 = arith.select %gt3A_421, %add3A_418, %mul3A_424 : vector<16xi1>, vector<16xf32>
        %swap3A_426 = arith.index_cast %scan3A_253 : i32 to index
        %swap3A_427 = arith.constant 64 : index
        %swap3A_428 = tpu.vector_load %arg10[%swap3A_426, %swap3A_427] {strides = array<i32>} : memref<64x128xf32, #tpu.memory_space<vmem>>, vector<1x16xf32>,
        %swap3A_429 = vector.shape_cast %swap3A_428 : vector<1x16xf32> to vector<16xf32>
        %swap3A_430 = vector.shape_cast %select_n3A_425 : vector<16xf32> to vector<1x16xf32>
        tpu.vector_store %arg10[%swap3A_426, %swap3A_427], %swap3A_430 {strides = array<i32>} : memref<64x128xf32, #tpu.memory_space<vmem>>, vector<1x16xf32>,
        %get3A_431 = arith.index_cast %scan3A_253 : i32 to index
        %get3A_432 = arith.constant 80 : index
        %get3A_433 = tpu.vector_load %arg10[%get3A_431, %get3A_432] {strides = array<i32>} : memref<64x128xf32, #tpu.memory_space<vmem>>, vector<1x16xf32>,
        %get3A_434 = vector.shape_cast %get3A_433 : vector<1x16xf32> to vector<16xf32>
        %get3A_435 = arith.index_cast %scan3A_253 : i32 to index
        %get3A_436 = arith.constant 80 : index
        %get3A_437 = tpu.vector_load %arg11[%get3A_435, %get3A_436] {strides = array<i32>} : memref<64x128xf32, #tpu.memory_space<vmem>>, vector<1x16xf32>,
        %get3A_438 = vector.shape_cast %get3A_437 : vector<1x16xf32> to vector<16xf32>
        %add3A_439 = arith.addf %get3A_434, %get3A_438 : vector<16xf32>
        %add3A_440 = arith.addf %add3A_439, %get3A_191 : vector<16xf32>
        %mul3A_441 = vector.broadcast %squeeze3A : f32 to vector<16xf32>
        %mul3A_442 = arith.mulf %get3A_31, %mul3A_441 : vector<16xf32>
        %add3A_443 = arith.addf %add3A_440, %mul3A_442 : vector<16xf32>
        %mul3A_444 = vector.broadcast %squeeze3A_259 : f32 to vector<16xf32>
        %mul3A_445 = arith.mulf %get3A_71, %mul3A_444 : vector<16xf32>
        %add3A_446 = arith.addf %add3A_443, %mul3A_445 : vector<16xf32>
        %mul3A_447 = vector.broadcast %squeeze3A_261 : f32 to vector<16xf32>
        %mul3A_448 = arith.mulf %get3A_111, %mul3A_447 : vector<16xf32>
        %add3A_449 = arith.addf %add3A_446, %mul3A_448 : vector<16xf32>
        %mul3A_450 = vector.broadcast %squeeze3A_263 : f32 to vector<16xf32>
        %mul3A_451 = arith.mulf %get3A_151, %mul3A_450 : vector<16xf32>
        %add3A_452 = arith.addf %add3A_449, %mul3A_451 : vector<16xf32>
        %gt3A_453 = arith.constant 0.000000e+00 : f32
        %gt3A_454 = vector.broadcast %gt3A_453 : f32 to vector<16xf32>
        %gt3A_455 = arith.cmpf ogt, %add3A_452, %gt3A_454 : vector<16xf32>
        %mul3A_456 = arith.constant 2.000000e-01 : f32
        %mul3A_457 = vector.broadcast %mul3A_456 : f32 to vector<16xf32>
        %mul3A_458 = arith.mulf %mul3A_457, %add3A_452 : vector<16xf32>
        %select_n3A_459 = arith.select %gt3A_455, %add3A_452, %mul3A_458 : vector<16xi1>, vector<16xf32>
        %swap3A_460 = arith.index_cast %scan3A_253 : i32 to index
        %swap3A_461 = arith.constant 80 : index
        %swap3A_462 = tpu.vector_load %arg10[%swap3A_460, %swap3A_461] {strides = array<i32>} : memref<64x128xf32, #tpu.memory_space<vmem>>, vector<1x16xf32>,
        %swap3A_463 = vector.shape_cast %swap3A_462 : vector<1x16xf32> to vector<16xf32>
        %swap3A_464 = vector.shape_cast %select_n3A_459 : vector<16xf32> to vector<1x16xf32>
        tpu.vector_store %arg10[%swap3A_460, %swap3A_461], %swap3A_464 {strides = array<i32>} : memref<64x128xf32, #tpu.memory_space<vmem>>, vector<1x16xf32>,
        %get3A_465 = arith.index_cast %scan3A_253 : i32 to index
        %get3A_466 = arith.constant 96 : index
        %get3A_467 = tpu.vector_load %arg10[%get3A_465, %get3A_466] {strides = array<i32>} : memref<64x128xf32, #tpu.memory_space<vmem>>, vector<1x16xf32>,
        %get3A_468 = vector.shape_cast %get3A_467 : vector<1x16xf32> to vector<16xf32>
        %get3A_469 = arith.index_cast %scan3A_253 : i32 to index
        %get3A_470 = arith.constant 96 : index
        %get3A_471 = tpu.vector_load %arg11[%get3A_469, %get3A_470] {strides = array<i32>} : memref<64x128xf32, #tpu.memory_space<vmem>>, vector<1x16xf32>,
        %get3A_472 = vector.shape_cast %get3A_471 : vector<1x16xf32> to vector<16xf32>
        %add3A_473 = arith.addf %get3A_468, %get3A_472 : vector<16xf32>
        %add3A_474 = arith.addf %add3A_473, %get3A_196 : vector<16xf32>
        %mul3A_475 = vector.broadcast %squeeze3A : f32 to vector<16xf32>
        %mul3A_476 = arith.mulf %get3A_36, %mul3A_475 : vector<16xf32>
        %add3A_477 = arith.addf %add3A_474, %mul3A_476 : vector<16xf32>
        %mul3A_478 = vector.broadcast %squeeze3A_259 : f32 to vector<16xf32>
        %mul3A_479 = arith.mulf %get3A_76, %mul3A_478 : vector<16xf32>
        %add3A_480 = arith.addf %add3A_477, %mul3A_479 : vector<16xf32>
        %mul3A_481 = vector.broadcast %squeeze3A_261 : f32 to vector<16xf32>
        %mul3A_482 = arith.mulf %get3A_116, %mul3A_481 : vector<16xf32>
        %add3A_483 = arith.addf %add3A_480, %mul3A_482 : vector<16xf32>
        %mul3A_484 = vector.broadcast %squeeze3A_263 : f32 to vector<16xf32>
        %mul3A_485 = arith.mulf %get3A_156, %mul3A_484 : vector<16xf32>
        %add3A_486 = arith.addf %add3A_483, %mul3A_485 : vector<16xf32>
        %gt3A_487 = arith.constant 0.000000e+00 : f32
        %gt3A_488 = vector.broadcast %gt3A_487 : f32 to vector<16xf32>
        %gt3A_489 = arith.cmpf ogt, %add3A_486, %gt3A_488 : vector<16xf32>
        %mul3A_490 = arith.constant 2.000000e-01 : f32
        %mul3A_491 = vector.broadcast %mul3A_490 : f32 to vector<16xf32>
        %mul3A_492 = arith.mulf %mul3A_491, %add3A_486 : vector<16xf32>
        %select_n3A_493 = arith.select %gt3A_489, %add3A_486, %mul3A_492 : vector<16xi1>, vector<16xf32>
        %swap3A_494 = arith.index_cast %scan3A_253 : i32 to index
        %swap3A_495 = arith.constant 96 : index
        %swap3A_496 = tpu.vector_load %arg10[%swap3A_494, %swap3A_495] {strides = array<i32>} : memref<64x128xf32, #tpu.memory_space<vmem>>, vector<1x16xf32>,
        %swap3A_497 = vector.shape_cast %swap3A_496 : vector<1x16xf32> to vector<16xf32>
        %swap3A_498 = vector.shape_cast %select_n3A_493 : vector<16xf32> to vector<1x16xf32>
        tpu.vector_store %arg10[%swap3A_494, %swap3A_495], %swap3A_498 {strides = array<i32>} : memref<64x128xf32, #tpu.memory_space<vmem>>, vector<1x16xf32>,
        %get3A_499 = arith.index_cast %scan3A_253 : i32 to index
        %get3A_500 = arith.constant 112 : index
        %get3A_501 = tpu.vector_load %arg10[%get3A_499, %get3A_500] {strides = array<i32>} : memref<64x128xf32, #tpu.memory_space<vmem>>, vector<1x16xf32>,
        %get3A_502 = vector.shape_cast %get3A_501 : vector<1x16xf32> to vector<16xf32>
        %get3A_503 = arith.index_cast %scan3A_253 : i32 to index
        %get3A_504 = arith.constant 112 : index
        %get3A_505 = tpu.vector_load %arg11[%get3A_503, %get3A_504] {strides = array<i32>} : memref<64x128xf32, #tpu.memory_space<vmem>>, vector<1x16xf32>,
        %get3A_506 = vector.shape_cast %get3A_505 : vector<1x16xf32> to vector<16xf32>
        %add3A_507 = arith.addf %get3A_502, %get3A_506 : vector<16xf32>
        %add3A_508 = arith.addf %add3A_507, %get3A_201 : vector<16xf32>
        %mul3A_509 = vector.broadcast %squeeze3A : f32 to vector<16xf32>
        %mul3A_510 = arith.mulf %get3A_41, %mul3A_509 : vector<16xf32>
        %add3A_511 = arith.addf %add3A_508, %mul3A_510 : vector<16xf32>
        %mul3A_512 = vector.broadcast %squeeze3A_259 : f32 to vector<16xf32>
        %mul3A_513 = arith.mulf %get3A_81, %mul3A_512 : vector<16xf32>
        %add3A_514 = arith.addf %add3A_511, %mul3A_513 : vector<16xf32>
        %mul3A_515 = vector.broadcast %squeeze3A_261 : f32 to vector<16xf32>
        %mul3A_516 = arith.mulf %get3A_121, %mul3A_515 : vector<16xf32>
        %add3A_517 = arith.addf %add3A_514, %mul3A_516 : vector<16xf32>
        %mul3A_518 = vector.broadcast %squeeze3A_263 : f32 to vector<16xf32>
        %mul3A_519 = arith.mulf %get3A_161, %mul3A_518 : vector<16xf32>
        %add3A_520 = arith.addf %add3A_517, %mul3A_519 : vector<16xf32>
        %gt3A_521 = arith.constant 0.000000e+00 : f32
        %gt3A_522 = vector.broadcast %gt3A_521 : f32 to vector<16xf32>
        %gt3A_523 = arith.cmpf ogt, %add3A_520, %gt3A_522 : vector<16xf32>
        %mul3A_524 = arith.constant 2.000000e-01 : f32
        %mul3A_525 = vector.broadcast %mul3A_524 : f32 to vector<16xf32>
        %mul3A_526 = arith.mulf %mul3A_525, %add3A_520 : vector<16xf32>
        %select_n3A_527 = arith.select %gt3A_523, %add3A_520, %mul3A_526 : vector<16xi1>, vector<16xf32>
        %swap3A_528 = arith.index_cast %scan3A_253 : i32 to index
        %swap3A_529 = arith.constant 112 : index
        %swap3A_530 = tpu.vector_load %arg10[%swap3A_528, %swap3A_529] {strides = array<i32>} : memref<64x128xf32, #tpu.memory_space<vmem>>, vector<1x16xf32>,
        %swap3A_531 = vector.shape_cast %swap3A_530 : vector<1x16xf32> to vector<16xf32>
        %swap3A_532 = vector.shape_cast %select_n3A_527 : vector<16xf32> to vector<1x16xf32>
        tpu.vector_store %arg10[%swap3A_528, %swap3A_529], %swap3A_532 {strides = array<i32>} : memref<64x128xf32, #tpu.memory_space<vmem>>, vector<1x16xf32>,
      }
      %scan3A_252 = arith.constant 64 : i32
      %run_scoped3A = arith.constant 2 : i32
      "tpu.region"() ({
        %run_scoped3A_253 = tpu.sem_alloc : memref<!tpu.dma_semaphore, #tpu.memory_space<semaphore_mem>>
        %dma_start3A_254 = arith.constant 0 : i32
        %dma_start3A_255 = tpu.memref_slice %arg8[%run_scoped3A, %dma_start3A_254] : memref<3x64xi32, #tpu.memory_space<vmem>> -> memref<1x64xi32, #tpu.memory_space<vmem>>
        %dma_start3A_256 = tpu.memref_squeeze %dma_start3A_255 : memref<1x64xi32, #tpu.memory_space<vmem>> -> memref<64xi32, #tpu.memory_space<vmem>>
        %dma_start3A_257 = arith.constant 0 : i32
        %dma_start3A_258 = arith.constant 0 : i32
        %dma_start3A_259 = tpu.memref_slice %arg13[%dma_start3A_257, %dma_start3A_258] : memref<10112x128xf32, #tpu.memory_space<vmem_shared>> -> memref<10112x128xf32, #tpu.memory_space<vmem_shared>>
        tpu.enqueue_indirect_dma source(%arg10 : memref<64x128xf32, #tpu.memory_space<vmem>>) target(%dma_start3A_259 : memref<10112x128xf32, #tpu.memory_space<vmem_shared>>) offsets(%dma_start3A_256 : memref<64xi32, #tpu.memory_space<vmem>>) semaphore(%run_scoped3A_253 : memref<!tpu.dma_semaphore, #tpu.memory_space<semaphore_mem>>) {add = true}
        %dma_wait3A_260 = arith.constant 0 : i32
        %dma_wait3A_261 = tpu.memref_slice %arg8[%run_scoped3A, %dma_wait3A_260] : memref<3x64xi32, #tpu.memory_space<vmem>> -> memref<1x64xi32, #tpu.memory_space<vmem>>
        %dma_wait3A_262 = tpu.memref_squeeze %dma_wait3A_261 : memref<1x64xi32, #tpu.memory_space<vmem>> -> memref<64xi32, #tpu.memory_space<vmem>>
        %dma_wait3A_263 = arith.constant 0 : i32
        %dma_wait3A_264 = arith.constant 0 : i32
        %dma_wait3A_265 = tpu.memref_slice %arg13[%dma_wait3A_263, %dma_wait3A_264] : memref<10112x128xf32, #tpu.memory_space<vmem_shared>> -> memref<10112x128xf32, #tpu.memory_space<vmem_shared>>
        tpu.wait_indirect_dma semaphore(%run_scoped3A_253 : memref<!tpu.dma_semaphore, #tpu.memory_space<semaphore_mem>>) src(%arg10 : memref<64x128xf32, #tpu.memory_space<vmem>>) dst(%dma_wait3A_265 : memref<10112x128xf32, #tpu.memory_space<vmem_shared>>)
        tpu.yield
      }) : () -> ()
    }
    %scan3A_205 = arith.constant 316 : i32
    %barrier3A_206 = arith.constant 0 : index
    tpu.barrier barrier_id(%barrier3A_206)
    %mul3A_207 = arith.constant 632 : i32
    %mul3A_208 = arith.muli %arg1, %mul3A_207 : i32
    %mul3A_209 = arith.constant 10112 : i32
    %mul3A_210 = arith.muli %arg0, %mul3A_209 : i32
    %mul3A_211 = arith.constant 632 : i32
    %mul3A_212 = arith.muli %arg1, %mul3A_211 : i32
    %add3A = arith.addi %mul3A_210, %mul3A_212 : i32
    "tpu.region"() ({
      %run_scoped3A = tpu.sem_alloc : memref<!tpu.dma_semaphore, #tpu.memory_space<semaphore_mem>>
      %dma_start3A = arith.constant 0 : i32
      %dma_start3A_213 = tpu.memref_slice %arg7[%add3A, %dma_start3A] : memref<20224x128xf32, #tpu.memory_space<hbm>> -> memref<632x128xf32, #tpu.memory_space<hbm>>
      %dma_start3A_214 = arith.constant 0 : i32
      %dma_start3A_215 = tpu.memref_slice %arg13[%mul3A_208, %dma_start3A_214] : memref<10112x128xf32, #tpu.memory_space<vmem_shared>> -> memref<632x128xf32, #tpu.memory_space<vmem_shared>>
      tpu.enqueue_dma source(%dma_start3A_215 : memref<632x128xf32, #tpu.memory_space<vmem_shared>>) target(%dma_start3A_213 : memref<632x128xf32, #tpu.memory_space<hbm>>) target_semaphore(%run_scoped3A : memref<!tpu.dma_semaphore, #tpu.memory_space<semaphore_mem>>)
      %dma_wait3A = arith.constant 0 : i32
      %dma_wait3A_216 = tpu.memref_slice %arg7[%add3A, %dma_wait3A] : memref<20224x128xf32, #tpu.memory_space<hbm>> -> memref<632x128xf32, #tpu.memory_space<hbm>>
      %dma_wait3A_217 = arith.constant 0 : i32
      %dma_wait3A_218 = tpu.memref_slice %arg13[%mul3A_208, %dma_wait3A_217] : memref<10112x128xf32, #tpu.memory_space<vmem_shared>> -> memref<632x128xf32, #tpu.memory_space<vmem_shared>>
      tpu.wait_dma2 semaphore(%run_scoped3A : memref<!tpu.dma_semaphore, #tpu.memory_space<semaphore_mem>>) src(%dma_wait3A_218 : memref<632x128xf32, #tpu.memory_space<vmem_shared>>) dst(%dma_wait3A_216 : memref<632x128xf32, #tpu.memory_space<hbm>>)
      tpu.yield
    }) : () -> ()
    return
  }
}

module attributes {stable_mosaic.version = 14 : i64} {
  func.func @body(%arg0: i32, %arg1: i32, %arg2: memref<128x128xf32, #tpu.memory_space<vmem>>, %arg3: memref<128x128xf32, #tpu.memory_space<vmem>>, %arg4: memref<1x128x128xf32, #tpu.memory_space<vmem>>) attributes {dimension_semantics = [#tpu.dimension_semantics<arbitrary>, #tpu.dimension_semantics<arbitrary>], iteration_bounds = array<i64: 4, 79>, scalar_prefetch = 0 : i64, scratch_operands = 0 : i64, tpu.core_type = #tpu.core_type<tc>, window_params = [{transform_indices = @transform_0, window_bounds = array<i64: 128, 128>}, {transform_indices = @transform_1, window_bounds = array<i64: 128, 128>}, {transform_indices = @transform_2, window_bounds = array<i64: 1, 128, 128>}]} {
    %get3A = arith.constant 0 : index
    %get3A_0 = arith.constant 0 : index
    %get3A_1 = vector.load %arg2[%get3A, %get3A_0] : memref<128x128xf32, #tpu.memory_space<vmem>>, vector<128x128xf32>
    %get3A_2 = arith.constant 0 : index
    %get3A_3 = arith.constant 0 : index
    %get3A_4 = vector.load %arg3[%get3A_2, %get3A_3] : memref<128x128xf32, #tpu.memory_space<vmem>>, vector<128x128xf32>
    %dot_general3A = arith.constant dense<0.000000e+00> : vector<128x128xf32>
    %dot_general3A_5 = tpu.matmul %get3A_1, %get3A_4, %dot_general3A {dimension_numbers = #tpu.dot_dimension_numbers<[1], [0], [0], [1], [0, 0, 1, 1], [], []>, transpose_lhs_hint = false} : vector<128x128xf32>, vector<128x128xf32>, vector<128x128xf32> -> vector<128x128xf32>
    %swap3A = arith.constant 0 : index
    %swap3A_6 = arith.constant 0 : index
    %swap3A_7 = arith.constant 0 : index
    %swap3A_8 = vector.load %arg4[%swap3A, %swap3A_6, %swap3A_7] : memref<1x128x128xf32, #tpu.memory_space<vmem>>, vector<1x128x128xf32>
    %swap3A_9 = vector.shape_cast %swap3A_8 : vector<1x128x128xf32> to vector<128x128xf32>
    %swap3A_10 = vector.shape_cast %dot_general3A_5 : vector<128x128xf32> to vector<1x128x128xf32>
    tpu.vector_store %arg4[%swap3A, %swap3A_6, %swap3A_7], %swap3A_10 {strides = array<i32>} : memref<1x128x128xf32, #tpu.memory_space<vmem>>, vector<1x128x128xf32>,
    return
  }
  func.func @transform_0(%arg0: i32, %arg1: i32) -> (i32, i32) {
    %c0_i32 = arith.constant 0 : i32
    %c0_i32_0 = arith.constant 0 : i32
    return %arg1, %c0_i32 : i32, i32
  }
  func.func @transform_1(%arg0: i32, %arg1: i32) -> (i32, i32) {
    %c0_i32 = arith.constant 0 : i32
    %c0_i32_0 = arith.constant 0 : i32
    return %c0_i32, %arg0 : i32, i32
  }
  func.func @transform_2(%arg0: i32, %arg1: i32) -> (i32, i32, i32) {
    %c0_i32 = arith.constant 0 : i32
    %c0_i32_0 = arith.constant 0 : i32
    return %arg0, %arg1, %c0_i32 : i32, i32, i32
  }
}

module attributes {stable_mosaic.version = 14 : i64} {
  func.func @body(%arg0: i32, %arg1: memref<2048x16xf32, #tpu.memory_space<vmem>>, %arg2: memref<16x128xf32, #tpu.memory_space<vmem>>) attributes {dimension_semantics = [#tpu.dimension_semantics<arbitrary>], iteration_bounds = array<i64: 158>, scalar_prefetch = 0 : i64, scratch_operands = 0 : i64, tpu.core_type = #tpu.core_type<tc>, window_params = [{transform_indices = @transform_0, window_bounds = array<i64: 2048, 16>}, {pipeline_mode = #tpu.pipeline_mode<synchronous>, transform_indices = @transform_1, window_bounds = array<i64: 16, 128>}]} {
    %get3A = arith.constant 0 : index
    %get3A_0 = arith.constant 0 : index
    %get3A_1 = vector.load %arg1[%get3A, %get3A_0] : memref<2048x16xf32, #tpu.memory_space<vmem>>, vector<2048x16xf32>
    %dot_general3A = arith.constant dense<0.000000e+00> : vector<16x16xf32>
    %dot_general3A_2 = tpu.matmul %get3A_1, %get3A_1, %dot_general3A {dimension_numbers = #tpu.dot_dimension_numbers<[0], [0], [1], [1], [0, 1, 1, 1], [], []>, transpose_lhs_hint = false} : vector<2048x16xf32>, vector<2048x16xf32>, vector<16x16xf32> -> vector<16x16xf32>
    %jit3A = arith.constant 0 : i32
    %convert_element_type3A = arith.sitofp %jit3A : i32 to f32
    %pad3A = vector.broadcast %convert_element_type3A : f32 to vector<16x112xf32>
    %pad3A_3 = tpu.concatenate %dot_general3A_2, %pad3A in 1 : vector<16x16xf32>, vector<16x112xf32> -> vector<16x128xf32>
    %eq3A = arith.constant 0 : i32
    %eq3A_4 = arith.cmpi eq, %arg0, %eq3A : i32
    %convert_element_type3A_5 = arith.extui %eq3A_4 : i1 to i32
    %cond3A = arith.constant 0 : i32
    %cond3A_6 = arith.cmpi ne, %convert_element_type3A_5, %cond3A : i32
    scf.if %cond3A_6 {
      %broadcast_in_dim3A = arith.constant 0.000000e+00 : f32
      %broadcast_in_dim3A_12 = vector.broadcast %broadcast_in_dim3A : f32 to vector<16x128xf32>
      %swap3A_13 = arith.constant 0 : index
      %swap3A_14 = arith.constant 0 : index
      %swap3A_15 = vector.load %arg2[%swap3A_13, %swap3A_14] : memref<16x128xf32, #tpu.memory_space<vmem>>, vector<16x128xf32>
      tpu.vector_store %arg2[%swap3A_13, %swap3A_14], %broadcast_in_dim3A_12 {strides = array<i32>} : memref<16x128xf32, #tpu.memory_space<vmem>>, vector<16x128xf32>,
    } else {
    }
    %get3A_7 = arith.constant 0 : index
    %get3A_8 = arith.constant 0 : index
    %get3A_9 = vector.load %arg2[%get3A_7, %get3A_8] : memref<16x128xf32, #tpu.memory_space<vmem>>, vector<16x128xf32>
    %add3A = arith.addf %get3A_9, %pad3A_3 : vector<16x128xf32>
    %swap3A = arith.constant 0 : index
    %swap3A_10 = arith.constant 0 : index
    %swap3A_11 = vector.load %arg2[%swap3A, %swap3A_10] : memref<16x128xf32, #tpu.memory_space<vmem>>, vector<16x128xf32>
    tpu.vector_store %arg2[%swap3A, %swap3A_10], %add3A {strides = array<i32>} : memref<16x128xf32, #tpu.memory_space<vmem>>, vector<16x128xf32>,
    return
  }
  func.func @transform_0(%arg0: i32) -> (i32, i32) {
    %c0_i32 = arith.constant 0 : i32
    %c0_i32_0 = arith.constant 0 : i32
    return %arg0, %c0_i32 : i32, i32
  }
  func.func @transform_1(%arg0: i32) -> (i32, i32) {
    %c0_i32 = arith.constant 0 : i32
    %c0_i32_0 = arith.constant 0 : i32
    %c0_i32_1 = arith.constant 0 : i32
    return %c0_i32, %c0_i32_0 : i32, i32
  }
}

module attributes {stable_mosaic.version = 14 : i64} {
  func.func @body(%arg0: i32, %arg1: i32, %arg2: memref<128x128xf32, #tpu.memory_space<vmem>>, %arg3: memref<128x128xf32, #tpu.memory_space<vmem>>, %arg4: memref<128x128xf32, #tpu.memory_space<vmem>>, %arg5: memref<128x128xf32, #tpu.memory_space<vmem>>, %arg6: memref<128x128xf32, #tpu.memory_space<vmem>>, %arg7: memref<1x16x128xf32, #tpu.memory_space<vmem>>) attributes {dimension_semantics = [#tpu.dimension_semantics<arbitrary>, #tpu.dimension_semantics<arbitrary>], iteration_bounds = array<i64: 2, 79>, scalar_prefetch = 0 : i64, scratch_operands = 0 : i64, tpu.core_type = #tpu.core_type<tc>, window_params = [{transform_indices = @transform_0, window_bounds = array<i64: 128, 128>}, {transform_indices = @transform_1, window_bounds = array<i64: 128, 128>}, {transform_indices = @transform_2, window_bounds = array<i64: 128, 128>}, {transform_indices = @transform_3, window_bounds = array<i64: 128, 128>}, {transform_indices = @transform_4, window_bounds = array<i64: 128, 128>}, {transform_indices = @transform_5, window_bounds = array<i64: 1, 16, 128>}]} {
    %get3A = arith.constant 0 : index
    %get3A_0 = arith.constant 0 : index
    %get3A_1 = vector.load %arg2[%get3A, %get3A_0] : memref<128x128xf32, #tpu.memory_space<vmem>>, vector<128x128xf32>
    %get3A_2 = arith.constant 0 : index
    %get3A_3 = arith.constant 0 : index
    %get3A_4 = vector.load %arg3[%get3A_2, %get3A_3] : memref<128x128xf32, #tpu.memory_space<vmem>>, vector<128x128xf32>
    %get3A_5 = arith.constant 0 : index
    %get3A_6 = arith.constant 0 : index
    %get3A_7 = vector.load %arg4[%get3A_5, %get3A_6] : memref<128x128xf32, #tpu.memory_space<vmem>>, vector<128x128xf32>
    %get3A_8 = arith.constant 0 : index
    %get3A_9 = arith.constant 0 : index
    %get3A_10 = vector.load %arg5[%get3A_8, %get3A_9] : memref<128x128xf32, #tpu.memory_space<vmem>>, vector<128x128xf32>
    %get3A_11 = arith.constant 0 : index
    %get3A_12 = arith.constant 0 : index
    %get3A_13 = vector.load %arg6[%get3A_11, %get3A_12] : memref<128x128xf32, #tpu.memory_space<vmem>>, vector<128x128xf32>
    %slice3A = vector.extract_strided_slice %get3A_10 {offsets = [0, 4], sizes = [128, 1], strides = [1, 1]} : vector<128x128xf32> to vector<128x1xf32>
    %squeeze3A = vector.shape_cast %slice3A : vector<128x1xf32> to vector<128xf32>
    %slice3A_14 = vector.extract_strided_slice %get3A_13 {offsets = [0, 4], sizes = [128, 1], strides = [1, 1]} : vector<128x128xf32> to vector<128x1xf32>
    %squeeze3A_15 = vector.shape_cast %slice3A_14 : vector<128x1xf32> to vector<128xf32>
    %slice3A_16 = vector.extract_strided_slice %get3A_10 {offsets = [0, 0], sizes = [128, 4], strides = [1, 1]} : vector<128x128xf32> to vector<128x4xf32>
    %dot_general3A = arith.constant dense<0.000000e+00> : vector<4x128xf32>
    %dot_general3A_17 = tpu.matmul %slice3A_16, %get3A_1, %dot_general3A {dimension_numbers = #tpu.dot_dimension_numbers<[0], [0], [1], [1], [0, 1, 1, 1], [], []>, transpose_lhs_hint = false} : vector<128x4xf32>, vector<128x128xf32>, vector<4x128xf32> -> vector<4x128xf32>
    %slice3A_18 = vector.extract_strided_slice %get3A_13 {offsets = [0, 0], sizes = [128, 4], strides = [1, 1]} : vector<128x128xf32> to vector<128x4xf32>
    %dot_general3A_19 = arith.constant dense<0.000000e+00> : vector<4x128xf32>
    %dot_general3A_20 = tpu.matmul %slice3A_18, %get3A_4, %dot_general3A_19 {dimension_numbers = #tpu.dot_dimension_numbers<[0], [0], [1], [1], [0, 1, 1, 1], [], []>, transpose_lhs_hint = false} : vector<128x4xf32>, vector<128x128xf32>, vector<4x128xf32> -> vector<4x128xf32>
    %broadcast_in_dim3A = vector.shape_cast %squeeze3A : vector<128xf32> to vector<128x1xf32>
    %mul3A = vector.broadcast %broadcast_in_dim3A : vector<128x1xf32> to vector<128x128xf32>
    %mul3A_21 = arith.mulf %get3A_1, %mul3A : vector<128x128xf32>
    %reduce_sum3A = arith.constant dense<0.000000e+00> : vector<128xf32>
    %reduce_sum3A_22 = vector.multi_reduction <add>, %mul3A_21, %reduce_sum3A [0] : vector<128x128xf32> to vector<128xf32>
    %broadcast_in_dim3A_23 = vector.shape_cast %reduce_sum3A_22 : vector<128xf32> to vector<1x128xf32>
    %broadcast_in_dim3A_24 = vector.shape_cast %squeeze3A_15 : vector<128xf32> to vector<128x1xf32>
    %mul3A_25 = vector.broadcast %broadcast_in_dim3A_24 : vector<128x1xf32> to vector<128x128xf32>
    %mul3A_26 = arith.mulf %get3A_4, %mul3A_25 : vector<128x128xf32>
    %reduce_sum3A_27 = arith.constant dense<0.000000e+00> : vector<128xf32>
    %reduce_sum3A_28 = vector.multi_reduction <add>, %mul3A_26, %reduce_sum3A_27 [0] : vector<128x128xf32> to vector<128xf32>
    %broadcast_in_dim3A_29 = vector.shape_cast %reduce_sum3A_28 : vector<128xf32> to vector<1x128xf32>
    %mul3A_30 = arith.mulf %get3A_1, %get3A_1 : vector<128x128xf32>
    %broadcast_in_dim3A_31 = vector.shape_cast %squeeze3A : vector<128xf32> to vector<128x1xf32>
    %mul3A_32 = vector.broadcast %broadcast_in_dim3A_31 : vector<128x1xf32> to vector<128x128xf32>
    %mul3A_33 = arith.mulf %mul3A_30, %mul3A_32 : vector<128x128xf32>
    %reduce_sum3A_34 = arith.constant dense<0.000000e+00> : vector<128xf32>
    %reduce_sum3A_35 = vector.multi_reduction <add>, %mul3A_33, %reduce_sum3A_34 [0] : vector<128x128xf32> to vector<128xf32>
    %broadcast_in_dim3A_36 = vector.shape_cast %reduce_sum3A_35 : vector<128xf32> to vector<1x128xf32>
    %mul3A_37 = arith.mulf %get3A_4, %get3A_4 : vector<128x128xf32>
    %broadcast_in_dim3A_38 = vector.shape_cast %squeeze3A_15 : vector<128xf32> to vector<128x1xf32>
    %mul3A_39 = vector.broadcast %broadcast_in_dim3A_38 : vector<128x1xf32> to vector<128x128xf32>
    %mul3A_40 = arith.mulf %mul3A_37, %mul3A_39 : vector<128x128xf32>
    %reduce_sum3A_41 = arith.constant dense<0.000000e+00> : vector<128xf32>
    %reduce_sum3A_42 = vector.multi_reduction <add>, %mul3A_40, %reduce_sum3A_41 [0] : vector<128x128xf32> to vector<128xf32>
    %broadcast_in_dim3A_43 = vector.shape_cast %reduce_sum3A_42 : vector<128xf32> to vector<1x128xf32>
    %mul3A_44 = arith.mulf %get3A_1, %get3A_7 : vector<128x128xf32>
    %reduce_sum3A_45 = arith.constant dense<0.000000e+00> : vector<128xf32>
    %reduce_sum3A_46 = vector.multi_reduction <add>, %mul3A_44, %reduce_sum3A_45 [0] : vector<128x128xf32> to vector<128xf32>
    %broadcast_in_dim3A_47 = vector.shape_cast %reduce_sum3A_46 : vector<128xf32> to vector<1x128xf32>
    %broadcast_in_dim3A_48 = arith.constant 0.000000e+00 : f32
    %broadcast_in_dim3A_49 = vector.broadcast %broadcast_in_dim3A_48 : f32 to vector<3x128xf32>
    %concatenate3A = tpu.concatenate %dot_general3A_17, %dot_general3A_20, %broadcast_in_dim3A_23, %broadcast_in_dim3A_29, %broadcast_in_dim3A_36, %broadcast_in_dim3A_43, %broadcast_in_dim3A_47, %broadcast_in_dim3A_49 in 0 : vector<4x128xf32>, vector<4x128xf32>, vector<1x128xf32>, vector<1x128xf32>, vector<1x128xf32>, vector<1x128xf32>, vector<1x128xf32>, vector<3x128xf32> -> vector<16x128xf32>
    %eq3A = arith.constant 0 : i32
    %eq3A_50 = arith.cmpi eq, %arg1, %eq3A : i32
    %convert_element_type3A = arith.extui %eq3A_50 : i1 to i32
    %cond3A = arith.constant 0 : i32
    %cond3A_51 = arith.cmpi ne, %convert_element_type3A, %cond3A : i32
    scf.if %cond3A_51 {
      %broadcast_in_dim3A_62 = arith.constant 0.000000e+00 : f32
      %broadcast_in_dim3A_63 = vector.broadcast %broadcast_in_dim3A_62 : f32 to vector<16x128xf32>
      %swap3A_64 = arith.constant 0 : index
      %swap3A_65 = arith.constant 0 : index
      %swap3A_66 = arith.constant 0 : index
      %swap3A_67 = vector.load %arg7[%swap3A_64, %swap3A_65, %swap3A_66] : memref<1x16x128xf32, #tpu.memory_space<vmem>>, vector<1x16x128xf32>
      %swap3A_68 = vector.shape_cast %swap3A_67 : vector<1x16x128xf32> to vector<16x128xf32>
      %swap3A_69 = vector.shape_cast %broadcast_in_dim3A_63 : vector<16x128xf32> to vector<1x16x128xf32>
      tpu.vector_store %arg7[%swap3A_64, %swap3A_65, %swap3A_66], %swap3A_69 {strides = array<i32>} : memref<1x16x128xf32, #tpu.memory_space<vmem>>, vector<1x16x128xf32>,
    } else {
    }
    %get3A_52 = arith.constant 0 : index
    %get3A_53 = arith.constant 0 : index
    %get3A_54 = arith.constant 0 : index
    %get3A_55 = vector.load %arg7[%get3A_52, %get3A_53, %get3A_54] : memref<1x16x128xf32, #tpu.memory_space<vmem>>, vector<1x16x128xf32>
    %get3A_56 = vector.shape_cast %get3A_55 : vector<1x16x128xf32> to vector<16x128xf32>
    %add3A = arith.addf %get3A_56, %concatenate3A : vector<16x128xf32>
    %swap3A = arith.constant 0 : index
    %swap3A_57 = arith.constant 0 : index
    %swap3A_58 = arith.constant 0 : index
    %swap3A_59 = vector.load %arg7[%swap3A, %swap3A_57, %swap3A_58] : memref<1x16x128xf32, #tpu.memory_space<vmem>>, vector<1x16x128xf32>
    %swap3A_60 = vector.shape_cast %swap3A_59 : vector<1x16x128xf32> to vector<16x128xf32>
    %swap3A_61 = vector.shape_cast %add3A : vector<16x128xf32> to vector<1x16x128xf32>
    tpu.vector_store %arg7[%swap3A, %swap3A_57, %swap3A_58], %swap3A_61 {strides = array<i32>} : memref<1x16x128xf32, #tpu.memory_space<vmem>>, vector<1x16x128xf32>,
    return
  }
  func.func @transform_0(%arg0: i32, %arg1: i32) -> (i32, i32) {
    %mul3A = arith.constant 79 : i32
    %mul3A_0 = arith.muli %arg0, %mul3A : i32
    %add3A = arith.addi %mul3A_0, %arg1 : i32
    %c0_i32 = arith.constant 0 : i32
    %c0_i32_1 = arith.constant 0 : i32
    return %add3A, %c0_i32 : i32, i32
  }
  func.func @transform_1(%arg0: i32, %arg1: i32) -> (i32, i32) {
    %add3A = arith.constant 2 : i32
    %add3A_0 = arith.addi %add3A, %arg0 : i32
    %mul3A = arith.constant 79 : i32
    %mul3A_1 = arith.muli %add3A_0, %mul3A : i32
    %add3A_2 = arith.addi %mul3A_1, %arg1 : i32
    %c0_i32 = arith.constant 0 : i32
    %c0_i32_3 = arith.constant 0 : i32
    return %add3A_2, %c0_i32 : i32, i32
  }
  func.func @transform_2(%arg0: i32, %arg1: i32) -> (i32, i32) {
    %mul3A = arith.constant 79 : i32
    %mul3A_0 = arith.muli %arg0, %mul3A : i32
    %add3A = arith.addi %mul3A_0, %arg1 : i32
    %c0_i32 = arith.constant 0 : i32
    %c0_i32_1 = arith.constant 0 : i32
    return %add3A, %c0_i32 : i32, i32
  }
  func.func @transform_3(%arg0: i32, %arg1: i32) -> (i32, i32) {
    %c0_i32 = arith.constant 0 : i32
    %c0_i32_0 = arith.constant 0 : i32
    return %arg1, %c0_i32 : i32, i32
  }
  func.func @transform_4(%arg0: i32, %arg1: i32) -> (i32, i32) {
    %add3A = arith.constant 79 : i32
    %add3A_0 = arith.addi %add3A, %arg1 : i32
    %c0_i32 = arith.constant 0 : i32
    %c0_i32_1 = arith.constant 0 : i32
    return %add3A_0, %c0_i32 : i32, i32
  }
  func.func @transform_5(%arg0: i32, %arg1: i32) -> (i32, i32, i32) {
    %c0_i32 = arith.constant 0 : i32
    %c0_i32_0 = arith.constant 0 : i32
    %c0_i32_1 = arith.constant 0 : i32
    return %arg0, %c0_i32, %c0_i32_0 : i32, i32, i32
  }
}

module attributes {stable_mosaic.version = 14 : i64} {
  func.func @body(%arg0: i32, %arg1: memref<1x16x128xf32, #tpu.memory_space<vmem>>, %arg2: memref<16x128xf32, #tpu.memory_space<vmem>>, %arg3: memref<1x8x128xf32, #tpu.memory_space<vmem>>, %arg4: memref<1x8x128xf32, #tpu.memory_space<vmem>>) attributes {dimension_semantics = [#tpu.dimension_semantics<arbitrary>], iteration_bounds = array<i64: 2>, scalar_prefetch = 0 : i64, scratch_operands = 0 : i64, tpu.core_type = #tpu.core_type<tc>, window_params = [{transform_indices = @transform_0, window_bounds = array<i64: 1, 16, 128>}, {pipeline_mode = #tpu.pipeline_mode<synchronous>, transform_indices = @transform_1, window_bounds = array<i64: 16, 128>}, {transform_indices = @transform_2, window_bounds = array<i64: 1, 8, 128>}, {transform_indices = @transform_3, window_bounds = array<i64: 1, 8, 128>}]} {
    %get3A = arith.constant 0 : index
    %get3A_0 = arith.constant 0 : index
    %get3A_1 = arith.constant 0 : index
    %get3A_2 = vector.load %arg1[%get3A, %get3A_0, %get3A_1] : memref<1x16x128xf32, #tpu.memory_space<vmem>>, vector<1x16x128xf32>
    %get3A_3 = vector.shape_cast %get3A_2 : vector<1x16x128xf32> to vector<16x128xf32>
    %get3A_4 = arith.constant 0 : index
    %get3A_5 = arith.constant 0 : index
    %get3A_6 = vector.load %arg2[%get3A_4, %get3A_5] : memref<16x128xf32, #tpu.memory_space<vmem>>, vector<16x128xf32>
    %get3A_7 = arith.constant 0 : index
    %get3A_8 = arith.constant 0 : index
    %get3A_9 = arith.constant 0 : index
    %get3A_10 = vector.load %arg3[%get3A_7, %get3A_8, %get3A_9] : memref<1x8x128xf32, #tpu.memory_space<vmem>>, vector<1x8x128xf32>
    %get3A_11 = vector.shape_cast %get3A_10 : vector<1x8x128xf32> to vector<8x128xf32>
    %slice3A = vector.extract_strided_slice %get3A_11 {offsets = [0, 0], sizes = [4, 128], strides = [1, 1]} : vector<8x128xf32> to vector<4x128xf32>
    %slice3A_12 = vector.extract_strided_slice %get3A_11 {offsets = [4, 0], sizes = [1, 128], strides = [1, 1]} : vector<8x128xf32> to vector<1x128xf32>
    %squeeze3A = vector.shape_cast %slice3A_12 : vector<1x128xf32> to vector<128xf32>
    %slice3A_13 = vector.extract_strided_slice %get3A_11 {offsets = [5, 0], sizes = [1, 128], strides = [1, 1]} : vector<8x128xf32> to vector<1x128xf32>
    %squeeze3A_14 = vector.shape_cast %slice3A_13 : vector<1x128xf32> to vector<128xf32>
    %slice3A_15 = vector.extract_strided_slice %get3A_11 {offsets = [6, 0], sizes = [1, 128], strides = [1, 1]} : vector<8x128xf32> to vector<1x128xf32>
    %squeeze3A_16 = vector.shape_cast %slice3A_15 : vector<1x128xf32> to vector<128xf32>
    %slice3A_17 = vector.extract_strided_slice %get3A_6 {offsets = [0, 0], sizes = [4, 4], strides = [1, 1]} : vector<16x128xf32> to vector<4x4xf32>
    %slice3A_18 = vector.extract_strided_slice %get3A_6 {offsets = [4, 0], sizes = [1, 4], strides = [1, 1]} : vector<16x128xf32> to vector<1x4xf32>
    %squeeze3A_19 = vector.shape_cast %slice3A_18 : vector<1x4xf32> to vector<4xf32>
    %broadcast_in_dim3A = vector.shape_cast %squeeze3A_19 : vector<4xf32> to vector<4x1xf32>
    %mul3A = vector.broadcast %broadcast_in_dim3A : vector<4x1xf32> to vector<4x128xf32>
    %mul3A_20 = arith.mulf %mul3A, %slice3A : vector<4x128xf32>
    %reduce_sum3A = arith.constant dense<0.000000e+00> : vector<128xf32>
    %reduce_sum3A_21 = vector.multi_reduction <add>, %mul3A_20, %reduce_sum3A [0] : vector<4x128xf32> to vector<128xf32>
    %slice3A_22 = vector.extract_strided_slice %get3A_3 {offsets = [8, 0], sizes = [1, 128], strides = [1, 1]} : vector<16x128xf32> to vector<1x128xf32>
    %squeeze3A_23 = vector.shape_cast %slice3A_22 : vector<1x128xf32> to vector<128xf32>
    %slice3A_24 = vector.extract_strided_slice %get3A_3 {offsets = [9, 0], sizes = [1, 128], strides = [1, 1]} : vector<16x128xf32> to vector<1x128xf32>
    %squeeze3A_25 = vector.shape_cast %slice3A_24 : vector<1x128xf32> to vector<128xf32>
    %add3A = arith.addf %squeeze3A_23, %squeeze3A_25 : vector<128xf32>
    %add3A_26 = arith.addf %add3A, %reduce_sum3A_21 : vector<128xf32>
    %mul3A_27 = arith.constant 3.200000e+05 : f32
    %mul3A_28 = vector.broadcast %mul3A_27 : f32 to vector<128xf32>
    %mul3A_29 = arith.mulf %mul3A_28, %squeeze3A : vector<128xf32>
    %add3A_30 = arith.addf %add3A_26, %mul3A_29 : vector<128xf32>
    %broadcast_in_dim3A_31 = vector.shape_cast %slice3A_17 : vector<4x4xf32> to vector<4x4x1xf32>
    %broadcast_in_dim3A_32 = vector.shape_cast %slice3A : vector<4x128xf32> to vector<1x4x128xf32>
    %mul3A_33 = vector.broadcast %broadcast_in_dim3A_31 : vector<4x4x1xf32> to vector<4x4x128xf32>
    %mul3A_34 = vector.broadcast %broadcast_in_dim3A_32 : vector<1x4x128xf32> to vector<4x4x128xf32>
    %mul3A_35 = arith.mulf %mul3A_33, %mul3A_34 : vector<4x4x128xf32>
    %reduce_sum3A_36 = arith.constant dense<0.000000e+00> : vector<4x128xf32>
    %reduce_sum3A_37 = vector.multi_reduction <add>, %mul3A_35, %reduce_sum3A_36 [1] : vector<4x4x128xf32> to vector<4x128xf32>
    %mul3A_38 = arith.mulf %reduce_sum3A_37, %slice3A : vector<4x128xf32>
    %reduce_sum3A_39 = arith.constant dense<0.000000e+00> : vector<128xf32>
    %reduce_sum3A_40 = vector.multi_reduction <add>, %mul3A_38, %reduce_sum3A_39 [0] : vector<4x128xf32> to vector<128xf32>
    %mul3A_41 = arith.constant 2.000000e+00 : f32
    %mul3A_42 = vector.broadcast %mul3A_41 : f32 to vector<128xf32>
    %mul3A_43 = arith.mulf %mul3A_42, %squeeze3A : vector<128xf32>
    %mul3A_44 = arith.mulf %mul3A_43, %reduce_sum3A_21 : vector<128xf32>
    %add3A_45 = arith.addf %reduce_sum3A_40, %mul3A_44 : vector<128xf32>
    %mul3A_46 = arith.constant 3.200000e+05 : f32
    %mul3A_47 = vector.broadcast %mul3A_46 : f32 to vector<128xf32>
    %mul3A_48 = arith.mulf %mul3A_47, %squeeze3A : vector<128xf32>
    %mul3A_49 = arith.mulf %mul3A_48, %squeeze3A : vector<128xf32>
    %add3A_50 = arith.addf %add3A_45, %mul3A_49 : vector<128xf32>
    %slice3A_51 = vector.extract_strided_slice %get3A_3 {offsets = [0, 0], sizes = [4, 128], strides = [1, 1]} : vector<16x128xf32> to vector<4x128xf32>
    %mul3A_52 = arith.mulf %slice3A, %slice3A_51 : vector<4x128xf32>
    %reduce_sum3A_53 = arith.constant dense<0.000000e+00> : vector<128xf32>
    %reduce_sum3A_54 = vector.multi_reduction <add>, %mul3A_52, %reduce_sum3A_53 [0] : vector<4x128xf32> to vector<128xf32>
    %slice3A_55 = vector.extract_strided_slice %get3A_3 {offsets = [8, 0], sizes = [1, 128], strides = [1, 1]} : vector<16x128xf32> to vector<1x128xf32>
    %squeeze3A_56 = vector.shape_cast %slice3A_55 : vector<1x128xf32> to vector<128xf32>
    %mul3A_57 = arith.mulf %squeeze3A, %squeeze3A_56 : vector<128xf32>
    %add3A_58 = arith.addf %reduce_sum3A_54, %mul3A_57 : vector<128xf32>
    %slice3A_59 = vector.extract_strided_slice %get3A_3 {offsets = [4, 0], sizes = [4, 128], strides = [1, 1]} : vector<16x128xf32> to vector<4x128xf32>
    %mul3A_60 = arith.mulf %slice3A, %slice3A_59 : vector<4x128xf32>
    %reduce_sum3A_61 = arith.constant dense<0.000000e+00> : vector<128xf32>
    %reduce_sum3A_62 = vector.multi_reduction <add>, %mul3A_60, %reduce_sum3A_61 [0] : vector<4x128xf32> to vector<128xf32>
    %slice3A_63 = vector.extract_strided_slice %get3A_3 {offsets = [9, 0], sizes = [1, 128], strides = [1, 1]} : vector<16x128xf32> to vector<1x128xf32>
    %squeeze3A_64 = vector.shape_cast %slice3A_63 : vector<1x128xf32> to vector<128xf32>
    %mul3A_65 = arith.mulf %squeeze3A, %squeeze3A_64 : vector<128xf32>
    %add3A_66 = arith.addf %reduce_sum3A_62, %mul3A_65 : vector<128xf32>
    %slice3A_67 = vector.extract_strided_slice %get3A_3 {offsets = [10, 0], sizes = [1, 128], strides = [1, 1]} : vector<16x128xf32> to vector<1x128xf32>
    %squeeze3A_68 = vector.shape_cast %slice3A_67 : vector<1x128xf32> to vector<128xf32>
    %slice3A_69 = vector.extract_strided_slice %get3A_3 {offsets = [11, 0], sizes = [1, 128], strides = [1, 1]} : vector<16x128xf32> to vector<1x128xf32>
    %squeeze3A_70 = vector.shape_cast %slice3A_69 : vector<1x128xf32> to vector<128xf32>
    %add3A_71 = arith.addf %squeeze3A_68, %squeeze3A_70 : vector<128xf32>
    %add3A_72 = arith.addf %add3A_71, %add3A_50 : vector<128xf32>
    %slice3A_73 = vector.extract_strided_slice %get3A_3 {offsets = [12, 0], sizes = [1, 128], strides = [1, 1]} : vector<16x128xf32> to vector<1x128xf32>
    %squeeze3A_74 = vector.shape_cast %slice3A_73 : vector<1x128xf32> to vector<128xf32>
    %add3A_75 = arith.addf %squeeze3A_74, %add3A_58 : vector<128xf32>
    %add3A_76 = arith.addf %add3A_75, %add3A_66 : vector<128xf32>
    %mul3A_77 = arith.constant 2.000000e+00 : f32
    %mul3A_78 = vector.broadcast %mul3A_77 : f32 to vector<128xf32>
    %mul3A_79 = arith.mulf %mul3A_78, %add3A_76 : vector<128xf32>
    %add3A_80 = arith.addf %add3A_72, %mul3A_79 : vector<128xf32>
    %div3A = arith.constant 3.200000e+05 : f32
    %div3A_81 = vector.broadcast %div3A : f32 to vector<128xf32>
    %div3A_82 = arith.divf %add3A_30, %div3A_81 : vector<128xf32>
    %div3A_83 = arith.constant 3.200000e+05 : f32
    %div3A_84 = vector.broadcast %div3A_83 : f32 to vector<128xf32>
    %div3A_85 = arith.divf %add3A_80, %div3A_84 : vector<128xf32>
    %mul3A_86 = arith.mulf %div3A_82, %div3A_82 : vector<128xf32>
    %sub3A = arith.subf %div3A_85, %mul3A_86 : vector<128xf32>
    %add3A_87 = arith.constant 9.99999974E-6 : f32
    %add3A_88 = vector.broadcast %add3A_87 : f32 to vector<128xf32>
    %add3A_89 = arith.addf %sub3A, %add3A_88 : vector<128xf32>
    %rsqrt3A = math.rsqrt %add3A_89 : vector<128xf32>
    %mul3A_90 = arith.mulf %squeeze3A_14, %rsqrt3A : vector<128xf32>
    %mul3A_91 = arith.mulf %div3A_82, %mul3A_90 : vector<128xf32>
    %sub3A_92 = arith.subf %squeeze3A_16, %mul3A_91 : vector<128xf32>
    %broadcast_in_dim3A_93 = vector.shape_cast %mul3A_90 : vector<128xf32> to vector<1x128xf32>
    %mul3A_94 = vector.broadcast %broadcast_in_dim3A_93 : vector<1x128xf32> to vector<4x128xf32>
    %mul3A_95 = arith.mulf %slice3A, %mul3A_94 : vector<4x128xf32>
    %mul3A_96 = arith.mulf %mul3A_90, %squeeze3A : vector<128xf32>
    %add3A_97 = arith.addf %mul3A_96, %sub3A_92 : vector<128xf32>
    %broadcast_in_dim3A_98 = vector.shape_cast %add3A_97 : vector<128xf32> to vector<1x128xf32>
    %broadcast_in_dim3A_99 = vector.shape_cast %mul3A_90 : vector<128xf32> to vector<1x128xf32>
    %broadcast_in_dim3A_100 = vector.shape_cast %sub3A_92 : vector<128xf32> to vector<1x128xf32>
    %broadcast_in_dim3A_101 = arith.constant 0.000000e+00 : f32
    %broadcast_in_dim3A_102 = vector.broadcast %broadcast_in_dim3A_101 : f32 to vector<1x128xf32>
    %concatenate3A = tpu.concatenate %mul3A_95, %broadcast_in_dim3A_98, %broadcast_in_dim3A_99, %broadcast_in_dim3A_100, %broadcast_in_dim3A_102 in 0 : vector<4x128xf32>, vector<1x128xf32>, vector<1x128xf32>, vector<1x128xf32>, vector<1x128xf32> -> vector<8x128xf32>
    %swap3A = arith.constant 0 : index
    %swap3A_103 = arith.constant 0 : index
    %swap3A_104 = arith.constant 0 : index
    %swap3A_105 = vector.load %arg4[%swap3A, %swap3A_103, %swap3A_104] : memref<1x8x128xf32, #tpu.memory_space<vmem>>, vector<1x8x128xf32>
    %swap3A_106 = vector.shape_cast %swap3A_105 : vector<1x8x128xf32> to vector<8x128xf32>
    %swap3A_107 = vector.shape_cast %concatenate3A : vector<8x128xf32> to vector<1x8x128xf32>
    tpu.vector_store %arg4[%swap3A, %swap3A_103, %swap3A_104], %swap3A_107 {strides = array<i32>} : memref<1x8x128xf32, #tpu.memory_space<vmem>>, vector<1x8x128xf32>,
    return
  }
  func.func @transform_0(%arg0: i32) -> (i32, i32, i32) {
    %c0_i32 = arith.constant 0 : i32
    %c0_i32_0 = arith.constant 0 : i32
    %c0_i32_1 = arith.constant 0 : i32
    return %arg0, %c0_i32, %c0_i32_0 : i32, i32, i32
  }
  func.func @transform_1(%arg0: i32) -> (i32, i32) {
    %c0_i32 = arith.constant 0 : i32
    %c0_i32_0 = arith.constant 0 : i32
    %c0_i32_1 = arith.constant 0 : i32
    return %c0_i32, %c0_i32_0 : i32, i32
  }
  func.func @transform_2(%arg0: i32) -> (i32, i32, i32) {
    %c0_i32 = arith.constant 0 : i32
    %c0_i32_0 = arith.constant 0 : i32
    %c0_i32_1 = arith.constant 0 : i32
    return %arg0, %c0_i32, %c0_i32_0 : i32, i32, i32
  }
  func.func @transform_3(%arg0: i32) -> (i32, i32, i32) {
    %c0_i32 = arith.constant 0 : i32
    %c0_i32_0 = arith.constant 0 : i32
    %c0_i32_1 = arith.constant 0 : i32
    return %arg0, %c0_i32, %c0_i32_0 : i32, i32, i32
  }
}

module attributes {stable_mosaic.version = 14 : i64} {
  func.func @body(%arg0: i32, %arg1: i32, %arg2: memref<128x128xf32, #tpu.memory_space<vmem>>, %arg3: memref<16x128xf32, #tpu.memory_space<vmem>>, %arg4: memref<128x128xf32, #tpu.memory_space<vmem>>) attributes {dimension_semantics = [#tpu.dimension_semantics<arbitrary>, #tpu.dimension_semantics<arbitrary>], iteration_bounds = array<i64: 4, 79>, scalar_prefetch = 0 : i64, scratch_operands = 0 : i64, tpu.core_type = #tpu.core_type<tc>, window_params = [{transform_indices = @transform_0, window_bounds = array<i64: 128, 128>}, {pipeline_mode = #tpu.pipeline_mode<synchronous>, transform_indices = @transform_1, window_bounds = array<i64: 16, 128>}, {transform_indices = @transform_2, window_bounds = array<i64: 128, 128>}]} {
    %rem3A = arith.constant 2 : i32
    %rem3A_0 = arith.remsi %arg0, %rem3A : i32
    %mul3A = arith.constant 8 : i32
    %mul3A_1 = arith.muli %rem3A_0, %mul3A : i32
    %add3A = arith.constant 5 : i32
    %add3A_2 = arith.addi %mul3A_1, %add3A : i32
    %get3A = arith.index_cast %add3A_2 : i32 to index
    %get3A_3 = arith.constant 0 : index
    %get3A_4 = vector.load %arg3[%get3A, %get3A_3] : memref<16x128xf32, #tpu.memory_space<vmem>>, vector<1x128xf32>
    %get3A_5 = arith.constant 0 : index
    %get3A_6 = arith.constant 0 : index
    %get3A_7 = vector.load %arg2[%get3A_5, %get3A_6] : memref<128x128xf32, #tpu.memory_space<vmem>>, vector<128x128xf32>
    %mul3A_8 = vector.broadcast %get3A_4 : vector<1x128xf32> to vector<128x128xf32>
    %mul3A_9 = arith.mulf %get3A_7, %mul3A_8 : vector<128x128xf32>
    %swap3A = arith.constant 0 : index
    %swap3A_10 = arith.constant 0 : index
    %swap3A_11 = vector.load %arg4[%swap3A, %swap3A_10] : memref<128x128xf32, #tpu.memory_space<vmem>>, vector<128x128xf32>
    tpu.vector_store %arg4[%swap3A, %swap3A_10], %mul3A_9 {strides = array<i32>} : memref<128x128xf32, #tpu.memory_space<vmem>>, vector<128x128xf32>,
    return
  }
  func.func @transform_0(%arg0: i32, %arg1: i32) -> (i32, i32) {
    %mul3A = arith.constant 79 : i32
    %mul3A_0 = arith.muli %arg0, %mul3A : i32
    %add3A = arith.addi %mul3A_0, %arg1 : i32
    %c0_i32 = arith.constant 0 : i32
    %c0_i32_1 = arith.constant 0 : i32
    return %add3A, %c0_i32 : i32, i32
  }
  func.func @transform_1(%arg0: i32, %arg1: i32) -> (i32, i32) {
    %c0_i32 = arith.constant 0 : i32
    %c0_i32_0 = arith.constant 0 : i32
    %c0_i32_1 = arith.constant 0 : i32
    return %c0_i32, %c0_i32_0 : i32, i32
  }
  func.func @transform_2(%arg0: i32, %arg1: i32) -> (i32, i32) {
    %mul3A = arith.constant 79 : i32
    %mul3A_0 = arith.muli %arg0, %mul3A : i32
    %add3A = arith.addi %mul3A_0, %arg1 : i32
    %c0_i32 = arith.constant 0 : i32
    %c0_i32_1 = arith.constant 0 : i32
    return %add3A, %c0_i32 : i32, i32
  }
}

module attributes {stable_mosaic.version = 14 : i64} {
  func.func @body(%arg0: i32, %arg1: memref<128x128xf32, #tpu.memory_space<vmem>>, %arg2: memref<128x128xf32, #tpu.memory_space<vmem>>, %arg3: memref<128x128xf32, #tpu.memory_space<vmem>>, %arg4: memref<256x256xf32, #tpu.memory_space<vmem>>, %arg5: memref<8x256xf32, #tpu.memory_space<vmem>>, %arg6: memref<128x256xf32, #tpu.memory_space<vmem>>) attributes {dimension_semantics = [#tpu.dimension_semantics<arbitrary>], iteration_bounds = array<i64: 79>, scalar_prefetch = 0 : i64, scratch_operands = 0 : i64, tpu.core_type = #tpu.core_type<tc>, window_params = [{transform_indices = @transform_0, window_bounds = array<i64: 128, 128>}, {transform_indices = @transform_1, window_bounds = array<i64: 128, 128>}, {transform_indices = @transform_2, window_bounds = array<i64: 128, 128>}, {pipeline_mode = #tpu.pipeline_mode<synchronous>, transform_indices = @transform_3, window_bounds = array<i64: 256, 256>}, {pipeline_mode = #tpu.pipeline_mode<synchronous>, transform_indices = @transform_4, window_bounds = array<i64: 8, 256>}, {transform_indices = @transform_5, window_bounds = array<i64: 128, 256>}]} {
    %get3A = arith.constant 0 : index
    %get3A_0 = arith.constant 0 : index
    %get3A_1 = vector.load %arg1[%get3A, %get3A_0] : memref<128x128xf32, #tpu.memory_space<vmem>>, vector<128x128xf32>
    %get3A_2 = arith.constant 0 : index
    %get3A_3 = arith.constant 0 : index
    %get3A_4 = vector.load %arg2[%get3A_2, %get3A_3] : memref<128x128xf32, #tpu.memory_space<vmem>>, vector<128x128xf32>
    %concatenate3A = tpu.concatenate %get3A_1, %get3A_4 in 1 : vector<128x128xf32>, vector<128x128xf32> -> vector<128x256xf32>
    %get3A_5 = arith.constant 0 : index
    %get3A_6 = arith.constant 0 : index
    %get3A_7 = vector.load %arg3[%get3A_5, %get3A_6] : memref<128x128xf32, #tpu.memory_space<vmem>>, vector<128x128xf32>
    %slice3A = vector.extract_strided_slice %get3A_7 {offsets = [0, 4], sizes = [128, 1], strides = [1, 1]} : vector<128x128xf32> to vector<128x1xf32>
    %squeeze3A = vector.shape_cast %slice3A : vector<128x1xf32> to vector<128xf32>
    %max3A = arith.constant 1.000000e+00 : f32
    %max3A_8 = vector.broadcast %max3A : f32 to vector<128xf32>
    %max3A_9 = arith.maximumf %squeeze3A, %max3A_8 : vector<128xf32>
    %broadcast_in_dim3A = vector.shape_cast %max3A_9 : vector<128xf32> to vector<128x1xf32>
    %div3A = vector.broadcast %broadcast_in_dim3A : vector<128x1xf32> to vector<128x256xf32>
    %div3A_10 = arith.divf %concatenate3A, %div3A : vector<128x256xf32>
    %get3A_11 = arith.constant 0 : index
    %get3A_12 = arith.constant 0 : index
    %get3A_13 = vector.load %arg4[%get3A_11, %get3A_12] : memref<256x256xf32, #tpu.memory_space<vmem>>, vector<256x256xf32>
    %dot_general3A = arith.constant dense<0.000000e+00> : vector<128x256xf32>
    %dot_general3A_14 = tpu.matmul %div3A_10, %get3A_13, %dot_general3A {dimension_numbers = #tpu.dot_dimension_numbers<[1], [0], [0], [1], [0, 0, 1, 1], [], []>, transpose_lhs_hint = false} : vector<128x256xf32>, vector<256x256xf32>, vector<128x256xf32> -> vector<128x256xf32>
    %get3A_15 = arith.constant 0 : index
    %get3A_16 = arith.constant 0 : index
    %get3A_17 = vector.load %arg5[%get3A_15, %get3A_16] : memref<8x256xf32, #tpu.memory_space<vmem>>, vector<1x256xf32>
    %add3A = vector.broadcast %get3A_17 : vector<1x256xf32> to vector<128x256xf32>
    %add3A_18 = arith.addf %dot_general3A_14, %add3A : vector<128x256xf32>
    %mul3A = arith.constant 128 : i32
    %mul3A_19 = arith.muli %arg0, %mul3A : i32
    %iota3A = tpu.iota {dimensions = array<i32: 0>} : vector<128x256xi32>
    %add3A_20 = vector.broadcast %mul3A_19 : i32 to vector<128x256xi32>
    %add3A_21 = arith.addi %add3A_20, %iota3A : vector<128x256xi32>
    %lt3A = arith.constant 10000 : i32
    %lt3A_22 = vector.broadcast %lt3A : i32 to vector<128x256xi32>
    %lt3A_23 = arith.cmpi slt, %add3A_21, %lt3A_22 : vector<128x256xi32>
    %jit3A = arith.constant 0.000000e+00 : f32
    %broadcast_in_dim3A_24 = vector.broadcast %jit3A : f32 to vector<128x256xf32>
    %select_n3A = arith.select %lt3A_23, %add3A_18, %broadcast_in_dim3A_24 : vector<128x256xi1>, vector<128x256xf32>
    %swap3A = arith.constant 0 : index
    %swap3A_25 = arith.constant 0 : index
    %swap3A_26 = vector.load %arg6[%swap3A, %swap3A_25] : memref<128x256xf32, #tpu.memory_space<vmem>>, vector<128x256xf32>
    tpu.vector_store %arg6[%swap3A, %swap3A_25], %select_n3A {strides = array<i32>} : memref<128x256xf32, #tpu.memory_space<vmem>>, vector<128x256xf32>,
    return
  }
  func.func @transform_0(%arg0: i32) -> (i32, i32) {
    %c0_i32 = arith.constant 0 : i32
    %c0_i32_0 = arith.constant 0 : i32
    return %arg0, %c0_i32 : i32, i32
  }
  func.func @transform_1(%arg0: i32) -> (i32, i32) {
    %add3A = arith.constant 79 : i32
    %add3A_0 = arith.addi %add3A, %arg0 : i32
    %c0_i32 = arith.constant 0 : i32
    %c0_i32_1 = arith.constant 0 : i32
    return %add3A_0, %c0_i32 : i32, i32
  }
  func.func @transform_2(%arg0: i32) -> (i32, i32) {
    %c0_i32 = arith.constant 0 : i32
    %c0_i32_0 = arith.constant 0 : i32
    return %arg0, %c0_i32 : i32, i32
  }
  func.func @transform_3(%arg0: i32) -> (i32, i32) {
    %c0_i32 = arith.constant 0 : i32
    %c0_i32_0 = arith.constant 0 : i32
    %c0_i32_1 = arith.constant 0 : i32
    return %c0_i32, %c0_i32_0 : i32, i32
  }
  func.func @transform_4(%arg0: i32) -> (i32, i32) {
    %c0_i32 = arith.constant 0 : i32
    %c0_i32_0 = arith.constant 0 : i32
    %c0_i32_1 = arith.constant 0 : i32
    return %c0_i32, %c0_i32_0 : i32, i32
  }
  func.func @transform_5(%arg0: i32) -> (i32, i32) {
    %c0_i32 = arith.constant 0 : i32
    %c0_i32_0 = arith.constant 0 : i32
    return %arg0, %c0_i32 : i32, i32
  }
}

module attributes {stable_mosaic.version = 14 : i64} {
  func.func @body(%arg0: i32, %arg1: i32, %arg2: memref<128x256xf32, #tpu.memory_space<vmem>>, %arg3: memref<256x128xf32, #tpu.memory_space<vmem>>, %arg4: memref<1x128x128xf32, #tpu.memory_space<vmem>>) attributes {dimension_semantics = [#tpu.dimension_semantics<arbitrary>, #tpu.dimension_semantics<arbitrary>], iteration_bounds = array<i64: 4, 79>, scalar_prefetch = 0 : i64, scratch_operands = 0 : i64, tpu.core_type = #tpu.core_type<tc>, window_params = [{transform_indices = @transform_0, window_bounds = array<i64: 128, 256>}, {transform_indices = @transform_1, window_bounds = array<i64: 256, 128>}, {transform_indices = @transform_2, window_bounds = array<i64: 1, 128, 128>}]} {
    %get3A = arith.constant 0 : index
    %get3A_0 = arith.constant 0 : index
    %get3A_1 = vector.load %arg2[%get3A, %get3A_0] : memref<128x256xf32, #tpu.memory_space<vmem>>, vector<128x256xf32>
    %get3A_2 = arith.constant 0 : index
    %get3A_3 = arith.constant 0 : index
    %get3A_4 = vector.load %arg3[%get3A_2, %get3A_3] : memref<256x128xf32, #tpu.memory_space<vmem>>, vector<256x128xf32>
    %dot_general3A = arith.constant dense<0.000000e+00> : vector<128x128xf32>
    %dot_general3A_5 = tpu.matmul %get3A_1, %get3A_4, %dot_general3A {dimension_numbers = #tpu.dot_dimension_numbers<[1], [0], [0], [1], [0, 0, 1, 1], [], []>, transpose_lhs_hint = false} : vector<128x256xf32>, vector<256x128xf32>, vector<128x128xf32> -> vector<128x128xf32>
    %swap3A = arith.constant 0 : index
    %swap3A_6 = arith.constant 0 : index
    %swap3A_7 = arith.constant 0 : index
    %swap3A_8 = vector.load %arg4[%swap3A, %swap3A_6, %swap3A_7] : memref<1x128x128xf32, #tpu.memory_space<vmem>>, vector<1x128x128xf32>
    %swap3A_9 = vector.shape_cast %swap3A_8 : vector<1x128x128xf32> to vector<128x128xf32>
    %swap3A_10 = vector.shape_cast %dot_general3A_5 : vector<128x128xf32> to vector<1x128x128xf32>
    tpu.vector_store %arg4[%swap3A, %swap3A_6, %swap3A_7], %swap3A_10 {strides = array<i32>} : memref<1x128x128xf32, #tpu.memory_space<vmem>>, vector<1x128x128xf32>,
    return
  }
  func.func @transform_0(%arg0: i32, %arg1: i32) -> (i32, i32) {
    %c0_i32 = arith.constant 0 : i32
    %c0_i32_0 = arith.constant 0 : i32
    return %arg1, %c0_i32 : i32, i32
  }
  func.func @transform_1(%arg0: i32, %arg1: i32) -> (i32, i32) {
    %c0_i32 = arith.constant 0 : i32
    %c0_i32_0 = arith.constant 0 : i32
    return %c0_i32, %arg0 : i32, i32
  }
  func.func @transform_2(%arg0: i32, %arg1: i32) -> (i32, i32, i32) {
    %c0_i32 = arith.constant 0 : i32
    %c0_i32_0 = arith.constant 0 : i32
    return %arg0, %arg1, %c0_i32 : i32, i32, i32
  }
}

module attributes {stable_mosaic.version = 14 : i64} {
  func.func @body(%arg0: i32, %arg1: memref<128x256xf32, #tpu.memory_space<vmem>>, %arg2: memref<1x1x128xi32, #tpu.memory_space<vmem>>, %arg3: memref<64x256xf32, #tpu.memory_space<vmem>>) attributes {dimension_semantics = [#tpu.dimension_semantics<arbitrary>], iteration_bounds = array<i64: 79>, scalar_prefetch = 0 : i64, scratch_operands = 0 : i64, tpu.core_type = #tpu.core_type<tc>, window_params = [{transform_indices = @transform_0, window_bounds = array<i64: 128, 256>}, {transform_indices = @transform_1, window_bounds = array<i64: 1, 1, 128>}, {pipeline_mode = #tpu.pipeline_mode<synchronous>, transform_indices = @transform_2, window_bounds = array<i64: 64, 256>}]} {
    %get3A = arith.constant 0 : index
    %get3A_0 = arith.constant 0 : index
    %get3A_1 = arith.constant 0 : index
    %get3A_2 = vector.load %arg2[%get3A, %get3A_0, %get3A_1] : memref<1x1x128xi32, #tpu.memory_space<vmem>>, vector<1x1x128xi32>
    %get3A_3 = vector.shape_cast %get3A_2 : vector<1x1x128xi32> to vector<128xi32>
    %broadcast_in_dim3A = vector.shape_cast %get3A_3 : vector<128xi32> to vector<1x128xi32>
    %iota3A = tpu.iota {dimensions = array<i32: 0>} : vector<64x128xi32>
    %eq3A = vector.broadcast %broadcast_in_dim3A : vector<1x128xi32> to vector<64x128xi32>
    %eq3A_4 = arith.cmpi eq, %eq3A, %iota3A : vector<64x128xi32>
    %convert_element_type3A = arith.extui %eq3A_4 : vector<64x128xi1> to vector<64x128xi32>
    %convert_element_type3A_5 = arith.sitofp %convert_element_type3A : vector<64x128xi32> to vector<64x128xf32>
    %get3A_6 = arith.constant 0 : index
    %get3A_7 = arith.constant 0 : index
    %get3A_8 = vector.load %arg1[%get3A_6, %get3A_7] : memref<128x256xf32, #tpu.memory_space<vmem>>, vector<128x256xf32>
    %dot_general3A = arith.constant dense<0.000000e+00> : vector<64x256xf32>
    %dot_general3A_9 = tpu.matmul %convert_element_type3A_5, %get3A_8, %dot_general3A {dimension_numbers = #tpu.dot_dimension_numbers<[1], [0], [0], [1], [0, 0, 1, 1], [], []>, transpose_lhs_hint = false} : vector<64x128xf32>, vector<128x256xf32>, vector<64x256xf32> -> vector<64x256xf32>
    %eq3A_10 = arith.constant 0 : i32
    %eq3A_11 = arith.cmpi eq, %arg0, %eq3A_10 : i32
    %convert_element_type3A_12 = arith.extui %eq3A_11 : i1 to i32
    %cond3A = arith.constant 0 : i32
    %cond3A_13 = arith.cmpi ne, %convert_element_type3A_12, %cond3A : i32
    scf.if %cond3A_13 {
      %broadcast_in_dim3A_19 = arith.constant 0.000000e+00 : f32
      %broadcast_in_dim3A_20 = vector.broadcast %broadcast_in_dim3A_19 : f32 to vector<64x256xf32>
      %swap3A_21 = arith.constant 0 : index
      %swap3A_22 = arith.constant 0 : index
      %swap3A_23 = vector.load %arg3[%swap3A_21, %swap3A_22] : memref<64x256xf32, #tpu.memory_space<vmem>>, vector<64x256xf32>
      tpu.vector_store %arg3[%swap3A_21, %swap3A_22], %broadcast_in_dim3A_20 {strides = array<i32>} : memref<64x256xf32, #tpu.memory_space<vmem>>, vector<64x256xf32>,
    } else {
    }
    %get3A_14 = arith.constant 0 : index
    %get3A_15 = arith.constant 0 : index
    %get3A_16 = vector.load %arg3[%get3A_14, %get3A_15] : memref<64x256xf32, #tpu.memory_space<vmem>>, vector<64x256xf32>
    %add3A = arith.addf %get3A_16, %dot_general3A_9 : vector<64x256xf32>
    %swap3A = arith.constant 0 : index
    %swap3A_17 = arith.constant 0 : index
    %swap3A_18 = vector.load %arg3[%swap3A, %swap3A_17] : memref<64x256xf32, #tpu.memory_space<vmem>>, vector<64x256xf32>
    tpu.vector_store %arg3[%swap3A, %swap3A_17], %add3A {strides = array<i32>} : memref<64x256xf32, #tpu.memory_space<vmem>>, vector<64x256xf32>,
    return
  }
  func.func @transform_0(%arg0: i32) -> (i32, i32) {
    %c0_i32 = arith.constant 0 : i32
    %c0_i32_0 = arith.constant 0 : i32
    return %arg0, %c0_i32 : i32, i32
  }
  func.func @transform_1(%arg0: i32) -> (i32, i32, i32) {
    %c0_i32 = arith.constant 0 : i32
    %c0_i32_0 = arith.constant 0 : i32
    %c0_i32_1 = arith.constant 0 : i32
    return %arg0, %c0_i32, %c0_i32_0 : i32, i32, i32
  }
  func.func @transform_2(%arg0: i32) -> (i32, i32) {
    %c0_i32 = arith.constant 0 : i32
    %c0_i32_0 = arith.constant 0 : i32
    %c0_i32_1 = arith.constant 0 : i32
    return %c0_i32, %c0_i32_0 : i32, i32
  }
}

module attributes {stable_mosaic.version = 14 : i64} {
  func.func @body(%arg0: i32, %arg1: memref<64x256xf32, #tpu.memory_space<vmem>>, %arg2: memref<8x256xf32, #tpu.memory_space<vmem>>, %arg3: memref<8x256xf32, #tpu.memory_space<vmem>>, %arg4: memref<256x128xf32, #tpu.memory_space<vmem>>, %arg5: memref<8x128xf32, #tpu.memory_space<vmem>>, %arg6: memref<256x128xf32, #tpu.memory_space<vmem>>, %arg7: memref<8x128xf32, #tpu.memory_space<vmem>>, %arg8: memref<64x128xf32, #tpu.memory_space<vmem>>, %arg9: memref<64x128xf32, #tpu.memory_space<vmem>>) attributes {dimension_semantics = [#tpu.dimension_semantics<arbitrary>], iteration_bounds = array<i64: 1>, scalar_prefetch = 0 : i64, scratch_operands = 0 : i64, tpu.core_type = #tpu.core_type<tc>, window_params = [{pipeline_mode = #tpu.pipeline_mode<synchronous>, transform_indices = @transform_0, window_bounds = array<i64: 64, 256>}, {pipeline_mode = #tpu.pipeline_mode<synchronous>, transform_indices = @transform_1, window_bounds = array<i64: 8, 256>}, {pipeline_mode = #tpu.pipeline_mode<synchronous>, transform_indices = @transform_2, window_bounds = array<i64: 8, 256>}, {pipeline_mode = #tpu.pipeline_mode<synchronous>, transform_indices = @transform_3, window_bounds = array<i64: 256, 128>}, {pipeline_mode = #tpu.pipeline_mode<synchronous>, transform_indices = @transform_4, window_bounds = array<i64: 8, 128>}, {pipeline_mode = #tpu.pipeline_mode<synchronous>, transform_indices = @transform_5, window_bounds = array<i64: 256, 128>}, {pipeline_mode = #tpu.pipeline_mode<synchronous>, transform_indices = @transform_6, window_bounds = array<i64: 8, 128>}, {pipeline_mode = #tpu.pipeline_mode<synchronous>, transform_indices = @transform_7, window_bounds = array<i64: 64, 128>}, {pipeline_mode = #tpu.pipeline_mode<synchronous>, transform_indices = @transform_8, window_bounds = array<i64: 64, 128>}]} {
    %get3A = arith.constant 0 : index
    %get3A_0 = arith.constant 0 : index
    %get3A_1 = vector.load %arg1[%get3A, %get3A_0] : memref<64x256xf32, #tpu.memory_space<vmem>>, vector<64x256xf32>
    %reduce_sum3A = arith.constant dense<0.000000e+00> : vector<256xf32>
    %reduce_sum3A_2 = vector.multi_reduction <add>, %get3A_1, %reduce_sum3A [0] : vector<64x256xf32> to vector<256xf32>
    %broadcast_in_dim3A = vector.shape_cast %reduce_sum3A_2 : vector<256xf32> to vector<1x256xf32>
    %div3A = arith.constant 6.400000e+01 : f32
    %div3A_3 = vector.broadcast %div3A : f32 to vector<1x256xf32>
    %div3A_4 = arith.divf %broadcast_in_dim3A, %div3A_3 : vector<1x256xf32>
    %mul3A = arith.mulf %get3A_1, %get3A_1 : vector<64x256xf32>
    %reduce_sum3A_5 = arith.constant dense<0.000000e+00> : vector<256xf32>
    %reduce_sum3A_6 = vector.multi_reduction <add>, %mul3A, %reduce_sum3A_5 [0] : vector<64x256xf32> to vector<256xf32>
    %broadcast_in_dim3A_7 = vector.shape_cast %reduce_sum3A_6 : vector<256xf32> to vector<1x256xf32>
    %div3A_8 = arith.constant 6.400000e+01 : f32
    %div3A_9 = vector.broadcast %div3A_8 : f32 to vector<1x256xf32>
    %div3A_10 = arith.divf %broadcast_in_dim3A_7, %div3A_9 : vector<1x256xf32>
    %mul3A_11 = arith.mulf %div3A_4, %div3A_4 : vector<1x256xf32>
    %sub3A = arith.subf %div3A_10, %mul3A_11 : vector<1x256xf32>
    %sub3A_12 = vector.broadcast %div3A_4 : vector<1x256xf32> to vector<64x256xf32>
    %sub3A_13 = arith.subf %get3A_1, %sub3A_12 : vector<64x256xf32>
    %add3A = arith.constant 9.99999974E-6 : f32
    %add3A_14 = vector.broadcast %add3A : f32 to vector<1x256xf32>
    %add3A_15 = arith.addf %sub3A, %add3A_14 : vector<1x256xf32>
    %rsqrt3A = math.rsqrt %add3A_15 : vector<1x256xf32>
    %mul3A_16 = vector.broadcast %rsqrt3A : vector<1x256xf32> to vector<64x256xf32>
    %mul3A_17 = arith.mulf %sub3A_13, %mul3A_16 : vector<64x256xf32>
    %get3A_18 = arith.constant 0 : index
    %get3A_19 = arith.constant 0 : index
    %get3A_20 = vector.load %arg2[%get3A_18, %get3A_19] : memref<8x256xf32, #tpu.memory_space<vmem>>, vector<1x256xf32>
    %mul3A_21 = vector.broadcast %get3A_20 : vector<1x256xf32> to vector<64x256xf32>
    %mul3A_22 = arith.mulf %mul3A_17, %mul3A_21 : vector<64x256xf32>
    %get3A_23 = arith.constant 0 : index
    %get3A_24 = arith.constant 0 : index
    %get3A_25 = vector.load %arg3[%get3A_23, %get3A_24] : memref<8x256xf32, #tpu.memory_space<vmem>>, vector<1x256xf32>
    %add3A_26 = vector.broadcast %get3A_25 : vector<1x256xf32> to vector<64x256xf32>
    %add3A_27 = arith.addf %mul3A_22, %add3A_26 : vector<64x256xf32>
    %get3A_28 = arith.constant 0 : index
    %get3A_29 = arith.constant 0 : index
    %get3A_30 = vector.load %arg4[%get3A_28, %get3A_29] : memref<256x128xf32, #tpu.memory_space<vmem>>, vector<256x128xf32>
    %dot_general3A = arith.constant dense<0.000000e+00> : vector<64x128xf32>
    %dot_general3A_31 = tpu.matmul %add3A_27, %get3A_30, %dot_general3A {dimension_numbers = #tpu.dot_dimension_numbers<[1], [0], [0], [1], [0, 0, 1, 1], [], []>, transpose_lhs_hint = false} : vector<64x256xf32>, vector<256x128xf32>, vector<64x128xf32> -> vector<64x128xf32>
    %get3A_32 = arith.constant 0 : index
    %get3A_33 = arith.constant 0 : index
    %get3A_34 = vector.load %arg5[%get3A_32, %get3A_33] : memref<8x128xf32, #tpu.memory_space<vmem>>, vector<1x128xf32>
    %add3A_35 = vector.broadcast %get3A_34 : vector<1x128xf32> to vector<64x128xf32>
    %add3A_36 = arith.addf %dot_general3A_31, %add3A_35 : vector<64x128xf32>
    %swap3A = arith.constant 0 : index
    %swap3A_37 = arith.constant 0 : index
    %swap3A_38 = vector.load %arg8[%swap3A, %swap3A_37] : memref<64x128xf32, #tpu.memory_space<vmem>>, vector<64x128xf32>
    tpu.vector_store %arg8[%swap3A, %swap3A_37], %add3A_36 {strides = array<i32>} : memref<64x128xf32, #tpu.memory_space<vmem>>, vector<64x128xf32>,
    %get3A_39 = arith.constant 0 : index
    %get3A_40 = arith.constant 0 : index
    %get3A_41 = vector.load %arg6[%get3A_39, %get3A_40] : memref<256x128xf32, #tpu.memory_space<vmem>>, vector<256x128xf32>
    %dot_general3A_42 = arith.constant dense<0.000000e+00> : vector<64x128xf32>
    %dot_general3A_43 = tpu.matmul %add3A_27, %get3A_41, %dot_general3A_42 {dimension_numbers = #tpu.dot_dimension_numbers<[1], [0], [0], [1], [0, 0, 1, 1], [], []>, transpose_lhs_hint = false} : vector<64x256xf32>, vector<256x128xf32>, vector<64x128xf32> -> vector<64x128xf32>
    %get3A_44 = arith.constant 0 : index
    %get3A_45 = arith.constant 0 : index
    %get3A_46 = vector.load %arg7[%get3A_44, %get3A_45] : memref<8x128xf32, #tpu.memory_space<vmem>>, vector<1x128xf32>
    %add3A_47 = vector.broadcast %get3A_46 : vector<1x128xf32> to vector<64x128xf32>
    %add3A_48 = arith.addf %dot_general3A_43, %add3A_47 : vector<64x128xf32>
    %swap3A_49 = arith.constant 0 : index
    %swap3A_50 = arith.constant 0 : index
    %swap3A_51 = vector.load %arg9[%swap3A_49, %swap3A_50] : memref<64x128xf32, #tpu.memory_space<vmem>>, vector<64x128xf32>
    tpu.vector_store %arg9[%swap3A_49, %swap3A_50], %add3A_48 {strides = array<i32>} : memref<64x128xf32, #tpu.memory_space<vmem>>, vector<64x128xf32>,
    return
  }
  func.func @transform_0(%arg0: i32) -> (i32, i32) {
    %c0_i32 = arith.constant 0 : i32
    %c0_i32_0 = arith.constant 0 : i32
    %c0_i32_1 = arith.constant 0 : i32
    return %c0_i32, %c0_i32_0 : i32, i32
  }
  func.func @transform_1(%arg0: i32) -> (i32, i32) {
    %c0_i32 = arith.constant 0 : i32
    %c0_i32_0 = arith.constant 0 : i32
    %c0_i32_1 = arith.constant 0 : i32
    return %c0_i32, %c0_i32_0 : i32, i32
  }
  func.func @transform_2(%arg0: i32) -> (i32, i32) {
    %c0_i32 = arith.constant 0 : i32
    %c0_i32_0 = arith.constant 0 : i32
    %c0_i32_1 = arith.constant 0 : i32
    return %c0_i32, %c0_i32_0 : i32, i32
  }
  func.func @transform_3(%arg0: i32) -> (i32, i32) {
    %c0_i32 = arith.constant 0 : i32
    %c0_i32_0 = arith.constant 0 : i32
    %c0_i32_1 = arith.constant 0 : i32
    return %c0_i32, %c0_i32_0 : i32, i32
  }
  func.func @transform_4(%arg0: i32) -> (i32, i32) {
    %c0_i32 = arith.constant 0 : i32
    %c0_i32_0 = arith.constant 0 : i32
    %c0_i32_1 = arith.constant 0 : i32
    return %c0_i32, %c0_i32_0 : i32, i32
  }
  func.func @transform_5(%arg0: i32) -> (i32, i32) {
    %c0_i32 = arith.constant 0 : i32
    %c0_i32_0 = arith.constant 0 : i32
    %c0_i32_1 = arith.constant 0 : i32
    return %c0_i32, %c0_i32_0 : i32, i32
  }
  func.func @transform_6(%arg0: i32) -> (i32, i32) {
    %c0_i32 = arith.constant 0 : i32
    %c0_i32_0 = arith.constant 0 : i32
    %c0_i32_1 = arith.constant 0 : i32
    return %c0_i32, %c0_i32_0 : i32, i32
  }
  func.func @transform_7(%arg0: i32) -> (i32, i32) {
    %c0_i32 = arith.constant 0 : i32
    %c0_i32_0 = arith.constant 0 : i32
    %c0_i32_1 = arith.constant 0 : i32
    return %c0_i32, %c0_i32_0 : i32, i32
  }
  func.func @transform_8(%arg0: i32) -> (i32, i32) {
    %c0_i32 = arith.constant 0 : i32
    %c0_i32_0 = arith.constant 0 : i32
    %c0_i32_1 = arith.constant 0 : i32
    return %c0_i32, %c0_i32_0 : i32, i32
  }
}

</mosaic_0001>

<sc_bundles>
// kernel: kernel.20.cloned.1.call-start
scs
__scs_entry_jumppad:
0x0: {  	(pc) =	sbr.rel $0x88, $3  }
0x1: {  	(tag) =	ssettag $0x0;
	lr =	simm.s32 $0x1  }
0x2: {  	[smem:$0x3F8B] =	sst lr;
	_ =	strace $0xD0000000  }
0x3: {  	_ = 	snop  }
0x4: {  	_ = 	snop  }
0x5: {  	_ = 	snop  }
0x6: {  	_ = 	snop  }
0x7: {  	_ = 	snop  }
__scs_overlays_trampoline_lowered:
0x8: {  	[smem:$0x3F9A] =	sst s0  }
0x9: {  	[smem:$0x3F9B] =	sst s1  }
0xa: {  	[smem:$0x3F9C] =	sst s2  }
0xb: {  	[smem:$0x3F9D] =	sst s3  }
0xc: {  	[smem:$0x3F9E] =	sst s4  }
0xd: {  	[smem:$0x3F9F] =	sst s5  }
0xe: {  	[smem:$0x3FA0] =	sst s6  }
0xf: {  	[smem:$0x3FA1] =	sst s7  }
0x10: {  	[smem:$0x3FA2] =	sst s8  }
0x11: {  	[smem:$0x3FA3] =	sst s9;
	s0 =	simm.s32 @!p0 $0x0  }
0x12: {  	s1 =	sld [smem:$0x3F89];
	s0 =	simm.s32 @p0 $0x1  }
0x13: {  	[smem:$0x3FA4] =	sst s0;
	s0 =	simm.s32 @!p1 $0x0  }
0x14: {  	s2 =	sld [smem:$0x3F88];
	s0 =	simm.s32 @p1 $0x1  }
0x15: {  	[smem:$0x3FA5] =	sst s0;
	s0 =	simm.s32 @!p2 $0x0  }
0x16: {  	s3 =	sld [smem:$0x3FDB];
	s0 =	simm.s32 @p2 $0x1  }
0x17: {  	s4 =	simm.s32 $0x1BF5;
	[smem:$0x3FA7] =	sst s0  }
0x18: {  	s0 =	sld [smem:$0x3F8A];
	_ =	swait.ge [sflag:s4], $0x0  }
0x19: {  	s7 =	sld [smem:$0x3F8B]  }
0x1a: {  	s8 =	sadd.s32 $0xFFFFE003, lr  }
0x1b: {  	s9 =	sadd.s32 $0xFFFFFEF7, lr;
	s5 =	simm.s32 $0xFFFFFFFF;
	p2 =	slt.u32 s8, $0xFFFFF086  }
0x1c: {  	p1 =	slt.u32 s9, $0xF7A;
	s5 =	simm.s32 @!p2 $0x0  }
0x1d: {  	s5 =	simm.s32 @p1 $0x1;
	p0 =	seq.s32 s7, s2  }
0x1e: {  	s7 =	smul.u32 @!p0 $0xF7A, s2;
	p2 =	seq.s32 @!p0 s5, $0x0  }
0x1f: {  	s9 =	smul.u32 $0xF7A, s1;
	s8 =	simm.s32 @!p0 $0x1BF5;
	p2 =	por !p2, p0  }
0x20: {  	[sflag:s8] =	ssyncset.s32 @!p0 $0xFFFFF086;
	s6 =	sadd.s32 @!p0 s3, s7;
	s7 =	simm.s32 @!p0 $0x108  }
0x21: {  	s3 =	sadd.s32 s3, s9;
	s6 =	sadd.s32 @!p0 $0x88, s6;
	s7 =	simm.s32 @p2 $0x1082  }
0x22: {  	[simem:s7], [sflag:s8] =	dma.local @!p0 [hbm:s6], $0xF7A  }
0x23: {  	s9 =	sor.u32 $0xD0000000, s2;
	s6 =	simm.s32 $0x108;
	_ =	swait.ge @!p0 [sflag:s8], $0x0  }
0x24: {  	s3 =	sadd.s32 $0x88, s3;
	s6 =	simm.s32 @!p1 $0x1082;
	[sflag:s4] =	ssyncset.s32 $0xFFFFF086  }
0x25: {  	[simem:s6], [sflag:s4] =	dma.local [hbm:s3], $0xF7A  }
0x26: {  	[smem:$0x3F8B] =	sst s1;
	(tag) =	ssettag s2;
	_ =	strace s9  }
0x27: {  	s1 =	sld [smem:$0x3F9B]  }
0x28: {  	s2 =	sld [smem:$0x3F9C]  }
0x29: {  	s4 =	sld [smem:$0x3F9E]  }
0x2a: {  	p0 =	seq.s32 s5, $0x0;
	s5 =	sld [smem:$0x3F9F]  }
0x2b: {  	s6 =	sld [smem:$0x3FA0]  }
0x2c: {  	s7 =	sld [smem:$0x3FA1]  }
0x2d: {  	s3 =	simm.s32 $0x108;
	s8 =	sld [smem:$0x3FA2]  }
0x2e: {  	s3 =	simm.s32 @!p0 $0x1082;
	s9 =	sld [smem:$0x3FA3]  }
0x2f: {  	lr =	sadd.s32 s0, s3;
	s0 =	sld [smem:$0x3F9A]  }
0x30: {  	s3 =	sld [smem:$0x3F9D]  }
0x31: {  	[smem:$0x3FA6] =	sst s10  }
0x32: {  	s10 =	sld [smem:$0x3FA4];
	_ =	sdelay $0x3  }
0x33: {  	p0 =	seq.s32 s10, $0x1;
	s10 =	sld [smem:$0x3FA6];
	_ =	sdelay $0x3  }
0x34: {  	[smem:$0x3FA6] =	sst s10  }
0x35: {  	s10 =	sld [smem:$0x3FA5];
	_ =	sdelay $0x3  }
0x36: {  	p1 =	seq.s32 s10, $0x1;
	s10 =	sld [smem:$0x3FA6];
	_ =	sdelay $0x3  }
0x37: {  	[smem:$0x3FA6] =	sst s10  }
0x38: {  	s10 =	sld [smem:$0x3FA7]  }
0x39: {  	_ = 	snop;
	(pc) =	sbr.ind lr, $3  }
0x3a: {  	_ = 	snop  }
0x3b: {  	_ = 	snop  }
0x3c: {  	p2 =	seq.s32 s10, $0x1;
	s10 =	sld [smem:$0x3FA6]  }
0x3d: {  	_ =	shalt  }
0x3e: {  	_ =	shalt  }
0x3f: {  	_ =	shalt  }
0x40: {  	_ =	shalt  }
0x41: {  	_ =	shalt  }
0x42: {  	_ =	shalt  }
0x43: {  	_ =	shalt  }
0x44: {  	_ =	shalt  }
0x45: {  	_ =	shalt  }
0x46: {  	_ =	shalt  }
0x47: {  	_ =	shalt  }
0x48: {  	_ =	shalt  }
0x49: {  	_ =	shalt  }
0x4a: {  	_ =	shalt  }
0x4b: {  	_ =	shalt  }
0x4c: {  	_ =	shalt  }
0x4d: {  	_ =	shalt  }
0x4e: {  	_ =	shalt  }
0x4f: {  	_ =	shalt  }
0x50: {  	_ =	shalt  }
0x51: {  	_ =	shalt  }
0x52: {  	_ =	shalt  }
0x53: {  	_ =	shalt  }
0x54: {  	_ =	shalt  }
0x55: {  	_ =	shalt  }
0x56: {  	_ =	shalt  }
0x57: {  	_ =	shalt  }
0x58: {  	_ =	shalt  }
0x59: {  	_ =	shalt  }
0x5a: {  	_ =	shalt  }
0x5b: {  	_ =	shalt  }
0x5c: {  	_ =	shalt  }
0x5d: {  	_ =	shalt  }
0x5e: {  	_ =	shalt  }
0x5f: {  	_ =	shalt  }
0x60: {  	_ =	shalt  }
0x61: {  	_ =	shalt  }
0x62: {  	_ =	shalt  }
0x63: {  	_ =	shalt  }
0x64: {  	_ =	shalt  }
0x65: {  	_ =	shalt  }
0x66: {  	_ =	shalt  }
0x67: {  	_ =	shalt  }
0x68: {  	_ =	shalt  }
0x69: {  	_ =	shalt  }
0x6a: {  	_ =	shalt  }
0x6b: {  	_ =	shalt  }
0x6c: {  	_ =	shalt  }
0x6d: {  	_ =	shalt  }
0x6e: {  	_ =	shalt  }
0x6f: {  	_ =	shalt  }
0x70: {  	_ =	shalt  }
0x71: {  	_ =	shalt  }
0x72: {  	_ =	shalt  }
0x73: {  	_ =	shalt  }
0x74: {  	_ =	shalt  }
0x75: {  	_ =	shalt  }
0x76: {  	_ =	shalt  }
0x77: {  	_ =	shalt  }
0x78: {  	_ =	shalt  }
0x79: {  	_ =	shalt  }
0x7a: {  	_ =	shalt  }
0x7b: {  	_ =	shalt  }
0x7c: {  	_ =	shalt  }
0x7d: {  	_ =	shalt  }
0x7e: {  	_ =	shalt  }
0x7f: {  	_ =	shalt  }
0x80: {  	_ =	shalt  }
0x81: {  	_ =	shalt  }
0x82: {  	_ =	shalt  }
0x83: {  	_ =	shalt  }
0x84: {  	_ =	shalt  }
0x85: {  	_ =	shalt  }
0x86: {  	_ =	shalt  }
0x87: {  	_ =	shalt  }
.Lfunc_end0:
.L_simem_size_0:
called_computation_lowered:
.L_overlay_start_0:
0x88: {  	s2 =	sld [smem:$0x3FD9]  }
0x89: {  	s3 =	sld [smem:$0x3FFE];
	_ =	sdelay $0x1  }
0x8a: {  	s1 =	srdreg.scid  }
0x8b: {  	s0 =	sand.u32 $0x1, s1  }
0x8c: {  	s16 =	sshll.u32 s0, $0xA;
	s2 =	sadd.s32 s3, s2  }
0x8d: {  	s2 =	sadd.s32 s2, s16  }
0x8e: {  	[smem:$0x3FB2] =	sst s2  }
0x8f: {  	_ = 	snop  }
0x90: {  	(tm) =	ssettm $0x1  }
0x91: {  	s17 =	sld [smem:$0x3FFB];
	_ =	sdelay $0x3  }
0x92: {  	_ =	strace s17  }
0x93: {  	s2 =	sld [smem:$0x3FFC];
	_ =	sdelay $0x3  }
0x94: {  	_ =	strace s2  }
0x95: {  	s2 =	sld [smem:$0x3FFD];
	_ =	sdelay $0x3  }
0x96: {  	_ =	strace s2  }
0x97: {  	_ =	strace $0x8FFFFFFF  }
0x98: {  	s18 =	sld [smem:$0x3FDB];
	_ =	sdelay $0x1  }
0x99: {  	s19 =	simm.s32 $_scs_section_size  }
0x9a: {  	s4 =	simm.s32 $_size__tile_overlayer_lowered;
	s5 =	simm.s32 $_tile_overlayer_lowered  }
0x9b: {  	s22 =	simm.s32 $0x1BFF;
	s21 =	sshll.u32 s5, $0x1;
	s2 =	sadd.s32 s19, s18  }
0x9c: {  	s6 =	simm.s32 $0x0;
	s20 =	sshll.u32 s4, $0x1;
	s4 =	sadd.s32 s21, s2  }
0x9d: {  	[timem:s6], [sflag:s22] =	dma.local [hbm:s4], s20  }
0x9e: {  	_ =	swait.ge [sflag:s22], s20  }
0x9f: {  	s3 =	ssub.s32 $0x0, s20;
	[sflag:s22] =	ssyncset.done $0x0  }
0xa0: {  	[sflag:s22] =	ssyncadd.s32 s3;
	_ =	sdelay $0x1  }
0xa1: {  	s23 =	simm.s32 $0x1B8B  }
0xa2: {  	_ =	swait.ge [sflag:s23], $0x1  }
0xa3: {  	[sflag:s23] =	ssyncset.done $0x0  }
0xa4: {  	s25 =	simm.s32 $0x1B8E;
	s24 =	sld [smem:$0x3FFE];
	[sflag:s23] =	ssyncadd.s32 $0xFFFFFFFF  }
0xa5: {  	s26 =	simm.s32 $execute0_lowered;
	[smem:$0x3FD2] =	sst s25  }
0xa6: {  	s4 =	sshll.u32 s26, $0x1;
	_ =	strace $0x80000046;
	[dreg:$0x1] =	wrdreg $0xFFFFFFFF  }
0xa7: {  	s28 =	simm.s32 $_size_execute0_lowered;
	s2 =	sadd.s32 s2, s4;
	[dreg:$0x0] =	wrdreg $0x0  }
0xa8: {  	s4 =	sshll.u32 s28, $0x1;
	[dreg:$0x2] =	wrdreg s2  }
0xa9: {  	[dreg:$0x3] =	wrdreg s4  }
0xaa: {  	[dreg:$0x4] =	wrdreg $0xC0  }
0xab: {  	_ =	task [dreg:s6], $0x5FFFF  }
0xac: {  	[dreg:$0x1] =	wrdreg $0xFFFFFFFF  }
0xad: {  	[dreg:$0x0] =	wrdreg $0x60  }
0xae: {  	[dreg:$0x2] =	wrdreg s24  }
0xaf: {  	[dreg:$0x3] =	wrdreg $0x40800  }
0xb0: {  	[dreg:$0x4] =	wrdreg $0x9  }
0xb1: {  	_ =	task.clear_ibuf [dreg:s6], $0x5FFFF;
	_ =	strace $0x90000046  }
0xb2: {  	s29 =	simm.s32 $0x9;
	_ =	strace $0x80000048  }
0xb3: {  	_ =	swait.ge [sflag:s29], $0x1  }
0xb4: {  	[sflag:s29] =	ssyncadd.s32 $0xFFFFFFFF  }
0xb5: {  	_ =	strace $0x90000048  }
0xb6: {  	_ =	sfence  }
0xb7: {  	s30 =	sld [smem:$0x0];
	_ =	sdelay $0x2  }
0xb8: {  	s31 =	sshll.u32 s1, $0xD;
	s1 =	sshrl.u32 s1, $0x2  }
0xb9: {  	s3 =	sand.u32 $0x4000, s31;
	s1 =	sadd.s32 s1, s30  }
0xba: {  	s0 =	sor.u32 s3, s0;
	s1 =	sshll.u32 s1, $0x11  }
0xbb: {  	s0 =	sor.u32 s1, s0  }
0xbc: {  	s0 =	sadd.s32 $0x8F2B, s0  }
0xbd: {  	[sflag:s0] =	ssyncadd.remote.s32 $0x1  }
0xbe: {  	_ =	sfence.sel $0xFFFF  }
0xbf: {  	[dreg:$0x0] =	wrdreg $0xFFFFFFFF;
	(pc) =	sbr.abs _section_cstart, $3  }
0xc0: {  	[dreg:$0x1] =	wrdreg $0xFFFFFFFF  }
0xc1: {  	_ =	task.clear_ibuf [dreg:s6], $0x2FFFF;
	_ =	strace $0x9FFFFFFF  }
0xc2: {  	(tm) =	ssettm $0x7FFFFFFF  }
0xc3: {  	_ =	shalt  }
tec
execute0_lowered:
.L_overlay_start_1:
0x0: {  	(tag) =	ssettag $0x1  }
0x1: {  	s7 =	rddreg [dreg:$0x0]  }
0x2: {  	s2 =	rddreg [dreg:$0x1]  }
0x3: {  	s0 =	rddreg [dreg:$0x2];
	s4 =	srdreg.scid  }
0x4: {  	s1 =	stileid.u32;
	s3 =	simm.s32 $0x0;
	s15 =	simm.s32 $0x40  }
0x5: {  	s16 =	simm.s32 $0x2080;
	s17 =	simm.s32 $0x0;
	s9 =	sand.u32 $0x1, s4  }
0x6: {  	s6 =	smul.u32 $0x2780, s1;
	[smem:$0x7FF] =	sst s3;
	s4 =	sadd.s32 $0x4F4000, s7  }
0x7: {  	s5 =	sadd.s32 $0x25C00, s7;
	s11 =	smul.u32 $0x4F000, s1;
	s31 =	sshll.u32 s1, $0x6  }
0x8: {  	s8 =	smul.u32 $0x27800, s9;
	_ =	strace $0x80000047;
	s10 =	ssub.s32 $0x2, s9  }
0x9: {  	s9 =	smul.u32 $0x4F000, s9;
	s29 =	sshrl.u32 s10, $0x1;
	s30 =	sshrl.u32 s11, $0x2  }
0xa: {  	s8 =	sadd.s32 s6, s8;
	s6 =	sadd.s32 $0x39800, s7;
	s13 =	ssub.s32 s10, s29  }
0xb: {  	s14 =	sadd.s32 s30, s2;
	s12 =	sadd.s32 s8, s7;
	s7 =	sor.u32 $0x1C01, s31  }
0xc: {  	s8 =	smul.u32 $0x4F00, s1;
	s11 =	smax.u32 s13, $0x1;
	s13 =	simm.s32 $0x1  }
0xd: {  	v0 =	vimm.f32 $0.0e+00;
	s10 =	sadd.s32 $0x3C000, s12;
	s12 =	sshrl.u32 s14, $0x3;
	s14 =	simm.s32 $0x80  }
.LBB2_1:
0xe: {  	[spmem:s12], [sflag:s7] =	dma.local [hbm:s6], $0x2780  }
0xf: {  	_ =	swait.ge [sflag:s13], $0x2780  }
0x10: {  	[sflag:s13] =	ssyncset.done $0x0  }
0x11: {  	s18 =	simm.s32 $0x0;
	s19 =	simm.s32 $0x200;
	[sflag:s13] =	ssyncadd.s32 $0xFFFFD880  }
.LBB2_2:
0x12: {  	p0 =	sne.s32 s19, $0x7E00;
	[tilespmem:s18+$0x20F0] =	vst v0  }
0x13: {  	[tilespmem:s18+$0x2080] =	vst v0  }
0x14: {  	[tilespmem:s18+$0x2090] =	vst v0  }
.Ltmp0:
0x15: {  	[tilespmem:s18+$0x20A0] =	vst v0;
	(pc) =	sbr.rel @p0 .LBB2_2-.Ltmp0, $4  }
0x16: {  	[tilespmem:s18+$0x20B0] =	vst v0  }
0x17: {  	[tilespmem:s18+$0x20C0] =	vst v0  }
0x18: {  	[tilespmem:s18+$0x20D0] =	vst v0  }
0x19: {  	[tilespmem:s18+$0x20E0] =	vst v0;
	s18 =	sshra.s32 s19, $0x2;
	s19 =	sadd.s32 $0x200, s19  }
0x1a: {  	[tilespmem:s18+$0x20F0] =	vst v0  }
0x1b: {  	[tilespmem:s18+$0x2080] =	vst v0  }
0x1c: {  	[tilespmem:s18+$0x2090] =	vst v0  }
0x1d: {  	[tilespmem:s18+$0x20A0] =	vst v0  }
0x1e: {  	[tilespmem:s18+$0x20B0] =	vst v0  }
0x1f: {  	[tilespmem:s18+$0x20C0] =	vst v0  }
0x20: {  	[tilespmem:s18+$0x20D0] =	vst v0  }
0x21: {  	[tilespmem:s18+$0x20E0] =	vst v0  }
0x22: {  	s18 =	simm.s32 $0x0;
	s19 =	simm.s32 $0x0;
	[bflag:$0x0] =	sbarrier.arrive $0xFFFF  }
.LBB2_4:
0x23: {  	s20 =	sshll.u32 s19, $0x6  }
0x24: {  	s20 =	sadd.s32 s8, s20  }
0x25: {  	s21 =	sadd.s32 s9, s20  }
0x26: {  	s21 =	sshrl.u32 s21, $0x3  }
0x27: {  	s21 =	sadd.s32 s5, s21  }
0x28: {  	[tilespmem:s18], [sflag:$0x1] =	stream.linear.gather [hbm4b:s21+s18], $0x40, $0x38;
	[tilespmem:$0x17C80] =	vst v63  }
0x29: {  	_ =	swait.ge [sflag:s13], $0x40  }
0x2a: {  	s20 =	sshll.u32 s20, $0x4;
	[sflag:s13] =	ssyncset.done $0x0  }
0x2b: {  	s20 =	sadd.s32 s4, s20;
	[sflag:s13] =	ssyncadd.s32 $0xFFFFFFC0  }
0x2c: {  	[tilespmem:s14], [sflag:$0x1] =	stream.linear.gather [hbm4b:s20+s18], $0x2000, $0x38;
	[tilespmem:$0x17C80] =	vst v63  }
0x2d: {  	_ =	swait.ge [sflag:s13], $0x2000  }
0x2e: {  	[sflag:s13] =	ssyncset.done $0x0  }
0x2f: {  	s20 =	simm.s32 $0x0;
	[sflag:s13] =	ssyncadd.s32 $0xFFFFE000  }
0x30: {  	s21 =	simm.s32 $0x200;
	v1 =	vld [tilespmem:s20+$0x80]  }
.LBB2_5:
0x31: {  	p0 =	sne.s32 s21, $0x7E00  }
.Ltmp1:
0x32: {  	_ = 	snop;
	(pc) =	sbr.rel @p0 .LBB2_5-.Ltmp1, $3  }
0x33: {  	_ =	sdelay $0x1  }
0x34: {  	[tilespmem:s20+$0x2080] =	vst v1;
	s20 =	sshra.s32 s21, $0x2;
	s21 =	sadd.s32 $0x200, s21  }
0x35: {  	v1 =	vld [tilespmem:s20+$0x80]  }
0x36: {  	_ =	sdelay $0x1  }
0x37: {  	s19 =	sadd.s32 $0x1, s19  }
0x38: {  	p0 =	sne.s32 s19, $0x13C  }
.Ltmp2:
0x39: {  	[tilespmem:s20+$0x2080] =	vst v1;
	(pc) =	sbr.rel @p0 .LBB2_4-.Ltmp2, $4  }
0x3a: {  	[spmem:s2] =	stream.indirect.scatter.add.f32 [tilespmem:s16], [sflag:$0x1], $0x80, s3, s15, $0xb8;
	[tilespmem:$0x17C80] =	vst v63  }
0x3b: {  	_ =	swait.ge [sflag:s13], $0x2000  }
0x3c: {  	[sflag:s13] =	ssyncset.done $0x0  }
0x3d: {  	[sflag:s13] =	ssyncadd.s32 $0xFFFFE000  }
0x3e: {  	s17 =	sadd.s32 $0x1, s17  }
0x3f: {  	p0 =	sne.s32 s17, s11  }
.Ltmp3:
0x40: {  	[bflag:$0x0] =	sbarrier.arrive $0xFFFF;
	(pc) =	sbr.rel @p0 .LBB2_1-.Ltmp3, $4  }
0x41: {  	[hbm:s10], [sflag:s7] =	dma.local [spmem:s12], $0x2780  }
0x42: {  	_ =	swait.ge [sflag:s13], $0x2780  }
0x43: {  	[sflag:s13] =	ssyncset.done $0x0  }
0x44: {  	[sflag:s13] =	ssyncadd.s32 $0xFFFFD880  }
0x45: {  	_ =	sfence.sel $0x180000  }
0x46: {  	[bflag:$0x0] =	sbarrier.arrive $0xFFFF  }
0x47: {  	p0 =	sne.s32 s1, $0x0;
	_ =	strace $0x90000047  }
0x48: {  	s0 =	sadd.s32 @!p0 $0x100000, s0;
	[bflag:$0x2] =	sbarrier.arrive $0xFFFF  }
0x49: {  	[sflag:s0] =	ssyncadd.tile.s32 @!p0 $0x1;
	_ =	shalt  }
.Lfunc_end2:
_tile_overlayer_lowered:
.L_overlay_start_2:
0x4a: {  	(tag) =	ssettag $0x2  }
0x4b: {  	s0 =	rddreg [dreg:$0x0];
	s2 =	stileid.u32  }
0x4c: {  	s1 =	rddreg [dreg:$0x1];
	p0 =	sne.s32 s2, $0x0  }
0x4d: {  	s3 =	rddreg [dreg:$0x2];
	[bflag:$0x3] =	sbarrier.arrive $0xFFFF;
	s2 =	simm.s32 @!p0 $0x1C01  }
0x4e: {  	[timem:s3], [sflag:s2] =	dma.local @!p0 [hbm:s0], s1  }
0x4f: {  	s0 =	simm.s32 @!p0 $0x1  }
0x50: {  	_ =	swait.ge @!p0 [sflag:s0], s1  }
0x51: {  	s1 =	ssub.s32 @!p0 $0x0, s1;
	[sflag:s0] =	ssyncset.done @!p0 $0x0  }
0x52: {  	[sflag:s0] =	ssyncadd.s32 @!p0 s1  }
0x53: {  	[bflag:$0x3] =	sbarrier.arrive $0xFFFF  }
0x54: {  	_ =	shalt  }

// kernel: kernel.23.cloned.1.call-start
scs
__scs_entry_jumppad:
0x0: {  	(pc) =	sbr.rel $0x88, $3  }
0x1: {  	(tag) =	ssettag $0x0;
	lr =	simm.s32 $0x1  }
0x2: {  	[smem:$0x3F8B] =	sst lr;
	_ =	strace $0xD0000000  }
0x3: {  	_ = 	snop  }
0x4: {  	_ = 	snop  }
0x5: {  	_ = 	snop  }
0x6: {  	_ = 	snop  }
0x7: {  	_ = 	snop  }
__scs_overlays_trampoline_lowered:
0x8: {  	[smem:$0x3F9A] =	sst s0  }
0x9: {  	[smem:$0x3F9B] =	sst s1  }
0xa: {  	[smem:$0x3F9C] =	sst s2  }
0xb: {  	[smem:$0x3F9D] =	sst s3  }
0xc: {  	[smem:$0x3F9E] =	sst s4  }
0xd: {  	[smem:$0x3F9F] =	sst s5  }
0xe: {  	[smem:$0x3FA0] =	sst s6  }
0xf: {  	[smem:$0x3FA1] =	sst s7  }
0x10: {  	[smem:$0x3FA2] =	sst s8  }
0x11: {  	[smem:$0x3FA3] =	sst s9;
	s0 =	simm.s32 @!p0 $0x0  }
0x12: {  	s1 =	sld [smem:$0x3F89];
	s0 =	simm.s32 @p0 $0x1  }
0x13: {  	[smem:$0x3FA4] =	sst s0;
	s0 =	simm.s32 @!p1 $0x0  }
0x14: {  	s2 =	sld [smem:$0x3F88];
	s0 =	simm.s32 @p1 $0x1  }
0x15: {  	[smem:$0x3FA5] =	sst s0;
	s0 =	simm.s32 @!p2 $0x0  }
0x16: {  	s3 =	sld [smem:$0x3FDB];
	s0 =	simm.s32 @p2 $0x1  }
0x17: {  	s4 =	simm.s32 $0x1BF5;
	[smem:$0x3FA7] =	sst s0  }
0x18: {  	s0 =	sld [smem:$0x3F8A];
	_ =	swait.ge [sflag:s4], $0x0  }
0x19: {  	s7 =	sld [smem:$0x3F8B]  }
0x1a: {  	s8 =	sadd.s32 $0xFFFFE003, lr  }
0x1b: {  	s9 =	sadd.s32 $0xFFFFFEF7, lr;
	s5 =	simm.s32 $0xFFFFFFFF;
	p2 =	slt.u32 s8, $0xFFFFF086  }
0x1c: {  	p1 =	slt.u32 s9, $0xF7A;
	s5 =	simm.s32 @!p2 $0x0  }
0x1d: {  	s5 =	simm.s32 @p1 $0x1;
	p0 =	seq.s32 s7, s2  }
0x1e: {  	s7 =	smul.u32 @!p0 $0xF7A, s2;
	p2 =	seq.s32 @!p0 s5, $0x0  }
0x1f: {  	s9 =	smul.u32 $0xF7A, s1;
	s8 =	simm.s32 @!p0 $0x1BF5;
	p2 =	por !p2, p0  }
0x20: {  	[sflag:s8] =	ssyncset.s32 @!p0 $0xFFFFF086;
	s6 =	sadd.s32 @!p0 s3, s7;
	s7 =	simm.s32 @!p0 $0x108  }
0x21: {  	s3 =	sadd.s32 s3, s9;
	s6 =	sadd.s32 @!p0 $0x88, s6;
	s7 =	simm.s32 @p2 $0x1082  }
0x22: {  	[simem:s7], [sflag:s8] =	dma.local @!p0 [hbm:s6], $0xF7A  }
0x23: {  	s9 =	sor.u32 $0xD0000000, s2;
	s6 =	simm.s32 $0x108;
	_ =	swait.ge @!p0 [sflag:s8], $0x0  }
0x24: {  	s3 =	sadd.s32 $0x88, s3;
	s6 =	simm.s32 @!p1 $0x1082;
	[sflag:s4] =	ssyncset.s32 $0xFFFFF086  }
0x25: {  	[simem:s6], [sflag:s4] =	dma.local [hbm:s3], $0xF7A  }
0x26: {  	[smem:$0x3F8B] =	sst s1;
	(tag) =	ssettag s2;
	_ =	strace s9  }
0x27: {  	s1 =	sld [smem:$0x3F9B]  }
0x28: {  	s2 =	sld [smem:$0x3F9C]  }
0x29: {  	s4 =	sld [smem:$0x3F9E]  }
0x2a: {  	p0 =	seq.s32 s5, $0x0;
	s5 =	sld [smem:$0x3F9F]  }
0x2b: {  	s6 =	sld [smem:$0x3FA0]  }
0x2c: {  	s7 =	sld [smem:$0x3FA1]  }
0x2d: {  	s3 =	simm.s32 $0x108;
	s8 =	sld [smem:$0x3FA2]  }
0x2e: {  	s3 =	simm.s32 @!p0 $0x1082;
	s9 =	sld [smem:$0x3FA3]  }
0x2f: {  	lr =	sadd.s32 s0, s3;
	s0 =	sld [smem:$0x3F9A]  }
0x30: {  	s3 =	sld [smem:$0x3F9D]  }
0x31: {  	[smem:$0x3FA6] =	sst s10  }
0x32: {  	s10 =	sld [smem:$0x3FA4];
	_ =	sdelay $0x3  }
0x33: {  	p0 =	seq.s32 s10, $0x1;
	s10 =	sld [smem:$0x3FA6];
	_ =	sdelay $0x3  }
0x34: {  	[smem:$0x3FA6] =	sst s10  }
0x35: {  	s10 =	sld [smem:$0x3FA5];
	_ =	sdelay $0x3  }
0x36: {  	p1 =	seq.s32 s10, $0x1;
	s10 =	sld [smem:$0x3FA6];
	_ =	sdelay $0x3  }
0x37: {  	[smem:$0x3FA6] =	sst s10  }
0x38: {  	s10 =	sld [smem:$0x3FA7]  }
0x39: {  	_ = 	snop;
	(pc) =	sbr.ind lr, $3  }
0x3a: {  	_ = 	snop  }
0x3b: {  	_ = 	snop  }
0x3c: {  	p2 =	seq.s32 s10, $0x1;
	s10 =	sld [smem:$0x3FA6]  }
0x3d: {  	_ =	shalt  }
0x3e: {  	_ =	shalt  }
0x3f: {  	_ =	shalt  }
0x40: {  	_ =	shalt  }
0x41: {  	_ =	shalt  }
0x42: {  	_ =	shalt  }
0x43: {  	_ =	shalt  }
0x44: {  	_ =	shalt  }
0x45: {  	_ =	shalt  }
0x46: {  	_ =	shalt  }
0x47: {  	_ =	shalt  }
0x48: {  	_ =	shalt  }
0x49: {  	_ =	shalt  }
0x4a: {  	_ =	shalt  }
0x4b: {  	_ =	shalt  }
0x4c: {  	_ =	shalt  }
0x4d: {  	_ =	shalt  }
0x4e: {  	_ =	shalt  }
0x4f: {  	_ =	shalt  }
0x50: {  	_ =	shalt  }
0x51: {  	_ =	shalt  }
0x52: {  	_ =	shalt  }
0x53: {  	_ =	shalt  }
0x54: {  	_ =	shalt  }
0x55: {  	_ =	shalt  }
0x56: {  	_ =	shalt  }
0x57: {  	_ =	shalt  }
0x58: {  	_ =	shalt  }
0x59: {  	_ =	shalt  }
0x5a: {  	_ =	shalt  }
0x5b: {  	_ =	shalt  }
0x5c: {  	_ =	shalt  }
0x5d: {  	_ =	shalt  }
0x5e: {  	_ =	shalt  }
0x5f: {  	_ =	shalt  }
0x60: {  	_ =	shalt  }
0x61: {  	_ =	shalt  }
0x62: {  	_ =	shalt  }
0x63: {  	_ =	shalt  }
0x64: {  	_ =	shalt  }
0x65: {  	_ =	shalt  }
0x66: {  	_ =	shalt  }
0x67: {  	_ =	shalt  }
0x68: {  	_ =	shalt  }
0x69: {  	_ =	shalt  }
0x6a: {  	_ =	shalt  }
0x6b: {  	_ =	shalt  }
0x6c: {  	_ =	shalt  }
0x6d: {  	_ =	shalt  }
0x6e: {  	_ =	shalt  }
0x6f: {  	_ =	shalt  }
0x70: {  	_ =	shalt  }
0x71: {  	_ =	shalt  }
0x72: {  	_ =	shalt  }
0x73: {  	_ =	shalt  }
0x74: {  	_ =	shalt  }
0x75: {  	_ =	shalt  }
0x76: {  	_ =	shalt  }
0x77: {  	_ =	shalt  }
0x78: {  	_ =	shalt  }
0x79: {  	_ =	shalt  }
0x7a: {  	_ =	shalt  }
0x7b: {  	_ =	shalt  }
0x7c: {  	_ =	shalt  }
0x7d: {  	_ =	shalt  }
0x7e: {  	_ =	shalt  }
0x7f: {  	_ =	shalt  }
0x80: {  	_ =	shalt  }
0x81: {  	_ =	shalt  }
0x82: {  	_ =	shalt  }
0x83: {  	_ =	shalt  }
0x84: {  	_ =	shalt  }
0x85: {  	_ =	shalt  }
0x86: {  	_ =	shalt  }
0x87: {  	_ =	shalt  }
.Lfunc_end0:
.L_simem_size_0:
called_computation.1_lowered:
.L_overlay_start_0:
0x88: {  	s2 =	sld [smem:$0x3FD9]  }
0x89: {  	s3 =	sld [smem:$0x3FFE];
	_ =	sdelay $0x1  }
0x8a: {  	s1 =	srdreg.scid  }
0x8b: {  	s0 =	sand.u32 $0x1, s1  }
0x8c: {  	s16 =	sshll.u32 s0, $0xA;
	s2 =	sadd.s32 s3, s2  }
0x8d: {  	s2 =	sadd.s32 s2, s16  }
0x8e: {  	[smem:$0x3FB2] =	sst s2  }
0x8f: {  	_ = 	snop  }
0x90: {  	(tm) =	ssettm $0x1  }
0x91: {  	s17 =	sld [smem:$0x3FFB];
	_ =	sdelay $0x3  }
0x92: {  	_ =	strace s17  }
0x93: {  	s2 =	sld [smem:$0x3FFC];
	_ =	sdelay $0x3  }
0x94: {  	_ =	strace s2  }
0x95: {  	s2 =	sld [smem:$0x3FFD];
	_ =	sdelay $0x3  }
0x96: {  	_ =	strace s2  }
0x97: {  	_ =	strace $0x8FFFFFFF  }
0x98: {  	s18 =	sld [smem:$0x3FDB];
	_ =	sdelay $0x1  }
0x99: {  	s19 =	simm.s32 $_scs_section_size  }
0x9a: {  	s4 =	simm.s32 $_size__tile_overlayer_lowered;
	s5 =	simm.s32 $_tile_overlayer_lowered  }
0x9b: {  	s22 =	simm.s32 $0x1BFF;
	s21 =	sshll.u32 s5, $0x1;
	s2 =	sadd.s32 s19, s18  }
0x9c: {  	s6 =	simm.s32 $0x0;
	s20 =	sshll.u32 s4, $0x1;
	s4 =	sadd.s32 s21, s2  }
0x9d: {  	[timem:s6], [sflag:s22] =	dma.local [hbm:s4], s20  }
0x9e: {  	_ =	swait.ge [sflag:s22], s20  }
0x9f: {  	s3 =	ssub.s32 $0x0, s20;
	[sflag:s22] =	ssyncset.done $0x0  }
0xa0: {  	[sflag:s22] =	ssyncadd.s32 s3;
	_ =	sdelay $0x1  }
0xa1: {  	s23 =	simm.s32 $0x1B8B  }
0xa2: {  	_ =	swait.ge [sflag:s23], $0x1  }
0xa3: {  	[sflag:s23] =	ssyncset.done $0x0  }
0xa4: {  	s25 =	simm.s32 $0x1B8E;
	s24 =	sld [smem:$0x3FFE];
	[sflag:s23] =	ssyncadd.s32 $0xFFFFFFFF  }
0xa5: {  	s26 =	simm.s32 $execute0_lowered;
	[smem:$0x3FD2] =	sst s25  }
0xa6: {  	s4 =	sshll.u32 s26, $0x1;
	_ =	strace $0x80000049;
	[dreg:$0x1] =	wrdreg $0xFFFFFFFF  }
0xa7: {  	s28 =	simm.s32 $_size_execute0_lowered;
	s2 =	sadd.s32 s2, s4;
	[dreg:$0x0] =	wrdreg $0x0  }
0xa8: {  	s4 =	sshll.u32 s28, $0x1;
	[dreg:$0x2] =	wrdreg s2  }
0xa9: {  	[dreg:$0x3] =	wrdreg s4  }
0xaa: {  	[dreg:$0x4] =	wrdreg $0xC0  }
0xab: {  	_ =	task [dreg:s6], $0x5FFFF  }
0xac: {  	[dreg:$0x1] =	wrdreg $0xFFFFFFFF  }
0xad: {  	[dreg:$0x0] =	wrdreg $0x60  }
0xae: {  	[dreg:$0x2] =	wrdreg s24  }
0xaf: {  	[dreg:$0x3] =	wrdreg $0x42000  }
0xb0: {  	[dreg:$0x4] =	wrdreg $0x9  }
0xb1: {  	_ =	task.clear_ibuf [dreg:s6], $0x5FFFF;
	_ =	strace $0x90000049  }
0xb2: {  	s29 =	simm.s32 $0x9;
	_ =	strace $0x8000004B  }
0xb3: {  	_ =	swait.ge [sflag:s29], $0x1  }
0xb4: {  	[sflag:s29] =	ssyncadd.s32 $0xFFFFFFFF  }
0xb5: {  	_ =	strace $0x9000004B  }
0xb6: {  	_ =	sfence  }
0xb7: {  	s30 =	sld [smem:$0x0];
	_ =	sdelay $0x2  }
0xb8: {  	s31 =	sshll.u32 s1, $0xD;
	s1 =	sshrl.u32 s1, $0x2  }
0xb9: {  	s3 =	sand.u32 $0x4000, s31;
	s1 =	sadd.s32 s1, s30  }
0xba: {  	s0 =	sor.u32 s3, s0;
	s1 =	sshll.u32 s1, $0x11  }
0xbb: {  	s0 =	sor.u32 s1, s0  }
0xbc: {  	s0 =	sadd.s32 $0x8F2B, s0  }
0xbd: {  	[sflag:s0] =	ssyncadd.remote.s32 $0x1  }
0xbe: {  	_ =	sfence.sel $0xFFFF  }
0xbf: {  	[dreg:$0x0] =	wrdreg $0xFFFFFFFF;
	(pc) =	sbr.abs _section_cstart, $3  }
0xc0: {  	[dreg:$0x1] =	wrdreg $0xFFFFFFFF  }
0xc1: {  	_ =	task.clear_ibuf [dreg:s6], $0x2FFFF;
	_ =	strace $0x9FFFFFFF  }
0xc2: {  	(tm) =	ssettm $0x7FFFFFFF  }
0xc3: {  	_ =	shalt  }
tec
execute0_lowered:
.L_overlay_start_1:
0x0: {  	(tag) =	ssettag $0x1  }
0x1: {  	s6 =	rddreg [dreg:$0x0]  }
0x2: {  	s2 =	rddreg [dreg:$0x1]  }
0x3: {  	s0 =	rddreg [dreg:$0x2]  }
0x4: {  	s3 =	simm.s32 $0x0;
	s4 =	srdreg.scid;
	s1 =	stileid.u32  }
0x5: {  	s15 =	simm.s32 $0x1;
	s16 =	simm.s32 $0x180;
	s17 =	simm.s32 $0x2200  }
0x6: {  	s18 =	simm.s32 $0x0;
	[smem:$0x7FF] =	sst s3;
	s8 =	smul.u32 $0x2780, s1  }
0x7: {  	s7 =	sand.u32 $0x1, s4;
	s4 =	sadd.s32 $0xDA000, s6;
	s10 =	smul.u32 $0x4F000, s1  }
0x8: {  	s12 =	sadd.s32 $0x8B000, s6;
	s14 =	smul.u32 $0x13C00, s1;
	s28 =	sshll.u32 s1, $0x6  }
0x9: {  	_ =	strace $0x8000004A;
	s9 =	smul.u32 $0x27800, s7;
	s5 =	sshll.u32 s7, $0x4  }
0xa: {  	s25 =	ssub.s32 $0x2, s7;
	s7 =	smul.u32 $0x13C000, s7;
	s11 =	sor.u32 s1, s5  }
0xb: {  	s5 =	sadd.s32 $0x39800, s6;
	s13 =	sshrl.u32 s25, $0x1;
	s10 =	sshrl.u32 s10, $0x2  }
0xc: {  	s11 =	smul.u32 $0x13C00, s11;
	s8 =	sadd.s32 s8, s9;
	s9 =	ssub.s32 s25, s13  }
0xd: {  	s26 =	sadd.s32 s10, s2;
	s30 =	sadd.s32 s14, s7;
	s13 =	simm.s32 $0x40  }
0xe: {  	s14 =	simm.s32 $0x200;
	s8 =	sadd.s32 s8, s6;
	s6 =	sor.u32 $0x1C02, s28  }
0xf: {  	s31 =	sor.u32 $0x100, s30;
	s9 =	smax.u32 s9, $0x1;
	s29 =	sshrl.u32 s11, $0x3  }
0x10: {  	s8 =	sadd.s32 $0x178000, s8;
	s10 =	sshrl.u32 s31, $0x3;
	s11 =	sshrl.u32 s26, $0x3  }
0x11: {  	s7 =	sadd.s32 s12, s29;
	s10 =	sadd.s32 s10, s12;
	s12 =	simm.s32 $0x2  }
.LBB2_1:
0x12: {  	[spmem:s11], [sflag:s6] =	dma.local [hbm:s5], $0x2780  }
0x13: {  	_ =	swait.ge [sflag:s12], $0x2780  }
0x14: {  	[sflag:s12] =	ssyncset.done $0x0  }
0x15: {  	[sflag:s12] =	ssyncadd.s32 $0xFFFFD880  }
0x16: {  	[bflag:$0x0] =	sbarrier.arrive $0xFFFF  }
0x17: {  	[tilespmem:s3], [sflag:$0x2] =	stream.linear.gather [hbm4b:s7+s3], $0x100, $0x38;
	[tilespmem:$0x17E00] =	vst v63  }
0x18: {  	_ =	swait.ge [sflag:s12], $0x100  }
0x19: {  	[sflag:s12] =	ssyncset.done $0x0  }
0x1a: {  	[sflag:s12] =	ssyncadd.s32 $0xFFFFFF00  }
0x1b: {  	[tilespmem:s14], [sflag:$0x1] =	stream.indirect.gather [hbm4b:s4+s13], $0x80, s3, s13, $0xb8;
	[tilespmem:$0x17E00] =	vst v63  }
0x1c: {  	s19 =	sand.u32 $0x1, s3;
	_ =	swait.ge [sflag:s15], $0x2000  }
0x1d: {  	s20 =	sxor.u32 $0x1, s19;
	[sflag:s15] =	ssyncset.done $0x0  }
0x1e: {  	s21 =	sshll.u32 s20, $0x8;
	[sflag:s15] =	ssyncadd.s32 $0xFFFFE000  }
0x1f: {  	[tilespmem:s21], [sflag:$0x2] =	stream.linear.gather [hbm4b:s10+s3], $0x100, $0x38;
	[tilespmem:$0x17E00] =	vst v63  }
0x20: {  	_ =	swait.ge [sflag:s12], $0x100  }
0x21: {  	s22 =	sshll.u32 s19, $0xD;
	s20 =	sshll.u32 s20, $0xD;
	[sflag:s12] =	ssyncset.done $0x0  }
0x22: {  	s19 =	sshll.u32 s19, $0x8;
	s20 =	sor.u32 $0x200, s20;
	[sflag:s12] =	ssyncadd.s32 $0xFFFFFF00  }
0x23: {  	[tilespmem:s20], [sflag:$0x1] =	stream.indirect.gather [hbm4b:s4+s13], $0x80, s21, s13, $0xb8;
	[tilespmem:$0x17E00] =	vst v63  }
0x24: {  	s31 =	sor.u32 $0x200, s22;
	s19 =	sor.u32 $0x80, s19  }
0x25: {  	[spmem:s2] =	stream.indirect.scatter.add.f32 [tilespmem:s31], [sflag:$0x2], $0x80, s19, s13, $0xb8;
	[tilespmem:$0x17E00] =	vst v63  }
0x26: {  	_ =	swait.ge [sflag:s12], $0x2000  }
0x27: {  	s20 =	smov.u32 s10;
	s19 =	simm.s32 $0x1;
	[sflag:s12] =	ssyncset.done $0x0  }
.LBB2_2:
0x28: {  	p0 =	sne.s32 s19, $0x13A;
	[sflag:s12] =	ssyncadd.s32 $0xFFFFE000;
	s20 =	sadd.s32 $0x20, s20  }
0x29: {  	s21 =	smov.u32 s19;
	s19 =	sadd.s32 $0x1, s19  }
0x2a: {  	s21 =	sand.u32 $0x1, s21;
	_ =	swait.ge [sflag:s15], $0x2000  }
0x2b: {  	s22 =	sshll.u32 s21, $0xD;
	s23 =	sxor.u32 $0x1, s21;
	[sflag:s15] =	ssyncset.done $0x0  }
0x2c: {  	s24 =	sshll.u32 s23, $0x8;
	s23 =	sshll.u32 s23, $0xD;
	[sflag:s15] =	ssyncadd.s32 $0xFFFFE000  }
0x2d: {  	[tilespmem:s24], [sflag:$0x2] =	stream.linear.gather [hbm4b:s20+s3], $0x100, $0x38;
	[tilespmem:$0x17E00] =	vst v63  }
0x2e: {  	s21 =	sshll.u32 s21, $0x8;
	_ =	swait.ge [sflag:s12], $0x100  }
0x2f: {  	[sflag:s12] =	ssyncset.done $0x0  }
0x30: {  	s23 =	sor.u32 $0x200, s23;
	[sflag:s12] =	ssyncadd.s32 $0xFFFFFF00  }
0x31: {  	[tilespmem:s23], [sflag:$0x1] =	stream.indirect.gather [hbm4b:s4+s13], $0x80, s24, s13, $0xb8;
	[tilespmem:$0x17E00] =	vst v63  }
.Ltmp0:
0x32: {  	_ = 	snop;
	(pc) =	sbr.rel @p0 .LBB2_2-.Ltmp0, $4  }
0x33: {  	s22 =	sor.u32 $0x200, s22;
	s21 =	sor.u32 $0x80, s21  }
0x34: {  	[spmem:s2] =	stream.indirect.scatter.add.f32 [tilespmem:s22], [sflag:$0x2], $0x80, s21, s13, $0xb8;
	[tilespmem:$0x17E00] =	vst v63  }
0x35: {  	_ =	swait.ge [sflag:s12], $0x2000  }
0x36: {  	[sflag:s12] =	ssyncset.done $0x0  }
0x37: {  	[sflag:s12] =	ssyncadd.s32 $0xFFFFE000  }
0x38: {  	_ =	swait.ge [sflag:s15], $0x2000  }
0x39: {  	[sflag:s15] =	ssyncset.done $0x0  }
0x3a: {  	[sflag:s15] =	ssyncadd.s32 $0xFFFFE000  }
0x3b: {  	[spmem:s2] =	stream.indirect.scatter.add.f32 [tilespmem:s17], [sflag:$0x2], $0x80, s16, s13, $0xb8;
	[tilespmem:$0x17E00] =	vst v63  }
0x3c: {  	_ =	swait.ge [sflag:s12], $0x2000  }
0x3d: {  	s18 =	sadd.s32 $0x1, s18;
	[sflag:s12] =	ssyncset.done $0x0  }
0x3e: {  	p0 =	sne.s32 s18, s9;
	[sflag:s12] =	ssyncadd.s32 $0xFFFFE000  }
.Ltmp1:
0x3f: {  	[bflag:$0x0] =	sbarrier.arrive $0xFFFF;
	(pc) =	sbr.rel @p0 .LBB2_1-.Ltmp1, $4  }
0x40: {  	[hbm:s8], [sflag:s6] =	dma.local [spmem:s11], $0x2780  }
0x41: {  	_ =	swait.ge [sflag:s12], $0x2780  }
0x42: {  	[sflag:s12] =	ssyncset.done $0x0  }
0x43: {  	[sflag:s12] =	ssyncadd.s32 $0xFFFFD880  }
0x44: {  	_ =	sfence.sel $0x180000  }
0x45: {  	[bflag:$0x0] =	sbarrier.arrive $0xFFFF  }
0x46: {  	p0 =	sne.s32 s1, $0x0;
	_ =	strace $0x9000004A  }
0x47: {  	s0 =	sadd.s32 @!p0 $0x100000, s0;
	[bflag:$0x2] =	sbarrier.arrive $0xFFFF  }
0x48: {  	[sflag:s0] =	ssyncadd.tile.s32 @!p0 $0x1;
	_ =	shalt  }
.Lfunc_end2:
_tile_overlayer_lowered:
.L_overlay_start_2:
0x49: {  	(tag) =	ssettag $0x2  }
0x4a: {  	s0 =	rddreg [dreg:$0x0];
	s2 =	stileid.u32  }
0x4b: {  	s1 =	rddreg [dreg:$0x1];
	p0 =	sne.s32 s2, $0x0  }
0x4c: {  	s3 =	rddreg [dreg:$0x2];
	[bflag:$0x3] =	sbarrier.arrive $0xFFFF;
	s2 =	simm.s32 @!p0 $0x1C02  }
0x4d: {  	[timem:s3], [sflag:s2] =	dma.local @!p0 [hbm:s0], s1  }
0x4e: {  	s0 =	simm.s32 @!p0 $0x2  }
0x4f: {  	_ =	swait.ge @!p0 [sflag:s0], s1  }
0x50: {  	s1 =	ssub.s32 @!p0 $0x0, s1;
	[sflag:s0] =	ssyncset.done @!p0 $0x0  }
0x51: {  	[sflag:s0] =	ssyncadd.s32 @!p0 s1  }
0x52: {  	[bflag:$0x3] =	sbarrier.arrive $0xFFFF  }
0x53: {  	_ =	shalt  }

// kernel: kernel.26.cloned.1.call-start
scs
__scs_entry_jumppad:
0x0: {  	(pc) =	sbr.rel $0x88, $3  }
0x1: {  	(tag) =	ssettag $0x0;
	lr =	simm.s32 $0x1  }
0x2: {  	[smem:$0x3F8B] =	sst lr;
	_ =	strace $0xD0000000  }
0x3: {  	_ = 	snop  }
0x4: {  	_ = 	snop  }
0x5: {  	_ = 	snop  }
0x6: {  	_ = 	snop  }
0x7: {  	_ = 	snop  }
__scs_overlays_trampoline_lowered:
0x8: {  	[smem:$0x3F9A] =	sst s0  }
0x9: {  	[smem:$0x3F9B] =	sst s1  }
0xa: {  	[smem:$0x3F9C] =	sst s2  }
0xb: {  	[smem:$0x3F9D] =	sst s3  }
0xc: {  	[smem:$0x3F9E] =	sst s4  }
0xd: {  	[smem:$0x3F9F] =	sst s5  }
0xe: {  	[smem:$0x3FA0] =	sst s6  }
0xf: {  	[smem:$0x3FA1] =	sst s7  }
0x10: {  	[smem:$0x3FA2] =	sst s8  }
0x11: {  	[smem:$0x3FA3] =	sst s9;
	s0 =	simm.s32 @!p0 $0x0  }
0x12: {  	s1 =	sld [smem:$0x3F89];
	s0 =	simm.s32 @p0 $0x1  }
0x13: {  	[smem:$0x3FA4] =	sst s0;
	s0 =	simm.s32 @!p1 $0x0  }
0x14: {  	s2 =	sld [smem:$0x3F88];
	s0 =	simm.s32 @p1 $0x1  }
0x15: {  	[smem:$0x3FA5] =	sst s0;
	s0 =	simm.s32 @!p2 $0x0  }
0x16: {  	s3 =	sld [smem:$0x3FDB];
	s0 =	simm.s32 @p2 $0x1  }
0x17: {  	s4 =	simm.s32 $0x1BF5;
	[smem:$0x3FA7] =	sst s0  }
0x18: {  	s0 =	sld [smem:$0x3F8A];
	_ =	swait.ge [sflag:s4], $0x0  }
0x19: {  	s7 =	sld [smem:$0x3F8B]  }
0x1a: {  	s8 =	sadd.s32 $0xFFFFE003, lr  }
0x1b: {  	s9 =	sadd.s32 $0xFFFFFEF7, lr;
	s5 =	simm.s32 $0xFFFFFFFF;
	p2 =	slt.u32 s8, $0xFFFFF086  }
0x1c: {  	p1 =	slt.u32 s9, $0xF7A;
	s5 =	simm.s32 @!p2 $0x0  }
0x1d: {  	s5 =	simm.s32 @p1 $0x1;
	p0 =	seq.s32 s7, s2  }
0x1e: {  	s7 =	smul.u32 @!p0 $0xF7A, s2;
	p2 =	seq.s32 @!p0 s5, $0x0  }
0x1f: {  	s9 =	smul.u32 $0xF7A, s1;
	s8 =	simm.s32 @!p0 $0x1BF5;
	p2 =	por !p2, p0  }
0x20: {  	[sflag:s8] =	ssyncset.s32 @!p0 $0xFFFFF086;
	s6 =	sadd.s32 @!p0 s3, s7;
	s7 =	simm.s32 @!p0 $0x108  }
0x21: {  	s3 =	sadd.s32 s3, s9;
	s6 =	sadd.s32 @!p0 $0x88, s6;
	s7 =	simm.s32 @p2 $0x1082  }
0x22: {  	[simem:s7], [sflag:s8] =	dma.local @!p0 [hbm:s6], $0xF7A  }
0x23: {  	s9 =	sor.u32 $0xD0000000, s2;
	s6 =	simm.s32 $0x108;
	_ =	swait.ge @!p0 [sflag:s8], $0x0  }
0x24: {  	s3 =	sadd.s32 $0x88, s3;
	s6 =	simm.s32 @!p1 $0x1082;
	[sflag:s4] =	ssyncset.s32 $0xFFFFF086  }
0x25: {  	[simem:s6], [sflag:s4] =	dma.local [hbm:s3], $0xF7A  }
0x26: {  	[smem:$0x3F8B] =	sst s1;
	(tag) =	ssettag s2;
	_ =	strace s9  }
0x27: {  	s1 =	sld [smem:$0x3F9B]  }
0x28: {  	s2 =	sld [smem:$0x3F9C]  }
0x29: {  	s4 =	sld [smem:$0x3F9E]  }
0x2a: {  	p0 =	seq.s32 s5, $0x0;
	s5 =	sld [smem:$0x3F9F]  }
0x2b: {  	s6 =	sld [smem:$0x3FA0]  }
0x2c: {  	s7 =	sld [smem:$0x3FA1]  }
0x2d: {  	s3 =	simm.s32 $0x108;
	s8 =	sld [smem:$0x3FA2]  }
0x2e: {  	s3 =	simm.s32 @!p0 $0x1082;
	s9 =	sld [smem:$0x3FA3]  }
0x2f: {  	lr =	sadd.s32 s0, s3;
	s0 =	sld [smem:$0x3F9A]  }
0x30: {  	s3 =	sld [smem:$0x3F9D]  }
0x31: {  	[smem:$0x3FA6] =	sst s10  }
0x32: {  	s10 =	sld [smem:$0x3FA4];
	_ =	sdelay $0x3  }
0x33: {  	p0 =	seq.s32 s10, $0x1;
	s10 =	sld [smem:$0x3FA6];
	_ =	sdelay $0x3  }
0x34: {  	[smem:$0x3FA6] =	sst s10  }
0x35: {  	s10 =	sld [smem:$0x3FA5];
	_ =	sdelay $0x3  }
0x36: {  	p1 =	seq.s32 s10, $0x1;
	s10 =	sld [smem:$0x3FA6];
	_ =	sdelay $0x3  }
0x37: {  	[smem:$0x3FA6] =	sst s10  }
0x38: {  	s10 =	sld [smem:$0x3FA7]  }
0x39: {  	_ = 	snop;
	(pc) =	sbr.ind lr, $3  }
0x3a: {  	_ = 	snop  }
0x3b: {  	_ = 	snop  }
0x3c: {  	p2 =	seq.s32 s10, $0x1;
	s10 =	sld [smem:$0x3FA6]  }
0x3d: {  	_ =	shalt  }
0x3e: {  	_ =	shalt  }
0x3f: {  	_ =	shalt  }
0x40: {  	_ =	shalt  }
0x41: {  	_ =	shalt  }
0x42: {  	_ =	shalt  }
0x43: {  	_ =	shalt  }
0x44: {  	_ =	shalt  }
0x45: {  	_ =	shalt  }
0x46: {  	_ =	shalt  }
0x47: {  	_ =	shalt  }
0x48: {  	_ =	shalt  }
0x49: {  	_ =	shalt  }
0x4a: {  	_ =	shalt  }
0x4b: {  	_ =	shalt  }
0x4c: {  	_ =	shalt  }
0x4d: {  	_ =	shalt  }
0x4e: {  	_ =	shalt  }
0x4f: {  	_ =	shalt  }
0x50: {  	_ =	shalt  }
0x51: {  	_ =	shalt  }
0x52: {  	_ =	shalt  }
0x53: {  	_ =	shalt  }
0x54: {  	_ =	shalt  }
0x55: {  	_ =	shalt  }
0x56: {  	_ =	shalt  }
0x57: {  	_ =	shalt  }
0x58: {  	_ =	shalt  }
0x59: {  	_ =	shalt  }
0x5a: {  	_ =	shalt  }
0x5b: {  	_ =	shalt  }
0x5c: {  	_ =	shalt  }
0x5d: {  	_ =	shalt  }
0x5e: {  	_ =	shalt  }
0x5f: {  	_ =	shalt  }
0x60: {  	_ =	shalt  }
0x61: {  	_ =	shalt  }
0x62: {  	_ =	shalt  }
0x63: {  	_ =	shalt  }
0x64: {  	_ =	shalt  }
0x65: {  	_ =	shalt  }
0x66: {  	_ =	shalt  }
0x67: {  	_ =	shalt  }
0x68: {  	_ =	shalt  }
0x69: {  	_ =	shalt  }
0x6a: {  	_ =	shalt  }
0x6b: {  	_ =	shalt  }
0x6c: {  	_ =	shalt  }
0x6d: {  	_ =	shalt  }
0x6e: {  	_ =	shalt  }
0x6f: {  	_ =	shalt  }
0x70: {  	_ =	shalt  }
0x71: {  	_ =	shalt  }
0x72: {  	_ =	shalt  }
0x73: {  	_ =	shalt  }
0x74: {  	_ =	shalt  }
0x75: {  	_ =	shalt  }
0x76: {  	_ =	shalt  }
0x77: {  	_ =	shalt  }
0x78: {  	_ =	shalt  }
0x79: {  	_ =	shalt  }
0x7a: {  	_ =	shalt  }
0x7b: {  	_ =	shalt  }
0x7c: {  	_ =	shalt  }
0x7d: {  	_ =	shalt  }
0x7e: {  	_ =	shalt  }
0x7f: {  	_ =	shalt  }
0x80: {  	_ =	shalt  }
0x81: {  	_ =	shalt  }
0x82: {  	_ =	shalt  }
0x83: {  	_ =	shalt  }
0x84: {  	_ =	shalt  }
0x85: {  	_ =	shalt  }
0x86: {  	_ =	shalt  }
0x87: {  	_ =	shalt  }
.Lfunc_end0:
.L_simem_size_0:
called_computation.2_lowered:
.L_overlay_start_0:
0x88: {  	s2 =	sld [smem:$0x3FD9]  }
0x89: {  	s3 =	sld [smem:$0x3FFE];
	_ =	sdelay $0x1  }
0x8a: {  	s1 =	srdreg.scid  }
0x8b: {  	s0 =	sand.u32 $0x1, s1  }
0x8c: {  	s14 =	sshll.u32 s0, $0xA;
	s2 =	sadd.s32 s3, s2  }
0x8d: {  	s2 =	sadd.s32 s2, s14  }
0x8e: {  	[smem:$0x3FB2] =	sst s2  }
0x8f: {  	_ = 	snop  }
0x90: {  	s2 =	sld [smem:$0x3FD0];
	_ =	sdelay $0x2  }
0x91: {  	s15 =	simm.s32 $0xA;
	s4 =	simm.s32 $0x10  }
0x92: {  	[smem:s4], [sflag:s15] =	dma.local [hbm:s2], $0x1  }
0x93: {  	_ =	swait.eq [sflag:s15], $0x1  }
0x94: {  	[sflag:s15] =	ssyncset.done $0x0  }
0x95: {  	[sflag:s15] =	ssyncadd.s32 $0xFFFFFFFF  }
0x96: {  	s16 =	sld [smem:$0x11];
	(tm) =	ssettm $0x1  }
0x97: {  	s17 =	sld [smem:$0x3FFB];
	_ =	sdelay $0x3  }
0x98: {  	_ =	strace s17  }
0x99: {  	s3 =	sld [smem:$0x3FFC];
	_ =	sdelay $0x3  }
0x9a: {  	_ =	strace s3  }
0x9b: {  	s3 =	sld [smem:$0x3FFD];
	_ =	sdelay $0x3  }
0x9c: {  	_ =	strace s3  }
0x9d: {  	_ =	strace $0x8FFFFFFF  }
0x9e: {  	s18 =	sld [smem:$0x3FDB];
	_ =	sdelay $0x1  }
0x9f: {  	s19 =	simm.s32 $_scs_section_size  }
0xa0: {  	s5 =	simm.s32 $_size__tile_overlayer_lowered;
	s6 =	simm.s32 $_tile_overlayer_lowered  }
0xa1: {  	s22 =	simm.s32 $0x1BFF;
	s21 =	sshll.u32 s6, $0x1;
	s3 =	sadd.s32 s19, s18  }
0xa2: {  	s7 =	simm.s32 $0x0;
	s20 =	sshll.u32 s5, $0x1;
	s5 =	sadd.s32 s21, s3  }
0xa3: {  	[timem:s7], [sflag:s22] =	dma.local [hbm:s5], s20  }
0xa4: {  	_ =	swait.ge [sflag:s22], s20  }
0xa5: {  	s4 =	ssub.s32 $0x0, s20;
	[sflag:s22] =	ssyncset.done $0x0  }
0xa6: {  	[sflag:s22] =	ssyncadd.s32 s4;
	_ =	sdelay $0x1  }
0xa7: {  	s23 =	simm.s32 $0x1B8B  }
0xa8: {  	_ =	swait.ge [sflag:s23], $0x1  }
0xa9: {  	[sflag:s23] =	ssyncset.done $0x0  }
0xaa: {  	s25 =	simm.s32 $0x1B8E;
	s24 =	sld [smem:$0x3FFE];
	[sflag:s23] =	ssyncadd.s32 $0xFFFFFFFF  }
0xab: {  	s26 =	simm.s32 $execute0_lowered;
	[smem:$0x3FD2] =	sst s25  }
0xac: {  	s5 =	sshll.u32 s26, $0x1;
	_ =	strace $0x8000004C;
	[dreg:$0x1] =	wrdreg $0xFFFFFFFF  }
0xad: {  	s28 =	simm.s32 $_size_execute0_lowered;
	s3 =	sadd.s32 s3, s5;
	[dreg:$0x0] =	wrdreg $0x0  }
0xae: {  	s5 =	sshll.u32 s28, $0x1;
	[dreg:$0x2] =	wrdreg s3  }
0xaf: {  	[dreg:$0x3] =	wrdreg s5  }
0xb0: {  	[dreg:$0x4] =	wrdreg $0xC0  }
0xb1: {  	_ =	task [dreg:s7], $0x5FFFF  }
0xb2: {  	[dreg:$0x1] =	wrdreg $0xFFFFFFFF  }
0xb3: {  	[dreg:$0x0] =	wrdreg $0x60  }
0xb4: {  	[dreg:$0x2] =	wrdreg s24  }
0xb5: {  	[dreg:$0x3] =	wrdreg s16  }
0xb6: {  	[dreg:$0x4] =	wrdreg $0x66000  }
0xb7: {  	[dreg:$0x5] =	wrdreg $0x9  }
0xb8: {  	_ =	task.clear_ibuf [dreg:s7], $0x6FFFF;
	_ =	strace $0x9000004C  }
0xb9: {  	s29 =	simm.s32 $0x9;
	_ =	strace $0x8000004E  }
0xba: {  	_ =	swait.ge [sflag:s29], $0x1  }
0xbb: {  	[sflag:s29] =	ssyncadd.s32 $0xFFFFFFFF  }
0xbc: {  	_ =	strace $0x9000004E  }
0xbd: {  	_ =	sfence  }
0xbe: {  	s30 =	sld [smem:$0x0];
	_ =	sdelay $0x2  }
0xbf: {  	s31 =	sshll.u32 s1, $0xD;
	s1 =	sshrl.u32 s1, $0x2  }
0xc0: {  	s3 =	sand.u32 $0x4000, s31;
	s1 =	sadd.s32 s1, s30  }
0xc1: {  	s0 =	sor.u32 s3, s0;
	s1 =	sshll.u32 s1, $0x11  }
0xc2: {  	s0 =	sor.u32 s1, s0  }
0xc3: {  	s0 =	sadd.s32 $0x8F2B, s0  }
0xc4: {  	[sflag:s0] =	ssyncadd.remote.s32 $0x1  }
0xc5: {  	_ =	sfence.sel $0xFFFF  }
0xc6: {  	[dreg:$0x0] =	wrdreg $0xFFFFFFFF;
	(pc) =	sbr.abs _section_cstart, $3  }
0xc7: {  	[dreg:$0x1] =	wrdreg $0xFFFFFFFF  }
0xc8: {  	_ =	task.clear_ibuf [dreg:s7], $0x2FFFF;
	_ =	strace $0x9FFFFFFF  }
0xc9: {  	(tm) =	ssettm $0x7FFFFFFF  }
tec
execute0_lowered:
.L_overlay_start_1:
0x0: {  	(tag) =	ssettag $0x1  }
0x1: {  	s8 =	rddreg [dreg:$0x0]  }
0x2: {  	s9 =	rddreg [dreg:$0x1]  }
0x3: {  	s2 =	rddreg [dreg:$0x2]  }
0x4: {  	s0 =	rddreg [dreg:$0x3]  }
0x5: {  	s3 =	simm.s32 $0x0;
	s4 =	srdreg.scid;
	s1 =	stileid.u32  }
0x6: {  	s16 =	simm.s32 $0x6200;
	s17 =	simm.s32 $0x200;
	s18 =	simm.s32 $0x40  }
0x7: {  	s19 =	simm.s32 $0x2200;
	s20 =	simm.s32 $0x80;
	s21 =	simm.s32 $0x4200  }
0x8: {  	s22 =	simm.s32 $0x1;
	s23 =	simm.s32 $0x2;
	[smem:$0x7FF] =	sst s3  }
0x9: {  	s10 =	sand.u32 $0x1, s4;
	s11 =	smul.u32 $0x2780, s1;
	s4 =	sadd.s32 $0xDA000, s8  }
0xa: {  	s5 =	sadd.s32 $0x1C7000, s8;
	s6 =	sadd.s32 $0x4F4000, s8;
	s13 =	smul.u32 $0x4F000, s1  }
0xb: {  	s7 =	sadd.s32 $0x39800, s8;
	s30 =	sshll.u32 s1, $0x6;
	_ =	strace $0x8000004D  }
0xc: {  	s12 =	smul.u32 $0x27800, s10;
	s24 =	ssub.s32 $0x2, s10;
	s29 =	sshll.u32 s10, $0x4  }
0xd: {  	s10 =	sshll.u32 s10, $0x7;
	s25 =	sshrl.u32 s24, $0x1;
	s26 =	sshrl.u32 s13, $0x2  }
0xe: {  	s31 =	sor.u32 s1, s29;
	s9 =	sadd.s32 s9, s10;
	s11 =	sadd.s32 s11, s12  }
0xf: {  	s28 =	ssub.s32 s24, s25;
	s15 =	sadd.s32 s26, s2;
	s10 =	smul.u32 $0x27800, s31  }
0x10: {  	s24 =	simm.s32 $0x100;
	s25 =	simm.s32 $0x0;
	s14 =	sadd.s32 s11, s8  }
0x11: {  	s8 =	sor.u32 $0x1C03, s30;
	s11 =	smul.u32 $0x278000, s1;
	s13 =	smax.u32 s28, $0x1  }
0x12: {  	s12 =	sadd.s32 $0x178000, s14;
	s14 =	sshrl.u32 s15, $0x3;
	s15 =	simm.s32 $0x3  }
.LBB2_1:
0x13: {  	[spmem:s14], [sflag:s8] =	dma.local [hbm:s7], $0x2780  }
0x14: {  	_ =	swait.ge [sflag:s15], $0x2780  }
0x15: {  	[sflag:s15] =	ssyncset.done $0x0  }
0x16: {  	[sflag:s15] =	ssyncadd.s32 $0xFFFFD880  }
0x17: {  	[tilespmem:s16], [sflag:$0x3] =	stream.linear.gather [hbm4b:s9+s3], $0x400, $0x38;
	[tilespmem:$0x1A200] =	vst v63  }
0x18: {  	_ =	swait.ge [sflag:s15], $0x400  }
0x19: {  	[sflag:s15] =	ssyncset.done $0x0  }
0x1a: {  	[sflag:s15] =	ssyncadd.s32 $0xFFFFFC00  }
0x1b: {  	[bflag:$0x0] =	sbarrier.arrive $0xFFFF  }
0x1c: {  	v5 =	vld [tilespmem:$0x6200]  }
0x1d: {  	v6 =	vld [tilespmem:$0x6210]  }
0x1e: {  	v7 =	vld [tilespmem:$0x6220]  }
0x1f: {  	v8 =	vld [tilespmem:$0x6230]  }
0x20: {  	v3 =	vld [tilespmem:$0x6240]  }
0x21: {  	v14 =	vld [tilespmem:$0x6250]  }
0x22: {  	v15 =	vld [tilespmem:$0x6260]  }
0x23: {  	v16 =	vld [tilespmem:$0x6270]  }
0x24: {  	v17 =	vld [tilespmem:$0x6280]  }
0x25: {  	v18 =	vld [tilespmem:$0x6290]  }
0x26: {  	v19 =	vld [tilespmem:$0x62A0]  }
0x27: {  	v20 =	vld [tilespmem:$0x62B0]  }
0x28: {  	v21 =	vld [tilespmem:$0x62C0]  }
0x29: {  	v22 =	vld [tilespmem:$0x62D0]  }
0x2a: {  	v23 =	vld [tilespmem:$0x62E0]  }
0x2b: {  	v24 =	vld [tilespmem:$0x62F0]  }
0x2c: {  	v0 =	vld [tilespmem:$0x6300]  }
0x2d: {  	v26 =	vld [tilespmem:$0x6310]  }
0x2e: {  	v27 =	vld [tilespmem:$0x6320]  }
0x2f: {  	v28 =	vld [tilespmem:$0x6330]  }
0x30: {  	v29 =	vld [tilespmem:$0x6340]  }
0x31: {  	v30 =	vld [tilespmem:$0x6350]  }
0x32: {  	v31 =	vld [tilespmem:$0x6360]  }
0x33: {  	v32 =	vld [tilespmem:$0x6370]  }
0x34: {  	v33 =	vld [tilespmem:$0x6380]  }
0x35: {  	v13 =	vld [tilespmem:$0x6460]  }
0x36: {  	v25 =	vld [tilespmem:$0x6390]  }
0x37: {  	v4 =	vld [tilespmem:$0x63A0]  }
0x38: {  	v36 =	vld [tilespmem:$0x63B0]  }
0x39: {  	v37 =	vld [tilespmem:$0x63C0];
	[tilespmem:$0x1FF50] =	vst v0  }
0x3a: {  	v2 =	vld [tilespmem:$0x63D0];
	[tilespmem:$0x1FF70] =	vst v13  }
0x3b: {  	v39 =	vld [tilespmem:$0x63E0];
	[tilespmem:$0x1FF80] =	vst v5  }
0x3c: {  	v38 =	vld [tilespmem:$0x63F0];
	[tilespmem:$0x1FF90] =	vst v6  }
0x3d: {  	v34 =	vld [tilespmem:$0x6400];
	[tilespmem:$0x1FFA0] =	vst v7  }
0x3e: {  	v0 =	vld [tilespmem:$0x6470];
	[tilespmem:$0x1FFB0] =	vst v8  }
0x3f: {  	v35 =	vld [tilespmem:$0x6410];
	[tilespmem:$0x1FFC0] =	vst v3  }
0x40: {  	v9 =	vld [tilespmem:$0x6420];
	[tilespmem:$0x1FFD0] =	vst v14  }
0x41: {  	v10 =	vld [tilespmem:$0x6430];
	[tilespmem:$0x1FFE0] =	vst v15  }
0x42: {  	v11 =	vld [tilespmem:$0x6440];
	[tilespmem:$0x1FFF0] =	vst v16  }
0x43: {  	s26 =	simm.s32 $0x0;
	v12 =	vld [tilespmem:$0x6450];
	[tilespmem:$0x1FF60] =	vst v0  }
.LBB2_2:
0x44: {  	s28 =	sshll.u32 s26, $0x9  }
0x45: {  	s28 =	sadd.s32 s10, s28  }
0x46: {  	s28 =	sshrl.u32 s28, $0x3  }
0x47: {  	s29 =	simm.s32 $0x0;
	s28 =	sadd.s32 s5, s28  }
0x48: {  	[tilespmem:s29], [sflag:$0x3] =	stream.linear.gather [hbm4b:s28+s29], $0x180, $0x38;
	[tilespmem:$0x1A200] =	vst v63  }
0x49: {  	s28 =	sshll.u32 s26, $0xD  }
0x4a: {  	_ =	swait.ge [sflag:s15], $0x180;
	s28 =	sadd.s32 s11, s28  }
0x4b: {  	[sflag:s15] =	ssyncset.done $0x0;
	s28 =	sshrl.u32 s28, $0x3  }
0x4c: {  	[sflag:s15] =	ssyncadd.s32 $0xFFFFFE80;
	s28 =	sadd.s32 s6, s28  }
0x4d: {  	[tilespmem:s17], [sflag:$0x3] =	stream.linear.gather [hbm4b:s28+s29], $0x2000, $0x38;
	[tilespmem:$0x1A200] =	vst v63  }
0x4e: {  	_ =	swait.ge [sflag:s15], $0x2000  }
0x4f: {  	[sflag:s15] =	ssyncset.done $0x0  }
0x50: {  	[sflag:s15] =	ssyncadd.s32 $0xFFFFE000  }
0x51: {  	[tilespmem:s19], [sflag:$0x1] =	stream.indirect.gather [hbm4b:s4+s18], $0x80, s29, s18, $0xb8;
	[tilespmem:$0x1A200] =	vst v63  }
0x52: {  	_ = 	snop  }
0x53: {  	[tilespmem:s21], [sflag:$0x2] =	stream.indirect.gather [hbm4b:s4+s18], $0x80, s20, s18, $0xb8;
	[tilespmem:$0x1A200] =	vst v63  }
0x54: {  	_ =	swait.ge [sflag:s22], $0x2000  }
0x55: {  	[sflag:s22] =	ssyncset.done $0x0  }
0x56: {  	[sflag:s22] =	ssyncadd.s32 $0xFFFFE000  }
0x57: {  	_ =	swait.ge [sflag:s23], $0x2000  }
0x58: {  	[sflag:s23] =	ssyncset.done $0x0  }
0x59: {  	s28 =	simm.s32 $0x0;
	[sflag:s23] =	ssyncadd.s32 $0xFFFFE000  }
0x5a: {  	v0 =	vld [tilespmem:s28+$0x4240]  }
0x5b: {  	v1 =	vld [tilespmem:s28+$0x4260]  }
0x5c: {  	v43 =	vld [tilespmem:s28+$0x200]  }
0x5d: {  	v44 =	vld [tilespmem:s28+$0x4230]  }
0x5e: {  	v45 =	vld [tilespmem:s28+$0x2230]  }
0x5f: {  	v46 =	vld [tilespmem:s28+$0x2220]  }
0x60: {  	v47 =	vld [tilespmem:s28+$0x2260]  }
0x61: {  	v48 =	vld [tilespmem:s28+$0x4220]  }
0x62: {  	v49 =	vld [tilespmem:s28+$0x2250]  }
0x63: {  	v50 =	vld [tilespmem:s28+$0x4250]  }
0x64: {  	v54 =	vld [tilespmem:s28+$0x2240];
	v51 =	vbroadcast v43, $0x0  }
0x65: {  	v42 =	vbroadcast v43, $0x2;
	v41 =	vbroadcast v43, $0x3  }
0x66: {  	v55 =	vbroadcast v43, $0x1;
	v1 =	vadd.f32 v1, v47;
	v56 =	vadd.f32 v44, v45  }
0x67: {  	v46 =	vadd.f32 v48, v46;
	v40 =	vmul.f32 v51, v5;
	v52 =	vmul.f32 v51, v7  }
0x68: {  	v53 =	vld [tilespmem:s28+$0x4210];
	v49 =	vadd.f32 v50, v49;
	v60 =	vmul.f32 v51, v3;
	v3 =	vmul.f32 v42, v29  }
0x69: {  	v47 =	vld [tilespmem:s28+$0x2210];
	v0 =	vadd.f32 v0, v54;
	v44 =	vmul.f32 v41, v36;
	v5 =	vmul.f32 v51, v14  }
0x6a: {  	v7 =	vmul.f32 v55, v20;
	v1 =	vadd.f32 v1, v13;
	v48 =	vmul.f32 v51, v6  }
0x6b: {  	v57 =	vld [tilespmem:s28+$0x4200];
	v43 =	vmul.f32 v41, v37;
	v61 =	vadd.f32 v46, v9;
	v63 =	vmul.f32 v51, v15  }
0x6c: {  	v58 =	vld [tilespmem:s28+$0x2200];
	v50 =	vmul.f32 v51, v16;
	v62 =	vadd.f32 v49, v12;
	v46 =	vmul.f32 v42, v30  }
0x6d: {  	v54 =	vld [tilespmem:s28+$0x4270];
	v49 =	vmul.f32 v55, v23;
	v56 =	vadd.f32 v56, v10;
	v0 =	vadd.f32 v0, v11  }
0x6e: {  	v59 =	vmul.f32 v42, v31;
	v1 =	vadd.f32 v1, v63;
	v6 =	vadd.f32 v53, v47;
	v53 =	vld [tilespmem:s28+$0x2270]  }
0x6f: {  	v51 =	vmul.f32 v51, v8;
	v63 =	vadd.f32 v61, v52;
	v52 =	vmul.f32 v55, v24  }
0x70: {  	v45 =	vadd.f32 v0, v60;
	v0 =	vmul.f32 v55, v21;
	v1 =	vadd.f32 v1, v49  }
0x71: {  	v61 =	vadd.f32 v57, v58;
	v57 =	vmul.f32 v41, v39;
	v60 =	vmul.f32 v42, v28  }
0x72: {  	v47 =	vmul.f32 v55, v19;
	v58 =	vadd.f32 v1, v59;
	v1 =	vadd.f32 v56, v51  }
0x73: {  	v13 =	vld [tilespmem:$0x1FF60];
	v49 =	vmul.f32 v42, v32;
	v59 =	vmul.f32 v42, v27;
	v8 =	vadd.f32 v54, v53  }
0x74: {  	v51 =	vmul.f32 v55, v17;
	v53 =	vadd.f32 v61, v34;
	v61 =	vadd.f32 v1, v7  }
0x75: {  	v56 =	vmul.f32 v55, v18;
	v7 =	vadd.f32 v45, v0;
	v1 =	vadd.f32 v63, v47  }
0x76: {  	v14 =	vmovc v25;
	v63 =	vadd.f32 v62, v5;
	v54 =	vmul.f32 v42, v26;
	v0 =	vmul.f32 v55, v22  }
0x77: {  	v15 =	vmovc v4;
	v47 =	vmul.f32 v41, v33;
	v45 =	vadd.f32 v6, v35;
	v62 =	vadd.f32 v1, v59  }
0x78: {  	s29 =	simm.s32 $0x200;
	v16 =	vmovc v2;
	v25 =	vld [tilespmem:$0x1FF50];
	v55 =	vmul.f32 v41, v38;
	v1 =	vadd.f32 v8, v13;
	v59 =	vadd.f32 v7, v3  }
.LBB2_3:
0x79: {  	v60 =	vadd.f32 v61, v60  }
0x7a: {  	s30 =	sshra.s32 s29, $0x2;
	v7 =	vmul.f32 v41, v15;
	v48 =	vadd.f32 v45, v48  }
0x7b: {  	v1 =	vadd.f32 v1, v50;
	v45 =	vld [tilespmem:s30+$0x4270];
	v44 =	vadd.f32 v60, v44  }
0x7c: {  	v4 =	vmul.f32 v41, v16;
	v0 =	vadd.f32 v63, v0;
	v61 =	vld [tilespmem:s30+$0x4200];
	v50 =	vadd.f32 v62, v7  }
0x7d: {  	v57 =	vadd.f32 v58, v57;
	v58 =	vld [tilespmem:s30+$0x4260];
	v1 =	vadd.f32 v1, v52;
	v6 =	vmul.f32 $2.000000030e-01, v44  }
0x7e: {  	v7 =	vld [tilespmem:s30+$0x200];
	v0 =	vadd.f32 v0, v46;
	v62 =	vmul.f32 $2.000000030e-01, v50;
	vm1 =	vgt.f32 v44, $0.0e+00  }
0x7f: {  	v52 =	vld [tilespmem:s30+$0x4240];
	v5 =	vmul.f32 $2.000000030e-01, v57;
	vm2 =	vgt.f32 v50, $0.0e+00;
	v44 =	vsel vm1, v44, v6  }
0x80: {  	vm0 =	vgt.f32 v57, $0.0e+00;
	v60 =	vld [tilespmem:s30+$0x4230];
	v50 =	vsel vm2, v50, v62;
	[tilespmem:s28+$0x2230] =	vst v44  }
0x81: {  	v46 =	vsel vm0, v57, v5;
	v0 =	vadd.f32 v0, v4;
	v62 =	vld [tilespmem:s30+$0x2230];
	[tilespmem:s28+$0x2220] =	vst v50  }
0x82: {  	v3 =	vld [tilespmem:$0x1FFD0];
	[tilespmem:s28+$0x2260] =	vst v46  }
0x83: {  	v63 =	vmul.f32 v41, v14;
	v1 =	vadd.f32 v1, v49;
	v41 =	vmul.f32 $2.000000030e-01, v0;
	v46 =	vld [tilespmem:s30+$0x2220]  }
0x84: {  	v40 =	vadd.f32 v53, v40;
	vm12 =	vgt.f32 v0, $0.0e+00;
	v5 =	vld [tilespmem:s30+$0x2260]  }
0x85: {  	v1 =	vadd.f32 v1, v55;
	v0 =	vsel vm12, v0, v41;
	v55 =	vld [tilespmem:s30+$0x4220]  }
0x86: {  	v42 =	vmul.f32 v42, v25;
	v40 =	vadd.f32 v40, v51;
	[tilespmem:s28+$0x2250] =	vst v0;
	v0 =	vld [tilespmem:$0x1FF80];
	_ =	sdelay $0x1  }
0x87: {  	v48 =	vadd.f32 v48, v56;
	v40 =	vadd.f32 v40, v42  }
0x88: {  	v2 =	vld [tilespmem:$0x1FFA0];
	v43 =	vadd.f32 v59, v43;
	v51 =	vbroadcast v7, $0x0  }
0x89: {  	v48 =	vadd.f32 v48, v54;
	v47 =	vadd.f32 v40, v47  }
0x8a: {  	v40 =	vmul.f32 v51, v0;
	v0 =	vadd.f32 v60, v62;
	v62 =	vmul.f32 v51, v3;
	v3 =	vld [tilespmem:$0x1FF70];
	_ =	sdelay $0x1  }
0x8b: {  	v59 =	vmul.f32 $2.000000030e-01, v43;
	vm11 =	vgt.f32 v43, $0.0e+00;
	v48 =	vadd.f32 v48, v63  }
0x8c: {  	v42 =	vbroadcast v7, $0x2;
	v56 =	vmul.f32 v51, v2;
	v2 =	vld [tilespmem:$0x1FFC0];
	v58 =	vadd.f32 v58, v5  }
0x8d: {  	v43 =	vsel vm11, v43, v59;
	v63 =	vmul.f32 $2.000000030e-01, v48;
	v4 =	vmul.f32 $2.000000030e-01, v1;
	v49 =	vld [tilespmem:s30+$0x2250]  }
0x8e: {  	vm13 =	vgt.f32 v1, $0.0e+00;
	v46 =	vadd.f32 v55, v46;
	v55 =	vadd.f32 v58, v3;
	v3 =	vld [tilespmem:$0x1FF90]  }
0x8f: {  	v59 =	vbroadcast v7, $0x1;
	vm15 =	vgt.f32 v48, $0.0e+00;
	v1 =	vsel vm13, v1, v4;
	v6 =	vld [tilespmem:s30+$0x4250];
	[tilespmem:s28+$0x2240] =	vst v43  }
0x90: {  	v41 =	vbroadcast v7, $0x3;
	v7 =	vmul.f32 $2.000000030e-01, v47;
	v44 =	vsel vm15, v48, v63;
	v53 =	vld [tilespmem:s30+$0x4210];
	[tilespmem:s28+$0x2270] =	vst v1  }
0x91: {  	vm14 =	vgt.f32 v47, $0.0e+00;
	v1 =	vld [tilespmem:s30+$0x2240];
	[tilespmem:s28+$0x2210] =	vst v44  }
0x92: {  	v43 =	vsel vm14, v47, v7;
	v54 =	vld [tilespmem:s30+$0x2210]  }
0x93: {  	v47 =	vmul.f32 v59, v20;
	[tilespmem:s28+$0x2200] =	vst v43;
	s28 =	smov.u32 s30;
	v48 =	vmul.f32 v51, v3;
	v3 =	vld [tilespmem:$0x1FFE0]  }
0x94: {  	v7 =	vmul.f32 v42, v27;
	v44 =	vmul.f32 v41, v36;
	v4 =	vld [tilespmem:s28+$0x2270]  }
0x95: {  	v57 =	vmul.f32 v51, v2;
	v2 =	vmul.f32 v42, v29;
	v49 =	vadd.f32 v6, v49  }
0x96: {  	v43 =	vmul.f32 v41, v37;
	v60 =	vadd.f32 v46, v9;
	v1 =	vadd.f32 v52, v1;
	v58 =	vld [tilespmem:s28+$0x2200]  }
0x97: {  	v46 =	vmul.f32 v42, v30;
	v0 =	vadd.f32 v0, v10;
	v5 =	vadd.f32 v53, v54  }
0x98: {  	v52 =	vmul.f32 v59, v24;
	v1 =	vadd.f32 v1, v11;
	v63 =	vmul.f32 v51, v3;
	v3 =	vld [tilespmem:$0x1FFF0]  }
0x99: {  	v6 =	vld [tilespmem:$0x1FFB0];
	v54 =	vmul.f32 v42, v31;
	v4 =	vadd.f32 v45, v4;
	v45 =	vadd.f32 v5, v35  }
0x9a: {  	v1 =	vadd.f32 v1, v57;
	v53 =	vadd.f32 v55, v63;
	v63 =	vmul.f32 v59, v23  }
0x9b: {  	v57 =	vmul.f32 v41, v39;
	v55 =	vadd.f32 v60, v56;
	v56 =	vadd.f32 v61, v58  }
0x9c: {  	v60 =	vmul.f32 v42, v28;
	v53 =	vadd.f32 v53, v63;
	v63 =	vmul.f32 v59, v21  }
0x9d: {  	v50 =	vmul.f32 v51, v3;
	v3 =	vadd.f32 v49, v12;
	v49 =	vmul.f32 v42, v32  }
0x9e: {  	p0 =	sne.s32 s29, $0x7E00;
	v51 =	vmul.f32 v51, v6;
	v6 =	vmul.f32 v59, v19;
	v58 =	vadd.f32 v53, v54  }
.Ltmp0:
0x9f: {  	v53 =	vadd.f32 v56, v34;
	v56 =	vmul.f32 v59, v18;
	v8 =	vadd.f32 v1, v63;
	(pc) =	sbr.rel @p0 .LBB2_3-.Ltmp0, $4  }
0xa0: {  	v54 =	vmul.f32 v42, v26;
	v1 =	vadd.f32 v4, v13;
	v0 =	vadd.f32 v0, v51  }
0xa1: {  	v51 =	vmul.f32 v59, v17;
	v6 =	vadd.f32 v55, v6;
	v63 =	vadd.f32 v3, v62  }
0xa2: {  	v55 =	vmul.f32 v41, v38;
	v61 =	vadd.f32 v0, v47;
	v0 =	vmul.f32 v59, v22  }
0xa3: {  	s29 =	sadd.s32 $0x200, s29;
	v47 =	vmul.f32 v41, v33;
	v62 =	vadd.f32 v6, v7;
	v59 =	vadd.f32 v8, v2  }
0xa4: {  	v3 =	vadd.f32 v45, v48  }
0xa5: {  	v1 =	vadd.f32 v1, v50;
	v5 =	vadd.f32 v61, v60  }
0xa6: {  	v4 =	vmul.f32 v41, v15;
	v0 =	vadd.f32 v63, v0;
	v7 =	vadd.f32 v58, v57  }
0xa7: {  	v2 =	vmul.f32 v42, v25;
	v40 =	vadd.f32 v53, v40;
	v43 =	vadd.f32 v59, v43  }
0xa8: {  	v6 =	vmul.f32 v41, v14;
	v1 =	vadd.f32 v1, v52;
	v4 =	vadd.f32 v62, v4  }
0xa9: {  	v8 =	vmul.f32 v41, v16;
	v5 =	vadd.f32 v5, v44;
	v0 =	vadd.f32 v0, v46  }
0xaa: {  	vm0 =	vgt.f32 v7, $0.0e+00;
	v62 =	vmul.f32 $2.000000030e-01, v7;
	v3 =	vadd.f32 v3, v56  }
0xab: {  	v40 =	vadd.f32 v40, v51;
	vm11 =	vgt.f32 v43, $0.0e+00;
	v63 =	vmul.f32 $2.000000030e-01, v4  }
0xac: {  	vm1 =	vgt.f32 v5, $0.0e+00;
	v1 =	vadd.f32 v1, v49;
	v44 =	vmul.f32 $2.000000030e-01, v5  }
0xad: {  	vm2 =	vgt.f32 v4, $0.0e+00;
	v3 =	vadd.f32 v3, v54;
	v0 =	vadd.f32 v0, v8  }
0xae: {  	v7 =	vsel vm0, v7, v62;
	v8 =	vmul.f32 $2.000000030e-01, v43;
	v5 =	vsel vm1, v5, v44  }
0xaf: {  	v2 =	vadd.f32 v40, v2;
	v1 =	vadd.f32 v1, v55;
	[tilespmem:s28+$0x2230] =	vst v5;
	v5 =	vmul.f32 $2.000000030e-01, v0  }
0xb0: {  	[tilespmem:s28+$0x2260] =	vst v7;
	v4 =	vsel vm2, v4, v63;
	v3 =	vadd.f32 v3, v6;
	vm12 =	vgt.f32 v0, $0.0e+00  }
0xb1: {  	v2 =	vadd.f32 v2, v47;
	[tilespmem:s28+$0x2220] =	vst v4;
	v4 =	vmul.f32 $2.000000030e-01, v1;
	v0 =	vsel vm12, v0, v5  }
0xb2: {  	v6 =	vmul.f32 $2.000000030e-01, v3;
	vm13 =	vgt.f32 v1, $0.0e+00;
	v5 =	vsel vm11, v43, v8;
	[tilespmem:s28+$0x2250] =	vst v0  }
0xb3: {  	vm14 =	vgt.f32 v3, $0.0e+00;
	v0 =	vsel vm13, v1, v4;
	[tilespmem:s28+$0x2240] =	vst v5;
	v1 =	vmul.f32 $2.000000030e-01, v2  }
0xb4: {  	vm15 =	vgt.f32 v2, $0.0e+00;
	v3 =	vsel vm14, v3, v6;
	[tilespmem:s28+$0x2270] =	vst v0  }
0xb5: {  	[tilespmem:s28+$0x2210] =	vst v3;
	v0 =	vsel vm15, v2, v1  }
0xb6: {  	[tilespmem:s28+$0x2200] =	vst v0  }
0xb7: {  	[spmem:s2] =	stream.indirect.scatter.add.f32 [tilespmem:s19], [sflag:$0x3], $0x80, s24, s18, $0xb8;
	[tilespmem:$0x1A200] =	vst v63  }
0xb8: {  	_ =	swait.ge [sflag:s15], $0x2000  }
0xb9: {  	v5 =	vld [tilespmem:$0x1FF80]  }
0xba: {  	v6 =	vld [tilespmem:$0x1FF90]  }
0xbb: {  	s26 =	sadd.s32 $0x1, s26;
	v7 =	vld [tilespmem:$0x1FFA0]  }
0xbc: {  	p0 =	sne.s32 s26, $0x13C;
	v8 =	vld [tilespmem:$0x1FFB0]  }
.Ltmp1:
0xbd: {  	v3 =	vld [tilespmem:$0x1FFC0];
	(pc) =	sbr.rel @p0 .LBB2_2-.Ltmp1, $4  }
0xbe: {  	v25 =	vmov v14;
	v14 =	vld [tilespmem:$0x1FFD0]  }
0xbf: {  	v50 =	vmov v15;
	v15 =	vld [tilespmem:$0x1FFE0]  }
0xc0: {  	v13 =	vmov v16;
	[sflag:s15] =	ssyncset.done $0x0;
	v16 =	vld [tilespmem:$0x1FFF0]  }
0xc1: {  	v4 =	vmov v50;
	v2 =	vmov v13;
	v13 =	vld [tilespmem:$0x1FF70];
	[sflag:s15] =	ssyncadd.s32 $0xFFFFE000  }
0xc2: {  	s25 =	sadd.s32 $0x1, s25  }
0xc3: {  	p0 =	sne.s32 s25, s13  }
.Ltmp2:
0xc4: {  	[bflag:$0x0] =	sbarrier.arrive $0xFFFF;
	(pc) =	sbr.rel @p0 .LBB2_1-.Ltmp2, $4  }
0xc5: {  	[hbm:s12], [sflag:s8] =	dma.local [spmem:s14], $0x2780  }
0xc6: {  	_ =	swait.ge [sflag:s15], $0x2780  }
0xc7: {  	[sflag:s15] =	ssyncset.done $0x0  }
0xc8: {  	[sflag:s15] =	ssyncadd.s32 $0xFFFFD880  }
0xc9: {  	_ =	sfence.sel $0x180000  }
0xca: {  	[bflag:$0x0] =	sbarrier.arrive $0xFFFF  }
0xcb: {  	p0 =	sne.s32 s1, $0x0;
	_ =	strace $0x9000004D  }
0xcc: {  	s0 =	sadd.s32 @!p0 $0x100000, s0;
	[bflag:$0x2] =	sbarrier.arrive $0xFFFF  }
0xcd: {  	[sflag:s0] =	ssyncadd.tile.s32 @!p0 $0x1;
	_ =	shalt  }
.Lfunc_end2:
_tile_overlayer_lowered:
.L_overlay_start_2:
0xce: {  	(tag) =	ssettag $0x2  }
0xcf: {  	s0 =	rddreg [dreg:$0x0];
	s2 =	stileid.u32  }
0xd0: {  	s1 =	rddreg [dreg:$0x1];
	p0 =	sne.s32 s2, $0x0  }
0xd1: {  	s3 =	rddreg [dreg:$0x2];
	[bflag:$0x3] =	sbarrier.arrive $0xFFFF;
	s2 =	simm.s32 @!p0 $0x1C03  }
0xd2: {  	[timem:s3], [sflag:s2] =	dma.local @!p0 [hbm:s0], s1  }
0xd3: {  	s0 =	simm.s32 @!p0 $0x3  }
0xd4: {  	_ =	swait.ge @!p0 [sflag:s0], s1  }
0xd5: {  	s1 =	ssub.s32 @!p0 $0x0, s1;
	[sflag:s0] =	ssyncset.done @!p0 $0x0  }
0xd6: {  	[sflag:s0] =	ssyncadd.s32 @!p0 s1  }
0xd7: {  	[bflag:$0x3] =	sbarrier.arrive $0xFFFF  }
0xd8: {  	_ =	shalt  }

// kernel: kernel.29.cloned.1.call-start
scs
__scs_entry_jumppad:
0x0: {  	(pc) =	sbr.rel $0x88, $3  }
0x1: {  	(tag) =	ssettag $0x0;
	lr =	simm.s32 $0x1  }
0x2: {  	[smem:$0x3F8B] =	sst lr;
	_ =	strace $0xD0000000  }
0x3: {  	_ = 	snop  }
0x4: {  	_ = 	snop  }
0x5: {  	_ = 	snop  }
0x6: {  	_ = 	snop  }
0x7: {  	_ = 	snop  }
__scs_overlays_trampoline_lowered:
0x8: {  	[smem:$0x3F9A] =	sst s0  }
0x9: {  	[smem:$0x3F9B] =	sst s1  }
0xa: {  	[smem:$0x3F9C] =	sst s2  }
0xb: {  	[smem:$0x3F9D] =	sst s3  }
0xc: {  	[smem:$0x3F9E] =	sst s4  }
0xd: {  	[smem:$0x3F9F] =	sst s5  }
0xe: {  	[smem:$0x3FA0] =	sst s6  }
0xf: {  	[smem:$0x3FA1] =	sst s7  }
0x10: {  	[smem:$0x3FA2] =	sst s8  }
0x11: {  	[smem:$0x3FA3] =	sst s9;
	s0 =	simm.s32 @!p0 $0x0  }
0x12: {  	s1 =	sld [smem:$0x3F89];
	s0 =	simm.s32 @p0 $0x1  }
0x13: {  	[smem:$0x3FA4] =	sst s0;
	s0 =	simm.s32 @!p1 $0x0  }
0x14: {  	s2 =	sld [smem:$0x3F88];
	s0 =	simm.s32 @p1 $0x1  }
0x15: {  	[smem:$0x3FA5] =	sst s0;
	s0 =	simm.s32 @!p2 $0x0  }
0x16: {  	s3 =	sld [smem:$0x3FDB];
	s0 =	simm.s32 @p2 $0x1  }
0x17: {  	s4 =	simm.s32 $0x1BF5;
	[smem:$0x3FA7] =	sst s0  }
0x18: {  	s0 =	sld [smem:$0x3F8A];
	_ =	swait.ge [sflag:s4], $0x0  }
0x19: {  	s7 =	sld [smem:$0x3F8B]  }
0x1a: {  	s8 =	sadd.s32 $0xFFFFE003, lr  }
0x1b: {  	s9 =	sadd.s32 $0xFFFFFEF7, lr;
	s5 =	simm.s32 $0xFFFFFFFF;
	p2 =	slt.u32 s8, $0xFFFFF086  }
0x1c: {  	p1 =	slt.u32 s9, $0xF7A;
	s5 =	simm.s32 @!p2 $0x0  }
0x1d: {  	s5 =	simm.s32 @p1 $0x1;
	p0 =	seq.s32 s7, s2  }
0x1e: {  	s7 =	smul.u32 @!p0 $0xF7A, s2;
	p2 =	seq.s32 @!p0 s5, $0x0  }
0x1f: {  	s9 =	smul.u32 $0xF7A, s1;
	s8 =	simm.s32 @!p0 $0x1BF5;
	p2 =	por !p2, p0  }
0x20: {  	[sflag:s8] =	ssyncset.s32 @!p0 $0xFFFFF086;
	s6 =	sadd.s32 @!p0 s3, s7;
	s7 =	simm.s32 @!p0 $0x108  }
0x21: {  	s3 =	sadd.s32 s3, s9;
	s6 =	sadd.s32 @!p0 $0x88, s6;
	s7 =	simm.s32 @p2 $0x1082  }
0x22: {  	[simem:s7], [sflag:s8] =	dma.local @!p0 [hbm:s6], $0xF7A  }
0x23: {  	s9 =	sor.u32 $0xD0000000, s2;
	s6 =	simm.s32 $0x108;
	_ =	swait.ge @!p0 [sflag:s8], $0x0  }
0x24: {  	s3 =	sadd.s32 $0x88, s3;
	s6 =	simm.s32 @!p1 $0x1082;
	[sflag:s4] =	ssyncset.s32 $0xFFFFF086  }
0x25: {  	[simem:s6], [sflag:s4] =	dma.local [hbm:s3], $0xF7A  }
0x26: {  	[smem:$0x3F8B] =	sst s1;
	(tag) =	ssettag s2;
	_ =	strace s9  }
0x27: {  	s1 =	sld [smem:$0x3F9B]  }
0x28: {  	s2 =	sld [smem:$0x3F9C]  }
0x29: {  	s4 =	sld [smem:$0x3F9E]  }
0x2a: {  	p0 =	seq.s32 s5, $0x0;
	s5 =	sld [smem:$0x3F9F]  }
0x2b: {  	s6 =	sld [smem:$0x3FA0]  }
0x2c: {  	s7 =	sld [smem:$0x3FA1]  }
0x2d: {  	s3 =	simm.s32 $0x108;
	s8 =	sld [smem:$0x3FA2]  }
0x2e: {  	s3 =	simm.s32 @!p0 $0x1082;
	s9 =	sld [smem:$0x3FA3]  }
0x2f: {  	lr =	sadd.s32 s0, s3;
	s0 =	sld [smem:$0x3F9A]  }
0x30: {  	s3 =	sld [smem:$0x3F9D]  }
0x31: {  	[smem:$0x3FA6] =	sst s10  }
0x32: {  	s10 =	sld [smem:$0x3FA4];
	_ =	sdelay $0x3  }
0x33: {  	p0 =	seq.s32 s10, $0x1;
	s10 =	sld [smem:$0x3FA6];
	_ =	sdelay $0x3  }
0x34: {  	[smem:$0x3FA6] =	sst s10  }
0x35: {  	s10 =	sld [smem:$0x3FA5];
	_ =	sdelay $0x3  }
0x36: {  	p1 =	seq.s32 s10, $0x1;
	s10 =	sld [smem:$0x3FA6];
	_ =	sdelay $0x3  }
0x37: {  	[smem:$0x3FA6] =	sst s10  }
0x38: {  	s10 =	sld [smem:$0x3FA7]  }
0x39: {  	_ = 	snop;
	(pc) =	sbr.ind lr, $3  }
0x3a: {  	_ = 	snop  }
0x3b: {  	_ = 	snop  }
0x3c: {  	p2 =	seq.s32 s10, $0x1;
	s10 =	sld [smem:$0x3FA6]  }
0x3d: {  	_ =	shalt  }
0x3e: {  	_ =	shalt  }
0x3f: {  	_ =	shalt  }
0x40: {  	_ =	shalt  }
0x41: {  	_ =	shalt  }
0x42: {  	_ =	shalt  }
0x43: {  	_ =	shalt  }
0x44: {  	_ =	shalt  }
0x45: {  	_ =	shalt  }
0x46: {  	_ =	shalt  }
0x47: {  	_ =	shalt  }
0x48: {  	_ =	shalt  }
0x49: {  	_ =	shalt  }
0x4a: {  	_ =	shalt  }
0x4b: {  	_ =	shalt  }
0x4c: {  	_ =	shalt  }
0x4d: {  	_ =	shalt  }
0x4e: {  	_ =	shalt  }
0x4f: {  	_ =	shalt  }
0x50: {  	_ =	shalt  }
0x51: {  	_ =	shalt  }
0x52: {  	_ =	shalt  }
0x53: {  	_ =	shalt  }
0x54: {  	_ =	shalt  }
0x55: {  	_ =	shalt  }
0x56: {  	_ =	shalt  }
0x57: {  	_ =	shalt  }
0x58: {  	_ =	shalt  }
0x59: {  	_ =	shalt  }
0x5a: {  	_ =	shalt  }
0x5b: {  	_ =	shalt  }
0x5c: {  	_ =	shalt  }
0x5d: {  	_ =	shalt  }
0x5e: {  	_ =	shalt  }
0x5f: {  	_ =	shalt  }
0x60: {  	_ =	shalt  }
0x61: {  	_ =	shalt  }
0x62: {  	_ =	shalt  }
0x63: {  	_ =	shalt  }
0x64: {  	_ =	shalt  }
0x65: {  	_ =	shalt  }
0x66: {  	_ =	shalt  }
0x67: {  	_ =	shalt  }
0x68: {  	_ =	shalt  }
0x69: {  	_ =	shalt  }
0x6a: {  	_ =	shalt  }
0x6b: {  	_ =	shalt  }
0x6c: {  	_ =	shalt  }
0x6d: {  	_ =	shalt  }
0x6e: {  	_ =	shalt  }
0x6f: {  	_ =	shalt  }
0x70: {  	_ =	shalt  }
0x71: {  	_ =	shalt  }
0x72: {  	_ =	shalt  }
0x73: {  	_ =	shalt  }
0x74: {  	_ =	shalt  }
0x75: {  	_ =	shalt  }
0x76: {  	_ =	shalt  }
0x77: {  	_ =	shalt  }
0x78: {  	_ =	shalt  }
0x79: {  	_ =	shalt  }
0x7a: {  	_ =	shalt  }
0x7b: {  	_ =	shalt  }
0x7c: {  	_ =	shalt  }
0x7d: {  	_ =	shalt  }
0x7e: {  	_ =	shalt  }
0x7f: {  	_ =	shalt  }
0x80: {  	_ =	shalt  }
0x81: {  	_ =	shalt  }
0x82: {  	_ =	shalt  }
0x83: {  	_ =	shalt  }
0x84: {  	_ =	shalt  }
0x85: {  	_ =	shalt  }
0x86: {  	_ =	shalt  }
0x87: {  	_ =	shalt  }
.Lfunc_end0:
.L_simem_size_0:
called_computation.3_lowered:
.L_overlay_start_0:
0x88: {  	s2 =	sld [smem:$0x3FD9]  }
0x89: {  	s3 =	sld [smem:$0x3FFE];
	_ =	sdelay $0x1  }
0x8a: {  	s1 =	srdreg.scid  }
0x8b: {  	s0 =	sand.u32 $0x1, s1  }
0x8c: {  	s16 =	sshll.u32 s0, $0xA;
	s2 =	sadd.s32 s3, s2  }
0x8d: {  	s2 =	sadd.s32 s2, s16  }
0x8e: {  	[smem:$0x3FB2] =	sst s2  }
0x8f: {  	_ = 	snop  }
0x90: {  	(tm) =	ssettm $0x1  }
0x91: {  	s17 =	sld [smem:$0x3FFB];
	_ =	sdelay $0x3  }
0x92: {  	_ =	strace s17  }
0x93: {  	s2 =	sld [smem:$0x3FFC];
	_ =	sdelay $0x3  }
0x94: {  	_ =	strace s2  }
0x95: {  	s2 =	sld [smem:$0x3FFD];
	_ =	sdelay $0x3  }
0x96: {  	_ =	strace s2  }
0x97: {  	_ =	strace $0x8FFFFFFF  }
0x98: {  	s18 =	sld [smem:$0x3FDB];
	_ =	sdelay $0x1  }
0x99: {  	s19 =	simm.s32 $_scs_section_size  }
0x9a: {  	s4 =	simm.s32 $_size__tile_overlayer_lowered;
	s5 =	simm.s32 $_tile_overlayer_lowered  }
0x9b: {  	s22 =	simm.s32 $0x1BFF;
	s21 =	sshll.u32 s5, $0x1;
	s2 =	sadd.s32 s19, s18  }
0x9c: {  	s6 =	simm.s32 $0x0;
	s20 =	sshll.u32 s4, $0x1;
	s4 =	sadd.s32 s21, s2  }
0x9d: {  	[timem:s6], [sflag:s22] =	dma.local [hbm:s4], s20  }
0x9e: {  	_ =	swait.ge [sflag:s22], s20  }
0x9f: {  	s3 =	ssub.s32 $0x0, s20;
	[sflag:s22] =	ssyncset.done $0x0  }
0xa0: {  	[sflag:s22] =	ssyncadd.s32 s3;
	_ =	sdelay $0x1  }
0xa1: {  	s23 =	simm.s32 $0x1B8B  }
0xa2: {  	_ =	swait.ge [sflag:s23], $0x1  }
0xa3: {  	[sflag:s23] =	ssyncset.done $0x0  }
0xa4: {  	s25 =	simm.s32 $0x1B8E;
	s24 =	sld [smem:$0x3FFE];
	[sflag:s23] =	ssyncadd.s32 $0xFFFFFFFF  }
0xa5: {  	s26 =	simm.s32 $execute0_lowered;
	[smem:$0x3FD2] =	sst s25  }
0xa6: {  	s4 =	sshll.u32 s26, $0x1;
	_ =	strace $0x8000004F;
	[dreg:$0x1] =	wrdreg $0xFFFFFFFF  }
0xa7: {  	s28 =	simm.s32 $_size_execute0_lowered;
	s2 =	sadd.s32 s2, s4;
	[dreg:$0x0] =	wrdreg $0x0  }
0xa8: {  	s4 =	sshll.u32 s28, $0x1;
	[dreg:$0x2] =	wrdreg s2  }
0xa9: {  	[dreg:$0x3] =	wrdreg s4  }
0xaa: {  	[dreg:$0x4] =	wrdreg $0xC0  }
0xab: {  	_ =	task [dreg:s6], $0x5FFFF  }
0xac: {  	[dreg:$0x1] =	wrdreg $0xFFFFFFFF  }
0xad: {  	[dreg:$0x0] =	wrdreg $0x60  }
0xae: {  	[dreg:$0x2] =	wrdreg s24  }
0xaf: {  	[dreg:$0x3] =	wrdreg $0x42000  }
0xb0: {  	[dreg:$0x4] =	wrdreg $0x9  }
0xb1: {  	_ =	task.clear_ibuf [dreg:s6], $0x5FFFF;
	_ =	strace $0x9000004F  }
0xb2: {  	s29 =	simm.s32 $0x9;
	_ =	strace $0x80000051  }
0xb3: {  	_ =	swait.ge [sflag:s29], $0x1  }
0xb4: {  	[sflag:s29] =	ssyncadd.s32 $0xFFFFFFFF  }
0xb5: {  	_ =	strace $0x90000051  }
0xb6: {  	_ =	sfence  }
0xb7: {  	s30 =	sld [smem:$0x0];
	_ =	sdelay $0x2  }
0xb8: {  	s31 =	sshll.u32 s1, $0xD;
	s1 =	sshrl.u32 s1, $0x2  }
0xb9: {  	s3 =	sand.u32 $0x4000, s31;
	s1 =	sadd.s32 s1, s30  }
0xba: {  	s0 =	sor.u32 s3, s0;
	s1 =	sshll.u32 s1, $0x11  }
0xbb: {  	s0 =	sor.u32 s1, s0  }
0xbc: {  	s0 =	sadd.s32 $0x8F2B, s0  }
0xbd: {  	[sflag:s0] =	ssyncadd.remote.s32 $0x1  }
0xbe: {  	_ =	sfence.sel $0xFFFF  }
0xbf: {  	[dreg:$0x0] =	wrdreg $0xFFFFFFFF;
	(pc) =	sbr.abs _section_cstart, $3  }
0xc0: {  	[dreg:$0x1] =	wrdreg $0xFFFFFFFF  }
0xc1: {  	_ =	task.clear_ibuf [dreg:s6], $0x2FFFF;
	_ =	strace $0x9FFFFFFF  }
0xc2: {  	(tm) =	ssettm $0x7FFFFFFF  }
0xc3: {  	_ =	shalt  }
tec
execute0_lowered:
.L_overlay_start_1:
0x0: {  	(tag) =	ssettag $0x1  }
0x1: {  	s6 =	rddreg [dreg:$0x0]  }
0x2: {  	s2 =	rddreg [dreg:$0x1]  }
0x3: {  	s0 =	rddreg [dreg:$0x2]  }
0x4: {  	s3 =	simm.s32 $0x0;
	s4 =	srdreg.scid;
	s1 =	stileid.u32  }
0x5: {  	s15 =	simm.s32 $0x1;
	s16 =	simm.s32 $0x180;
	s17 =	simm.s32 $0x2200  }
0x6: {  	s18 =	simm.s32 $0x0;
	[smem:$0x7FF] =	sst s3;
	s8 =	smul.u32 $0x2780, s1  }
0x7: {  	s7 =	sand.u32 $0x1, s4;
	s4 =	sadd.s32 $0xDA000, s6;
	s10 =	smul.u32 $0x4F000, s1  }
0x8: {  	s12 =	sadd.s32 $0x8B000, s6;
	s14 =	smul.u32 $0x13C00, s1;
	s28 =	sshll.u32 s1, $0x6  }
0x9: {  	_ =	strace $0x80000050;
	s9 =	smul.u32 $0x27800, s7;
	s5 =	sshll.u32 s7, $0x4  }
0xa: {  	s25 =	ssub.s32 $0x2, s7;
	s7 =	smul.u32 $0x13C000, s7;
	s11 =	sor.u32 s1, s5  }
0xb: {  	s5 =	sadd.s32 $0x39800, s6;
	s13 =	sshrl.u32 s25, $0x1;
	s10 =	sshrl.u32 s10, $0x2  }
0xc: {  	s11 =	smul.u32 $0x13C00, s11;
	s8 =	sadd.s32 s8, s9;
	s9 =	ssub.s32 s25, s13  }
0xd: {  	s26 =	sadd.s32 s10, s2;
	s30 =	sadd.s32 s14, s7;
	s13 =	simm.s32 $0x40  }
0xe: {  	s14 =	simm.s32 $0x200;
	s8 =	sadd.s32 s8, s6;
	s6 =	sor.u32 $0x1C02, s28  }
0xf: {  	s31 =	sor.u32 $0x100, s30;
	s9 =	smax.u32 s9, $0x1;
	s29 =	sshrl.u32 s11, $0x3  }
0x10: {  	s8 =	sadd.s32 $0x178000, s8;
	s10 =	sshrl.u32 s31, $0x3;
	s11 =	sshrl.u32 s26, $0x3  }
0x11: {  	s7 =	sadd.s32 s12, s29;
	s10 =	sadd.s32 s10, s12;
	s12 =	simm.s32 $0x2  }
.LBB2_1:
0x12: {  	[spmem:s11], [sflag:s6] =	dma.local [hbm:s5], $0x2780  }
0x13: {  	_ =	swait.ge [sflag:s12], $0x2780  }
0x14: {  	[sflag:s12] =	ssyncset.done $0x0  }
0x15: {  	[sflag:s12] =	ssyncadd.s32 $0xFFFFD880  }
0x16: {  	[bflag:$0x0] =	sbarrier.arrive $0xFFFF  }
0x17: {  	[tilespmem:s3], [sflag:$0x2] =	stream.linear.gather [hbm4b:s7+s3], $0x100, $0x38;
	[tilespmem:$0x17E00] =	vst v63  }
0x18: {  	_ =	swait.ge [sflag:s12], $0x100  }
0x19: {  	[sflag:s12] =	ssyncset.done $0x0  }
0x1a: {  	[sflag:s12] =	ssyncadd.s32 $0xFFFFFF00  }
0x1b: {  	[tilespmem:s14], [sflag:$0x1] =	stream.indirect.gather [hbm4b:s4+s13], $0x80, s3, s13, $0xb8;
	[tilespmem:$0x17E00] =	vst v63  }
0x1c: {  	s19 =	sand.u32 $0x1, s3;
	_ =	swait.ge [sflag:s15], $0x2000  }
0x1d: {  	s20 =	sxor.u32 $0x1, s19;
	[sflag:s15] =	ssyncset.done $0x0  }
0x1e: {  	s21 =	sshll.u32 s20, $0x8;
	[sflag:s15] =	ssyncadd.s32 $0xFFFFE000  }
0x1f: {  	[tilespmem:s21], [sflag:$0x2] =	stream.linear.gather [hbm4b:s10+s3], $0x100, $0x38;
	[tilespmem:$0x17E00] =	vst v63  }
0x20: {  	_ =	swait.ge [sflag:s12], $0x100  }
0x21: {  	s22 =	sshll.u32 s19, $0xD;
	s20 =	sshll.u32 s20, $0xD;
	[sflag:s12] =	ssyncset.done $0x0  }
0x22: {  	s19 =	sshll.u32 s19, $0x8;
	s20 =	sor.u32 $0x200, s20;
	[sflag:s12] =	ssyncadd.s32 $0xFFFFFF00  }
0x23: {  	[tilespmem:s20], [sflag:$0x1] =	stream.indirect.gather [hbm4b:s4+s13], $0x80, s21, s13, $0xb8;
	[tilespmem:$0x17E00] =	vst v63  }
0x24: {  	s31 =	sor.u32 $0x200, s22;
	s19 =	sor.u32 $0x80, s19  }
0x25: {  	[spmem:s2] =	stream.indirect.scatter.add.f32 [tilespmem:s31], [sflag:$0x2], $0x80, s19, s13, $0xb8;
	[tilespmem:$0x17E00] =	vst v63  }
0x26: {  	_ =	swait.ge [sflag:s12], $0x2000  }
0x27: {  	s20 =	smov.u32 s10;
	s19 =	simm.s32 $0x1;
	[sflag:s12] =	ssyncset.done $0x0  }
.LBB2_2:
0x28: {  	p0 =	sne.s32 s19, $0x13A;
	[sflag:s12] =	ssyncadd.s32 $0xFFFFE000;
	s20 =	sadd.s32 $0x20, s20  }
0x29: {  	s21 =	smov.u32 s19;
	s19 =	sadd.s32 $0x1, s19  }
0x2a: {  	s21 =	sand.u32 $0x1, s21;
	_ =	swait.ge [sflag:s15], $0x2000  }
0x2b: {  	s22 =	sshll.u32 s21, $0xD;
	s23 =	sxor.u32 $0x1, s21;
	[sflag:s15] =	ssyncset.done $0x0  }
0x2c: {  	s24 =	sshll.u32 s23, $0x8;
	s23 =	sshll.u32 s23, $0xD;
	[sflag:s15] =	ssyncadd.s32 $0xFFFFE000  }
0x2d: {  	[tilespmem:s24], [sflag:$0x2] =	stream.linear.gather [hbm4b:s20+s3], $0x100, $0x38;
	[tilespmem:$0x17E00] =	vst v63  }
0x2e: {  	s21 =	sshll.u32 s21, $0x8;
	_ =	swait.ge [sflag:s12], $0x100  }
0x2f: {  	[sflag:s12] =	ssyncset.done $0x0  }
0x30: {  	s23 =	sor.u32 $0x200, s23;
	[sflag:s12] =	ssyncadd.s32 $0xFFFFFF00  }
0x31: {  	[tilespmem:s23], [sflag:$0x1] =	stream.indirect.gather [hbm4b:s4+s13], $0x80, s24, s13, $0xb8;
	[tilespmem:$0x17E00] =	vst v63  }
.Ltmp0:
0x32: {  	_ = 	snop;
	(pc) =	sbr.rel @p0 .LBB2_2-.Ltmp0, $4  }
0x33: {  	s22 =	sor.u32 $0x200, s22;
	s21 =	sor.u32 $0x80, s21  }
0x34: {  	[spmem:s2] =	stream.indirect.scatter.add.f32 [tilespmem:s22], [sflag:$0x2], $0x80, s21, s13, $0xb8;
	[tilespmem:$0x17E00] =	vst v63  }
0x35: {  	_ =	swait.ge [sflag:s12], $0x2000  }
0x36: {  	[sflag:s12] =	ssyncset.done $0x0  }
0x37: {  	[sflag:s12] =	ssyncadd.s32 $0xFFFFE000  }
0x38: {  	_ =	swait.ge [sflag:s15], $0x2000  }
0x39: {  	[sflag:s15] =	ssyncset.done $0x0  }
0x3a: {  	[sflag:s15] =	ssyncadd.s32 $0xFFFFE000  }
0x3b: {  	[spmem:s2] =	stream.indirect.scatter.add.f32 [tilespmem:s17], [sflag:$0x2], $0x80, s16, s13, $0xb8;
	[tilespmem:$0x17E00] =	vst v63  }
0x3c: {  	_ =	swait.ge [sflag:s12], $0x2000  }
0x3d: {  	s18 =	sadd.s32 $0x1, s18;
	[sflag:s12] =	ssyncset.done $0x0  }
0x3e: {  	p0 =	sne.s32 s18, s9;
	[sflag:s12] =	ssyncadd.s32 $0xFFFFE000  }
.Ltmp1:
0x3f: {  	[bflag:$0x0] =	sbarrier.arrive $0xFFFF;
	(pc) =	sbr.rel @p0 .LBB2_1-.Ltmp1, $4  }
0x40: {  	[hbm:s8], [sflag:s6] =	dma.local [spmem:s11], $0x2780  }
0x41: {  	_ =	swait.ge [sflag:s12], $0x2780  }
0x42: {  	[sflag:s12] =	ssyncset.done $0x0  }
0x43: {  	[sflag:s12] =	ssyncadd.s32 $0xFFFFD880  }
0x44: {  	_ =	sfence.sel $0x180000  }
0x45: {  	[bflag:$0x0] =	sbarrier.arrive $0xFFFF  }
0x46: {  	p0 =	sne.s32 s1, $0x0;
	_ =	strace $0x90000050  }
0x47: {  	s0 =	sadd.s32 @!p0 $0x100000, s0;
	[bflag:$0x2] =	sbarrier.arrive $0xFFFF  }
0x48: {  	[sflag:s0] =	ssyncadd.tile.s32 @!p0 $0x1;
	_ =	shalt  }
.Lfunc_end2:
_tile_overlayer_lowered:
.L_overlay_start_2:
0x49: {  	(tag) =	ssettag $0x2  }
0x4a: {  	s0 =	rddreg [dreg:$0x0];
	s2 =	stileid.u32  }
0x4b: {  	s1 =	rddreg [dreg:$0x1];
	p0 =	sne.s32 s2, $0x0  }
0x4c: {  	s3 =	rddreg [dreg:$0x2];
	[bflag:$0x3] =	sbarrier.arrive $0xFFFF;
	s2 =	simm.s32 @!p0 $0x1C02  }
0x4d: {  	[timem:s3], [sflag:s2] =	dma.local @!p0 [hbm:s0], s1  }
0x4e: {  	s0 =	simm.s32 @!p0 $0x2  }
0x4f: {  	_ =	swait.ge @!p0 [sflag:s0], s1  }
0x50: {  	s1 =	ssub.s32 @!p0 $0x0, s1;
	[sflag:s0] =	ssyncset.done @!p0 $0x0  }
0x51: {  	[sflag:s0] =	ssyncadd.s32 @!p0 s1  }
0x52: {  	[bflag:$0x3] =	sbarrier.arrive $0xFFFF  }
0x53: {  	_ =	shalt  }

// kernel: kernel.32.cloned.1.call-start
scs
__scs_entry_jumppad:
0x0: {  	(pc) =	sbr.rel $0x88, $3  }
0x1: {  	(tag) =	ssettag $0x0;
	lr =	simm.s32 $0x1  }
0x2: {  	[smem:$0x3F8B] =	sst lr;
	_ =	strace $0xD0000000  }
0x3: {  	_ = 	snop  }
0x4: {  	_ = 	snop  }
0x5: {  	_ = 	snop  }
0x6: {  	_ = 	snop  }
0x7: {  	_ = 	snop  }
__scs_overlays_trampoline_lowered:
0x8: {  	[smem:$0x3F9A] =	sst s0  }
0x9: {  	[smem:$0x3F9B] =	sst s1  }
0xa: {  	[smem:$0x3F9C] =	sst s2  }
0xb: {  	[smem:$0x3F9D] =	sst s3  }
0xc: {  	[smem:$0x3F9E] =	sst s4  }
0xd: {  	[smem:$0x3F9F] =	sst s5  }
0xe: {  	[smem:$0x3FA0] =	sst s6  }
0xf: {  	[smem:$0x3FA1] =	sst s7  }
0x10: {  	[smem:$0x3FA2] =	sst s8  }
0x11: {  	[smem:$0x3FA3] =	sst s9;
	s0 =	simm.s32 @!p0 $0x0  }
0x12: {  	s1 =	sld [smem:$0x3F89];
	s0 =	simm.s32 @p0 $0x1  }
0x13: {  	[smem:$0x3FA4] =	sst s0;
	s0 =	simm.s32 @!p1 $0x0  }
0x14: {  	s2 =	sld [smem:$0x3F88];
	s0 =	simm.s32 @p1 $0x1  }
0x15: {  	[smem:$0x3FA5] =	sst s0;
	s0 =	simm.s32 @!p2 $0x0  }
0x16: {  	s3 =	sld [smem:$0x3FDB];
	s0 =	simm.s32 @p2 $0x1  }
0x17: {  	s4 =	simm.s32 $0x1BF5;
	[smem:$0x3FA7] =	sst s0  }
0x18: {  	s0 =	sld [smem:$0x3F8A];
	_ =	swait.ge [sflag:s4], $0x0  }
0x19: {  	s7 =	sld [smem:$0x3F8B]  }
0x1a: {  	s8 =	sadd.s32 $0xFFFFE003, lr  }
0x1b: {  	s9 =	sadd.s32 $0xFFFFFEF7, lr;
	s5 =	simm.s32 $0xFFFFFFFF;
	p2 =	slt.u32 s8, $0xFFFFF086  }
0x1c: {  	p1 =	slt.u32 s9, $0xF7A;
	s5 =	simm.s32 @!p2 $0x0  }
0x1d: {  	s5 =	simm.s32 @p1 $0x1;
	p0 =	seq.s32 s7, s2  }
0x1e: {  	s7 =	smul.u32 @!p0 $0xF7A, s2;
	p2 =	seq.s32 @!p0 s5, $0x0  }
0x1f: {  	s9 =	smul.u32 $0xF7A, s1;
	s8 =	simm.s32 @!p0 $0x1BF5;
	p2 =	por !p2, p0  }
0x20: {  	[sflag:s8] =	ssyncset.s32 @!p0 $0xFFFFF086;
	s6 =	sadd.s32 @!p0 s3, s7;
	s7 =	simm.s32 @!p0 $0x108  }
0x21: {  	s3 =	sadd.s32 s3, s9;
	s6 =	sadd.s32 @!p0 $0x88, s6;
	s7 =	simm.s32 @p2 $0x1082  }
0x22: {  	[simem:s7], [sflag:s8] =	dma.local @!p0 [hbm:s6], $0xF7A  }
0x23: {  	s9 =	sor.u32 $0xD0000000, s2;
	s6 =	simm.s32 $0x108;
	_ =	swait.ge @!p0 [sflag:s8], $0x0  }
0x24: {  	s3 =	sadd.s32 $0x88, s3;
	s6 =	simm.s32 @!p1 $0x1082;
	[sflag:s4] =	ssyncset.s32 $0xFFFFF086  }
0x25: {  	[simem:s6], [sflag:s4] =	dma.local [hbm:s3], $0xF7A  }
0x26: {  	[smem:$0x3F8B] =	sst s1;
	(tag) =	ssettag s2;
	_ =	strace s9  }
0x27: {  	s1 =	sld [smem:$0x3F9B]  }
0x28: {  	s2 =	sld [smem:$0x3F9C]  }
0x29: {  	s4 =	sld [smem:$0x3F9E]  }
0x2a: {  	p0 =	seq.s32 s5, $0x0;
	s5 =	sld [smem:$0x3F9F]  }
0x2b: {  	s6 =	sld [smem:$0x3FA0]  }
0x2c: {  	s7 =	sld [smem:$0x3FA1]  }
0x2d: {  	s3 =	simm.s32 $0x108;
	s8 =	sld [smem:$0x3FA2]  }
0x2e: {  	s3 =	simm.s32 @!p0 $0x1082;
	s9 =	sld [smem:$0x3FA3]  }
0x2f: {  	lr =	sadd.s32 s0, s3;
	s0 =	sld [smem:$0x3F9A]  }
0x30: {  	s3 =	sld [smem:$0x3F9D]  }
0x31: {  	[smem:$0x3FA6] =	sst s10  }
0x32: {  	s10 =	sld [smem:$0x3FA4];
	_ =	sdelay $0x3  }
0x33: {  	p0 =	seq.s32 s10, $0x1;
	s10 =	sld [smem:$0x3FA6];
	_ =	sdelay $0x3  }
0x34: {  	[smem:$0x3FA6] =	sst s10  }
0x35: {  	s10 =	sld [smem:$0x3FA5];
	_ =	sdelay $0x3  }
0x36: {  	p1 =	seq.s32 s10, $0x1;
	s10 =	sld [smem:$0x3FA6];
	_ =	sdelay $0x3  }
0x37: {  	[smem:$0x3FA6] =	sst s10  }
0x38: {  	s10 =	sld [smem:$0x3FA7]  }
0x39: {  	_ = 	snop;
	(pc) =	sbr.ind lr, $3  }
0x3a: {  	_ = 	snop  }
0x3b: {  	_ = 	snop  }
0x3c: {  	p2 =	seq.s32 s10, $0x1;
	s10 =	sld [smem:$0x3FA6]  }
0x3d: {  	_ =	shalt  }
0x3e: {  	_ =	shalt  }
0x3f: {  	_ =	shalt  }
0x40: {  	_ =	shalt  }
0x41: {  	_ =	shalt  }
0x42: {  	_ =	shalt  }
0x43: {  	_ =	shalt  }
0x44: {  	_ =	shalt  }
0x45: {  	_ =	shalt  }
0x46: {  	_ =	shalt  }
0x47: {  	_ =	shalt  }
0x48: {  	_ =	shalt  }
0x49: {  	_ =	shalt  }
0x4a: {  	_ =	shalt  }
0x4b: {  	_ =	shalt  }
0x4c: {  	_ =	shalt  }
0x4d: {  	_ =	shalt  }
0x4e: {  	_ =	shalt  }
0x4f: {  	_ =	shalt  }
0x50: {  	_ =	shalt  }
0x51: {  	_ =	shalt  }
0x52: {  	_ =	shalt  }
0x53: {  	_ =	shalt  }
0x54: {  	_ =	shalt  }
0x55: {  	_ =	shalt  }
0x56: {  	_ =	shalt  }
0x57: {  	_ =	shalt  }
0x58: {  	_ =	shalt  }
0x59: {  	_ =	shalt  }
0x5a: {  	_ =	shalt  }
0x5b: {  	_ =	shalt  }
0x5c: {  	_ =	shalt  }
0x5d: {  	_ =	shalt  }
0x5e: {  	_ =	shalt  }
0x5f: {  	_ =	shalt  }
0x60: {  	_ =	shalt  }
0x61: {  	_ =	shalt  }
0x62: {  	_ =	shalt  }
0x63: {  	_ =	shalt  }
0x64: {  	_ =	shalt  }
0x65: {  	_ =	shalt  }
0x66: {  	_ =	shalt  }
0x67: {  	_ =	shalt  }
0x68: {  	_ =	shalt  }
0x69: {  	_ =	shalt  }
0x6a: {  	_ =	shalt  }
0x6b: {  	_ =	shalt  }
0x6c: {  	_ =	shalt  }
0x6d: {  	_ =	shalt  }
0x6e: {  	_ =	shalt  }
0x6f: {  	_ =	shalt  }
0x70: {  	_ =	shalt  }
0x71: {  	_ =	shalt  }
0x72: {  	_ =	shalt  }
0x73: {  	_ =	shalt  }
0x74: {  	_ =	shalt  }
0x75: {  	_ =	shalt  }
0x76: {  	_ =	shalt  }
0x77: {  	_ =	shalt  }
0x78: {  	_ =	shalt  }
0x79: {  	_ =	shalt  }
0x7a: {  	_ =	shalt  }
0x7b: {  	_ =	shalt  }
0x7c: {  	_ =	shalt  }
0x7d: {  	_ =	shalt  }
0x7e: {  	_ =	shalt  }
0x7f: {  	_ =	shalt  }
0x80: {  	_ =	shalt  }
0x81: {  	_ =	shalt  }
0x82: {  	_ =	shalt  }
0x83: {  	_ =	shalt  }
0x84: {  	_ =	shalt  }
0x85: {  	_ =	shalt  }
0x86: {  	_ =	shalt  }
0x87: {  	_ =	shalt  }
.Lfunc_end0:
.L_simem_size_0:
called_computation.4_lowered:
.L_overlay_start_0:
0x88: {  	s2 =	sld [smem:$0x3FD9]  }
0x89: {  	s3 =	sld [smem:$0x3FFE];
	_ =	sdelay $0x1  }
0x8a: {  	s1 =	srdreg.scid  }
0x8b: {  	s0 =	sand.u32 $0x1, s1  }
0x8c: {  	s14 =	sshll.u32 s0, $0xA;
	s2 =	sadd.s32 s3, s2  }
0x8d: {  	s2 =	sadd.s32 s2, s14  }
0x8e: {  	[smem:$0x3FB2] =	sst s2  }
0x8f: {  	_ = 	snop  }
0x90: {  	s2 =	sld [smem:$0x3FD0];
	_ =	sdelay $0x2  }
0x91: {  	s15 =	simm.s32 $0xA;
	s4 =	simm.s32 $0x10  }
0x92: {  	[smem:s4], [sflag:s15] =	dma.local [hbm:s2], $0x1  }
0x93: {  	_ =	swait.eq [sflag:s15], $0x1  }
0x94: {  	[sflag:s15] =	ssyncset.done $0x0  }
0x95: {  	[sflag:s15] =	ssyncadd.s32 $0xFFFFFFFF  }
0x96: {  	s16 =	sld [smem:$0x11];
	(tm) =	ssettm $0x1  }
0x97: {  	s17 =	sld [smem:$0x3FFB];
	_ =	sdelay $0x3  }
0x98: {  	_ =	strace s17  }
0x99: {  	s3 =	sld [smem:$0x3FFC];
	_ =	sdelay $0x3  }
0x9a: {  	_ =	strace s3  }
0x9b: {  	s3 =	sld [smem:$0x3FFD];
	_ =	sdelay $0x3  }
0x9c: {  	_ =	strace s3  }
0x9d: {  	_ =	strace $0x8FFFFFFF  }
0x9e: {  	s18 =	sld [smem:$0x3FDB];
	_ =	sdelay $0x1  }
0x9f: {  	s19 =	simm.s32 $_scs_section_size  }
0xa0: {  	s5 =	simm.s32 $_size__tile_overlayer_lowered;
	s6 =	simm.s32 $_tile_overlayer_lowered  }
0xa1: {  	s22 =	simm.s32 $0x1BFF;
	s21 =	sshll.u32 s6, $0x1;
	s3 =	sadd.s32 s19, s18  }
0xa2: {  	s7 =	simm.s32 $0x0;
	s20 =	sshll.u32 s5, $0x1;
	s5 =	sadd.s32 s21, s3  }
0xa3: {  	[timem:s7], [sflag:s22] =	dma.local [hbm:s5], s20  }
0xa4: {  	_ =	swait.ge [sflag:s22], s20  }
0xa5: {  	s4 =	ssub.s32 $0x0, s20;
	[sflag:s22] =	ssyncset.done $0x0  }
0xa6: {  	[sflag:s22] =	ssyncadd.s32 s4;
	_ =	sdelay $0x1  }
0xa7: {  	s23 =	simm.s32 $0x1B8B  }
0xa8: {  	_ =	swait.ge [sflag:s23], $0x1  }
0xa9: {  	[sflag:s23] =	ssyncset.done $0x0  }
0xaa: {  	s25 =	simm.s32 $0x1B8E;
	s24 =	sld [smem:$0x3FFE];
	[sflag:s23] =	ssyncadd.s32 $0xFFFFFFFF  }
0xab: {  	s26 =	simm.s32 $execute0_lowered;
	[smem:$0x3FD2] =	sst s25  }
0xac: {  	s5 =	sshll.u32 s26, $0x1;
	_ =	strace $0x80000052;
	[dreg:$0x1] =	wrdreg $0xFFFFFFFF  }
0xad: {  	s28 =	simm.s32 $_size_execute0_lowered;
	s3 =	sadd.s32 s3, s5;
	[dreg:$0x0] =	wrdreg $0x0  }
0xae: {  	s5 =	sshll.u32 s28, $0x1;
	[dreg:$0x2] =	wrdreg s3  }
0xaf: {  	[dreg:$0x3] =	wrdreg s5  }
0xb0: {  	[dreg:$0x4] =	wrdreg $0xC0  }
0xb1: {  	_ =	task [dreg:s7], $0x5FFFF  }
0xb2: {  	[dreg:$0x1] =	wrdreg $0xFFFFFFFF  }
0xb3: {  	[dreg:$0x0] =	wrdreg $0x60  }
0xb4: {  	[dreg:$0x2] =	wrdreg s24  }
0xb5: {  	[dreg:$0x3] =	wrdreg s16  }
0xb6: {  	[dreg:$0x4] =	wrdreg $0x66000  }
0xb7: {  	[dreg:$0x5] =	wrdreg $0x9  }
0xb8: {  	_ =	task.clear_ibuf [dreg:s7], $0x6FFFF;
	_ =	strace $0x90000052  }
0xb9: {  	s29 =	simm.s32 $0x9;
	_ =	strace $0x80000054  }
0xba: {  	_ =	swait.ge [sflag:s29], $0x1  }
0xbb: {  	[sflag:s29] =	ssyncadd.s32 $0xFFFFFFFF  }
0xbc: {  	_ =	strace $0x90000054  }
0xbd: {  	_ =	sfence  }
0xbe: {  	s30 =	sld [smem:$0x0];
	_ =	sdelay $0x2  }
0xbf: {  	s31 =	sshll.u32 s1, $0xD;
	s1 =	sshrl.u32 s1, $0x2  }
0xc0: {  	s3 =	sand.u32 $0x4000, s31;
	s1 =	sadd.s32 s1, s30  }
0xc1: {  	s0 =	sor.u32 s3, s0;
	s1 =	sshll.u32 s1, $0x11  }
0xc2: {  	s0 =	sor.u32 s1, s0  }
0xc3: {  	s0 =	sadd.s32 $0x8F2B, s0  }
0xc4: {  	[sflag:s0] =	ssyncadd.remote.s32 $0x1  }
0xc5: {  	_ =	sfence.sel $0xFFFF  }
0xc6: {  	[dreg:$0x0] =	wrdreg $0xFFFFFFFF;
	(pc) =	sbr.abs _section_cstart, $3  }
0xc7: {  	[dreg:$0x1] =	wrdreg $0xFFFFFFFF  }
0xc8: {  	_ =	task.clear_ibuf [dreg:s7], $0x2FFFF;
	_ =	strace $0x9FFFFFFF  }
0xc9: {  	(tm) =	ssettm $0x7FFFFFFF  }
tec
execute0_lowered:
.L_overlay_start_1:
0x0: {  	(tag) =	ssettag $0x1  }
0x1: {  	s8 =	rddreg [dreg:$0x0]  }
0x2: {  	s9 =	rddreg [dreg:$0x1]  }
0x3: {  	s2 =	rddreg [dreg:$0x2]  }
0x4: {  	s0 =	rddreg [dreg:$0x3]  }
0x5: {  	s3 =	simm.s32 $0x0;
	s4 =	srdreg.scid;
	s1 =	stileid.u32  }
0x6: {  	s16 =	simm.s32 $0x6200;
	s17 =	simm.s32 $0x200;
	s18 =	simm.s32 $0x40  }
0x7: {  	s19 =	simm.s32 $0x2200;
	s20 =	simm.s32 $0x80;
	s21 =	simm.s32 $0x4200  }
0x8: {  	s22 =	simm.s32 $0x1;
	s23 =	simm.s32 $0x2;
	[smem:$0x7FF] =	sst s3  }
0x9: {  	s10 =	sand.u32 $0x1, s4;
	s11 =	smul.u32 $0x2780, s1;
	s4 =	sadd.s32 $0x8B000, s8  }
0xa: {  	s5 =	sadd.s32 $0x1C7000, s8;
	s6 =	sadd.s32 $0x4F4000, s8;
	s13 =	smul.u32 $0x4F000, s1  }
0xb: {  	s7 =	sadd.s32 $0x39800, s8;
	s30 =	sshll.u32 s1, $0x6;
	_ =	strace $0x80000053  }
0xc: {  	s12 =	smul.u32 $0x27800, s10;
	s24 =	ssub.s32 $0x2, s10;
	s29 =	sshll.u32 s10, $0x4  }
0xd: {  	s10 =	sshll.u32 s10, $0x7;
	s25 =	sshrl.u32 s24, $0x1;
	s26 =	sshrl.u32 s13, $0x2  }
0xe: {  	s31 =	sor.u32 s1, s29;
	s9 =	sadd.s32 s9, s10;
	s11 =	sadd.s32 s11, s12  }
0xf: {  	s28 =	ssub.s32 s24, s25;
	s15 =	sadd.s32 s26, s2;
	s10 =	smul.u32 $0x27800, s31  }
0x10: {  	s24 =	simm.s32 $0x100;
	s25 =	simm.s32 $0x0;
	s14 =	sadd.s32 s11, s8  }
0x11: {  	s8 =	sor.u32 $0x1C03, s30;
	s11 =	smul.u32 $0x278000, s1;
	s13 =	smax.u32 s28, $0x1  }
0x12: {  	s12 =	sadd.s32 $0x129000, s14;
	s14 =	sshrl.u32 s15, $0x3;
	s15 =	simm.s32 $0x3  }
.LBB2_1:
0x13: {  	[spmem:s14], [sflag:s8] =	dma.local [hbm:s7], $0x2780  }
0x14: {  	_ =	swait.ge [sflag:s15], $0x2780  }
0x15: {  	[sflag:s15] =	ssyncset.done $0x0  }
0x16: {  	[sflag:s15] =	ssyncadd.s32 $0xFFFFD880  }
0x17: {  	[tilespmem:s16], [sflag:$0x3] =	stream.linear.gather [hbm4b:s9+s3], $0x400, $0x38;
	[tilespmem:$0x1A200] =	vst v63  }
0x18: {  	_ =	swait.ge [sflag:s15], $0x400  }
0x19: {  	[sflag:s15] =	ssyncset.done $0x0  }
0x1a: {  	[sflag:s15] =	ssyncadd.s32 $0xFFFFFC00  }
0x1b: {  	[bflag:$0x0] =	sbarrier.arrive $0xFFFF  }
0x1c: {  	v5 =	vld [tilespmem:$0x6200]  }
0x1d: {  	v6 =	vld [tilespmem:$0x6210]  }
0x1e: {  	v7 =	vld [tilespmem:$0x6220]  }
0x1f: {  	v8 =	vld [tilespmem:$0x6230]  }
0x20: {  	v3 =	vld [tilespmem:$0x6240]  }
0x21: {  	v14 =	vld [tilespmem:$0x6250]  }
0x22: {  	v15 =	vld [tilespmem:$0x6260]  }
0x23: {  	v16 =	vld [tilespmem:$0x6270]  }
0x24: {  	v17 =	vld [tilespmem:$0x6280]  }
0x25: {  	v18 =	vld [tilespmem:$0x6290]  }
0x26: {  	v19 =	vld [tilespmem:$0x62A0]  }
0x27: {  	v20 =	vld [tilespmem:$0x62B0]  }
0x28: {  	v21 =	vld [tilespmem:$0x62C0]  }
0x29: {  	v22 =	vld [tilespmem:$0x62D0]  }
0x2a: {  	v23 =	vld [tilespmem:$0x62E0]  }
0x2b: {  	v24 =	vld [tilespmem:$0x62F0]  }
0x2c: {  	v0 =	vld [tilespmem:$0x6300]  }
0x2d: {  	v26 =	vld [tilespmem:$0x6310]  }
0x2e: {  	v27 =	vld [tilespmem:$0x6320]  }
0x2f: {  	v28 =	vld [tilespmem:$0x6330]  }
0x30: {  	v29 =	vld [tilespmem:$0x6340]  }
0x31: {  	v30 =	vld [tilespmem:$0x6350]  }
0x32: {  	v31 =	vld [tilespmem:$0x6360]  }
0x33: {  	v32 =	vld [tilespmem:$0x6370]  }
0x34: {  	v33 =	vld [tilespmem:$0x6380]  }
0x35: {  	v13 =	vld [tilespmem:$0x6460]  }
0x36: {  	v25 =	vld [tilespmem:$0x6390]  }
0x37: {  	v4 =	vld [tilespmem:$0x63A0]  }
0x38: {  	v36 =	vld [tilespmem:$0x63B0]  }
0x39: {  	v37 =	vld [tilespmem:$0x63C0];
	[tilespmem:$0x1FF50] =	vst v0  }
0x3a: {  	v2 =	vld [tilespmem:$0x63D0];
	[tilespmem:$0x1FF70] =	vst v13  }
0x3b: {  	v39 =	vld [tilespmem:$0x63E0];
	[tilespmem:$0x1FF80] =	vst v5  }
0x3c: {  	v38 =	vld [tilespmem:$0x63F0];
	[tilespmem:$0x1FF90] =	vst v6  }
0x3d: {  	v34 =	vld [tilespmem:$0x6400];
	[tilespmem:$0x1FFA0] =	vst v7  }
0x3e: {  	v0 =	vld [tilespmem:$0x6470];
	[tilespmem:$0x1FFB0] =	vst v8  }
0x3f: {  	v35 =	vld [tilespmem:$0x6410];
	[tilespmem:$0x1FFC0] =	vst v3  }
0x40: {  	v9 =	vld [tilespmem:$0x6420];
	[tilespmem:$0x1FFD0] =	vst v14  }
0x41: {  	v10 =	vld [tilespmem:$0x6430];
	[tilespmem:$0x1FFE0] =	vst v15  }
0x42: {  	v11 =	vld [tilespmem:$0x6440];
	[tilespmem:$0x1FFF0] =	vst v16  }
0x43: {  	s26 =	simm.s32 $0x0;
	v12 =	vld [tilespmem:$0x6450];
	[tilespmem:$0x1FF60] =	vst v0  }
.LBB2_2:
0x44: {  	s28 =	sshll.u32 s26, $0x9  }
0x45: {  	s28 =	sadd.s32 s10, s28  }
0x46: {  	s28 =	sshrl.u32 s28, $0x3  }
0x47: {  	s29 =	simm.s32 $0x0;
	s28 =	sadd.s32 s5, s28  }
0x48: {  	[tilespmem:s29], [sflag:$0x3] =	stream.linear.gather [hbm4b:s28+s29], $0x180, $0x38;
	[tilespmem:$0x1A200] =	vst v63  }
0x49: {  	s28 =	sshll.u32 s26, $0xD  }
0x4a: {  	_ =	swait.ge [sflag:s15], $0x180;
	s28 =	sadd.s32 s11, s28  }
0x4b: {  	[sflag:s15] =	ssyncset.done $0x0;
	s28 =	sshrl.u32 s28, $0x3  }
0x4c: {  	[sflag:s15] =	ssyncadd.s32 $0xFFFFFE80;
	s28 =	sadd.s32 s6, s28  }
0x4d: {  	[tilespmem:s17], [sflag:$0x3] =	stream.linear.gather [hbm4b:s28+s29], $0x2000, $0x38;
	[tilespmem:$0x1A200] =	vst v63  }
0x4e: {  	_ =	swait.ge [sflag:s15], $0x2000  }
0x4f: {  	[sflag:s15] =	ssyncset.done $0x0  }
0x50: {  	[sflag:s15] =	ssyncadd.s32 $0xFFFFE000  }
0x51: {  	[tilespmem:s19], [sflag:$0x1] =	stream.indirect.gather [hbm4b:s4+s18], $0x80, s29, s18, $0xb8;
	[tilespmem:$0x1A200] =	vst v63  }
0x52: {  	_ = 	snop  }
0x53: {  	[tilespmem:s21], [sflag:$0x2] =	stream.indirect.gather [hbm4b:s4+s18], $0x80, s20, s18, $0xb8;
	[tilespmem:$0x1A200] =	vst v63  }
0x54: {  	_ =	swait.ge [sflag:s22], $0x2000  }
0x55: {  	[sflag:s22] =	ssyncset.done $0x0  }
0x56: {  	[sflag:s22] =	ssyncadd.s32 $0xFFFFE000  }
0x57: {  	_ =	swait.ge [sflag:s23], $0x2000  }
0x58: {  	[sflag:s23] =	ssyncset.done $0x0  }
0x59: {  	s28 =	simm.s32 $0x0;
	[sflag:s23] =	ssyncadd.s32 $0xFFFFE000  }
0x5a: {  	v0 =	vld [tilespmem:s28+$0x4240]  }
0x5b: {  	v1 =	vld [tilespmem:s28+$0x4260]  }
0x5c: {  	v43 =	vld [tilespmem:s28+$0x200]  }
0x5d: {  	v44 =	vld [tilespmem:s28+$0x4230]  }
0x5e: {  	v45 =	vld [tilespmem:s28+$0x2230]  }
0x5f: {  	v46 =	vld [tilespmem:s28+$0x2220]  }
0x60: {  	v47 =	vld [tilespmem:s28+$0x2260]  }
0x61: {  	v48 =	vld [tilespmem:s28+$0x4220]  }
0x62: {  	v49 =	vld [tilespmem:s28+$0x2250]  }
0x63: {  	v50 =	vld [tilespmem:s28+$0x4250]  }
0x64: {  	v54 =	vld [tilespmem:s28+$0x2240];
	v51 =	vbroadcast v43, $0x0  }
0x65: {  	v42 =	vbroadcast v43, $0x2;
	v41 =	vbroadcast v43, $0x3  }
0x66: {  	v55 =	vbroadcast v43, $0x1;
	v1 =	vadd.f32 v1, v47;
	v56 =	vadd.f32 v44, v45  }
0x67: {  	v46 =	vadd.f32 v48, v46;
	v40 =	vmul.f32 v51, v5;
	v52 =	vmul.f32 v51, v7  }
0x68: {  	v53 =	vld [tilespmem:s28+$0x4210];
	v49 =	vadd.f32 v50, v49;
	v60 =	vmul.f32 v51, v3;
	v3 =	vmul.f32 v42, v29  }
0x69: {  	v47 =	vld [tilespmem:s28+$0x2210];
	v0 =	vadd.f32 v0, v54;
	v44 =	vmul.f32 v41, v36;
	v5 =	vmul.f32 v51, v14  }
0x6a: {  	v7 =	vmul.f32 v55, v20;
	v1 =	vadd.f32 v1, v13;
	v48 =	vmul.f32 v51, v6  }
0x6b: {  	v57 =	vld [tilespmem:s28+$0x4200];
	v43 =	vmul.f32 v41, v37;
	v61 =	vadd.f32 v46, v9;
	v63 =	vmul.f32 v51, v15  }
0x6c: {  	v58 =	vld [tilespmem:s28+$0x2200];
	v50 =	vmul.f32 v51, v16;
	v62 =	vadd.f32 v49, v12;
	v46 =	vmul.f32 v42, v30  }
0x6d: {  	v54 =	vld [tilespmem:s28+$0x4270];
	v49 =	vmul.f32 v55, v23;
	v56 =	vadd.f32 v56, v10;
	v0 =	vadd.f32 v0, v11  }
0x6e: {  	v59 =	vmul.f32 v42, v31;
	v1 =	vadd.f32 v1, v63;
	v6 =	vadd.f32 v53, v47;
	v53 =	vld [tilespmem:s28+$0x2270]  }
0x6f: {  	v51 =	vmul.f32 v51, v8;
	v63 =	vadd.f32 v61, v52;
	v52 =	vmul.f32 v55, v24  }
0x70: {  	v45 =	vadd.f32 v0, v60;
	v0 =	vmul.f32 v55, v21;
	v1 =	vadd.f32 v1, v49  }
0x71: {  	v61 =	vadd.f32 v57, v58;
	v57 =	vmul.f32 v41, v39;
	v60 =	vmul.f32 v42, v28  }
0x72: {  	v47 =	vmul.f32 v55, v19;
	v58 =	vadd.f32 v1, v59;
	v1 =	vadd.f32 v56, v51  }
0x73: {  	v13 =	vld [tilespmem:$0x1FF60];
	v49 =	vmul.f32 v42, v32;
	v59 =	vmul.f32 v42, v27;
	v8 =	vadd.f32 v54, v53  }
0x74: {  	v51 =	vmul.f32 v55, v17;
	v53 =	vadd.f32 v61, v34;
	v61 =	vadd.f32 v1, v7  }
0x75: {  	v56 =	vmul.f32 v55, v18;
	v7 =	vadd.f32 v45, v0;
	v1 =	vadd.f32 v63, v47  }
0x76: {  	v14 =	vmovc v25;
	v63 =	vadd.f32 v62, v5;
	v54 =	vmul.f32 v42, v26;
	v0 =	vmul.f32 v55, v22  }
0x77: {  	v15 =	vmovc v4;
	v47 =	vmul.f32 v41, v33;
	v45 =	vadd.f32 v6, v35;
	v62 =	vadd.f32 v1, v59  }
0x78: {  	s29 =	simm.s32 $0x200;
	v16 =	vmovc v2;
	v25 =	vld [tilespmem:$0x1FF50];
	v55 =	vmul.f32 v41, v38;
	v1 =	vadd.f32 v8, v13;
	v59 =	vadd.f32 v7, v3  }
.LBB2_3:
0x79: {  	v60 =	vadd.f32 v61, v60  }
0x7a: {  	s30 =	sshra.s32 s29, $0x2;
	v7 =	vmul.f32 v41, v15;
	v48 =	vadd.f32 v45, v48  }
0x7b: {  	v1 =	vadd.f32 v1, v50;
	v45 =	vld [tilespmem:s30+$0x4270];
	v44 =	vadd.f32 v60, v44  }
0x7c: {  	v4 =	vmul.f32 v41, v16;
	v0 =	vadd.f32 v63, v0;
	v61 =	vld [tilespmem:s30+$0x4200];
	v50 =	vadd.f32 v62, v7  }
0x7d: {  	v57 =	vadd.f32 v58, v57;
	v58 =	vld [tilespmem:s30+$0x4260];
	v1 =	vadd.f32 v1, v52;
	v6 =	vmul.f32 $2.000000030e-01, v44  }
0x7e: {  	v7 =	vld [tilespmem:s30+$0x200];
	v0 =	vadd.f32 v0, v46;
	v62 =	vmul.f32 $2.000000030e-01, v50;
	vm1 =	vgt.f32 v44, $0.0e+00  }
0x7f: {  	v52 =	vld [tilespmem:s30+$0x4240];
	v5 =	vmul.f32 $2.000000030e-01, v57;
	vm2 =	vgt.f32 v50, $0.0e+00;
	v44 =	vsel vm1, v44, v6  }
0x80: {  	vm0 =	vgt.f32 v57, $0.0e+00;
	v60 =	vld [tilespmem:s30+$0x4230];
	v50 =	vsel vm2, v50, v62;
	[tilespmem:s28+$0x2230] =	vst v44  }
0x81: {  	v46 =	vsel vm0, v57, v5;
	v0 =	vadd.f32 v0, v4;
	v62 =	vld [tilespmem:s30+$0x2230];
	[tilespmem:s28+$0x2220] =	vst v50  }
0x82: {  	v3 =	vld [tilespmem:$0x1FFD0];
	[tilespmem:s28+$0x2260] =	vst v46  }
0x83: {  	v63 =	vmul.f32 v41, v14;
	v1 =	vadd.f32 v1, v49;
	v41 =	vmul.f32 $2.000000030e-01, v0;
	v46 =	vld [tilespmem:s30+$0x2220]  }
0x84: {  	v40 =	vadd.f32 v53, v40;
	vm12 =	vgt.f32 v0, $0.0e+00;
	v5 =	vld [tilespmem:s30+$0x2260]  }
0x85: {  	v1 =	vadd.f32 v1, v55;
	v0 =	vsel vm12, v0, v41;
	v55 =	vld [tilespmem:s30+$0x4220]  }
0x86: {  	v42 =	vmul.f32 v42, v25;
	v40 =	vadd.f32 v40, v51;
	[tilespmem:s28+$0x2250] =	vst v0;
	v0 =	vld [tilespmem:$0x1FF80];
	_ =	sdelay $0x1  }
0x87: {  	v48 =	vadd.f32 v48, v56;
	v40 =	vadd.f32 v40, v42  }
0x88: {  	v2 =	vld [tilespmem:$0x1FFA0];
	v43 =	vadd.f32 v59, v43;
	v51 =	vbroadcast v7, $0x0  }
0x89: {  	v48 =	vadd.f32 v48, v54;
	v47 =	vadd.f32 v40, v47  }
0x8a: {  	v40 =	vmul.f32 v51, v0;
	v0 =	vadd.f32 v60, v62;
	v62 =	vmul.f32 v51, v3;
	v3 =	vld [tilespmem:$0x1FF70];
	_ =	sdelay $0x1  }
0x8b: {  	v59 =	vmul.f32 $2.000000030e-01, v43;
	vm11 =	vgt.f32 v43, $0.0e+00;
	v48 =	vadd.f32 v48, v63  }
0x8c: {  	v42 =	vbroadcast v7, $0x2;
	v56 =	vmul.f32 v51, v2;
	v2 =	vld [tilespmem:$0x1FFC0];
	v58 =	vadd.f32 v58, v5  }
0x8d: {  	v43 =	vsel vm11, v43, v59;
	v63 =	vmul.f32 $2.000000030e-01, v48;
	v4 =	vmul.f32 $2.000000030e-01, v1;
	v49 =	vld [tilespmem:s30+$0x2250]  }
0x8e: {  	vm13 =	vgt.f32 v1, $0.0e+00;
	v46 =	vadd.f32 v55, v46;
	v55 =	vadd.f32 v58, v3;
	v3 =	vld [tilespmem:$0x1FF90]  }
0x8f: {  	v59 =	vbroadcast v7, $0x1;
	vm15 =	vgt.f32 v48, $0.0e+00;
	v1 =	vsel vm13, v1, v4;
	v6 =	vld [tilespmem:s30+$0x4250];
	[tilespmem:s28+$0x2240] =	vst v43  }
0x90: {  	v41 =	vbroadcast v7, $0x3;
	v7 =	vmul.f32 $2.000000030e-01, v47;
	v44 =	vsel vm15, v48, v63;
	v53 =	vld [tilespmem:s30+$0x4210];
	[tilespmem:s28+$0x2270] =	vst v1  }
0x91: {  	vm14 =	vgt.f32 v47, $0.0e+00;
	v1 =	vld [tilespmem:s30+$0x2240];
	[tilespmem:s28+$0x2210] =	vst v44  }
0x92: {  	v43 =	vsel vm14, v47, v7;
	v54 =	vld [tilespmem:s30+$0x2210]  }
0x93: {  	v47 =	vmul.f32 v59, v20;
	[tilespmem:s28+$0x2200] =	vst v43;
	s28 =	smov.u32 s30;
	v48 =	vmul.f32 v51, v3;
	v3 =	vld [tilespmem:$0x1FFE0]  }
0x94: {  	v7 =	vmul.f32 v42, v27;
	v44 =	vmul.f32 v41, v36;
	v4 =	vld [tilespmem:s28+$0x2270]  }
0x95: {  	v57 =	vmul.f32 v51, v2;
	v2 =	vmul.f32 v42, v29;
	v49 =	vadd.f32 v6, v49  }
0x96: {  	v43 =	vmul.f32 v41, v37;
	v60 =	vadd.f32 v46, v9;
	v1 =	vadd.f32 v52, v1;
	v58 =	vld [tilespmem:s28+$0x2200]  }
0x97: {  	v46 =	vmul.f32 v42, v30;
	v0 =	vadd.f32 v0, v10;
	v5 =	vadd.f32 v53, v54  }
0x98: {  	v52 =	vmul.f32 v59, v24;
	v1 =	vadd.f32 v1, v11;
	v63 =	vmul.f32 v51, v3;
	v3 =	vld [tilespmem:$0x1FFF0]  }
0x99: {  	v6 =	vld [tilespmem:$0x1FFB0];
	v54 =	vmul.f32 v42, v31;
	v4 =	vadd.f32 v45, v4;
	v45 =	vadd.f32 v5, v35  }
0x9a: {  	v1 =	vadd.f32 v1, v57;
	v53 =	vadd.f32 v55, v63;
	v63 =	vmul.f32 v59, v23  }
0x9b: {  	v57 =	vmul.f32 v41, v39;
	v55 =	vadd.f32 v60, v56;
	v56 =	vadd.f32 v61, v58  }
0x9c: {  	v60 =	vmul.f32 v42, v28;
	v53 =	vadd.f32 v53, v63;
	v63 =	vmul.f32 v59, v21  }
0x9d: {  	v50 =	vmul.f32 v51, v3;
	v3 =	vadd.f32 v49, v12;
	v49 =	vmul.f32 v42, v32  }
0x9e: {  	p0 =	sne.s32 s29, $0x7E00;
	v51 =	vmul.f32 v51, v6;
	v6 =	vmul.f32 v59, v19;
	v58 =	vadd.f32 v53, v54  }
.Ltmp0:
0x9f: {  	v53 =	vadd.f32 v56, v34;
	v56 =	vmul.f32 v59, v18;
	v8 =	vadd.f32 v1, v63;
	(pc) =	sbr.rel @p0 .LBB2_3-.Ltmp0, $4  }
0xa0: {  	v54 =	vmul.f32 v42, v26;
	v1 =	vadd.f32 v4, v13;
	v0 =	vadd.f32 v0, v51  }
0xa1: {  	v51 =	vmul.f32 v59, v17;
	v6 =	vadd.f32 v55, v6;
	v63 =	vadd.f32 v3, v62  }
0xa2: {  	v55 =	vmul.f32 v41, v38;
	v61 =	vadd.f32 v0, v47;
	v0 =	vmul.f32 v59, v22  }
0xa3: {  	s29 =	sadd.s32 $0x200, s29;
	v47 =	vmul.f32 v41, v33;
	v62 =	vadd.f32 v6, v7;
	v59 =	vadd.f32 v8, v2  }
0xa4: {  	v3 =	vadd.f32 v45, v48  }
0xa5: {  	v1 =	vadd.f32 v1, v50;
	v5 =	vadd.f32 v61, v60  }
0xa6: {  	v4 =	vmul.f32 v41, v15;
	v0 =	vadd.f32 v63, v0;
	v7 =	vadd.f32 v58, v57  }
0xa7: {  	v2 =	vmul.f32 v42, v25;
	v40 =	vadd.f32 v53, v40;
	v43 =	vadd.f32 v59, v43  }
0xa8: {  	v6 =	vmul.f32 v41, v14;
	v1 =	vadd.f32 v1, v52;
	v4 =	vadd.f32 v62, v4  }
0xa9: {  	v8 =	vmul.f32 v41, v16;
	v5 =	vadd.f32 v5, v44;
	v0 =	vadd.f32 v0, v46  }
0xaa: {  	vm0 =	vgt.f32 v7, $0.0e+00;
	v62 =	vmul.f32 $2.000000030e-01, v7;
	v3 =	vadd.f32 v3, v56  }
0xab: {  	v40 =	vadd.f32 v40, v51;
	vm11 =	vgt.f32 v43, $0.0e+00;
	v63 =	vmul.f32 $2.000000030e-01, v4  }
0xac: {  	vm1 =	vgt.f32 v5, $0.0e+00;
	v1 =	vadd.f32 v1, v49;
	v44 =	vmul.f32 $2.000000030e-01, v5  }
0xad: {  	vm2 =	vgt.f32 v4, $0.0e+00;
	v3 =	vadd.f32 v3, v54;
	v0 =	vadd.f32 v0, v8  }
0xae: {  	v7 =	vsel vm0, v7, v62;
	v8 =	vmul.f32 $2.000000030e-01, v43;
	v5 =	vsel vm1, v5, v44  }
0xaf: {  	v2 =	vadd.f32 v40, v2;
	v1 =	vadd.f32 v1, v55;
	[tilespmem:s28+$0x2230] =	vst v5;
	v5 =	vmul.f32 $2.000000030e-01, v0  }
0xb0: {  	[tilespmem:s28+$0x2260] =	vst v7;
	v4 =	vsel vm2, v4, v63;
	v3 =	vadd.f32 v3, v6;
	vm12 =	vgt.f32 v0, $0.0e+00  }
0xb1: {  	v2 =	vadd.f32 v2, v47;
	[tilespmem:s28+$0x2220] =	vst v4;
	v4 =	vmul.f32 $2.000000030e-01, v1;
	v0 =	vsel vm12, v0, v5  }
0xb2: {  	v6 =	vmul.f32 $2.000000030e-01, v3;
	vm13 =	vgt.f32 v1, $0.0e+00;
	v5 =	vsel vm11, v43, v8;
	[tilespmem:s28+$0x2250] =	vst v0  }
0xb3: {  	vm14 =	vgt.f32 v3, $0.0e+00;
	v0 =	vsel vm13, v1, v4;
	[tilespmem:s28+$0x2240] =	vst v5;
	v1 =	vmul.f32 $2.000000030e-01, v2  }
0xb4: {  	vm15 =	vgt.f32 v2, $0.0e+00;
	v3 =	vsel vm14, v3, v6;
	[tilespmem:s28+$0x2270] =	vst v0  }
0xb5: {  	[tilespmem:s28+$0x2210] =	vst v3;
	v0 =	vsel vm15, v2, v1  }
0xb6: {  	[tilespmem:s28+$0x2200] =	vst v0  }
0xb7: {  	[spmem:s2] =	stream.indirect.scatter.add.f32 [tilespmem:s19], [sflag:$0x3], $0x80, s24, s18, $0xb8;
	[tilespmem:$0x1A200] =	vst v63  }
0xb8: {  	_ =	swait.ge [sflag:s15], $0x2000  }
0xb9: {  	v5 =	vld [tilespmem:$0x1FF80]  }
0xba: {  	v6 =	vld [tilespmem:$0x1FF90]  }
0xbb: {  	s26 =	sadd.s32 $0x1, s26;
	v7 =	vld [tilespmem:$0x1FFA0]  }
0xbc: {  	p0 =	sne.s32 s26, $0x13C;
	v8 =	vld [tilespmem:$0x1FFB0]  }
.Ltmp1:
0xbd: {  	v3 =	vld [tilespmem:$0x1FFC0];
	(pc) =	sbr.rel @p0 .LBB2_2-.Ltmp1, $4  }
0xbe: {  	v25 =	vmov v14;
	v14 =	vld [tilespmem:$0x1FFD0]  }
0xbf: {  	v50 =	vmov v15;
	v15 =	vld [tilespmem:$0x1FFE0]  }
0xc0: {  	v13 =	vmov v16;
	[sflag:s15] =	ssyncset.done $0x0;
	v16 =	vld [tilespmem:$0x1FFF0]  }
0xc1: {  	v4 =	vmov v50;
	v2 =	vmov v13;
	v13 =	vld [tilespmem:$0x1FF70];
	[sflag:s15] =	ssyncadd.s32 $0xFFFFE000  }
0xc2: {  	s25 =	sadd.s32 $0x1, s25  }
0xc3: {  	p0 =	sne.s32 s25, s13  }
.Ltmp2:
0xc4: {  	[bflag:$0x0] =	sbarrier.arrive $0xFFFF;
	(pc) =	sbr.rel @p0 .LBB2_1-.Ltmp2, $4  }
0xc5: {  	[hbm:s12], [sflag:s8] =	dma.local [spmem:s14], $0x2780  }
0xc6: {  	_ =	swait.ge [sflag:s15], $0x2780  }
0xc7: {  	[sflag:s15] =	ssyncset.done $0x0  }
0xc8: {  	[sflag:s15] =	ssyncadd.s32 $0xFFFFD880  }
0xc9: {  	_ =	sfence.sel $0x180000  }
0xca: {  	[bflag:$0x0] =	sbarrier.arrive $0xFFFF  }
0xcb: {  	p0 =	sne.s32 s1, $0x0;
	_ =	strace $0x90000053  }
0xcc: {  	s0 =	sadd.s32 @!p0 $0x100000, s0;
	[bflag:$0x2] =	sbarrier.arrive $0xFFFF  }
0xcd: {  	[sflag:s0] =	ssyncadd.tile.s32 @!p0 $0x1;
	_ =	shalt  }
.Lfunc_end2:
_tile_overlayer_lowered:
.L_overlay_start_2:
0xce: {  	(tag) =	ssettag $0x2  }
0xcf: {  	s0 =	rddreg [dreg:$0x0];
	s2 =	stileid.u32  }
0xd0: {  	s1 =	rddreg [dreg:$0x1];
	p0 =	sne.s32 s2, $0x0  }
0xd1: {  	s3 =	rddreg [dreg:$0x2];
	[bflag:$0x3] =	sbarrier.arrive $0xFFFF;
	s2 =	simm.s32 @!p0 $0x1C03  }
0xd2: {  	[timem:s3], [sflag:s2] =	dma.local @!p0 [hbm:s0], s1  }
0xd3: {  	s0 =	simm.s32 @!p0 $0x3  }
0xd4: {  	_ =	swait.ge @!p0 [sflag:s0], s1  }
0xd5: {  	s1 =	ssub.s32 @!p0 $0x0, s1;
	[sflag:s0] =	ssyncset.done @!p0 $0x0  }
0xd6: {  	[sflag:s0] =	ssyncadd.s32 @!p0 s1  }
0xd7: {  	[bflag:$0x3] =	sbarrier.arrive $0xFFFF  }
0xd8: {  	_ =	shalt  }

</sc_bundles>
